<compile_context>
chip_gen: v7x
topology: tpu7x:2x2x1
jax: 0.10.2.dev20260603
libtpu: 0.0.44.dev20260713+nightly
codegen_flags: <defaults>
</compile_context>

<pallas_src>
import functools

import jax
import jax.numpy as jnp
from jax import lax
from jax.experimental import pallas as pl
from jax.experimental.pallas import tpu as pltpu
from jax.experimental.pallas import tpu_sc as plsc

N = 10000
E = 320000
D = 128
L = 3
NF = 3
V = 8

NC = 2
NS = 16
NW = NC * NS
EPW = E // NW
K = 128
NCH = 80
EPWP = NCH * K
PADC = V ** NF
CPR = 1000

_mesh = plsc.VectorSubcoreMesh(core_axis_name="c", subcore_axis_name="s",
                               num_cores=NC, num_subcores=NS)


@functools.partial(
    pl.kernel,
    out_type=jax.ShapeDtypeStruct((NC, N, D), jnp.float32),
    mesh=_mesh,
    scratch_types=[
        pltpu.VMEM((2, 3, K), jnp.int32),
        pltpu.VMEM((2, K, D), jnp.float32),
        pltpu.VMEM((K, D), jnp.float32),
        pltpu.VMEM_SHARED((N, D), jnp.float32),
        pltpu.SemaphoreType.DMA((2,)),
        pltpu.SemaphoreType.DMA((2,)),
        pltpu.SemaphoreType.DMA,
    ],
)
def _sc_message_pass(idx3_hbm, h_hbm, ctab_hbm, zeros_hbm, out_hbm,
                     idx_v, hrow_v, crow_v, agg_sh, sem_i, sem_h, sem_c):
    c = lax.axis_index("c")
    s = lax.axis_index("s")
    wid = c * NS + s

    @pl.when(s < N // CPR)
    def _zero():
        r0 = s * CPR
        pltpu.sync_copy(zeros_hbm.at[pl.ds(r0, CPR)], agg_sh.at[pl.ds(r0, CPR)])

    plsc.subcore_barrier()

    def idx_copy(i, slot):
        pltpu.async_copy(idx3_hbm.at[wid, :, pl.ds(i * K, K)],
                         idx_v.at[slot], sem_i.at[slot])

    def wait_idx(slot):
        pltpu.make_async_copy(idx3_hbm.at[wid, :, pl.ds(0, K)],
                              idx_v.at[slot], sem_i.at[slot]).wait()

    def gather_h(islot, db):
        pltpu.async_copy(h_hbm.at[idx_v.at[islot, 0]], hrow_v.at[db],
                         sem_h.at[db])

    def wait_h(db):
        pltpu.make_async_copy(h_hbm.at[idx_v.at[0, 0]], hrow_v.at[db],
                              sem_h.at[db]).wait()

    idx_copy(0, 0)
    wait_idx(0)
    gather_h(0, 0)

    def body(t, carry):
        for b in range(2):
            i = 2 * t + b

            def pf_idx():
                idx_copy(i + 1, 1 - b)
            if b == 0:
                pf_idx()
            else:
                pl.when(t < NCH // 2 - 1)(pf_idx)

            cp_c = pltpu.async_copy(ctab_hbm.at[idx_v.at[b, 1]], crow_v, sem_c)
            wait_h(b)

            def pf_h():
                wait_idx(1 - b)
                gather_h(1 - b, 1 - b)
            if b == 0:
                pf_h()
            else:
                pl.when(t < NCH // 2 - 1)(pf_h)

            cp_c.wait()

            def row(e, carry2):
                for j in range(D // 16):
                    sl = pl.ds(j * 16, 16)
                    hrow_v[b, e, sl] = jnp.maximum(
                        hrow_v[b, e, sl] + crow_v[e, sl], 0.0)
                return carry2

            lax.fori_loop(0, K, row, 0)
            pltpu.sync_copy(hrow_v.at[b], agg_sh.at[idx_v.at[b, 2]], add=True)
        return carry

    lax.fori_loop(0, NCH // 2, body, 0)
    plsc.subcore_barrier()

    @pl.when(s < N // CPR)
    def _out():
        r0 = s * CPR
        pltpu.sync_copy(agg_sh.at[pl.ds(r0, CPR)], out_hbm.at[c, pl.ds(r0, CPR)])


def _mlp_body(h_ref, agg_ref, eps_ref, w1_ref, b1_ref, g1_ref, bb1_ref,
              w2_ref, b2_ref, g2_ref, bb2_ref, out_ref, *, final_relu):
    h = h_ref[...]
    pre = (1.0 + eps_ref[0, 0]) * h + agg_ref[0] + agg_ref[1]
    t = jnp.dot(pre, w1_ref[...], preferred_element_type=jnp.float32) + b1_ref[...]
    m = jnp.mean(t, axis=0, keepdims=True)
    v = jnp.mean((t - m) ** 2, axis=0, keepdims=True)
    t = (t - m) * lax.rsqrt(v + 1e-5) * g1_ref[...] + bb1_ref[...]
    t = jnp.maximum(t, 0.0)
    t2 = jnp.dot(t, w2_ref[...], preferred_element_type=jnp.float32) + b2_ref[...]
    m2 = jnp.mean(t2, axis=0, keepdims=True)
    v2 = jnp.mean((t2 - m2) ** 2, axis=0, keepdims=True)
    t2 = (t2 - m2) * lax.rsqrt(v2 + 1e-5) * g2_ref[...] + bb2_ref[...]
    if final_relu:
        t2 = jnp.maximum(t2, 0.0)
    out_ref[...] = t2


def _mlp(h, agg, eps_l, w1, b1, g1, bb1, w2, b2, g2, bb2, final_relu):
    return pl.pallas_call(
        functools.partial(_mlp_body, final_relu=final_relu),
        out_shape=jax.ShapeDtypeStruct((N, D), jnp.float32),
    )(h, agg, eps_l, w1, b1, g1, bb1, w2, b2, g2, bb2)


def kernel(x, edge_index, edge_attr, eps, W1, b1, bn1_g, bn1_b, W2, b2,
           bond_emb, bn_g, bn_b):
    src = edge_index[0]
    dst = edge_index[1]
    code = edge_attr[:, 0] + V * edge_attr[:, 1] + V * V * edge_attr[:, 2]
    npad = EPWP - EPW
    src_p = jnp.concatenate(
        [src.reshape(NW, EPW), jnp.zeros((NW, npad), jnp.int32)], axis=1)
    code_p = jnp.concatenate(
        [code.reshape(NW, EPW), jnp.full((NW, npad), PADC, jnp.int32)], axis=1)
    dst_p = jnp.concatenate(
        [dst.reshape(NW, EPW), jnp.zeros((NW, npad), jnp.int32)], axis=1)
    idx3 = jnp.stack([src_p, code_p, dst_p], axis=1).astype(jnp.int32)
    ctab = (bond_emb[:, 2][:, :, None, None, :]
            + bond_emb[:, 1][:, None, :, None, :]
            + bond_emb[:, 0][:, None, None, :, :]).reshape(L, V ** NF, D)
    ctab = jnp.concatenate(
        [ctab, jnp.full((L, 1, D), -1e30, jnp.float32)], axis=1)
    zeros = jnp.zeros((N, D), jnp.float32)

    h = x
    for l in range(L):
        agg = _sc_message_pass(idx3, h, ctab[l], zeros)
        h = _mlp(h, agg, eps[l].reshape(1, 1),
                 W1[l], b1[l].reshape(1, 2 * D),
                 bn1_g[l].reshape(1, 2 * D), bn1_b[l].reshape(1, 2 * D),
                 W2[l], b2[l].reshape(1, D),
                 bn_g[l].reshape(1, D), bn_b[l].reshape(1, D),
                 final_relu=(l < L - 1))
    return h

# --- scband reference (transcript-rebuilt; emitter-appended) ---
"""Pipeline reference for scband-gnn-node-57037165691354 (READ-ONLY COPY).

The authoritative reference and input builder live on the scoring server;
editing this copy changes nothing except your own understanding.
"""

import jax, jax.numpy as jnp
import numpy as np

N = 10000
E = 320000
D = 128
L = 3
NF = 3
V = 8


def _bn(t, g, b):
    m = t.mean(axis=0)
    v = t.var(axis=0)
    return (t - m) / jnp.sqrt(v + 1e-5) * g + b


def setup_inputs(seed: int = 0) -> dict:
    key = jax.random.key(seed)
    ks = jax.random.split(key, 8)
    x = jax.random.normal(ks[0], (N, D), dtype=jnp.float32)
    edge_index = jax.random.randint(ks[1], (2, E), 0, N, dtype=jnp.int32)
    edge_attr = jax.random.randint(ks[2], (E, NF), 0, V, dtype=jnp.int32)
    eps = jnp.zeros((L,), jnp.float32)
    W1 = jax.random.normal(ks[3], (L, D, 2 * D), dtype=jnp.float32) * 0.05
    b1 = jnp.zeros((L, 2 * D), jnp.float32)
    bn1_g = jnp.ones((L, 2 * D), jnp.float32)
    bn1_b = jnp.zeros((L, 2 * D), jnp.float32)
    W2 = jax.random.normal(ks[4], (L, 2 * D, D), dtype=jnp.float32) * 0.05
    b2 = jnp.zeros((L, D), jnp.float32)
    bond_emb = jax.random.normal(ks[5], (L, NF, V, D), dtype=jnp.float32) * 0.05
    bn_g = jnp.ones((L, D), jnp.float32)
    bn_b = jnp.zeros((L, D), jnp.float32)
    return {"x": x, "edge_index": edge_index, "edge_attr": edge_attr, "eps": eps,
            "W1": W1, "b1": b1, "bn1_g": bn1_g, "bn1_b": bn1_b,
            "W2": W2, "b2": b2, "bond_emb": bond_emb, "bn_g": bn_g, "bn_b": bn_b}


def reference(x, edge_index, edge_attr, eps, W1, b1, bn1_g, bn1_b, W2, b2, bond_emb, bn_g, bn_b):
    # input_dim == -1 -> fc / fce are Identity; JK='last'; residual=False; drop_ratio=0 -> dropout is a no-op.
    src = edge_index[0]
    dst = edge_index[1]
    h = x
    for l in range(L):
        # BondEncoder: sum of per-feature categorical embeddings (one encoder per GINConv layer)
        ee = jnp.zeros((edge_attr.shape[0], h.shape[1]), h.dtype)
        for f in range(NF):
            ee = ee + jnp.take(bond_emb[l, f], edge_attr[:, f], axis=0)
        # GINConv: message = relu(x_j + edge_attr_emb); aggr='add' at dst nodes
        msg = jax.nn.relu(jnp.take(h, src, axis=0) + ee)
        agg = jnp.zeros_like(h).at[dst].add(msg)
        pre = (1.0 + eps[l]) * h + agg
        # GIN MLP: Linear(D, 2D) -> BatchNorm1d(2D) -> ReLU -> Linear(2D, D)
        t = pre @ W1[l] + b1[l]
        t = _bn(t, bn1_g[l], bn1_b[l])
        t = jax.nn.relu(t)
        t = t @ W2[l] + b2[l]
        # outer BatchNorm1d(D)
        t = _bn(t, bn_g[l], bn_b[l])
        if l < L - 1:
            t = jax.nn.relu(t)
        h = t
    return h

if __name__ == "__main__":
    import jax
    _d = setup_inputs()
    print(jax.jit(kernel)(*tuple(_d.values())))

</pallas_src>

<mosaic_0001>
#map = affine_map<(d0, d1) -> (0, 0, 0)>
#map1 = affine_map<(d0, d1) -> (0, 0)>
module attributes {stable_mosaic.version = 14 : i64} {
  func.func @_sc_message_pass(%arg0: i32, %arg1: i32, %arg2: memref<32x3x10240xi32, #tpu.memory_space<hbm>>, %arg3: memref<10000x128xf32, #tpu.memory_space<hbm>>, %arg4: memref<513x128xf32, #tpu.memory_space<hbm>>, %arg5: memref<10000x128xf32, #tpu.memory_space<hbm>>, %arg6: memref<2x10000x128xf32, #tpu.memory_space<hbm>>, %arg7: memref<2x3x128xi32, #tpu.memory_space<vmem>>, %arg8: memref<2x128x128xf32, #tpu.memory_space<vmem>>, %arg9: memref<128x128xf32, #tpu.memory_space<vmem>>, %arg10: memref<10000x128xf32, #tpu.memory_space<vmem_shared>>, %arg11: memref<2x!tpu.dma_semaphore, #tpu.memory_space<semaphore_mem>>, %arg12: memref<2x!tpu.dma_semaphore, #tpu.memory_space<semaphore_mem>>, %arg13: memref<!tpu.dma_semaphore, #tpu.memory_space<semaphore_mem>>) attributes {dimension_semantics = [#tpu.dimension_semantics<core_parallel>, #tpu.dimension_semantics<subcore_parallel>], iteration_bounds = array<i64: 2, 16>, scalar_prefetch = 0 : i64, scratch_operands = 7 : i64, tpu.core_type = #tpu.core_type<sc_vector_subcore>, window_params = [{transform_indices = #map}, {transform_indices = #map1}, {transform_indices = #map1}, {transform_indices = #map1}, {transform_indices = #map}]} {
    %mul3A = arith.constant 16 : i32
    %mul3A_0 = arith.muli %arg0, %mul3A : i32
    %add3A = arith.addi %mul3A_0, %arg1 : i32
    %lt3A = arith.constant 10 : i32
    %lt3A_1 = arith.cmpi slt, %arg1, %lt3A : i32
    %convert_element_type3A = arith.extui %lt3A_1 : i1 to i32
    %cond3A = arith.constant 0 : i32
    %cond3A_2 = arith.cmpi ne, %convert_element_type3A, %cond3A : i32
    scf.if %cond3A_2 {
      %mul3A_68 = arith.constant 1000 : i32
      %mul3A_69 = arith.muli %arg1, %mul3A_68 : i32
      "tpu.region"() ({
        %run_scoped3A = tpu.sem_alloc : memref<!tpu.dma_semaphore, #tpu.memory_space<semaphore_mem>>
        %dma_start3A_70 = arith.constant 0 : i32
        %dma_start3A_71 = tpu.memref_slice %arg10[%mul3A_69, %dma_start3A_70] : memref<10000x128xf32, #tpu.memory_space<vmem_shared>> -> memref<1000x128xf32, #tpu.memory_space<vmem_shared>>
        %dma_start3A_72 = arith.constant 0 : i32
        %dma_start3A_73 = tpu.memref_slice %arg5[%mul3A_69, %dma_start3A_72] : memref<10000x128xf32, #tpu.memory_space<hbm>> -> memref<1000x128xf32, #tpu.memory_space<hbm>>
        tpu.enqueue_dma source(%dma_start3A_73 : memref<1000x128xf32, #tpu.memory_space<hbm>>) target(%dma_start3A_71 : memref<1000x128xf32, #tpu.memory_space<vmem_shared>>) target_semaphore(%run_scoped3A : memref<!tpu.dma_semaphore, #tpu.memory_space<semaphore_mem>>)
        %dma_wait3A_74 = arith.constant 0 : i32
        %dma_wait3A_75 = tpu.memref_slice %arg10[%mul3A_69, %dma_wait3A_74] : memref<10000x128xf32, #tpu.memory_space<vmem_shared>> -> memref<1000x128xf32, #tpu.memory_space<vmem_shared>>
        %dma_wait3A_76 = arith.constant 0 : i32
        %dma_wait3A_77 = tpu.memref_slice %arg5[%mul3A_69, %dma_wait3A_76] : memref<10000x128xf32, #tpu.memory_space<hbm>> -> memref<1000x128xf32, #tpu.memory_space<hbm>>
        tpu.wait_dma2 semaphore(%run_scoped3A : memref<!tpu.dma_semaphore, #tpu.memory_space<semaphore_mem>>) src(%dma_wait3A_77 : memref<1000x128xf32, #tpu.memory_space<hbm>>) dst(%dma_wait3A_75 : memref<1000x128xf32, #tpu.memory_space<vmem_shared>>)
        tpu.yield
      }) : () -> ()
    } else {
    }
    %barrier3A = arith.constant 0 : index
    tpu.barrier barrier_id(%barrier3A)
    %dma_start3A = arith.constant 0 : i32
    %dma_start3A_3 = arith.constant 0 : i32
    %dma_start3A_4 = arith.constant 0 : i32
    %dma_start3A_5 = arith.constant 0 : i32
    %dma_start3A_6 = tpu.memref_slice %arg7[%dma_start3A, %dma_start3A_4, %dma_start3A_5] : memref<2x3x128xi32, #tpu.memory_space<vmem>> -> memref<1x3x128xi32, #tpu.memory_space<vmem>>
    %dma_start3A_7 = tpu.memref_squeeze %dma_start3A_6 : memref<1x3x128xi32, #tpu.memory_space<vmem>> -> memref<3x128xi32, #tpu.memory_space<vmem>>
    %dma_start3A_8 = arith.constant 0 : i32
    %dma_start3A_9 = arith.constant 0 : i32
    %dma_start3A_10 = tpu.memref_slice %arg2[%add3A, %dma_start3A_8, %dma_start3A_9] : memref<32x3x10240xi32, #tpu.memory_space<hbm>> -> memref<1x3x128xi32, #tpu.memory_space<hbm>>
    %dma_start3A_11 = tpu.memref_squeeze %dma_start3A_10 : memref<1x3x128xi32, #tpu.memory_space<hbm>> -> memref<3x128xi32, #tpu.memory_space<hbm>>
    %dma_start3A_12 = tpu.memref_slice %arg11[%dma_start3A_3] : memref<2x!tpu.dma_semaphore, #tpu.memory_space<semaphore_mem>> -> memref<1x!tpu.dma_semaphore, #tpu.memory_space<semaphore_mem>>
    %dma_start3A_13 = tpu.memref_squeeze %dma_start3A_12 : memref<1x!tpu.dma_semaphore, #tpu.memory_space<semaphore_mem>> -> memref<!tpu.dma_semaphore, #tpu.memory_space<semaphore_mem>>
    %dma_start3A_14 = arith.constant 0 : i32
    %dma_start3A_15 = arith.constant 0 : i32
    %dma_start3A_16 = tpu.memref_slice %arg7[%dma_start3A, %dma_start3A_14, %dma_start3A_15] : memref<2x3x128xi32, #tpu.memory_space<vmem>> -> memref<1x3x128xi32, #tpu.memory_space<vmem>>
    %dma_start3A_17 = tpu.memref_squeeze %dma_start3A_16 : memref<1x3x128xi32, #tpu.memory_space<vmem>> -> memref<3x128xi32, #tpu.memory_space<vmem>>
    %dma_start3A_18 = arith.constant 0 : i32
    %dma_start3A_19 = arith.constant 0 : i32
    %dma_start3A_20 = tpu.memref_slice %arg2[%add3A, %dma_start3A_18, %dma_start3A_19] : memref<32x3x10240xi32, #tpu.memory_space<hbm>> -> memref<1x3x128xi32, #tpu.memory_space<hbm>>
    %dma_start3A_21 = tpu.memref_squeeze %dma_start3A_20 : memref<1x3x128xi32, #tpu.memory_space<hbm>> -> memref<3x128xi32, #tpu.memory_space<hbm>>
    tpu.enqueue_dma source(%dma_start3A_21 : memref<3x128xi32, #tpu.memory_space<hbm>>) target(%dma_start3A_17 : memref<3x128xi32, #tpu.memory_space<vmem>>) target_semaphore(%dma_start3A_13 : memref<!tpu.dma_semaphore, #tpu.memory_space<semaphore_mem>>)
    %dma_wait3A = arith.constant 0 : i32
    %dma_wait3A_22 = arith.constant 0 : i32
    %dma_wait3A_23 = arith.constant 0 : i32
    %dma_wait3A_24 = arith.constant 0 : i32
    %dma_wait3A_25 = tpu.memref_slice %arg7[%dma_wait3A, %dma_wait3A_23, %dma_wait3A_24] : memref<2x3x128xi32, #tpu.memory_space<vmem>> -> memref<1x3x128xi32, #tpu.memory_space<vmem>>
    %dma_wait3A_26 = tpu.memref_squeeze %dma_wait3A_25 : memref<1x3x128xi32, #tpu.memory_space<vmem>> -> memref<3x128xi32, #tpu.memory_space<vmem>>
    %dma_wait3A_27 = arith.constant 0 : i32
    %dma_wait3A_28 = arith.constant 0 : i32
    %dma_wait3A_29 = tpu.memref_slice %arg2[%add3A, %dma_wait3A_27, %dma_wait3A_28] : memref<32x3x10240xi32, #tpu.memory_space<hbm>> -> memref<1x3x128xi32, #tpu.memory_space<hbm>>
    %dma_wait3A_30 = tpu.memref_squeeze %dma_wait3A_29 : memref<1x3x128xi32, #tpu.memory_space<hbm>> -> memref<3x128xi32, #tpu.memory_space<hbm>>
    %dma_wait3A_31 = tpu.memref_slice %arg11[%dma_wait3A_22] : memref<2x!tpu.dma_semaphore, #tpu.memory_space<semaphore_mem>> -> memref<1x!tpu.dma_semaphore, #tpu.memory_space<semaphore_mem>>
    %dma_wait3A_32 = tpu.memref_squeeze %dma_wait3A_31 : memref<1x!tpu.dma_semaphore, #tpu.memory_space<semaphore_mem>> -> memref<!tpu.dma_semaphore, #tpu.memory_space<semaphore_mem>>
    %dma_wait3A_33 = arith.constant 0 : i32
    %dma_wait3A_34 = arith.constant 0 : i32
    %dma_wait3A_35 = tpu.memref_slice %arg7[%dma_wait3A, %dma_wait3A_33, %dma_wait3A_34] : memref<2x3x128xi32, #tpu.memory_space<vmem>> -> memref<1x3x128xi32, #tpu.memory_space<vmem>>
    %dma_wait3A_36 = tpu.memref_squeeze %dma_wait3A_35 : memref<1x3x128xi32, #tpu.memory_space<vmem>> -> memref<3x128xi32, #tpu.memory_space<vmem>>
    %dma_wait3A_37 = arith.constant 0 : i32
    %dma_wait3A_38 = arith.constant 0 : i32
    %dma_wait3A_39 = tpu.memref_slice %arg2[%add3A, %dma_wait3A_37, %dma_wait3A_38] : memref<32x3x10240xi32, #tpu.memory_space<hbm>> -> memref<1x3x128xi32, #tpu.memory_space<hbm>>
    %dma_wait3A_40 = tpu.memref_squeeze %dma_wait3A_39 : memref<1x3x128xi32, #tpu.memory_space<hbm>> -> memref<3x128xi32, #tpu.memory_space<hbm>>
    tpu.wait_dma2 semaphore(%dma_wait3A_32 : memref<!tpu.dma_semaphore, #tpu.memory_space<semaphore_mem>>) src(%dma_wait3A_40 : memref<3x128xi32, #tpu.memory_space<hbm>>) dst(%dma_wait3A_36 : memref<3x128xi32, #tpu.memory_space<vmem>>)
    %dma_start3A_41 = arith.constant 0 : i32
    %dma_start3A_42 = arith.constant 0 : i32
    %dma_start3A_43 = arith.constant 0 : i32
    %dma_start3A_44 = arith.constant 0 : i32
    %dma_start3A_45 = arith.constant 0 : i32
    %dma_start3A_46 = arith.constant 0 : i32
    %dma_start3A_47 = tpu.memref_slice %arg8[%dma_start3A_43, %dma_start3A_45, %dma_start3A_46] : memref<2x128x128xf32, #tpu.memory_space<vmem>> -> memref<1x128x128xf32, #tpu.memory_space<vmem>>
    %dma_start3A_48 = tpu.memref_squeeze %dma_start3A_47 : memref<1x128x128xf32, #tpu.memory_space<vmem>> -> memref<128x128xf32, #tpu.memory_space<vmem>>
    %dma_start3A_49 = arith.constant 0 : i32
    %dma_start3A_50 = tpu.memref_slice %arg7[%dma_start3A_41, %dma_start3A_42, %dma_start3A_49] : memref<2x3x128xi32, #tpu.memory_space<vmem>> -> memref<1x1x128xi32, #tpu.memory_space<vmem>>
    %dma_start3A_51 = tpu.memref_squeeze %dma_start3A_50 : memref<1x1x128xi32, #tpu.memory_space<vmem>> -> memref<128xi32, #tpu.memory_space<vmem>>
    %dma_start3A_52 = arith.constant 0 : i32
    %dma_start3A_53 = arith.constant 0 : i32
    %dma_start3A_54 = tpu.memref_slice %arg3[%dma_start3A_52, %dma_start3A_53] : memref<10000x128xf32, #tpu.memory_space<hbm>> -> memref<10000x128xf32, #tpu.memory_space<hbm>>
    %dma_start3A_55 = tpu.memref_slice %arg12[%dma_start3A_44] : memref<2x!tpu.dma_semaphore, #tpu.memory_space<semaphore_mem>> -> memref<1x!tpu.dma_semaphore, #tpu.memory_space<semaphore_mem>>
    %dma_start3A_56 = tpu.memref_squeeze %dma_start3A_55 : memref<1x!tpu.dma_semaphore, #tpu.memory_space<semaphore_mem>> -> memref<!tpu.dma_semaphore, #tpu.memory_space<semaphore_mem>>
    tpu.enqueue_indirect_dma source(%dma_start3A_54 : memref<10000x128xf32, #tpu.memory_space<hbm>>) target(%dma_start3A_48 : memref<128x128xf32, #tpu.memory_space<vmem>>) offsets(%dma_start3A_51 : memref<128xi32, #tpu.memory_space<vmem>>) semaphore(%dma_start3A_56 : memref<!tpu.dma_semaphore, #tpu.memory_space<semaphore_mem>>)
    %scan3A = arith.constant 0 : i32
    %scan3A_57 = arith.constant 0 : i32
    %scan3A_58 = arith.constant 40 : i32
    %scan3A_59 = arith.addi %scan3A_57, %scan3A_58 : i32
    %scan3A_60 = arith.constant 1 : i32
    scf.for %scan3A_68 = %scan3A_57 to %scan3A_59 step %scan3A_60  : i32 {
      %mul3A_69 = arith.constant 2 : i32
      %mul3A_70 = arith.muli %mul3A_69, %scan3A_68 : i32
      %add3A_71 = arith.constant 0 : i32
      %add3A_72 = arith.addi %mul3A_70, %add3A_71 : i32
      %add3A_73 = arith.constant 1 : i32
      %add3A_74 = arith.addi %add3A_72, %add3A_73 : i32
      %mul3A_75 = arith.constant 128 : i32
      %mul3A_76 = arith.muli %add3A_74, %mul3A_75 : i32
      %dma_start3A_77 = arith.constant 1 : i32
      %dma_start3A_78 = arith.constant 1 : i32
      %dma_start3A_79 = arith.constant 0 : i32
      %dma_start3A_80 = arith.constant 0 : i32
      %dma_start3A_81 = tpu.memref_slice %arg7[%dma_start3A_77, %dma_start3A_79, %dma_start3A_80] : memref<2x3x128xi32, #tpu.memory_space<vmem>> -> memref<1x3x128xi32, #tpu.memory_space<vmem>>
      %dma_start3A_82 = tpu.memref_squeeze %dma_start3A_81 : memref<1x3x128xi32, #tpu.memory_space<vmem>> -> memref<3x128xi32, #tpu.memory_space<vmem>>
      %dma_start3A_83 = arith.constant 0 : i32
      %dma_start3A_84 = tpu.memref_slice %arg2[%add3A, %dma_start3A_83, %mul3A_76] : memref<32x3x10240xi32, #tpu.memory_space<hbm>> -> memref<1x3x128xi32, #tpu.memory_space<hbm>>
      %dma_start3A_85 = tpu.memref_squeeze %dma_start3A_84 : memref<1x3x128xi32, #tpu.memory_space<hbm>> -> memref<3x128xi32, #tpu.memory_space<hbm>>
      %dma_start3A_86 = tpu.memref_slice %arg11[%dma_start3A_78] : memref<2x!tpu.dma_semaphore, #tpu.memory_space<semaphore_mem>> -> memref<1x!tpu.dma_semaphore, #tpu.memory_space<semaphore_mem>>
      %dma_start3A_87 = tpu.memref_squeeze %dma_start3A_86 : memref<1x!tpu.dma_semaphore, #tpu.memory_space<semaphore_mem>> -> memref<!tpu.dma_semaphore, #tpu.memory_space<semaphore_mem>>
      %dma_start3A_88 = arith.constant 0 : i32
      %dma_start3A_89 = arith.constant 0 : i32
      %dma_start3A_90 = tpu.memref_slice %arg7[%dma_start3A_77, %dma_start3A_88, %dma_start3A_89] : memref<2x3x128xi32, #tpu.memory_space<vmem>> -> memref<1x3x128xi32, #tpu.memory_space<vmem>>
      %dma_start3A_91 = tpu.memref_squeeze %dma_start3A_90 : memref<1x3x128xi32, #tpu.memory_space<vmem>> -> memref<3x128xi32, #tpu.memory_space<vmem>>
      %dma_start3A_92 = arith.constant 0 : i32
      %dma_start3A_93 = tpu.memref_slice %arg2[%add3A, %dma_start3A_92, %mul3A_76] : memref<32x3x10240xi32, #tpu.memory_space<hbm>> -> memref<1x3x128xi32, #tpu.memory_space<hbm>>
      %dma_start3A_94 = tpu.memref_squeeze %dma_start3A_93 : memref<1x3x128xi32, #tpu.memory_space<hbm>> -> memref<3x128xi32, #tpu.memory_space<hbm>>
      tpu.enqueue_dma source(%dma_start3A_94 : memref<3x128xi32, #tpu.memory_space<hbm>>) target(%dma_start3A_91 : memref<3x128xi32, #tpu.memory_space<vmem>>) target_semaphore(%dma_start3A_87 : memref<!tpu.dma_semaphore, #tpu.memory_space<semaphore_mem>>)
      %dma_start3A_95 = arith.constant 0 : i32
      %dma_start3A_96 = arith.constant 1 : i32
      %dma_start3A_97 = arith.constant 0 : i32
      %dma_start3A_98 = tpu.memref_slice %arg7[%dma_start3A_95, %dma_start3A_96, %dma_start3A_97] : memref<2x3x128xi32, #tpu.memory_space<vmem>> -> memref<1x1x128xi32, #tpu.memory_space<vmem>>
      %dma_start3A_99 = tpu.memref_squeeze %dma_start3A_98 : memref<1x1x128xi32, #tpu.memory_space<vmem>> -> memref<128xi32, #tpu.memory_space<vmem>>
      %dma_start3A_100 = arith.constant 0 : i32
      %dma_start3A_101 = arith.constant 0 : i32
      %dma_start3A_102 = tpu.memref_slice %arg4[%dma_start3A_100, %dma_start3A_101] : memref<513x128xf32, #tpu.memory_space<hbm>> -> memref<513x128xf32, #tpu.memory_space<hbm>>
      tpu.enqueue_indirect_dma source(%dma_start3A_102 : memref<513x128xf32, #tpu.memory_space<hbm>>) target(%arg9 : memref<128x128xf32, #tpu.memory_space<vmem>>) offsets(%dma_start3A_99 : memref<128xi32, #tpu.memory_space<vmem>>) semaphore(%arg13 : memref<!tpu.dma_semaphore, #tpu.memory_space<semaphore_mem>>)
      %dma_wait3A_103 = arith.constant 0 : i32
      %dma_wait3A_104 = arith.constant 0 : i32
      %dma_wait3A_105 = arith.constant 0 : i32
      %dma_wait3A_106 = arith.constant 0 : i32
      %dma_wait3A_107 = arith.constant 0 : i32
      %dma_wait3A_108 = arith.constant 0 : i32
      %dma_wait3A_109 = tpu.memref_slice %arg8[%dma_wait3A_105, %dma_wait3A_107, %dma_wait3A_108] : memref<2x128x128xf32, #tpu.memory_space<vmem>> -> memref<1x128x128xf32, #tpu.memory_space<vmem>>
      %dma_wait3A_110 = tpu.memref_squeeze %dma_wait3A_109 : memref<1x128x128xf32, #tpu.memory_space<vmem>> -> memref<128x128xf32, #tpu.memory_space<vmem>>
      %dma_wait3A_111 = arith.constant 0 : i32
      %dma_wait3A_112 = tpu.memref_slice %arg7[%dma_wait3A_103, %dma_wait3A_104, %dma_wait3A_111] : memref<2x3x128xi32, #tpu.memory_space<vmem>> -> memref<1x1x128xi32, #tpu.memory_space<vmem>>
      %dma_wait3A_113 = tpu.memref_squeeze %dma_wait3A_112 : memref<1x1x128xi32, #tpu.memory_space<vmem>> -> memref<128xi32, #tpu.memory_space<vmem>>
      %dma_wait3A_114 = arith.constant 0 : i32
      %dma_wait3A_115 = arith.constant 0 : i32
      %dma_wait3A_116 = tpu.memref_slice %arg3[%dma_wait3A_114, %dma_wait3A_115] : memref<10000x128xf32, #tpu.memory_space<hbm>> -> memref<10000x128xf32, #tpu.memory_space<hbm>>
      %dma_wait3A_117 = tpu.memref_slice %arg12[%dma_wait3A_106] : memref<2x!tpu.dma_semaphore, #tpu.memory_space<semaphore_mem>> -> memref<1x!tpu.dma_semaphore, #tpu.memory_space<semaphore_mem>>
      %dma_wait3A_118 = tpu.memref_squeeze %dma_wait3A_117 : memref<1x!tpu.dma_semaphore, #tpu.memory_space<semaphore_mem>> -> memref<!tpu.dma_semaphore, #tpu.memory_space<semaphore_mem>>
      tpu.wait_indirect_dma semaphore(%dma_wait3A_118 : memref<!tpu.dma_semaphore, #tpu.memory_space<semaphore_mem>>) src(%dma_wait3A_116 : memref<10000x128xf32, #tpu.memory_space<hbm>>) dst(%dma_wait3A_110 : memref<128x128xf32, #tpu.memory_space<vmem>>)
      %dma_wait3A_119 = arith.constant 1 : i32
      %dma_wait3A_120 = arith.constant 1 : i32
      %dma_wait3A_121 = arith.constant 0 : i32
      %dma_wait3A_122 = arith.constant 0 : i32
      %dma_wait3A_123 = tpu.memref_slice %arg7[%dma_wait3A_119, %dma_wait3A_121, %dma_wait3A_122] : memref<2x3x128xi32, #tpu.memory_space<vmem>> -> memref<1x3x128xi32, #tpu.memory_space<vmem>>
      %dma_wait3A_124 = tpu.memref_squeeze %dma_wait3A_123 : memref<1x3x128xi32, #tpu.memory_space<vmem>> -> memref<3x128xi32, #tpu.memory_space<vmem>>
      %dma_wait3A_125 = arith.constant 0 : i32
      %dma_wait3A_126 = arith.constant 0 : i32
      %dma_wait3A_127 = tpu.memref_slice %arg2[%add3A, %dma_wait3A_125, %dma_wait3A_126] : memref<32x3x10240xi32, #tpu.memory_space<hbm>> -> memref<1x3x128xi32, #tpu.memory_space<hbm>>
      %dma_wait3A_128 = tpu.memref_squeeze %dma_wait3A_127 : memref<1x3x128xi32, #tpu.memory_space<hbm>> -> memref<3x128xi32, #tpu.memory_space<hbm>>
      %dma_wait3A_129 = tpu.memref_slice %arg11[%dma_wait3A_120] : memref<2x!tpu.dma_semaphore, #tpu.memory_space<semaphore_mem>> -> memref<1x!tpu.dma_semaphore, #tpu.memory_space<semaphore_mem>>
      %dma_wait3A_130 = tpu.memref_squeeze %dma_wait3A_129 : memref<1x!tpu.dma_semaphore, #tpu.memory_space<semaphore_mem>> -> memref<!tpu.dma_semaphore, #tpu.memory_space<semaphore_mem>>
      %dma_wait3A_131 = arith.constant 0 : i32
      %dma_wait3A_132 = arith.constant 0 : i32
      %dma_wait3A_133 = tpu.memref_slice %arg7[%dma_wait3A_119, %dma_wait3A_131, %dma_wait3A_132] : memref<2x3x128xi32, #tpu.memory_space<vmem>> -> memref<1x3x128xi32, #tpu.memory_space<vmem>>
      %dma_wait3A_134 = tpu.memref_squeeze %dma_wait3A_133 : memref<1x3x128xi32, #tpu.memory_space<vmem>> -> memref<3x128xi32, #tpu.memory_space<vmem>>
      %dma_wait3A_135 = arith.constant 0 : i32
      %dma_wait3A_136 = arith.constant 0 : i32
      %dma_wait3A_137 = tpu.memref_slice %arg2[%add3A, %dma_wait3A_135, %dma_wait3A_136] : memref<32x3x10240xi32, #tpu.memory_space<hbm>> -> memref<1x3x128xi32, #tpu.memory_space<hbm>>
      %dma_wait3A_138 = tpu.memref_squeeze %dma_wait3A_137 : memref<1x3x128xi32, #tpu.memory_space<hbm>> -> memref<3x128xi32, #tpu.memory_space<hbm>>
      tpu.wait_dma2 semaphore(%dma_wait3A_130 : memref<!tpu.dma_semaphore, #tpu.memory_space<semaphore_mem>>) src(%dma_wait3A_138 : memref<3x128xi32, #tpu.memory_space<hbm>>) dst(%dma_wait3A_134 : memref<3x128xi32, #tpu.memory_space<vmem>>)
      %dma_start3A_139 = arith.constant 1 : i32
      %dma_start3A_140 = arith.constant 0 : i32
      %dma_start3A_141 = arith.constant 1 : i32
      %dma_start3A_142 = arith.constant 1 : i32
      %dma_start3A_143 = arith.constant 0 : i32
      %dma_start3A_144 = arith.constant 0 : i32
      %dma_start3A_145 = tpu.memref_slice %arg8[%dma_start3A_141, %dma_start3A_143, %dma_start3A_144] : memref<2x128x128xf32, #tpu.memory_space<vmem>> -> memref<1x128x128xf32, #tpu.memory_space<vmem>>
      %dma_start3A_146 = tpu.memref_squeeze %dma_start3A_145 : memref<1x128x128xf32, #tpu.memory_space<vmem>> -> memref<128x128xf32, #tpu.memory_space<vmem>>
      %dma_start3A_147 = arith.constant 0 : i32
      %dma_start3A_148 = tpu.memref_slice %arg7[%dma_start3A_139, %dma_start3A_140, %dma_start3A_147] : memref<2x3x128xi32, #tpu.memory_space<vmem>> -> memref<1x1x128xi32, #tpu.memory_space<vmem>>
      %dma_start3A_149 = tpu.memref_squeeze %dma_start3A_148 : memref<1x1x128xi32, #tpu.memory_space<vmem>> -> memref<128xi32, #tpu.memory_space<vmem>>
      %dma_start3A_150 = arith.constant 0 : i32
      %dma_start3A_151 = arith.constant 0 : i32
      %dma_start3A_152 = tpu.memref_slice %arg3[%dma_start3A_150, %dma_start3A_151] : memref<10000x128xf32, #tpu.memory_space<hbm>> -> memref<10000x128xf32, #tpu.memory_space<hbm>>
      %dma_start3A_153 = tpu.memref_slice %arg12[%dma_start3A_142] : memref<2x!tpu.dma_semaphore, #tpu.memory_space<semaphore_mem>> -> memref<1x!tpu.dma_semaphore, #tpu.memory_space<semaphore_mem>>
      %dma_start3A_154 = tpu.memref_squeeze %dma_start3A_153 : memref<1x!tpu.dma_semaphore, #tpu.memory_space<semaphore_mem>> -> memref<!tpu.dma_semaphore, #tpu.memory_space<semaphore_mem>>
      tpu.enqueue_indirect_dma source(%dma_start3A_152 : memref<10000x128xf32, #tpu.memory_space<hbm>>) target(%dma_start3A_146 : memref<128x128xf32, #tpu.memory_space<vmem>>) offsets(%dma_start3A_149 : memref<128xi32, #tpu.memory_space<vmem>>) semaphore(%dma_start3A_154 : memref<!tpu.dma_semaphore, #tpu.memory_space<semaphore_mem>>)
      %dma_wait3A_155 = arith.constant 0 : i32
      %dma_wait3A_156 = arith.constant 1 : i32
      %dma_wait3A_157 = arith.constant 0 : i32
      %dma_wait3A_158 = tpu.memref_slice %arg7[%dma_wait3A_155, %dma_wait3A_156, %dma_wait3A_157] : memref<2x3x128xi32, #tpu.memory_space<vmem>> -> memref<1x1x128xi32, #tpu.memory_space<vmem>>
      %dma_wait3A_159 = tpu.memref_squeeze %dma_wait3A_158 : memref<1x1x128xi32, #tpu.memory_space<vmem>> -> memref<128xi32, #tpu.memory_space<vmem>>
      %dma_wait3A_160 = arith.constant 0 : i32
      %dma_wait3A_161 = arith.constant 0 : i32
      %dma_wait3A_162 = tpu.memref_slice %arg4[%dma_wait3A_160, %dma_wait3A_161] : memref<513x128xf32, #tpu.memory_space<hbm>> -> memref<513x128xf32, #tpu.memory_space<hbm>>
      tpu.wait_indirect_dma semaphore(%arg13 : memref<!tpu.dma_semaphore, #tpu.memory_space<semaphore_mem>>) src(%dma_wait3A_162 : memref<513x128xf32, #tpu.memory_space<hbm>>) dst(%arg9 : memref<128x128xf32, #tpu.memory_space<vmem>>)
      %scan3A_163 = arith.constant 0 : i32
      %scan3A_164 = arith.constant 0 : i32
      %scan3A_165 = arith.constant 128 : i32
      %scan3A_166 = arith.addi %scan3A_164, %scan3A_165 : i32
      %scan3A_167 = arith.constant 1 : i32
      scf.for %scan3A_226 = %scan3A_164 to %scan3A_166 step %scan3A_167  : i32 {
        %get3A = arith.constant 0 : i32
        %get3A_227 = arith.index_cast %get3A : i32 to index
        %get3A_228 = arith.index_cast %scan3A_226 : i32 to index
        %get3A_229 = arith.constant 0 : index
        %get3A_230 = tpu.vector_load %arg8[%get3A_227, %get3A_228, %get3A_229] {strides = array<i32>} : memref<2x128x128xf32, #tpu.memory_space<vmem>>, vector<1x1x16xf32>,
        %get3A_231 = vector.shape_cast %get3A_230 : vector<1x1x16xf32> to vector<16xf32>
        %get3A_232 = arith.index_cast %scan3A_226 : i32 to index
        %get3A_233 = arith.constant 0 : index
        %get3A_234 = tpu.vector_load %arg9[%get3A_232, %get3A_233] {strides = array<i32>} : memref<128x128xf32, #tpu.memory_space<vmem>>, vector<1x16xf32>,
        %get3A_235 = vector.shape_cast %get3A_234 : vector<1x16xf32> to vector<16xf32>
        %add3A_236 = arith.addf %get3A_231, %get3A_235 : vector<16xf32>
        %max3A = arith.constant 0.000000e+00 : f32
        %max3A_237 = vector.broadcast %max3A : f32 to vector<16xf32>
        %max3A_238 = arith.maximumf %add3A_236, %max3A_237 : vector<16xf32>
        %swap3A = arith.constant 0 : i32
        %swap3A_239 = arith.index_cast %swap3A : i32 to index
        %swap3A_240 = arith.index_cast %scan3A_226 : i32 to index
        %swap3A_241 = arith.constant 0 : index
        %swap3A_242 = tpu.vector_load %arg8[%swap3A_239, %swap3A_240, %swap3A_241] {strides = array<i32>} : memref<2x128x128xf32, #tpu.memory_space<vmem>>, vector<1x1x16xf32>,
        %swap3A_243 = vector.shape_cast %swap3A_242 : vector<1x1x16xf32> to vector<16xf32>
        %swap3A_244 = vector.shape_cast %max3A_238 : vector<16xf32> to vector<1x1x16xf32>
        tpu.vector_store %arg8[%swap3A_239, %swap3A_240, %swap3A_241], %swap3A_244 {strides = array<i32>} : memref<2x128x128xf32, #tpu.memory_space<vmem>>, vector<1x1x16xf32>,
        %get3A_245 = arith.constant 0 : i32
        %get3A_246 = arith.index_cast %get3A_245 : i32 to index
        %get3A_247 = arith.index_cast %scan3A_226 : i32 to index
        %get3A_248 = arith.constant 16 : index
        %get3A_249 = tpu.vector_load %arg8[%get3A_246, %get3A_247, %get3A_248] {strides = array<i32>} : memref<2x128x128xf32, #tpu.memory_space<vmem>>, vector<1x1x16xf32>,
        %get3A_250 = vector.shape_cast %get3A_249 : vector<1x1x16xf32> to vector<16xf32>
        %get3A_251 = arith.index_cast %scan3A_226 : i32 to index
        %get3A_252 = arith.constant 16 : index
        %get3A_253 = tpu.vector_load %arg9[%get3A_251, %get3A_252] {strides = array<i32>} : memref<128x128xf32, #tpu.memory_space<vmem>>, vector<1x16xf32>,
        %get3A_254 = vector.shape_cast %get3A_253 : vector<1x16xf32> to vector<16xf32>
        %add3A_255 = arith.addf %get3A_250, %get3A_254 : vector<16xf32>
        %max3A_256 = arith.constant 0.000000e+00 : f32
        %max3A_257 = vector.broadcast %max3A_256 : f32 to vector<16xf32>
        %max3A_258 = arith.maximumf %add3A_255, %max3A_257 : vector<16xf32>
        %swap3A_259 = arith.constant 0 : i32
        %swap3A_260 = arith.index_cast %swap3A_259 : i32 to index
        %swap3A_261 = arith.index_cast %scan3A_226 : i32 to index
        %swap3A_262 = arith.constant 16 : index
        %swap3A_263 = tpu.vector_load %arg8[%swap3A_260, %swap3A_261, %swap3A_262] {strides = array<i32>} : memref<2x128x128xf32, #tpu.memory_space<vmem>>, vector<1x1x16xf32>,
        %swap3A_264 = vector.shape_cast %swap3A_263 : vector<1x1x16xf32> to vector<16xf32>
        %swap3A_265 = vector.shape_cast %max3A_258 : vector<16xf32> to vector<1x1x16xf32>
        tpu.vector_store %arg8[%swap3A_260, %swap3A_261, %swap3A_262], %swap3A_265 {strides = array<i32>} : memref<2x128x128xf32, #tpu.memory_space<vmem>>, vector<1x1x16xf32>,
        %get3A_266 = arith.constant 0 : i32
        %get3A_267 = arith.index_cast %get3A_266 : i32 to index
        %get3A_268 = arith.index_cast %scan3A_226 : i32 to index
        %get3A_269 = arith.constant 32 : index
        %get3A_270 = tpu.vector_load %arg8[%get3A_267, %get3A_268, %get3A_269] {strides = array<i32>} : memref<2x128x128xf32, #tpu.memory_space<vmem>>, vector<1x1x16xf32>,
        %get3A_271 = vector.shape_cast %get3A_270 : vector<1x1x16xf32> to vector<16xf32>
        %get3A_272 = arith.index_cast %scan3A_226 : i32 to index
        %get3A_273 = arith.constant 32 : index
        %get3A_274 = tpu.vector_load %arg9[%get3A_272, %get3A_273] {strides = array<i32>} : memref<128x128xf32, #tpu.memory_space<vmem>>, vector<1x16xf32>,
        %get3A_275 = vector.shape_cast %get3A_274 : vector<1x16xf32> to vector<16xf32>
        %add3A_276 = arith.addf %get3A_271, %get3A_275 : vector<16xf32>
        %max3A_277 = arith.constant 0.000000e+00 : f32
        %max3A_278 = vector.broadcast %max3A_277 : f32 to vector<16xf32>
        %max3A_279 = arith.maximumf %add3A_276, %max3A_278 : vector<16xf32>
        %swap3A_280 = arith.constant 0 : i32
        %swap3A_281 = arith.index_cast %swap3A_280 : i32 to index
        %swap3A_282 = arith.index_cast %scan3A_226 : i32 to index
        %swap3A_283 = arith.constant 32 : index
        %swap3A_284 = tpu.vector_load %arg8[%swap3A_281, %swap3A_282, %swap3A_283] {strides = array<i32>} : memref<2x128x128xf32, #tpu.memory_space<vmem>>, vector<1x1x16xf32>,
        %swap3A_285 = vector.shape_cast %swap3A_284 : vector<1x1x16xf32> to vector<16xf32>
        %swap3A_286 = vector.shape_cast %max3A_279 : vector<16xf32> to vector<1x1x16xf32>
        tpu.vector_store %arg8[%swap3A_281, %swap3A_282, %swap3A_283], %swap3A_286 {strides = array<i32>} : memref<2x128x128xf32, #tpu.memory_space<vmem>>, vector<1x1x16xf32>,
        %get3A_287 = arith.constant 0 : i32
        %get3A_288 = arith.index_cast %get3A_287 : i32 to index
        %get3A_289 = arith.index_cast %scan3A_226 : i32 to index
        %get3A_290 = arith.constant 48 : index
        %get3A_291 = tpu.vector_load %arg8[%get3A_288, %get3A_289, %get3A_290] {strides = array<i32>} : memref<2x128x128xf32, #tpu.memory_space<vmem>>, vector<1x1x16xf32>,
        %get3A_292 = vector.shape_cast %get3A_291 : vector<1x1x16xf32> to vector<16xf32>
        %get3A_293 = arith.index_cast %scan3A_226 : i32 to index
        %get3A_294 = arith.constant 48 : index
        %get3A_295 = tpu.vector_load %arg9[%get3A_293, %get3A_294] {strides = array<i32>} : memref<128x128xf32, #tpu.memory_space<vmem>>, vector<1x16xf32>,
        %get3A_296 = vector.shape_cast %get3A_295 : vector<1x16xf32> to vector<16xf32>
        %add3A_297 = arith.addf %get3A_292, %get3A_296 : vector<16xf32>
        %max3A_298 = arith.constant 0.000000e+00 : f32
        %max3A_299 = vector.broadcast %max3A_298 : f32 to vector<16xf32>
        %max3A_300 = arith.maximumf %add3A_297, %max3A_299 : vector<16xf32>
        %swap3A_301 = arith.constant 0 : i32
        %swap3A_302 = arith.index_cast %swap3A_301 : i32 to index
        %swap3A_303 = arith.index_cast %scan3A_226 : i32 to index
        %swap3A_304 = arith.constant 48 : index
        %swap3A_305 = tpu.vector_load %arg8[%swap3A_302, %swap3A_303, %swap3A_304] {strides = array<i32>} : memref<2x128x128xf32, #tpu.memory_space<vmem>>, vector<1x1x16xf32>,
        %swap3A_306 = vector.shape_cast %swap3A_305 : vector<1x1x16xf32> to vector<16xf32>
        %swap3A_307 = vector.shape_cast %max3A_300 : vector<16xf32> to vector<1x1x16xf32>
        tpu.vector_store %arg8[%swap3A_302, %swap3A_303, %swap3A_304], %swap3A_307 {strides = array<i32>} : memref<2x128x128xf32, #tpu.memory_space<vmem>>, vector<1x1x16xf32>,
        %get3A_308 = arith.constant 0 : i32
        %get3A_309 = arith.index_cast %get3A_308 : i32 to index
        %get3A_310 = arith.index_cast %scan3A_226 : i32 to index
        %get3A_311 = arith.constant 64 : index
        %get3A_312 = tpu.vector_load %arg8[%get3A_309, %get3A_310, %get3A_311] {strides = array<i32>} : memref<2x128x128xf32, #tpu.memory_space<vmem>>, vector<1x1x16xf32>,
        %get3A_313 = vector.shape_cast %get3A_312 : vector<1x1x16xf32> to vector<16xf32>
        %get3A_314 = arith.index_cast %scan3A_226 : i32 to index
        %get3A_315 = arith.constant 64 : index
        %get3A_316 = tpu.vector_load %arg9[%get3A_314, %get3A_315] {strides = array<i32>} : memref<128x128xf32, #tpu.memory_space<vmem>>, vector<1x16xf32>,
        %get3A_317 = vector.shape_cast %get3A_316 : vector<1x16xf32> to vector<16xf32>
        %add3A_318 = arith.addf %get3A_313, %get3A_317 : vector<16xf32>
        %max3A_319 = arith.constant 0.000000e+00 : f32
        %max3A_320 = vector.broadcast %max3A_319 : f32 to vector<16xf32>
        %max3A_321 = arith.maximumf %add3A_318, %max3A_320 : vector<16xf32>
        %swap3A_322 = arith.constant 0 : i32
        %swap3A_323 = arith.index_cast %swap3A_322 : i32 to index
        %swap3A_324 = arith.index_cast %scan3A_226 : i32 to index
        %swap3A_325 = arith.constant 64 : index
        %swap3A_326 = tpu.vector_load %arg8[%swap3A_323, %swap3A_324, %swap3A_325] {strides = array<i32>} : memref<2x128x128xf32, #tpu.memory_space<vmem>>, vector<1x1x16xf32>,
        %swap3A_327 = vector.shape_cast %swap3A_326 : vector<1x1x16xf32> to vector<16xf32>
        %swap3A_328 = vector.shape_cast %max3A_321 : vector<16xf32> to vector<1x1x16xf32>
        tpu.vector_store %arg8[%swap3A_323, %swap3A_324, %swap3A_325], %swap3A_328 {strides = array<i32>} : memref<2x128x128xf32, #tpu.memory_space<vmem>>, vector<1x1x16xf32>,
        %get3A_329 = arith.constant 0 : i32
        %get3A_330 = arith.index_cast %get3A_329 : i32 to index
        %get3A_331 = arith.index_cast %scan3A_226 : i32 to index
        %get3A_332 = arith.constant 80 : index
        %get3A_333 = tpu.vector_load %arg8[%get3A_330, %get3A_331, %get3A_332] {strides = array<i32>} : memref<2x128x128xf32, #tpu.memory_space<vmem>>, vector<1x1x16xf32>,
        %get3A_334 = vector.shape_cast %get3A_333 : vector<1x1x16xf32> to vector<16xf32>
        %get3A_335 = arith.index_cast %scan3A_226 : i32 to index
        %get3A_336 = arith.constant 80 : index
        %get3A_337 = tpu.vector_load %arg9[%get3A_335, %get3A_336] {strides = array<i32>} : memref<128x128xf32, #tpu.memory_space<vmem>>, vector<1x16xf32>,
        %get3A_338 = vector.shape_cast %get3A_337 : vector<1x16xf32> to vector<16xf32>
        %add3A_339 = arith.addf %get3A_334, %get3A_338 : vector<16xf32>
        %max3A_340 = arith.constant 0.000000e+00 : f32
        %max3A_341 = vector.broadcast %max3A_340 : f32 to vector<16xf32>
        %max3A_342 = arith.maximumf %add3A_339, %max3A_341 : vector<16xf32>
        %swap3A_343 = arith.constant 0 : i32
        %swap3A_344 = arith.index_cast %swap3A_343 : i32 to index
        %swap3A_345 = arith.index_cast %scan3A_226 : i32 to index
        %swap3A_346 = arith.constant 80 : index
        %swap3A_347 = tpu.vector_load %arg8[%swap3A_344, %swap3A_345, %swap3A_346] {strides = array<i32>} : memref<2x128x128xf32, #tpu.memory_space<vmem>>, vector<1x1x16xf32>,
        %swap3A_348 = vector.shape_cast %swap3A_347 : vector<1x1x16xf32> to vector<16xf32>
        %swap3A_349 = vector.shape_cast %max3A_342 : vector<16xf32> to vector<1x1x16xf32>
        tpu.vector_store %arg8[%swap3A_344, %swap3A_345, %swap3A_346], %swap3A_349 {strides = array<i32>} : memref<2x128x128xf32, #tpu.memory_space<vmem>>, vector<1x1x16xf32>,
        %get3A_350 = arith.constant 0 : i32
        %get3A_351 = arith.index_cast %get3A_350 : i32 to index
        %get3A_352 = arith.index_cast %scan3A_226 : i32 to index
        %get3A_353 = arith.constant 96 : index
        %get3A_354 = tpu.vector_load %arg8[%get3A_351, %get3A_352, %get3A_353] {strides = array<i32>} : memref<2x128x128xf32, #tpu.memory_space<vmem>>, vector<1x1x16xf32>,
        %get3A_355 = vector.shape_cast %get3A_354 : vector<1x1x16xf32> to vector<16xf32>
        %get3A_356 = arith.index_cast %scan3A_226 : i32 to index
        %get3A_357 = arith.constant 96 : index
        %get3A_358 = tpu.vector_load %arg9[%get3A_356, %get3A_357] {strides = array<i32>} : memref<128x128xf32, #tpu.memory_space<vmem>>, vector<1x16xf32>,
        %get3A_359 = vector.shape_cast %get3A_358 : vector<1x16xf32> to vector<16xf32>
        %add3A_360 = arith.addf %get3A_355, %get3A_359 : vector<16xf32>
        %max3A_361 = arith.constant 0.000000e+00 : f32
        %max3A_362 = vector.broadcast %max3A_361 : f32 to vector<16xf32>
        %max3A_363 = arith.maximumf %add3A_360, %max3A_362 : vector<16xf32>
        %swap3A_364 = arith.constant 0 : i32
        %swap3A_365 = arith.index_cast %swap3A_364 : i32 to index
        %swap3A_366 = arith.index_cast %scan3A_226 : i32 to index
        %swap3A_367 = arith.constant 96 : index
        %swap3A_368 = tpu.vector_load %arg8[%swap3A_365, %swap3A_366, %swap3A_367] {strides = array<i32>} : memref<2x128x128xf32, #tpu.memory_space<vmem>>, vector<1x1x16xf32>,
        %swap3A_369 = vector.shape_cast %swap3A_368 : vector<1x1x16xf32> to vector<16xf32>
        %swap3A_370 = vector.shape_cast %max3A_363 : vector<16xf32> to vector<1x1x16xf32>
        tpu.vector_store %arg8[%swap3A_365, %swap3A_366, %swap3A_367], %swap3A_370 {strides = array<i32>} : memref<2x128x128xf32, #tpu.memory_space<vmem>>, vector<1x1x16xf32>,
        %get3A_371 = arith.constant 0 : i32
        %get3A_372 = arith.index_cast %get3A_371 : i32 to index
        %get3A_373 = arith.index_cast %scan3A_226 : i32 to index
        %get3A_374 = arith.constant 112 : index
        %get3A_375 = tpu.vector_load %arg8[%get3A_372, %get3A_373, %get3A_374] {strides = array<i32>} : memref<2x128x128xf32, #tpu.memory_space<vmem>>, vector<1x1x16xf32>,
        %get3A_376 = vector.shape_cast %get3A_375 : vector<1x1x16xf32> to vector<16xf32>
        %get3A_377 = arith.index_cast %scan3A_226 : i32 to index
        %get3A_378 = arith.constant 112 : index
        %get3A_379 = tpu.vector_load %arg9[%get3A_377, %get3A_378] {strides = array<i32>} : memref<128x128xf32, #tpu.memory_space<vmem>>, vector<1x16xf32>,
        %get3A_380 = vector.shape_cast %get3A_379 : vector<1x16xf32> to vector<16xf32>
        %add3A_381 = arith.addf %get3A_376, %get3A_380 : vector<16xf32>
        %max3A_382 = arith.constant 0.000000e+00 : f32
        %max3A_383 = vector.broadcast %max3A_382 : f32 to vector<16xf32>
        %max3A_384 = arith.maximumf %add3A_381, %max3A_383 : vector<16xf32>
        %swap3A_385 = arith.constant 0 : i32
        %swap3A_386 = arith.index_cast %swap3A_385 : i32 to index
        %swap3A_387 = arith.index_cast %scan3A_226 : i32 to index
        %swap3A_388 = arith.constant 112 : index
        %swap3A_389 = tpu.vector_load %arg8[%swap3A_386, %swap3A_387, %swap3A_388] {strides = array<i32>} : memref<2x128x128xf32, #tpu.memory_space<vmem>>, vector<1x1x16xf32>,
        %swap3A_390 = vector.shape_cast %swap3A_389 : vector<1x1x16xf32> to vector<16xf32>
        %swap3A_391 = vector.shape_cast %max3A_384 : vector<16xf32> to vector<1x1x16xf32>
        tpu.vector_store %arg8[%swap3A_386, %swap3A_387, %swap3A_388], %swap3A_391 {strides = array<i32>} : memref<2x128x128xf32, #tpu.memory_space<vmem>>, vector<1x1x16xf32>,
      }
      %scan3A_168 = arith.constant 128 : i32
      %run_scoped3A = arith.constant 0 : i32
      %run_scoped3A_169 = arith.constant 0 : i32
      %run_scoped3A_170 = arith.constant 2 : i32
      "tpu.region"() ({
        %run_scoped3A_226 = tpu.sem_alloc : memref<!tpu.dma_semaphore, #tpu.memory_space<semaphore_mem>>
        %dma_start3A_227 = arith.constant 0 : i32
        %dma_start3A_228 = arith.constant 0 : i32
        %dma_start3A_229 = tpu.memref_slice %arg8[%run_scoped3A, %dma_start3A_227, %dma_start3A_228] : memref<2x128x128xf32, #tpu.memory_space<vmem>> -> memref<1x128x128xf32, #tpu.memory_space<vmem>>
        %dma_start3A_230 = tpu.memref_squeeze %dma_start3A_229 : memref<1x128x128xf32, #tpu.memory_space<vmem>> -> memref<128x128xf32, #tpu.memory_space<vmem>>
        %dma_start3A_231 = arith.constant 0 : i32
        %dma_start3A_232 = tpu.memref_slice %arg7[%run_scoped3A_169, %run_scoped3A_170, %dma_start3A_231] : memref<2x3x128xi32, #tpu.memory_space<vmem>> -> memref<1x1x128xi32, #tpu.memory_space<vmem>>
        %dma_start3A_233 = tpu.memref_squeeze %dma_start3A_232 : memref<1x1x128xi32, #tpu.memory_space<vmem>> -> memref<128xi32, #tpu.memory_space<vmem>>
        %dma_start3A_234 = arith.constant 0 : i32
        %dma_start3A_235 = arith.constant 0 : i32
        %dma_start3A_236 = tpu.memref_slice %arg10[%dma_start3A_234, %dma_start3A_235] : memref<10000x128xf32, #tpu.memory_space<vmem_shared>> -> memref<10000x128xf32, #tpu.memory_space<vmem_shared>>
        tpu.enqueue_indirect_dma source(%dma_start3A_230 : memref<128x128xf32, #tpu.memory_space<vmem>>) target(%dma_start3A_236 : memref<10000x128xf32, #tpu.memory_space<vmem_shared>>) offsets(%dma_start3A_233 : memref<128xi32, #tpu.memory_space<vmem>>) semaphore(%run_scoped3A_226 : memref<!tpu.dma_semaphore, #tpu.memory_space<semaphore_mem>>) {add = true}
        %dma_wait3A_237 = arith.constant 0 : i32
        %dma_wait3A_238 = arith.constant 0 : i32
        %dma_wait3A_239 = tpu.memref_slice %arg8[%run_scoped3A, %dma_wait3A_237, %dma_wait3A_238] : memref<2x128x128xf32, #tpu.memory_space<vmem>> -> memref<1x128x128xf32, #tpu.memory_space<vmem>>
        %dma_wait3A_240 = tpu.memref_squeeze %dma_wait3A_239 : memref<1x128x128xf32, #tpu.memory_space<vmem>> -> memref<128x128xf32, #tpu.memory_space<vmem>>
        %dma_wait3A_241 = arith.constant 0 : i32
        %dma_wait3A_242 = tpu.memref_slice %arg7[%run_scoped3A_169, %run_scoped3A_170, %dma_wait3A_241] : memref<2x3x128xi32, #tpu.memory_space<vmem>> -> memref<1x1x128xi32, #tpu.memory_space<vmem>>
        %dma_wait3A_243 = tpu.memref_squeeze %dma_wait3A_242 : memref<1x1x128xi32, #tpu.memory_space<vmem>> -> memref<128xi32, #tpu.memory_space<vmem>>
        %dma_wait3A_244 = arith.constant 0 : i32
        %dma_wait3A_245 = arith.constant 0 : i32
        %dma_wait3A_246 = tpu.memref_slice %arg10[%dma_wait3A_244, %dma_wait3A_245] : memref<10000x128xf32, #tpu.memory_space<vmem_shared>> -> memref<10000x128xf32, #tpu.memory_space<vmem_shared>>
        tpu.wait_indirect_dma semaphore(%run_scoped3A_226 : memref<!tpu.dma_semaphore, #tpu.memory_space<semaphore_mem>>) src(%dma_wait3A_240 : memref<128x128xf32, #tpu.memory_space<vmem>>) dst(%dma_wait3A_246 : memref<10000x128xf32, #tpu.memory_space<vmem_shared>>)
        tpu.yield
      }) : () -> ()
      %mul3A_171 = arith.constant 2 : i32
      %mul3A_172 = arith.muli %mul3A_171, %scan3A_68 : i32
      %add3A_173 = arith.constant 1 : i32
      %add3A_174 = arith.addi %mul3A_172, %add3A_173 : i32
      %lt3A_175 = arith.constant 39 : i32
      %lt3A_176 = arith.cmpi slt, %scan3A_68, %lt3A_175 : i32
      %convert_element_type3A_177 = arith.extui %lt3A_176 : i1 to i32
      %cond3A_178 = arith.constant 0 : i32
      %cond3A_179 = arith.cmpi ne, %convert_element_type3A_177, %cond3A_178 : i32
      scf.if %cond3A_179 {
        %add3A_226 = arith.constant 1 : i32
        %add3A_227 = arith.addi %add3A_174, %add3A_226 : i32
        %mul3A_228 = arith.constant 128 : i32
        %mul3A_229 = arith.muli %add3A_227, %mul3A_228 : i32
        %dma_start3A_230 = arith.constant 0 : i32
        %dma_start3A_231 = arith.constant 0 : i32
        %dma_start3A_232 = arith.constant 0 : i32
        %dma_start3A_233 = arith.constant 0 : i32
        %dma_start3A_234 = tpu.memref_slice %arg7[%dma_start3A_230, %dma_start3A_232, %dma_start3A_233] : memref<2x3x128xi32, #tpu.memory_space<vmem>> -> memref<1x3x128xi32, #tpu.memory_space<vmem>>
        %dma_start3A_235 = tpu.memref_squeeze %dma_start3A_234 : memref<1x3x128xi32, #tpu.memory_space<vmem>> -> memref<3x128xi32, #tpu.memory_space<vmem>>
        %dma_start3A_236 = arith.constant 0 : i32
        %dma_start3A_237 = tpu.memref_slice %arg2[%add3A, %dma_start3A_236, %mul3A_229] : memref<32x3x10240xi32, #tpu.memory_space<hbm>> -> memref<1x3x128xi32, #tpu.memory_space<hbm>>
        %dma_start3A_238 = tpu.memref_squeeze %dma_start3A_237 : memref<1x3x128xi32, #tpu.memory_space<hbm>> -> memref<3x128xi32, #tpu.memory_space<hbm>>
        %dma_start3A_239 = tpu.memref_slice %arg11[%dma_start3A_231] : memref<2x!tpu.dma_semaphore, #tpu.memory_space<semaphore_mem>> -> memref<1x!tpu.dma_semaphore, #tpu.memory_space<semaphore_mem>>
        %dma_start3A_240 = tpu.memref_squeeze %dma_start3A_239 : memref<1x!tpu.dma_semaphore, #tpu.memory_space<semaphore_mem>> -> memref<!tpu.dma_semaphore, #tpu.memory_space<semaphore_mem>>
        %dma_start3A_241 = arith.constant 0 : i32
        %dma_start3A_242 = arith.constant 0 : i32
        %dma_start3A_243 = tpu.memref_slice %arg7[%dma_start3A_230, %dma_start3A_241, %dma_start3A_242] : memref<2x3x128xi32, #tpu.memory_space<vmem>> -> memref<1x3x128xi32, #tpu.memory_space<vmem>>
        %dma_start3A_244 = tpu.memref_squeeze %dma_start3A_243 : memref<1x3x128xi32, #tpu.memory_space<vmem>> -> memref<3x128xi32, #tpu.memory_space<vmem>>
        %dma_start3A_245 = arith.constant 0 : i32
        %dma_start3A_246 = tpu.memref_slice %arg2[%add3A, %dma_start3A_245, %mul3A_229] : memref<32x3x10240xi32, #tpu.memory_space<hbm>> -> memref<1x3x128xi32, #tpu.memory_space<hbm>>
        %dma_start3A_247 = tpu.memref_squeeze %dma_start3A_246 : memref<1x3x128xi32, #tpu.memory_space<hbm>> -> memref<3x128xi32, #tpu.memory_space<hbm>>
        tpu.enqueue_dma source(%dma_start3A_247 : memref<3x128xi32, #tpu.memory_space<hbm>>) target(%dma_start3A_244 : memref<3x128xi32, #tpu.memory_space<vmem>>) target_semaphore(%dma_start3A_240 : memref<!tpu.dma_semaphore, #tpu.memory_space<semaphore_mem>>)
      } else {
      }
      %dma_start3A_180 = arith.constant 1 : i32
      %dma_start3A_181 = arith.constant 1 : i32
      %dma_start3A_182 = arith.constant 0 : i32
      %dma_start3A_183 = tpu.memref_slice %arg7[%dma_start3A_180, %dma_start3A_181, %dma_start3A_182] : memref<2x3x128xi32, #tpu.memory_space<vmem>> -> memref<1x1x128xi32, #tpu.memory_space<vmem>>
      %dma_start3A_184 = tpu.memref_squeeze %dma_start3A_183 : memref<1x1x128xi32, #tpu.memory_space<vmem>> -> memref<128xi32, #tpu.memory_space<vmem>>
      %dma_start3A_185 = arith.constant 0 : i32
      %dma_start3A_186 = arith.constant 0 : i32
      %dma_start3A_187 = tpu.memref_slice %arg4[%dma_start3A_185, %dma_start3A_186] : memref<513x128xf32, #tpu.memory_space<hbm>> -> memref<513x128xf32, #tpu.memory_space<hbm>>
      tpu.enqueue_indirect_dma source(%dma_start3A_187 : memref<513x128xf32, #tpu.memory_space<hbm>>) target(%arg9 : memref<128x128xf32, #tpu.memory_space<vmem>>) offsets(%dma_start3A_184 : memref<128xi32, #tpu.memory_space<vmem>>) semaphore(%arg13 : memref<!tpu.dma_semaphore, #tpu.memory_space<semaphore_mem>>)
      %dma_wait3A_188 = arith.constant 0 : i32
      %dma_wait3A_189 = arith.constant 0 : i32
      %dma_wait3A_190 = arith.constant 1 : i32
      %dma_wait3A_191 = arith.constant 1 : i32
      %dma_wait3A_192 = arith.constant 0 : i32
      %dma_wait3A_193 = arith.constant 0 : i32
      %dma_wait3A_194 = tpu.memref_slice %arg8[%dma_wait3A_190, %dma_wait3A_192, %dma_wait3A_193] : memref<2x128x128xf32, #tpu.memory_space<vmem>> -> memref<1x128x128xf32, #tpu.memory_space<vmem>>
      %dma_wait3A_195 = tpu.memref_squeeze %dma_wait3A_194 : memref<1x128x128xf32, #tpu.memory_space<vmem>> -> memref<128x128xf32, #tpu.memory_space<vmem>>
      %dma_wait3A_196 = arith.constant 0 : i32
      %dma_wait3A_197 = tpu.memref_slice %arg7[%dma_wait3A_188, %dma_wait3A_189, %dma_wait3A_196] : memref<2x3x128xi32, #tpu.memory_space<vmem>> -> memref<1x1x128xi32, #tpu.memory_space<vmem>>
      %dma_wait3A_198 = tpu.memref_squeeze %dma_wait3A_197 : memref<1x1x128xi32, #tpu.memory_space<vmem>> -> memref<128xi32, #tpu.memory_space<vmem>>
      %dma_wait3A_199 = arith.constant 0 : i32
      %dma_wait3A_200 = arith.constant 0 : i32
      %dma_wait3A_201 = tpu.memref_slice %arg3[%dma_wait3A_199, %dma_wait3A_200] : memref<10000x128xf32, #tpu.memory_space<hbm>> -> memref<10000x128xf32, #tpu.memory_space<hbm>>
      %dma_wait3A_202 = tpu.memref_slice %arg12[%dma_wait3A_191] : memref<2x!tpu.dma_semaphore, #tpu.memory_space<semaphore_mem>> -> memref<1x!tpu.dma_semaphore, #tpu.memory_space<semaphore_mem>>
      %dma_wait3A_203 = tpu.memref_squeeze %dma_wait3A_202 : memref<1x!tpu.dma_semaphore, #tpu.memory_space<semaphore_mem>> -> memref<!tpu.dma_semaphore, #tpu.memory_space<semaphore_mem>>
      tpu.wait_indirect_dma semaphore(%dma_wait3A_203 : memref<!tpu.dma_semaphore, #tpu.memory_space<semaphore_mem>>) src(%dma_wait3A_201 : memref<10000x128xf32, #tpu.memory_space<hbm>>) dst(%dma_wait3A_195 : memref<128x128xf32, #tpu.memory_space<vmem>>)
      %lt3A_204 = arith.constant 39 : i32
      %lt3A_205 = arith.cmpi slt, %scan3A_68, %lt3A_204 : i32
      %convert_element_type3A_206 = arith.extui %lt3A_205 : i1 to i32
      %cond3A_207 = arith.constant 0 : i32
      %cond3A_208 = arith.cmpi ne, %convert_element_type3A_206, %cond3A_207 : i32
      scf.if %cond3A_208 {
        %dma_wait3A_226 = arith.constant 0 : i32
        %dma_wait3A_227 = arith.constant 0 : i32
        %dma_wait3A_228 = arith.constant 0 : i32
        %dma_wait3A_229 = arith.constant 0 : i32
        %dma_wait3A_230 = tpu.memref_slice %arg7[%dma_wait3A_226, %dma_wait3A_228, %dma_wait3A_229] : memref<2x3x128xi32, #tpu.memory_space<vmem>> -> memref<1x3x128xi32, #tpu.memory_space<vmem>>
        %dma_wait3A_231 = tpu.memref_squeeze %dma_wait3A_230 : memref<1x3x128xi32, #tpu.memory_space<vmem>> -> memref<3x128xi32, #tpu.memory_space<vmem>>
        %dma_wait3A_232 = arith.constant 0 : i32
        %dma_wait3A_233 = arith.constant 0 : i32
        %dma_wait3A_234 = tpu.memref_slice %arg2[%add3A, %dma_wait3A_232, %dma_wait3A_233] : memref<32x3x10240xi32, #tpu.memory_space<hbm>> -> memref<1x3x128xi32, #tpu.memory_space<hbm>>
        %dma_wait3A_235 = tpu.memref_squeeze %dma_wait3A_234 : memref<1x3x128xi32, #tpu.memory_space<hbm>> -> memref<3x128xi32, #tpu.memory_space<hbm>>
        %dma_wait3A_236 = tpu.memref_slice %arg11[%dma_wait3A_227] : memref<2x!tpu.dma_semaphore, #tpu.memory_space<semaphore_mem>> -> memref<1x!tpu.dma_semaphore, #tpu.memory_space<semaphore_mem>>
        %dma_wait3A_237 = tpu.memref_squeeze %dma_wait3A_236 : memref<1x!tpu.dma_semaphore, #tpu.memory_space<semaphore_mem>> -> memref<!tpu.dma_semaphore, #tpu.memory_space<semaphore_mem>>
        %dma_wait3A_238 = arith.constant 0 : i32
        %dma_wait3A_239 = arith.constant 0 : i32
        %dma_wait3A_240 = tpu.memref_slice %arg7[%dma_wait3A_226, %dma_wait3A_238, %dma_wait3A_239] : memref<2x3x128xi32, #tpu.memory_space<vmem>> -> memref<1x3x128xi32, #tpu.memory_space<vmem>>
        %dma_wait3A_241 = tpu.memref_squeeze %dma_wait3A_240 : memref<1x3x128xi32, #tpu.memory_space<vmem>> -> memref<3x128xi32, #tpu.memory_space<vmem>>
        %dma_wait3A_242 = arith.constant 0 : i32
        %dma_wait3A_243 = arith.constant 0 : i32
        %dma_wait3A_244 = tpu.memref_slice %arg2[%add3A, %dma_wait3A_242, %dma_wait3A_243] : memref<32x3x10240xi32, #tpu.memory_space<hbm>> -> memref<1x3x128xi32, #tpu.memory_space<hbm>>
        %dma_wait3A_245 = tpu.memref_squeeze %dma_wait3A_244 : memref<1x3x128xi32, #tpu.memory_space<hbm>> -> memref<3x128xi32, #tpu.memory_space<hbm>>
        tpu.wait_dma2 semaphore(%dma_wait3A_237 : memref<!tpu.dma_semaphore, #tpu.memory_space<semaphore_mem>>) src(%dma_wait3A_245 : memref<3x128xi32, #tpu.memory_space<hbm>>) dst(%dma_wait3A_241 : memref<3x128xi32, #tpu.memory_space<vmem>>)
        %dma_start3A_246 = arith.constant 0 : i32
        %dma_start3A_247 = arith.constant 0 : i32
        %dma_start3A_248 = arith.constant 0 : i32
        %dma_start3A_249 = arith.constant 0 : i32
        %dma_start3A_250 = arith.constant 0 : i32
        %dma_start3A_251 = arith.constant 0 : i32
        %dma_start3A_252 = tpu.memref_slice %arg8[%dma_start3A_248, %dma_start3A_250, %dma_start3A_251] : memref<2x128x128xf32, #tpu.memory_space<vmem>> -> memref<1x128x128xf32, #tpu.memory_space<vmem>>
        %dma_start3A_253 = tpu.memref_squeeze %dma_start3A_252 : memref<1x128x128xf32, #tpu.memory_space<vmem>> -> memref<128x128xf32, #tpu.memory_space<vmem>>
        %dma_start3A_254 = arith.constant 0 : i32
        %dma_start3A_255 = tpu.memref_slice %arg7[%dma_start3A_246, %dma_start3A_247, %dma_start3A_254] : memref<2x3x128xi32, #tpu.memory_space<vmem>> -> memref<1x1x128xi32, #tpu.memory_space<vmem>>
        %dma_start3A_256 = tpu.memref_squeeze %dma_start3A_255 : memref<1x1x128xi32, #tpu.memory_space<vmem>> -> memref<128xi32, #tpu.memory_space<vmem>>
        %dma_start3A_257 = arith.constant 0 : i32
        %dma_start3A_258 = arith.constant 0 : i32
        %dma_start3A_259 = tpu.memref_slice %arg3[%dma_start3A_257, %dma_start3A_258] : memref<10000x128xf32, #tpu.memory_space<hbm>> -> memref<10000x128xf32, #tpu.memory_space<hbm>>
        %dma_start3A_260 = tpu.memref_slice %arg12[%dma_start3A_249] : memref<2x!tpu.dma_semaphore, #tpu.memory_space<semaphore_mem>> -> memref<1x!tpu.dma_semaphore, #tpu.memory_space<semaphore_mem>>
        %dma_start3A_261 = tpu.memref_squeeze %dma_start3A_260 : memref<1x!tpu.dma_semaphore, #tpu.memory_space<semaphore_mem>> -> memref<!tpu.dma_semaphore, #tpu.memory_space<semaphore_mem>>
        tpu.enqueue_indirect_dma source(%dma_start3A_259 : memref<10000x128xf32, #tpu.memory_space<hbm>>) target(%dma_start3A_253 : memref<128x128xf32, #tpu.memory_space<vmem>>) offsets(%dma_start3A_256 : memref<128xi32, #tpu.memory_space<vmem>>) semaphore(%dma_start3A_261 : memref<!tpu.dma_semaphore, #tpu.memory_space<semaphore_mem>>)
      } else {
      }
      %dma_wait3A_209 = arith.constant 1 : i32
      %dma_wait3A_210 = arith.constant 1 : i32
      %dma_wait3A_211 = arith.constant 0 : i32
      %dma_wait3A_212 = tpu.memref_slice %arg7[%dma_wait3A_209, %dma_wait3A_210, %dma_wait3A_211] : memref<2x3x128xi32, #tpu.memory_space<vmem>> -> memref<1x1x128xi32, #tpu.memory_space<vmem>>
      %dma_wait3A_213 = tpu.memref_squeeze %dma_wait3A_212 : memref<1x1x128xi32, #tpu.memory_space<vmem>> -> memref<128xi32, #tpu.memory_space<vmem>>
      %dma_wait3A_214 = arith.constant 0 : i32
      %dma_wait3A_215 = arith.constant 0 : i32
      %dma_wait3A_216 = tpu.memref_slice %arg4[%dma_wait3A_214, %dma_wait3A_215] : memref<513x128xf32, #tpu.memory_space<hbm>> -> memref<513x128xf32, #tpu.memory_space<hbm>>
      tpu.wait_indirect_dma semaphore(%arg13 : memref<!tpu.dma_semaphore, #tpu.memory_space<semaphore_mem>>) src(%dma_wait3A_216 : memref<513x128xf32, #tpu.memory_space<hbm>>) dst(%arg9 : memref<128x128xf32, #tpu.memory_space<vmem>>)
      %scan3A_217 = arith.constant 0 : i32
      %scan3A_218 = arith.constant 0 : i32
      %scan3A_219 = arith.constant 128 : i32
      %scan3A_220 = arith.addi %scan3A_218, %scan3A_219 : i32
      %scan3A_221 = arith.constant 1 : i32
      scf.for %scan3A_226 = %scan3A_218 to %scan3A_220 step %scan3A_221  : i32 {
        %get3A = arith.constant 1 : i32
        %get3A_227 = arith.index_cast %get3A : i32 to index
        %get3A_228 = arith.index_cast %scan3A_226 : i32 to index
        %get3A_229 = arith.constant 0 : index
        %get3A_230 = tpu.vector_load %arg8[%get3A_227, %get3A_228, %get3A_229] {strides = array<i32>} : memref<2x128x128xf32, #tpu.memory_space<vmem>>, vector<1x1x16xf32>,
        %get3A_231 = vector.shape_cast %get3A_230 : vector<1x1x16xf32> to vector<16xf32>
        %get3A_232 = arith.index_cast %scan3A_226 : i32 to index
        %get3A_233 = arith.constant 0 : index
        %get3A_234 = tpu.vector_load %arg9[%get3A_232, %get3A_233] {strides = array<i32>} : memref<128x128xf32, #tpu.memory_space<vmem>>, vector<1x16xf32>,
        %get3A_235 = vector.shape_cast %get3A_234 : vector<1x16xf32> to vector<16xf32>
        %add3A_236 = arith.addf %get3A_231, %get3A_235 : vector<16xf32>
        %max3A = arith.constant 0.000000e+00 : f32
        %max3A_237 = vector.broadcast %max3A : f32 to vector<16xf32>
        %max3A_238 = arith.maximumf %add3A_236, %max3A_237 : vector<16xf32>
        %swap3A = arith.constant 1 : i32
        %swap3A_239 = arith.index_cast %swap3A : i32 to index
        %swap3A_240 = arith.index_cast %scan3A_226 : i32 to index
        %swap3A_241 = arith.constant 0 : index
        %swap3A_242 = tpu.vector_load %arg8[%swap3A_239, %swap3A_240, %swap3A_241] {strides = array<i32>} : memref<2x128x128xf32, #tpu.memory_space<vmem>>, vector<1x1x16xf32>,
        %swap3A_243 = vector.shape_cast %swap3A_242 : vector<1x1x16xf32> to vector<16xf32>
        %swap3A_244 = vector.shape_cast %max3A_238 : vector<16xf32> to vector<1x1x16xf32>
        tpu.vector_store %arg8[%swap3A_239, %swap3A_240, %swap3A_241], %swap3A_244 {strides = array<i32>} : memref<2x128x128xf32, #tpu.memory_space<vmem>>, vector<1x1x16xf32>,
        %get3A_245 = arith.constant 1 : i32
        %get3A_246 = arith.index_cast %get3A_245 : i32 to index
        %get3A_247 = arith.index_cast %scan3A_226 : i32 to index
        %get3A_248 = arith.constant 16 : index
        %get3A_249 = tpu.vector_load %arg8[%get3A_246, %get3A_247, %get3A_248] {strides = array<i32>} : memref<2x128x128xf32, #tpu.memory_space<vmem>>, vector<1x1x16xf32>,
        %get3A_250 = vector.shape_cast %get3A_249 : vector<1x1x16xf32> to vector<16xf32>
        %get3A_251 = arith.index_cast %scan3A_226 : i32 to index
        %get3A_252 = arith.constant 16 : index
        %get3A_253 = tpu.vector_load %arg9[%get3A_251, %get3A_252] {strides = array<i32>} : memref<128x128xf32, #tpu.memory_space<vmem>>, vector<1x16xf32>,
        %get3A_254 = vector.shape_cast %get3A_253 : vector<1x16xf32> to vector<16xf32>
        %add3A_255 = arith.addf %get3A_250, %get3A_254 : vector<16xf32>
        %max3A_256 = arith.constant 0.000000e+00 : f32
        %max3A_257 = vector.broadcast %max3A_256 : f32 to vector<16xf32>
        %max3A_258 = arith.maximumf %add3A_255, %max3A_257 : vector<16xf32>
        %swap3A_259 = arith.constant 1 : i32
        %swap3A_260 = arith.index_cast %swap3A_259 : i32 to index
        %swap3A_261 = arith.index_cast %scan3A_226 : i32 to index
        %swap3A_262 = arith.constant 16 : index
        %swap3A_263 = tpu.vector_load %arg8[%swap3A_260, %swap3A_261, %swap3A_262] {strides = array<i32>} : memref<2x128x128xf32, #tpu.memory_space<vmem>>, vector<1x1x16xf32>,
        %swap3A_264 = vector.shape_cast %swap3A_263 : vector<1x1x16xf32> to vector<16xf32>
        %swap3A_265 = vector.shape_cast %max3A_258 : vector<16xf32> to vector<1x1x16xf32>
        tpu.vector_store %arg8[%swap3A_260, %swap3A_261, %swap3A_262], %swap3A_265 {strides = array<i32>} : memref<2x128x128xf32, #tpu.memory_space<vmem>>, vector<1x1x16xf32>,
        %get3A_266 = arith.constant 1 : i32
        %get3A_267 = arith.index_cast %get3A_266 : i32 to index
        %get3A_268 = arith.index_cast %scan3A_226 : i32 to index
        %get3A_269 = arith.constant 32 : index
        %get3A_270 = tpu.vector_load %arg8[%get3A_267, %get3A_268, %get3A_269] {strides = array<i32>} : memref<2x128x128xf32, #tpu.memory_space<vmem>>, vector<1x1x16xf32>,
        %get3A_271 = vector.shape_cast %get3A_270 : vector<1x1x16xf32> to vector<16xf32>
        %get3A_272 = arith.index_cast %scan3A_226 : i32 to index
        %get3A_273 = arith.constant 32 : index
        %get3A_274 = tpu.vector_load %arg9[%get3A_272, %get3A_273] {strides = array<i32>} : memref<128x128xf32, #tpu.memory_space<vmem>>, vector<1x16xf32>,
        %get3A_275 = vector.shape_cast %get3A_274 : vector<1x16xf32> to vector<16xf32>
        %add3A_276 = arith.addf %get3A_271, %get3A_275 : vector<16xf32>
        %max3A_277 = arith.constant 0.000000e+00 : f32
        %max3A_278 = vector.broadcast %max3A_277 : f32 to vector<16xf32>
        %max3A_279 = arith.maximumf %add3A_276, %max3A_278 : vector<16xf32>
        %swap3A_280 = arith.constant 1 : i32
        %swap3A_281 = arith.index_cast %swap3A_280 : i32 to index
        %swap3A_282 = arith.index_cast %scan3A_226 : i32 to index
        %swap3A_283 = arith.constant 32 : index
        %swap3A_284 = tpu.vector_load %arg8[%swap3A_281, %swap3A_282, %swap3A_283] {strides = array<i32>} : memref<2x128x128xf32, #tpu.memory_space<vmem>>, vector<1x1x16xf32>,
        %swap3A_285 = vector.shape_cast %swap3A_284 : vector<1x1x16xf32> to vector<16xf32>
        %swap3A_286 = vector.shape_cast %max3A_279 : vector<16xf32> to vector<1x1x16xf32>
        tpu.vector_store %arg8[%swap3A_281, %swap3A_282, %swap3A_283], %swap3A_286 {strides = array<i32>} : memref<2x128x128xf32, #tpu.memory_space<vmem>>, vector<1x1x16xf32>,
        %get3A_287 = arith.constant 1 : i32
        %get3A_288 = arith.index_cast %get3A_287 : i32 to index
        %get3A_289 = arith.index_cast %scan3A_226 : i32 to index
        %get3A_290 = arith.constant 48 : index
        %get3A_291 = tpu.vector_load %arg8[%get3A_288, %get3A_289, %get3A_290] {strides = array<i32>} : memref<2x128x128xf32, #tpu.memory_space<vmem>>, vector<1x1x16xf32>,
        %get3A_292 = vector.shape_cast %get3A_291 : vector<1x1x16xf32> to vector<16xf32>
        %get3A_293 = arith.index_cast %scan3A_226 : i32 to index
        %get3A_294 = arith.constant 48 : index
        %get3A_295 = tpu.vector_load %arg9[%get3A_293, %get3A_294] {strides = array<i32>} : memref<128x128xf32, #tpu.memory_space<vmem>>, vector<1x16xf32>,
        %get3A_296 = vector.shape_cast %get3A_295 : vector<1x16xf32> to vector<16xf32>
        %add3A_297 = arith.addf %get3A_292, %get3A_296 : vector<16xf32>
        %max3A_298 = arith.constant 0.000000e+00 : f32
        %max3A_299 = vector.broadcast %max3A_298 : f32 to vector<16xf32>
        %max3A_300 = arith.maximumf %add3A_297, %max3A_299 : vector<16xf32>
        %swap3A_301 = arith.constant 1 : i32
        %swap3A_302 = arith.index_cast %swap3A_301 : i32 to index
        %swap3A_303 = arith.index_cast %scan3A_226 : i32 to index
        %swap3A_304 = arith.constant 48 : index
        %swap3A_305 = tpu.vector_load %arg8[%swap3A_302, %swap3A_303, %swap3A_304] {strides = array<i32>} : memref<2x128x128xf32, #tpu.memory_space<vmem>>, vector<1x1x16xf32>,
        %swap3A_306 = vector.shape_cast %swap3A_305 : vector<1x1x16xf32> to vector<16xf32>
        %swap3A_307 = vector.shape_cast %max3A_300 : vector<16xf32> to vector<1x1x16xf32>
        tpu.vector_store %arg8[%swap3A_302, %swap3A_303, %swap3A_304], %swap3A_307 {strides = array<i32>} : memref<2x128x128xf32, #tpu.memory_space<vmem>>, vector<1x1x16xf32>,
        %get3A_308 = arith.constant 1 : i32
        %get3A_309 = arith.index_cast %get3A_308 : i32 to index
        %get3A_310 = arith.index_cast %scan3A_226 : i32 to index
        %get3A_311 = arith.constant 64 : index
        %get3A_312 = tpu.vector_load %arg8[%get3A_309, %get3A_310, %get3A_311] {strides = array<i32>} : memref<2x128x128xf32, #tpu.memory_space<vmem>>, vector<1x1x16xf32>,
        %get3A_313 = vector.shape_cast %get3A_312 : vector<1x1x16xf32> to vector<16xf32>
        %get3A_314 = arith.index_cast %scan3A_226 : i32 to index
        %get3A_315 = arith.constant 64 : index
        %get3A_316 = tpu.vector_load %arg9[%get3A_314, %get3A_315] {strides = array<i32>} : memref<128x128xf32, #tpu.memory_space<vmem>>, vector<1x16xf32>,
        %get3A_317 = vector.shape_cast %get3A_316 : vector<1x16xf32> to vector<16xf32>
        %add3A_318 = arith.addf %get3A_313, %get3A_317 : vector<16xf32>
        %max3A_319 = arith.constant 0.000000e+00 : f32
        %max3A_320 = vector.broadcast %max3A_319 : f32 to vector<16xf32>
        %max3A_321 = arith.maximumf %add3A_318, %max3A_320 : vector<16xf32>
        %swap3A_322 = arith.constant 1 : i32
        %swap3A_323 = arith.index_cast %swap3A_322 : i32 to index
        %swap3A_324 = arith.index_cast %scan3A_226 : i32 to index
        %swap3A_325 = arith.constant 64 : index
        %swap3A_326 = tpu.vector_load %arg8[%swap3A_323, %swap3A_324, %swap3A_325] {strides = array<i32>} : memref<2x128x128xf32, #tpu.memory_space<vmem>>, vector<1x1x16xf32>,
        %swap3A_327 = vector.shape_cast %swap3A_326 : vector<1x1x16xf32> to vector<16xf32>
        %swap3A_328 = vector.shape_cast %max3A_321 : vector<16xf32> to vector<1x1x16xf32>
        tpu.vector_store %arg8[%swap3A_323, %swap3A_324, %swap3A_325], %swap3A_328 {strides = array<i32>} : memref<2x128x128xf32, #tpu.memory_space<vmem>>, vector<1x1x16xf32>,
        %get3A_329 = arith.constant 1 : i32
        %get3A_330 = arith.index_cast %get3A_329 : i32 to index
        %get3A_331 = arith.index_cast %scan3A_226 : i32 to index
        %get3A_332 = arith.constant 80 : index
        %get3A_333 = tpu.vector_load %arg8[%get3A_330, %get3A_331, %get3A_332] {strides = array<i32>} : memref<2x128x128xf32, #tpu.memory_space<vmem>>, vector<1x1x16xf32>,
        %get3A_334 = vector.shape_cast %get3A_333 : vector<1x1x16xf32> to vector<16xf32>
        %get3A_335 = arith.index_cast %scan3A_226 : i32 to index
        %get3A_336 = arith.constant 80 : index
        %get3A_337 = tpu.vector_load %arg9[%get3A_335, %get3A_336] {strides = array<i32>} : memref<128x128xf32, #tpu.memory_space<vmem>>, vector<1x16xf32>,
        %get3A_338 = vector.shape_cast %get3A_337 : vector<1x16xf32> to vector<16xf32>
        %add3A_339 = arith.addf %get3A_334, %get3A_338 : vector<16xf32>
        %max3A_340 = arith.constant 0.000000e+00 : f32
        %max3A_341 = vector.broadcast %max3A_340 : f32 to vector<16xf32>
        %max3A_342 = arith.maximumf %add3A_339, %max3A_341 : vector<16xf32>
        %swap3A_343 = arith.constant 1 : i32
        %swap3A_344 = arith.index_cast %swap3A_343 : i32 to index
        %swap3A_345 = arith.index_cast %scan3A_226 : i32 to index
        %swap3A_346 = arith.constant 80 : index
        %swap3A_347 = tpu.vector_load %arg8[%swap3A_344, %swap3A_345, %swap3A_346] {strides = array<i32>} : memref<2x128x128xf32, #tpu.memory_space<vmem>>, vector<1x1x16xf32>,
        %swap3A_348 = vector.shape_cast %swap3A_347 : vector<1x1x16xf32> to vector<16xf32>
        %swap3A_349 = vector.shape_cast %max3A_342 : vector<16xf32> to vector<1x1x16xf32>
        tpu.vector_store %arg8[%swap3A_344, %swap3A_345, %swap3A_346], %swap3A_349 {strides = array<i32>} : memref<2x128x128xf32, #tpu.memory_space<vmem>>, vector<1x1x16xf32>,
        %get3A_350 = arith.constant 1 : i32
        %get3A_351 = arith.index_cast %get3A_350 : i32 to index
        %get3A_352 = arith.index_cast %scan3A_226 : i32 to index
        %get3A_353 = arith.constant 96 : index
        %get3A_354 = tpu.vector_load %arg8[%get3A_351, %get3A_352, %get3A_353] {strides = array<i32>} : memref<2x128x128xf32, #tpu.memory_space<vmem>>, vector<1x1x16xf32>,
        %get3A_355 = vector.shape_cast %get3A_354 : vector<1x1x16xf32> to vector<16xf32>
        %get3A_356 = arith.index_cast %scan3A_226 : i32 to index
        %get3A_357 = arith.constant 96 : index
        %get3A_358 = tpu.vector_load %arg9[%get3A_356, %get3A_357] {strides = array<i32>} : memref<128x128xf32, #tpu.memory_space<vmem>>, vector<1x16xf32>,
        %get3A_359 = vector.shape_cast %get3A_358 : vector<1x16xf32> to vector<16xf32>
        %add3A_360 = arith.addf %get3A_355, %get3A_359 : vector<16xf32>
        %max3A_361 = arith.constant 0.000000e+00 : f32
        %max3A_362 = vector.broadcast %max3A_361 : f32 to vector<16xf32>
        %max3A_363 = arith.maximumf %add3A_360, %max3A_362 : vector<16xf32>
        %swap3A_364 = arith.constant 1 : i32
        %swap3A_365 = arith.index_cast %swap3A_364 : i32 to index
        %swap3A_366 = arith.index_cast %scan3A_226 : i32 to index
        %swap3A_367 = arith.constant 96 : index
        %swap3A_368 = tpu.vector_load %arg8[%swap3A_365, %swap3A_366, %swap3A_367] {strides = array<i32>} : memref<2x128x128xf32, #tpu.memory_space<vmem>>, vector<1x1x16xf32>,
        %swap3A_369 = vector.shape_cast %swap3A_368 : vector<1x1x16xf32> to vector<16xf32>
        %swap3A_370 = vector.shape_cast %max3A_363 : vector<16xf32> to vector<1x1x16xf32>
        tpu.vector_store %arg8[%swap3A_365, %swap3A_366, %swap3A_367], %swap3A_370 {strides = array<i32>} : memref<2x128x128xf32, #tpu.memory_space<vmem>>, vector<1x1x16xf32>,
        %get3A_371 = arith.constant 1 : i32
        %get3A_372 = arith.index_cast %get3A_371 : i32 to index
        %get3A_373 = arith.index_cast %scan3A_226 : i32 to index
        %get3A_374 = arith.constant 112 : index
        %get3A_375 = tpu.vector_load %arg8[%get3A_372, %get3A_373, %get3A_374] {strides = array<i32>} : memref<2x128x128xf32, #tpu.memory_space<vmem>>, vector<1x1x16xf32>,
        %get3A_376 = vector.shape_cast %get3A_375 : vector<1x1x16xf32> to vector<16xf32>
        %get3A_377 = arith.index_cast %scan3A_226 : i32 to index
        %get3A_378 = arith.constant 112 : index
        %get3A_379 = tpu.vector_load %arg9[%get3A_377, %get3A_378] {strides = array<i32>} : memref<128x128xf32, #tpu.memory_space<vmem>>, vector<1x16xf32>,
        %get3A_380 = vector.shape_cast %get3A_379 : vector<1x16xf32> to vector<16xf32>
        %add3A_381 = arith.addf %get3A_376, %get3A_380 : vector<16xf32>
        %max3A_382 = arith.constant 0.000000e+00 : f32
        %max3A_383 = vector.broadcast %max3A_382 : f32 to vector<16xf32>
        %max3A_384 = arith.maximumf %add3A_381, %max3A_383 : vector<16xf32>
        %swap3A_385 = arith.constant 1 : i32
        %swap3A_386 = arith.index_cast %swap3A_385 : i32 to index
        %swap3A_387 = arith.index_cast %scan3A_226 : i32 to index
        %swap3A_388 = arith.constant 112 : index
        %swap3A_389 = tpu.vector_load %arg8[%swap3A_386, %swap3A_387, %swap3A_388] {strides = array<i32>} : memref<2x128x128xf32, #tpu.memory_space<vmem>>, vector<1x1x16xf32>,
        %swap3A_390 = vector.shape_cast %swap3A_389 : vector<1x1x16xf32> to vector<16xf32>
        %swap3A_391 = vector.shape_cast %max3A_384 : vector<16xf32> to vector<1x1x16xf32>
        tpu.vector_store %arg8[%swap3A_386, %swap3A_387, %swap3A_388], %swap3A_391 {strides = array<i32>} : memref<2x128x128xf32, #tpu.memory_space<vmem>>, vector<1x1x16xf32>,
      }
      %scan3A_222 = arith.constant 128 : i32
      %run_scoped3A_223 = arith.constant 1 : i32
      %run_scoped3A_224 = arith.constant 1 : i32
      %run_scoped3A_225 = arith.constant 2 : i32
      "tpu.region"() ({
        %run_scoped3A_226 = tpu.sem_alloc : memref<!tpu.dma_semaphore, #tpu.memory_space<semaphore_mem>>
        %dma_start3A_227 = arith.constant 0 : i32
        %dma_start3A_228 = arith.constant 0 : i32
        %dma_start3A_229 = tpu.memref_slice %arg8[%run_scoped3A_223, %dma_start3A_227, %dma_start3A_228] : memref<2x128x128xf32, #tpu.memory_space<vmem>> -> memref<1x128x128xf32, #tpu.memory_space<vmem>>
        %dma_start3A_230 = tpu.memref_squeeze %dma_start3A_229 : memref<1x128x128xf32, #tpu.memory_space<vmem>> -> memref<128x128xf32, #tpu.memory_space<vmem>>
        %dma_start3A_231 = arith.constant 0 : i32
        %dma_start3A_232 = tpu.memref_slice %arg7[%run_scoped3A_224, %run_scoped3A_225, %dma_start3A_231] : memref<2x3x128xi32, #tpu.memory_space<vmem>> -> memref<1x1x128xi32, #tpu.memory_space<vmem>>
        %dma_start3A_233 = tpu.memref_squeeze %dma_start3A_232 : memref<1x1x128xi32, #tpu.memory_space<vmem>> -> memref<128xi32, #tpu.memory_space<vmem>>
        %dma_start3A_234 = arith.constant 0 : i32
        %dma_start3A_235 = arith.constant 0 : i32
        %dma_start3A_236 = tpu.memref_slice %arg10[%dma_start3A_234, %dma_start3A_235] : memref<10000x128xf32, #tpu.memory_space<vmem_shared>> -> memref<10000x128xf32, #tpu.memory_space<vmem_shared>>
        tpu.enqueue_indirect_dma source(%dma_start3A_230 : memref<128x128xf32, #tpu.memory_space<vmem>>) target(%dma_start3A_236 : memref<10000x128xf32, #tpu.memory_space<vmem_shared>>) offsets(%dma_start3A_233 : memref<128xi32, #tpu.memory_space<vmem>>) semaphore(%run_scoped3A_226 : memref<!tpu.dma_semaphore, #tpu.memory_space<semaphore_mem>>) {add = true}
        %dma_wait3A_237 = arith.constant 0 : i32
        %dma_wait3A_238 = arith.constant 0 : i32
        %dma_wait3A_239 = tpu.memref_slice %arg8[%run_scoped3A_223, %dma_wait3A_237, %dma_wait3A_238] : memref<2x128x128xf32, #tpu.memory_space<vmem>> -> memref<1x128x128xf32, #tpu.memory_space<vmem>>
        %dma_wait3A_240 = tpu.memref_squeeze %dma_wait3A_239 : memref<1x128x128xf32, #tpu.memory_space<vmem>> -> memref<128x128xf32, #tpu.memory_space<vmem>>
        %dma_wait3A_241 = arith.constant 0 : i32
        %dma_wait3A_242 = tpu.memref_slice %arg7[%run_scoped3A_224, %run_scoped3A_225, %dma_wait3A_241] : memref<2x3x128xi32, #tpu.memory_space<vmem>> -> memref<1x1x128xi32, #tpu.memory_space<vmem>>
        %dma_wait3A_243 = tpu.memref_squeeze %dma_wait3A_242 : memref<1x1x128xi32, #tpu.memory_space<vmem>> -> memref<128xi32, #tpu.memory_space<vmem>>
        %dma_wait3A_244 = arith.constant 0 : i32
        %dma_wait3A_245 = arith.constant 0 : i32
        %dma_wait3A_246 = tpu.memref_slice %arg10[%dma_wait3A_244, %dma_wait3A_245] : memref<10000x128xf32, #tpu.memory_space<vmem_shared>> -> memref<10000x128xf32, #tpu.memory_space<vmem_shared>>
        tpu.wait_indirect_dma semaphore(%run_scoped3A_226 : memref<!tpu.dma_semaphore, #tpu.memory_space<semaphore_mem>>) src(%dma_wait3A_240 : memref<128x128xf32, #tpu.memory_space<vmem>>) dst(%dma_wait3A_246 : memref<10000x128xf32, #tpu.memory_space<vmem_shared>>)
        tpu.yield
      }) : () -> ()
    }
    %scan3A_61 = arith.constant 40 : i32
    %barrier3A_62 = arith.constant 0 : index
    tpu.barrier barrier_id(%barrier3A_62)
    %lt3A_63 = arith.constant 10 : i32
    %lt3A_64 = arith.cmpi slt, %arg1, %lt3A_63 : i32
    %convert_element_type3A_65 = arith.extui %lt3A_64 : i1 to i32
    %cond3A_66 = arith.constant 0 : i32
    %cond3A_67 = arith.cmpi ne, %convert_element_type3A_65, %cond3A_66 : i32
    scf.if %cond3A_67 {
      %mul3A_68 = arith.constant 1000 : i32
      %mul3A_69 = arith.muli %arg1, %mul3A_68 : i32
      "tpu.region"() ({
        %run_scoped3A = tpu.sem_alloc : memref<!tpu.dma_semaphore, #tpu.memory_space<semaphore_mem>>
        %dma_start3A_70 = arith.constant 0 : i32
        %dma_start3A_71 = tpu.memref_slice %arg6[%arg0, %mul3A_69, %dma_start3A_70] : memref<2x10000x128xf32, #tpu.memory_space<hbm>> -> memref<1x1000x128xf32, #tpu.memory_space<hbm>>
        %dma_start3A_72 = tpu.memref_squeeze %dma_start3A_71 : memref<1x1000x128xf32, #tpu.memory_space<hbm>> -> memref<1000x128xf32, #tpu.memory_space<hbm>>
        %dma_start3A_73 = arith.constant 0 : i32
        %dma_start3A_74 = tpu.memref_slice %arg10[%mul3A_69, %dma_start3A_73] : memref<10000x128xf32, #tpu.memory_space<vmem_shared>> -> memref<1000x128xf32, #tpu.memory_space<vmem_shared>>
        tpu.enqueue_dma source(%dma_start3A_74 : memref<1000x128xf32, #tpu.memory_space<vmem_shared>>) target(%dma_start3A_72 : memref<1000x128xf32, #tpu.memory_space<hbm>>) target_semaphore(%run_scoped3A : memref<!tpu.dma_semaphore, #tpu.memory_space<semaphore_mem>>)
        %dma_wait3A_75 = arith.constant 0 : i32
        %dma_wait3A_76 = tpu.memref_slice %arg6[%arg0, %mul3A_69, %dma_wait3A_75] : memref<2x10000x128xf32, #tpu.memory_space<hbm>> -> memref<1x1000x128xf32, #tpu.memory_space<hbm>>
        %dma_wait3A_77 = tpu.memref_squeeze %dma_wait3A_76 : memref<1x1000x128xf32, #tpu.memory_space<hbm>> -> memref<1000x128xf32, #tpu.memory_space<hbm>>
        %dma_wait3A_78 = arith.constant 0 : i32
        %dma_wait3A_79 = tpu.memref_slice %arg10[%mul3A_69, %dma_wait3A_78] : memref<10000x128xf32, #tpu.memory_space<vmem_shared>> -> memref<1000x128xf32, #tpu.memory_space<vmem_shared>>
        tpu.wait_dma2 semaphore(%run_scoped3A : memref<!tpu.dma_semaphore, #tpu.memory_space<semaphore_mem>>) src(%dma_wait3A_79 : memref<1000x128xf32, #tpu.memory_space<vmem_shared>>) dst(%dma_wait3A_77 : memref<1000x128xf32, #tpu.memory_space<hbm>>)
        tpu.yield
      }) : () -> ()
    } else {
    }
    return
  }
}

#map = affine_map<(d0, d1) -> (0, 0, 0)>
#map1 = affine_map<(d0, d1) -> (0, 0)>
module attributes {stable_mosaic.version = 14 : i64} {
  func.func @_sc_message_pass(%arg0: i32, %arg1: i32, %arg2: memref<32x3x10240xi32, #tpu.memory_space<hbm>>, %arg3: memref<10000x128xf32, #tpu.memory_space<hbm>>, %arg4: memref<513x128xf32, #tpu.memory_space<hbm>>, %arg5: memref<10000x128xf32, #tpu.memory_space<hbm>>, %arg6: memref<2x10000x128xf32, #tpu.memory_space<hbm>>, %arg7: memref<2x3x128xi32, #tpu.memory_space<vmem>>, %arg8: memref<2x128x128xf32, #tpu.memory_space<vmem>>, %arg9: memref<128x128xf32, #tpu.memory_space<vmem>>, %arg10: memref<10000x128xf32, #tpu.memory_space<vmem_shared>>, %arg11: memref<2x!tpu.dma_semaphore, #tpu.memory_space<semaphore_mem>>, %arg12: memref<2x!tpu.dma_semaphore, #tpu.memory_space<semaphore_mem>>, %arg13: memref<!tpu.dma_semaphore, #tpu.memory_space<semaphore_mem>>) attributes {dimension_semantics = [#tpu.dimension_semantics<core_parallel>, #tpu.dimension_semantics<subcore_parallel>], iteration_bounds = array<i64: 2, 16>, scalar_prefetch = 0 : i64, scratch_operands = 7 : i64, tpu.core_type = #tpu.core_type<sc_vector_subcore>, window_params = [{transform_indices = #map}, {transform_indices = #map1}, {transform_indices = #map1}, {transform_indices = #map1}, {transform_indices = #map}]} {
    %mul3A = arith.constant 16 : i32
    %mul3A_0 = arith.muli %arg0, %mul3A : i32
    %add3A = arith.addi %mul3A_0, %arg1 : i32
    %lt3A = arith.constant 10 : i32
    %lt3A_1 = arith.cmpi slt, %arg1, %lt3A : i32
    %convert_element_type3A = arith.extui %lt3A_1 : i1 to i32
    %cond3A = arith.constant 0 : i32
    %cond3A_2 = arith.cmpi ne, %convert_element_type3A, %cond3A : i32
    scf.if %cond3A_2 {
      %mul3A_68 = arith.constant 1000 : i32
      %mul3A_69 = arith.muli %arg1, %mul3A_68 : i32
      "tpu.region"() ({
        %run_scoped3A = tpu.sem_alloc : memref<!tpu.dma_semaphore, #tpu.memory_space<semaphore_mem>>
        %dma_start3A_70 = arith.constant 0 : i32
        %dma_start3A_71 = tpu.memref_slice %arg10[%mul3A_69, %dma_start3A_70] : memref<10000x128xf32, #tpu.memory_space<vmem_shared>> -> memref<1000x128xf32, #tpu.memory_space<vmem_shared>>
        %dma_start3A_72 = arith.constant 0 : i32
        %dma_start3A_73 = tpu.memref_slice %arg5[%mul3A_69, %dma_start3A_72] : memref<10000x128xf32, #tpu.memory_space<hbm>> -> memref<1000x128xf32, #tpu.memory_space<hbm>>
        tpu.enqueue_dma source(%dma_start3A_73 : memref<1000x128xf32, #tpu.memory_space<hbm>>) target(%dma_start3A_71 : memref<1000x128xf32, #tpu.memory_space<vmem_shared>>) target_semaphore(%run_scoped3A : memref<!tpu.dma_semaphore, #tpu.memory_space<semaphore_mem>>)
        %dma_wait3A_74 = arith.constant 0 : i32
        %dma_wait3A_75 = tpu.memref_slice %arg10[%mul3A_69, %dma_wait3A_74] : memref<10000x128xf32, #tpu.memory_space<vmem_shared>> -> memref<1000x128xf32, #tpu.memory_space<vmem_shared>>
        %dma_wait3A_76 = arith.constant 0 : i32
        %dma_wait3A_77 = tpu.memref_slice %arg5[%mul3A_69, %dma_wait3A_76] : memref<10000x128xf32, #tpu.memory_space<hbm>> -> memref<1000x128xf32, #tpu.memory_space<hbm>>
        tpu.wait_dma2 semaphore(%run_scoped3A : memref<!tpu.dma_semaphore, #tpu.memory_space<semaphore_mem>>) src(%dma_wait3A_77 : memref<1000x128xf32, #tpu.memory_space<hbm>>) dst(%dma_wait3A_75 : memref<1000x128xf32, #tpu.memory_space<vmem_shared>>)
        tpu.yield
      }) : () -> ()
    } else {
    }
    %barrier3A = arith.constant 0 : index
    tpu.barrier barrier_id(%barrier3A)
    %dma_start3A = arith.constant 0 : i32
    %dma_start3A_3 = arith.constant 0 : i32
    %dma_start3A_4 = arith.constant 0 : i32
    %dma_start3A_5 = arith.constant 0 : i32
    %dma_start3A_6 = tpu.memref_slice %arg7[%dma_start3A, %dma_start3A_4, %dma_start3A_5] : memref<2x3x128xi32, #tpu.memory_space<vmem>> -> memref<1x3x128xi32, #tpu.memory_space<vmem>>
    %dma_start3A_7 = tpu.memref_squeeze %dma_start3A_6 : memref<1x3x128xi32, #tpu.memory_space<vmem>> -> memref<3x128xi32, #tpu.memory_space<vmem>>
    %dma_start3A_8 = arith.constant 0 : i32
    %dma_start3A_9 = arith.constant 0 : i32
    %dma_start3A_10 = tpu.memref_slice %arg2[%add3A, %dma_start3A_8, %dma_start3A_9] : memref<32x3x10240xi32, #tpu.memory_space<hbm>> -> memref<1x3x128xi32, #tpu.memory_space<hbm>>
    %dma_start3A_11 = tpu.memref_squeeze %dma_start3A_10 : memref<1x3x128xi32, #tpu.memory_space<hbm>> -> memref<3x128xi32, #tpu.memory_space<hbm>>
    %dma_start3A_12 = tpu.memref_slice %arg11[%dma_start3A_3] : memref<2x!tpu.dma_semaphore, #tpu.memory_space<semaphore_mem>> -> memref<1x!tpu.dma_semaphore, #tpu.memory_space<semaphore_mem>>
    %dma_start3A_13 = tpu.memref_squeeze %dma_start3A_12 : memref<1x!tpu.dma_semaphore, #tpu.memory_space<semaphore_mem>> -> memref<!tpu.dma_semaphore, #tpu.memory_space<semaphore_mem>>
    %dma_start3A_14 = arith.constant 0 : i32
    %dma_start3A_15 = arith.constant 0 : i32
    %dma_start3A_16 = tpu.memref_slice %arg7[%dma_start3A, %dma_start3A_14, %dma_start3A_15] : memref<2x3x128xi32, #tpu.memory_space<vmem>> -> memref<1x3x128xi32, #tpu.memory_space<vmem>>
    %dma_start3A_17 = tpu.memref_squeeze %dma_start3A_16 : memref<1x3x128xi32, #tpu.memory_space<vmem>> -> memref<3x128xi32, #tpu.memory_space<vmem>>
    %dma_start3A_18 = arith.constant 0 : i32
    %dma_start3A_19 = arith.constant 0 : i32
    %dma_start3A_20 = tpu.memref_slice %arg2[%add3A, %dma_start3A_18, %dma_start3A_19] : memref<32x3x10240xi32, #tpu.memory_space<hbm>> -> memref<1x3x128xi32, #tpu.memory_space<hbm>>
    %dma_start3A_21 = tpu.memref_squeeze %dma_start3A_20 : memref<1x3x128xi32, #tpu.memory_space<hbm>> -> memref<3x128xi32, #tpu.memory_space<hbm>>
    tpu.enqueue_dma source(%dma_start3A_21 : memref<3x128xi32, #tpu.memory_space<hbm>>) target(%dma_start3A_17 : memref<3x128xi32, #tpu.memory_space<vmem>>) target_semaphore(%dma_start3A_13 : memref<!tpu.dma_semaphore, #tpu.memory_space<semaphore_mem>>)
    %dma_wait3A = arith.constant 0 : i32
    %dma_wait3A_22 = arith.constant 0 : i32
    %dma_wait3A_23 = arith.constant 0 : i32
    %dma_wait3A_24 = arith.constant 0 : i32
    %dma_wait3A_25 = tpu.memref_slice %arg7[%dma_wait3A, %dma_wait3A_23, %dma_wait3A_24] : memref<2x3x128xi32, #tpu.memory_space<vmem>> -> memref<1x3x128xi32, #tpu.memory_space<vmem>>
    %dma_wait3A_26 = tpu.memref_squeeze %dma_wait3A_25 : memref<1x3x128xi32, #tpu.memory_space<vmem>> -> memref<3x128xi32, #tpu.memory_space<vmem>>
    %dma_wait3A_27 = arith.constant 0 : i32
    %dma_wait3A_28 = arith.constant 0 : i32
    %dma_wait3A_29 = tpu.memref_slice %arg2[%add3A, %dma_wait3A_27, %dma_wait3A_28] : memref<32x3x10240xi32, #tpu.memory_space<hbm>> -> memref<1x3x128xi32, #tpu.memory_space<hbm>>
    %dma_wait3A_30 = tpu.memref_squeeze %dma_wait3A_29 : memref<1x3x128xi32, #tpu.memory_space<hbm>> -> memref<3x128xi32, #tpu.memory_space<hbm>>
    %dma_wait3A_31 = tpu.memref_slice %arg11[%dma_wait3A_22] : memref<2x!tpu.dma_semaphore, #tpu.memory_space<semaphore_mem>> -> memref<1x!tpu.dma_semaphore, #tpu.memory_space<semaphore_mem>>
    %dma_wait3A_32 = tpu.memref_squeeze %dma_wait3A_31 : memref<1x!tpu.dma_semaphore, #tpu.memory_space<semaphore_mem>> -> memref<!tpu.dma_semaphore, #tpu.memory_space<semaphore_mem>>
    %dma_wait3A_33 = arith.constant 0 : i32
    %dma_wait3A_34 = arith.constant 0 : i32
    %dma_wait3A_35 = tpu.memref_slice %arg7[%dma_wait3A, %dma_wait3A_33, %dma_wait3A_34] : memref<2x3x128xi32, #tpu.memory_space<vmem>> -> memref<1x3x128xi32, #tpu.memory_space<vmem>>
    %dma_wait3A_36 = tpu.memref_squeeze %dma_wait3A_35 : memref<1x3x128xi32, #tpu.memory_space<vmem>> -> memref<3x128xi32, #tpu.memory_space<vmem>>
    %dma_wait3A_37 = arith.constant 0 : i32
    %dma_wait3A_38 = arith.constant 0 : i32
    %dma_wait3A_39 = tpu.memref_slice %arg2[%add3A, %dma_wait3A_37, %dma_wait3A_38] : memref<32x3x10240xi32, #tpu.memory_space<hbm>> -> memref<1x3x128xi32, #tpu.memory_space<hbm>>
    %dma_wait3A_40 = tpu.memref_squeeze %dma_wait3A_39 : memref<1x3x128xi32, #tpu.memory_space<hbm>> -> memref<3x128xi32, #tpu.memory_space<hbm>>
    tpu.wait_dma2 semaphore(%dma_wait3A_32 : memref<!tpu.dma_semaphore, #tpu.memory_space<semaphore_mem>>) src(%dma_wait3A_40 : memref<3x128xi32, #tpu.memory_space<hbm>>) dst(%dma_wait3A_36 : memref<3x128xi32, #tpu.memory_space<vmem>>)
    %dma_start3A_41 = arith.constant 0 : i32
    %dma_start3A_42 = arith.constant 0 : i32
    %dma_start3A_43 = arith.constant 0 : i32
    %dma_start3A_44 = arith.constant 0 : i32
    %dma_start3A_45 = arith.constant 0 : i32
    %dma_start3A_46 = arith.constant 0 : i32
    %dma_start3A_47 = tpu.memref_slice %arg8[%dma_start3A_43, %dma_start3A_45, %dma_start3A_46] : memref<2x128x128xf32, #tpu.memory_space<vmem>> -> memref<1x128x128xf32, #tpu.memory_space<vmem>>
    %dma_start3A_48 = tpu.memref_squeeze %dma_start3A_47 : memref<1x128x128xf32, #tpu.memory_space<vmem>> -> memref<128x128xf32, #tpu.memory_space<vmem>>
    %dma_start3A_49 = arith.constant 0 : i32
    %dma_start3A_50 = tpu.memref_slice %arg7[%dma_start3A_41, %dma_start3A_42, %dma_start3A_49] : memref<2x3x128xi32, #tpu.memory_space<vmem>> -> memref<1x1x128xi32, #tpu.memory_space<vmem>>
    %dma_start3A_51 = tpu.memref_squeeze %dma_start3A_50 : memref<1x1x128xi32, #tpu.memory_space<vmem>> -> memref<128xi32, #tpu.memory_space<vmem>>
    %dma_start3A_52 = arith.constant 0 : i32
    %dma_start3A_53 = arith.constant 0 : i32
    %dma_start3A_54 = tpu.memref_slice %arg3[%dma_start3A_52, %dma_start3A_53] : memref<10000x128xf32, #tpu.memory_space<hbm>> -> memref<10000x128xf32, #tpu.memory_space<hbm>>
    %dma_start3A_55 = tpu.memref_slice %arg12[%dma_start3A_44] : memref<2x!tpu.dma_semaphore, #tpu.memory_space<semaphore_mem>> -> memref<1x!tpu.dma_semaphore, #tpu.memory_space<semaphore_mem>>
    %dma_start3A_56 = tpu.memref_squeeze %dma_start3A_55 : memref<1x!tpu.dma_semaphore, #tpu.memory_space<semaphore_mem>> -> memref<!tpu.dma_semaphore, #tpu.memory_space<semaphore_mem>>
    tpu.enqueue_indirect_dma source(%dma_start3A_54 : memref<10000x128xf32, #tpu.memory_space<hbm>>) target(%dma_start3A_48 : memref<128x128xf32, #tpu.memory_space<vmem>>) offsets(%dma_start3A_51 : memref<128xi32, #tpu.memory_space<vmem>>) semaphore(%dma_start3A_56 : memref<!tpu.dma_semaphore, #tpu.memory_space<semaphore_mem>>)
    %scan3A = arith.constant 0 : i32
    %scan3A_57 = arith.constant 0 : i32
    %scan3A_58 = arith.constant 40 : i32
    %scan3A_59 = arith.addi %scan3A_57, %scan3A_58 : i32
    %scan3A_60 = arith.constant 1 : i32
    scf.for %scan3A_68 = %scan3A_57 to %scan3A_59 step %scan3A_60  : i32 {
      %mul3A_69 = arith.constant 2 : i32
      %mul3A_70 = arith.muli %mul3A_69, %scan3A_68 : i32
      %add3A_71 = arith.constant 0 : i32
      %add3A_72 = arith.addi %mul3A_70, %add3A_71 : i32
      %add3A_73 = arith.constant 1 : i32
      %add3A_74 = arith.addi %add3A_72, %add3A_73 : i32
      %mul3A_75 = arith.constant 128 : i32
      %mul3A_76 = arith.muli %add3A_74, %mul3A_75 : i32
      %dma_start3A_77 = arith.constant 1 : i32
      %dma_start3A_78 = arith.constant 1 : i32
      %dma_start3A_79 = arith.constant 0 : i32
      %dma_start3A_80 = arith.constant 0 : i32
      %dma_start3A_81 = tpu.memref_slice %arg7[%dma_start3A_77, %dma_start3A_79, %dma_start3A_80] : memref<2x3x128xi32, #tpu.memory_space<vmem>> -> memref<1x3x128xi32, #tpu.memory_space<vmem>>
      %dma_start3A_82 = tpu.memref_squeeze %dma_start3A_81 : memref<1x3x128xi32, #tpu.memory_space<vmem>> -> memref<3x128xi32, #tpu.memory_space<vmem>>
      %dma_start3A_83 = arith.constant 0 : i32
      %dma_start3A_84 = tpu.memref_slice %arg2[%add3A, %dma_start3A_83, %mul3A_76] : memref<32x3x10240xi32, #tpu.memory_space<hbm>> -> memref<1x3x128xi32, #tpu.memory_space<hbm>>
      %dma_start3A_85 = tpu.memref_squeeze %dma_start3A_84 : memref<1x3x128xi32, #tpu.memory_space<hbm>> -> memref<3x128xi32, #tpu.memory_space<hbm>>
      %dma_start3A_86 = tpu.memref_slice %arg11[%dma_start3A_78] : memref<2x!tpu.dma_semaphore, #tpu.memory_space<semaphore_mem>> -> memref<1x!tpu.dma_semaphore, #tpu.memory_space<semaphore_mem>>
      %dma_start3A_87 = tpu.memref_squeeze %dma_start3A_86 : memref<1x!tpu.dma_semaphore, #tpu.memory_space<semaphore_mem>> -> memref<!tpu.dma_semaphore, #tpu.memory_space<semaphore_mem>>
      %dma_start3A_88 = arith.constant 0 : i32
      %dma_start3A_89 = arith.constant 0 : i32
      %dma_start3A_90 = tpu.memref_slice %arg7[%dma_start3A_77, %dma_start3A_88, %dma_start3A_89] : memref<2x3x128xi32, #tpu.memory_space<vmem>> -> memref<1x3x128xi32, #tpu.memory_space<vmem>>
      %dma_start3A_91 = tpu.memref_squeeze %dma_start3A_90 : memref<1x3x128xi32, #tpu.memory_space<vmem>> -> memref<3x128xi32, #tpu.memory_space<vmem>>
      %dma_start3A_92 = arith.constant 0 : i32
      %dma_start3A_93 = tpu.memref_slice %arg2[%add3A, %dma_start3A_92, %mul3A_76] : memref<32x3x10240xi32, #tpu.memory_space<hbm>> -> memref<1x3x128xi32, #tpu.memory_space<hbm>>
      %dma_start3A_94 = tpu.memref_squeeze %dma_start3A_93 : memref<1x3x128xi32, #tpu.memory_space<hbm>> -> memref<3x128xi32, #tpu.memory_space<hbm>>
      tpu.enqueue_dma source(%dma_start3A_94 : memref<3x128xi32, #tpu.memory_space<hbm>>) target(%dma_start3A_91 : memref<3x128xi32, #tpu.memory_space<vmem>>) target_semaphore(%dma_start3A_87 : memref<!tpu.dma_semaphore, #tpu.memory_space<semaphore_mem>>)
      %dma_start3A_95 = arith.constant 0 : i32
      %dma_start3A_96 = arith.constant 1 : i32
      %dma_start3A_97 = arith.constant 0 : i32
      %dma_start3A_98 = tpu.memref_slice %arg7[%dma_start3A_95, %dma_start3A_96, %dma_start3A_97] : memref<2x3x128xi32, #tpu.memory_space<vmem>> -> memref<1x1x128xi32, #tpu.memory_space<vmem>>
      %dma_start3A_99 = tpu.memref_squeeze %dma_start3A_98 : memref<1x1x128xi32, #tpu.memory_space<vmem>> -> memref<128xi32, #tpu.memory_space<vmem>>
      %dma_start3A_100 = arith.constant 0 : i32
      %dma_start3A_101 = arith.constant 0 : i32
      %dma_start3A_102 = tpu.memref_slice %arg4[%dma_start3A_100, %dma_start3A_101] : memref<513x128xf32, #tpu.memory_space<hbm>> -> memref<513x128xf32, #tpu.memory_space<hbm>>
      tpu.enqueue_indirect_dma source(%dma_start3A_102 : memref<513x128xf32, #tpu.memory_space<hbm>>) target(%arg9 : memref<128x128xf32, #tpu.memory_space<vmem>>) offsets(%dma_start3A_99 : memref<128xi32, #tpu.memory_space<vmem>>) semaphore(%arg13 : memref<!tpu.dma_semaphore, #tpu.memory_space<semaphore_mem>>)
      %dma_wait3A_103 = arith.constant 0 : i32
      %dma_wait3A_104 = arith.constant 0 : i32
      %dma_wait3A_105 = arith.constant 0 : i32
      %dma_wait3A_106 = arith.constant 0 : i32
      %dma_wait3A_107 = arith.constant 0 : i32
      %dma_wait3A_108 = arith.constant 0 : i32
      %dma_wait3A_109 = tpu.memref_slice %arg8[%dma_wait3A_105, %dma_wait3A_107, %dma_wait3A_108] : memref<2x128x128xf32, #tpu.memory_space<vmem>> -> memref<1x128x128xf32, #tpu.memory_space<vmem>>
      %dma_wait3A_110 = tpu.memref_squeeze %dma_wait3A_109 : memref<1x128x128xf32, #tpu.memory_space<vmem>> -> memref<128x128xf32, #tpu.memory_space<vmem>>
      %dma_wait3A_111 = arith.constant 0 : i32
      %dma_wait3A_112 = tpu.memref_slice %arg7[%dma_wait3A_103, %dma_wait3A_104, %dma_wait3A_111] : memref<2x3x128xi32, #tpu.memory_space<vmem>> -> memref<1x1x128xi32, #tpu.memory_space<vmem>>
      %dma_wait3A_113 = tpu.memref_squeeze %dma_wait3A_112 : memref<1x1x128xi32, #tpu.memory_space<vmem>> -> memref<128xi32, #tpu.memory_space<vmem>>
      %dma_wait3A_114 = arith.constant 0 : i32
      %dma_wait3A_115 = arith.constant 0 : i32
      %dma_wait3A_116 = tpu.memref_slice %arg3[%dma_wait3A_114, %dma_wait3A_115] : memref<10000x128xf32, #tpu.memory_space<hbm>> -> memref<10000x128xf32, #tpu.memory_space<hbm>>
      %dma_wait3A_117 = tpu.memref_slice %arg12[%dma_wait3A_106] : memref<2x!tpu.dma_semaphore, #tpu.memory_space<semaphore_mem>> -> memref<1x!tpu.dma_semaphore, #tpu.memory_space<semaphore_mem>>
      %dma_wait3A_118 = tpu.memref_squeeze %dma_wait3A_117 : memref<1x!tpu.dma_semaphore, #tpu.memory_space<semaphore_mem>> -> memref<!tpu.dma_semaphore, #tpu.memory_space<semaphore_mem>>
      tpu.wait_indirect_dma semaphore(%dma_wait3A_118 : memref<!tpu.dma_semaphore, #tpu.memory_space<semaphore_mem>>) src(%dma_wait3A_116 : memref<10000x128xf32, #tpu.memory_space<hbm>>) dst(%dma_wait3A_110 : memref<128x128xf32, #tpu.memory_space<vmem>>)
      %dma_wait3A_119 = arith.constant 1 : i32
      %dma_wait3A_120 = arith.constant 1 : i32
      %dma_wait3A_121 = arith.constant 0 : i32
      %dma_wait3A_122 = arith.constant 0 : i32
      %dma_wait3A_123 = tpu.memref_slice %arg7[%dma_wait3A_119, %dma_wait3A_121, %dma_wait3A_122] : memref<2x3x128xi32, #tpu.memory_space<vmem>> -> memref<1x3x128xi32, #tpu.memory_space<vmem>>
      %dma_wait3A_124 = tpu.memref_squeeze %dma_wait3A_123 : memref<1x3x128xi32, #tpu.memory_space<vmem>> -> memref<3x128xi32, #tpu.memory_space<vmem>>
      %dma_wait3A_125 = arith.constant 0 : i32
      %dma_wait3A_126 = arith.constant 0 : i32
      %dma_wait3A_127 = tpu.memref_slice %arg2[%add3A, %dma_wait3A_125, %dma_wait3A_126] : memref<32x3x10240xi32, #tpu.memory_space<hbm>> -> memref<1x3x128xi32, #tpu.memory_space<hbm>>
      %dma_wait3A_128 = tpu.memref_squeeze %dma_wait3A_127 : memref<1x3x128xi32, #tpu.memory_space<hbm>> -> memref<3x128xi32, #tpu.memory_space<hbm>>
      %dma_wait3A_129 = tpu.memref_slice %arg11[%dma_wait3A_120] : memref<2x!tpu.dma_semaphore, #tpu.memory_space<semaphore_mem>> -> memref<1x!tpu.dma_semaphore, #tpu.memory_space<semaphore_mem>>
      %dma_wait3A_130 = tpu.memref_squeeze %dma_wait3A_129 : memref<1x!tpu.dma_semaphore, #tpu.memory_space<semaphore_mem>> -> memref<!tpu.dma_semaphore, #tpu.memory_space<semaphore_mem>>
      %dma_wait3A_131 = arith.constant 0 : i32
      %dma_wait3A_132 = arith.constant 0 : i32
      %dma_wait3A_133 = tpu.memref_slice %arg7[%dma_wait3A_119, %dma_wait3A_131, %dma_wait3A_132] : memref<2x3x128xi32, #tpu.memory_space<vmem>> -> memref<1x3x128xi32, #tpu.memory_space<vmem>>
      %dma_wait3A_134 = tpu.memref_squeeze %dma_wait3A_133 : memref<1x3x128xi32, #tpu.memory_space<vmem>> -> memref<3x128xi32, #tpu.memory_space<vmem>>
      %dma_wait3A_135 = arith.constant 0 : i32
      %dma_wait3A_136 = arith.constant 0 : i32
      %dma_wait3A_137 = tpu.memref_slice %arg2[%add3A, %dma_wait3A_135, %dma_wait3A_136] : memref<32x3x10240xi32, #tpu.memory_space<hbm>> -> memref<1x3x128xi32, #tpu.memory_space<hbm>>
      %dma_wait3A_138 = tpu.memref_squeeze %dma_wait3A_137 : memref<1x3x128xi32, #tpu.memory_space<hbm>> -> memref<3x128xi32, #tpu.memory_space<hbm>>
      tpu.wait_dma2 semaphore(%dma_wait3A_130 : memref<!tpu.dma_semaphore, #tpu.memory_space<semaphore_mem>>) src(%dma_wait3A_138 : memref<3x128xi32, #tpu.memory_space<hbm>>) dst(%dma_wait3A_134 : memref<3x128xi32, #tpu.memory_space<vmem>>)
      %dma_start3A_139 = arith.constant 1 : i32
      %dma_start3A_140 = arith.constant 0 : i32
      %dma_start3A_141 = arith.constant 1 : i32
      %dma_start3A_142 = arith.constant 1 : i32
      %dma_start3A_143 = arith.constant 0 : i32
      %dma_start3A_144 = arith.constant 0 : i32
      %dma_start3A_145 = tpu.memref_slice %arg8[%dma_start3A_141, %dma_start3A_143, %dma_start3A_144] : memref<2x128x128xf32, #tpu.memory_space<vmem>> -> memref<1x128x128xf32, #tpu.memory_space<vmem>>
      %dma_start3A_146 = tpu.memref_squeeze %dma_start3A_145 : memref<1x128x128xf32, #tpu.memory_space<vmem>> -> memref<128x128xf32, #tpu.memory_space<vmem>>
      %dma_start3A_147 = arith.constant 0 : i32
      %dma_start3A_148 = tpu.memref_slice %arg7[%dma_start3A_139, %dma_start3A_140, %dma_start3A_147] : memref<2x3x128xi32, #tpu.memory_space<vmem>> -> memref<1x1x128xi32, #tpu.memory_space<vmem>>
      %dma_start3A_149 = tpu.memref_squeeze %dma_start3A_148 : memref<1x1x128xi32, #tpu.memory_space<vmem>> -> memref<128xi32, #tpu.memory_space<vmem>>
      %dma_start3A_150 = arith.constant 0 : i32
      %dma_start3A_151 = arith.constant 0 : i32
      %dma_start3A_152 = tpu.memref_slice %arg3[%dma_start3A_150, %dma_start3A_151] : memref<10000x128xf32, #tpu.memory_space<hbm>> -> memref<10000x128xf32, #tpu.memory_space<hbm>>
      %dma_start3A_153 = tpu.memref_slice %arg12[%dma_start3A_142] : memref<2x!tpu.dma_semaphore, #tpu.memory_space<semaphore_mem>> -> memref<1x!tpu.dma_semaphore, #tpu.memory_space<semaphore_mem>>
      %dma_start3A_154 = tpu.memref_squeeze %dma_start3A_153 : memref<1x!tpu.dma_semaphore, #tpu.memory_space<semaphore_mem>> -> memref<!tpu.dma_semaphore, #tpu.memory_space<semaphore_mem>>
      tpu.enqueue_indirect_dma source(%dma_start3A_152 : memref<10000x128xf32, #tpu.memory_space<hbm>>) target(%dma_start3A_146 : memref<128x128xf32, #tpu.memory_space<vmem>>) offsets(%dma_start3A_149 : memref<128xi32, #tpu.memory_space<vmem>>) semaphore(%dma_start3A_154 : memref<!tpu.dma_semaphore, #tpu.memory_space<semaphore_mem>>)
      %dma_wait3A_155 = arith.constant 0 : i32
      %dma_wait3A_156 = arith.constant 1 : i32
      %dma_wait3A_157 = arith.constant 0 : i32
      %dma_wait3A_158 = tpu.memref_slice %arg7[%dma_wait3A_155, %dma_wait3A_156, %dma_wait3A_157] : memref<2x3x128xi32, #tpu.memory_space<vmem>> -> memref<1x1x128xi32, #tpu.memory_space<vmem>>
      %dma_wait3A_159 = tpu.memref_squeeze %dma_wait3A_158 : memref<1x1x128xi32, #tpu.memory_space<vmem>> -> memref<128xi32, #tpu.memory_space<vmem>>
      %dma_wait3A_160 = arith.constant 0 : i32
      %dma_wait3A_161 = arith.constant 0 : i32
      %dma_wait3A_162 = tpu.memref_slice %arg4[%dma_wait3A_160, %dma_wait3A_161] : memref<513x128xf32, #tpu.memory_space<hbm>> -> memref<513x128xf32, #tpu.memory_space<hbm>>
      tpu.wait_indirect_dma semaphore(%arg13 : memref<!tpu.dma_semaphore, #tpu.memory_space<semaphore_mem>>) src(%dma_wait3A_162 : memref<513x128xf32, #tpu.memory_space<hbm>>) dst(%arg9 : memref<128x128xf32, #tpu.memory_space<vmem>>)
      %scan3A_163 = arith.constant 0 : i32
      %scan3A_164 = arith.constant 0 : i32
      %scan3A_165 = arith.constant 128 : i32
      %scan3A_166 = arith.addi %scan3A_164, %scan3A_165 : i32
      %scan3A_167 = arith.constant 1 : i32
      scf.for %scan3A_226 = %scan3A_164 to %scan3A_166 step %scan3A_167  : i32 {
        %get3A = arith.constant 0 : i32
        %get3A_227 = arith.index_cast %get3A : i32 to index
        %get3A_228 = arith.index_cast %scan3A_226 : i32 to index
        %get3A_229 = arith.constant 0 : index
        %get3A_230 = tpu.vector_load %arg8[%get3A_227, %get3A_228, %get3A_229] {strides = array<i32>} : memref<2x128x128xf32, #tpu.memory_space<vmem>>, vector<1x1x16xf32>,
        %get3A_231 = vector.shape_cast %get3A_230 : vector<1x1x16xf32> to vector<16xf32>
        %get3A_232 = arith.index_cast %scan3A_226 : i32 to index
        %get3A_233 = arith.constant 0 : index
        %get3A_234 = tpu.vector_load %arg9[%get3A_232, %get3A_233] {strides = array<i32>} : memref<128x128xf32, #tpu.memory_space<vmem>>, vector<1x16xf32>,
        %get3A_235 = vector.shape_cast %get3A_234 : vector<1x16xf32> to vector<16xf32>
        %add3A_236 = arith.addf %get3A_231, %get3A_235 : vector<16xf32>
        %max3A = arith.constant 0.000000e+00 : f32
        %max3A_237 = vector.broadcast %max3A : f32 to vector<16xf32>
        %max3A_238 = arith.maximumf %add3A_236, %max3A_237 : vector<16xf32>
        %swap3A = arith.constant 0 : i32
        %swap3A_239 = arith.index_cast %swap3A : i32 to index
        %swap3A_240 = arith.index_cast %scan3A_226 : i32 to index
        %swap3A_241 = arith.constant 0 : index
        %swap3A_242 = tpu.vector_load %arg8[%swap3A_239, %swap3A_240, %swap3A_241] {strides = array<i32>} : memref<2x128x128xf32, #tpu.memory_space<vmem>>, vector<1x1x16xf32>,
        %swap3A_243 = vector.shape_cast %swap3A_242 : vector<1x1x16xf32> to vector<16xf32>
        %swap3A_244 = vector.shape_cast %max3A_238 : vector<16xf32> to vector<1x1x16xf32>
        tpu.vector_store %arg8[%swap3A_239, %swap3A_240, %swap3A_241], %swap3A_244 {strides = array<i32>} : memref<2x128x128xf32, #tpu.memory_space<vmem>>, vector<1x1x16xf32>,
        %get3A_245 = arith.constant 0 : i32
        %get3A_246 = arith.index_cast %get3A_245 : i32 to index
        %get3A_247 = arith.index_cast %scan3A_226 : i32 to index
        %get3A_248 = arith.constant 16 : index
        %get3A_249 = tpu.vector_load %arg8[%get3A_246, %get3A_247, %get3A_248] {strides = array<i32>} : memref<2x128x128xf32, #tpu.memory_space<vmem>>, vector<1x1x16xf32>,
        %get3A_250 = vector.shape_cast %get3A_249 : vector<1x1x16xf32> to vector<16xf32>
        %get3A_251 = arith.index_cast %scan3A_226 : i32 to index
        %get3A_252 = arith.constant 16 : index
        %get3A_253 = tpu.vector_load %arg9[%get3A_251, %get3A_252] {strides = array<i32>} : memref<128x128xf32, #tpu.memory_space<vmem>>, vector<1x16xf32>,
        %get3A_254 = vector.shape_cast %get3A_253 : vector<1x16xf32> to vector<16xf32>
        %add3A_255 = arith.addf %get3A_250, %get3A_254 : vector<16xf32>
        %max3A_256 = arith.constant 0.000000e+00 : f32
        %max3A_257 = vector.broadcast %max3A_256 : f32 to vector<16xf32>
        %max3A_258 = arith.maximumf %add3A_255, %max3A_257 : vector<16xf32>
        %swap3A_259 = arith.constant 0 : i32
        %swap3A_260 = arith.index_cast %swap3A_259 : i32 to index
        %swap3A_261 = arith.index_cast %scan3A_226 : i32 to index
        %swap3A_262 = arith.constant 16 : index
        %swap3A_263 = tpu.vector_load %arg8[%swap3A_260, %swap3A_261, %swap3A_262] {strides = array<i32>} : memref<2x128x128xf32, #tpu.memory_space<vmem>>, vector<1x1x16xf32>,
        %swap3A_264 = vector.shape_cast %swap3A_263 : vector<1x1x16xf32> to vector<16xf32>
        %swap3A_265 = vector.shape_cast %max3A_258 : vector<16xf32> to vector<1x1x16xf32>
        tpu.vector_store %arg8[%swap3A_260, %swap3A_261, %swap3A_262], %swap3A_265 {strides = array<i32>} : memref<2x128x128xf32, #tpu.memory_space<vmem>>, vector<1x1x16xf32>,
        %get3A_266 = arith.constant 0 : i32
        %get3A_267 = arith.index_cast %get3A_266 : i32 to index
        %get3A_268 = arith.index_cast %scan3A_226 : i32 to index
        %get3A_269 = arith.constant 32 : index
        %get3A_270 = tpu.vector_load %arg8[%get3A_267, %get3A_268, %get3A_269] {strides = array<i32>} : memref<2x128x128xf32, #tpu.memory_space<vmem>>, vector<1x1x16xf32>,
        %get3A_271 = vector.shape_cast %get3A_270 : vector<1x1x16xf32> to vector<16xf32>
        %get3A_272 = arith.index_cast %scan3A_226 : i32 to index
        %get3A_273 = arith.constant 32 : index
        %get3A_274 = tpu.vector_load %arg9[%get3A_272, %get3A_273] {strides = array<i32>} : memref<128x128xf32, #tpu.memory_space<vmem>>, vector<1x16xf32>,
        %get3A_275 = vector.shape_cast %get3A_274 : vector<1x16xf32> to vector<16xf32>
        %add3A_276 = arith.addf %get3A_271, %get3A_275 : vector<16xf32>
        %max3A_277 = arith.constant 0.000000e+00 : f32
        %max3A_278 = vector.broadcast %max3A_277 : f32 to vector<16xf32>
        %max3A_279 = arith.maximumf %add3A_276, %max3A_278 : vector<16xf32>
        %swap3A_280 = arith.constant 0 : i32
        %swap3A_281 = arith.index_cast %swap3A_280 : i32 to index
        %swap3A_282 = arith.index_cast %scan3A_226 : i32 to index
        %swap3A_283 = arith.constant 32 : index
        %swap3A_284 = tpu.vector_load %arg8[%swap3A_281, %swap3A_282, %swap3A_283] {strides = array<i32>} : memref<2x128x128xf32, #tpu.memory_space<vmem>>, vector<1x1x16xf32>,
        %swap3A_285 = vector.shape_cast %swap3A_284 : vector<1x1x16xf32> to vector<16xf32>
        %swap3A_286 = vector.shape_cast %max3A_279 : vector<16xf32> to vector<1x1x16xf32>
        tpu.vector_store %arg8[%swap3A_281, %swap3A_282, %swap3A_283], %swap3A_286 {strides = array<i32>} : memref<2x128x128xf32, #tpu.memory_space<vmem>>, vector<1x1x16xf32>,
        %get3A_287 = arith.constant 0 : i32
        %get3A_288 = arith.index_cast %get3A_287 : i32 to index
        %get3A_289 = arith.index_cast %scan3A_226 : i32 to index
        %get3A_290 = arith.constant 48 : index
        %get3A_291 = tpu.vector_load %arg8[%get3A_288, %get3A_289, %get3A_290] {strides = array<i32>} : memref<2x128x128xf32, #tpu.memory_space<vmem>>, vector<1x1x16xf32>,
        %get3A_292 = vector.shape_cast %get3A_291 : vector<1x1x16xf32> to vector<16xf32>
        %get3A_293 = arith.index_cast %scan3A_226 : i32 to index
        %get3A_294 = arith.constant 48 : index
        %get3A_295 = tpu.vector_load %arg9[%get3A_293, %get3A_294] {strides = array<i32>} : memref<128x128xf32, #tpu.memory_space<vmem>>, vector<1x16xf32>,
        %get3A_296 = vector.shape_cast %get3A_295 : vector<1x16xf32> to vector<16xf32>
        %add3A_297 = arith.addf %get3A_292, %get3A_296 : vector<16xf32>
        %max3A_298 = arith.constant 0.000000e+00 : f32
        %max3A_299 = vector.broadcast %max3A_298 : f32 to vector<16xf32>
        %max3A_300 = arith.maximumf %add3A_297, %max3A_299 : vector<16xf32>
        %swap3A_301 = arith.constant 0 : i32
        %swap3A_302 = arith.index_cast %swap3A_301 : i32 to index
        %swap3A_303 = arith.index_cast %scan3A_226 : i32 to index
        %swap3A_304 = arith.constant 48 : index
        %swap3A_305 = tpu.vector_load %arg8[%swap3A_302, %swap3A_303, %swap3A_304] {strides = array<i32>} : memref<2x128x128xf32, #tpu.memory_space<vmem>>, vector<1x1x16xf32>,
        %swap3A_306 = vector.shape_cast %swap3A_305 : vector<1x1x16xf32> to vector<16xf32>
        %swap3A_307 = vector.shape_cast %max3A_300 : vector<16xf32> to vector<1x1x16xf32>
        tpu.vector_store %arg8[%swap3A_302, %swap3A_303, %swap3A_304], %swap3A_307 {strides = array<i32>} : memref<2x128x128xf32, #tpu.memory_space<vmem>>, vector<1x1x16xf32>,
        %get3A_308 = arith.constant 0 : i32
        %get3A_309 = arith.index_cast %get3A_308 : i32 to index
        %get3A_310 = arith.index_cast %scan3A_226 : i32 to index
        %get3A_311 = arith.constant 64 : index
        %get3A_312 = tpu.vector_load %arg8[%get3A_309, %get3A_310, %get3A_311] {strides = array<i32>} : memref<2x128x128xf32, #tpu.memory_space<vmem>>, vector<1x1x16xf32>,
        %get3A_313 = vector.shape_cast %get3A_312 : vector<1x1x16xf32> to vector<16xf32>
        %get3A_314 = arith.index_cast %scan3A_226 : i32 to index
        %get3A_315 = arith.constant 64 : index
        %get3A_316 = tpu.vector_load %arg9[%get3A_314, %get3A_315] {strides = array<i32>} : memref<128x128xf32, #tpu.memory_space<vmem>>, vector<1x16xf32>,
        %get3A_317 = vector.shape_cast %get3A_316 : vector<1x16xf32> to vector<16xf32>
        %add3A_318 = arith.addf %get3A_313, %get3A_317 : vector<16xf32>
        %max3A_319 = arith.constant 0.000000e+00 : f32
        %max3A_320 = vector.broadcast %max3A_319 : f32 to vector<16xf32>
        %max3A_321 = arith.maximumf %add3A_318, %max3A_320 : vector<16xf32>
        %swap3A_322 = arith.constant 0 : i32
        %swap3A_323 = arith.index_cast %swap3A_322 : i32 to index
        %swap3A_324 = arith.index_cast %scan3A_226 : i32 to index
        %swap3A_325 = arith.constant 64 : index
        %swap3A_326 = tpu.vector_load %arg8[%swap3A_323, %swap3A_324, %swap3A_325] {strides = array<i32>} : memref<2x128x128xf32, #tpu.memory_space<vmem>>, vector<1x1x16xf32>,
        %swap3A_327 = vector.shape_cast %swap3A_326 : vector<1x1x16xf32> to vector<16xf32>
        %swap3A_328 = vector.shape_cast %max3A_321 : vector<16xf32> to vector<1x1x16xf32>
        tpu.vector_store %arg8[%swap3A_323, %swap3A_324, %swap3A_325], %swap3A_328 {strides = array<i32>} : memref<2x128x128xf32, #tpu.memory_space<vmem>>, vector<1x1x16xf32>,
        %get3A_329 = arith.constant 0 : i32
        %get3A_330 = arith.index_cast %get3A_329 : i32 to index
        %get3A_331 = arith.index_cast %scan3A_226 : i32 to index
        %get3A_332 = arith.constant 80 : index
        %get3A_333 = tpu.vector_load %arg8[%get3A_330, %get3A_331, %get3A_332] {strides = array<i32>} : memref<2x128x128xf32, #tpu.memory_space<vmem>>, vector<1x1x16xf32>,
        %get3A_334 = vector.shape_cast %get3A_333 : vector<1x1x16xf32> to vector<16xf32>
        %get3A_335 = arith.index_cast %scan3A_226 : i32 to index
        %get3A_336 = arith.constant 80 : index
        %get3A_337 = tpu.vector_load %arg9[%get3A_335, %get3A_336] {strides = array<i32>} : memref<128x128xf32, #tpu.memory_space<vmem>>, vector<1x16xf32>,
        %get3A_338 = vector.shape_cast %get3A_337 : vector<1x16xf32> to vector<16xf32>
        %add3A_339 = arith.addf %get3A_334, %get3A_338 : vector<16xf32>
        %max3A_340 = arith.constant 0.000000e+00 : f32
        %max3A_341 = vector.broadcast %max3A_340 : f32 to vector<16xf32>
        %max3A_342 = arith.maximumf %add3A_339, %max3A_341 : vector<16xf32>
        %swap3A_343 = arith.constant 0 : i32
        %swap3A_344 = arith.index_cast %swap3A_343 : i32 to index
        %swap3A_345 = arith.index_cast %scan3A_226 : i32 to index
        %swap3A_346 = arith.constant 80 : index
        %swap3A_347 = tpu.vector_load %arg8[%swap3A_344, %swap3A_345, %swap3A_346] {strides = array<i32>} : memref<2x128x128xf32, #tpu.memory_space<vmem>>, vector<1x1x16xf32>,
        %swap3A_348 = vector.shape_cast %swap3A_347 : vector<1x1x16xf32> to vector<16xf32>
        %swap3A_349 = vector.shape_cast %max3A_342 : vector<16xf32> to vector<1x1x16xf32>
        tpu.vector_store %arg8[%swap3A_344, %swap3A_345, %swap3A_346], %swap3A_349 {strides = array<i32>} : memref<2x128x128xf32, #tpu.memory_space<vmem>>, vector<1x1x16xf32>,
        %get3A_350 = arith.constant 0 : i32
        %get3A_351 = arith.index_cast %get3A_350 : i32 to index
        %get3A_352 = arith.index_cast %scan3A_226 : i32 to index
        %get3A_353 = arith.constant 96 : index
        %get3A_354 = tpu.vector_load %arg8[%get3A_351, %get3A_352, %get3A_353] {strides = array<i32>} : memref<2x128x128xf32, #tpu.memory_space<vmem>>, vector<1x1x16xf32>,
        %get3A_355 = vector.shape_cast %get3A_354 : vector<1x1x16xf32> to vector<16xf32>
        %get3A_356 = arith.index_cast %scan3A_226 : i32 to index
        %get3A_357 = arith.constant 96 : index
        %get3A_358 = tpu.vector_load %arg9[%get3A_356, %get3A_357] {strides = array<i32>} : memref<128x128xf32, #tpu.memory_space<vmem>>, vector<1x16xf32>,
        %get3A_359 = vector.shape_cast %get3A_358 : vector<1x16xf32> to vector<16xf32>
        %add3A_360 = arith.addf %get3A_355, %get3A_359 : vector<16xf32>
        %max3A_361 = arith.constant 0.000000e+00 : f32
        %max3A_362 = vector.broadcast %max3A_361 : f32 to vector<16xf32>
        %max3A_363 = arith.maximumf %add3A_360, %max3A_362 : vector<16xf32>
        %swap3A_364 = arith.constant 0 : i32
        %swap3A_365 = arith.index_cast %swap3A_364 : i32 to index
        %swap3A_366 = arith.index_cast %scan3A_226 : i32 to index
        %swap3A_367 = arith.constant 96 : index
        %swap3A_368 = tpu.vector_load %arg8[%swap3A_365, %swap3A_366, %swap3A_367] {strides = array<i32>} : memref<2x128x128xf32, #tpu.memory_space<vmem>>, vector<1x1x16xf32>,
        %swap3A_369 = vector.shape_cast %swap3A_368 : vector<1x1x16xf32> to vector<16xf32>
        %swap3A_370 = vector.shape_cast %max3A_363 : vector<16xf32> to vector<1x1x16xf32>
        tpu.vector_store %arg8[%swap3A_365, %swap3A_366, %swap3A_367], %swap3A_370 {strides = array<i32>} : memref<2x128x128xf32, #tpu.memory_space<vmem>>, vector<1x1x16xf32>,
        %get3A_371 = arith.constant 0 : i32
        %get3A_372 = arith.index_cast %get3A_371 : i32 to index
        %get3A_373 = arith.index_cast %scan3A_226 : i32 to index
        %get3A_374 = arith.constant 112 : index
        %get3A_375 = tpu.vector_load %arg8[%get3A_372, %get3A_373, %get3A_374] {strides = array<i32>} : memref<2x128x128xf32, #tpu.memory_space<vmem>>, vector<1x1x16xf32>,
        %get3A_376 = vector.shape_cast %get3A_375 : vector<1x1x16xf32> to vector<16xf32>
        %get3A_377 = arith.index_cast %scan3A_226 : i32 to index
        %get3A_378 = arith.constant 112 : index
        %get3A_379 = tpu.vector_load %arg9[%get3A_377, %get3A_378] {strides = array<i32>} : memref<128x128xf32, #tpu.memory_space<vmem>>, vector<1x16xf32>,
        %get3A_380 = vector.shape_cast %get3A_379 : vector<1x16xf32> to vector<16xf32>
        %add3A_381 = arith.addf %get3A_376, %get3A_380 : vector<16xf32>
        %max3A_382 = arith.constant 0.000000e+00 : f32
        %max3A_383 = vector.broadcast %max3A_382 : f32 to vector<16xf32>
        %max3A_384 = arith.maximumf %add3A_381, %max3A_383 : vector<16xf32>
        %swap3A_385 = arith.constant 0 : i32
        %swap3A_386 = arith.index_cast %swap3A_385 : i32 to index
        %swap3A_387 = arith.index_cast %scan3A_226 : i32 to index
        %swap3A_388 = arith.constant 112 : index
        %swap3A_389 = tpu.vector_load %arg8[%swap3A_386, %swap3A_387, %swap3A_388] {strides = array<i32>} : memref<2x128x128xf32, #tpu.memory_space<vmem>>, vector<1x1x16xf32>,
        %swap3A_390 = vector.shape_cast %swap3A_389 : vector<1x1x16xf32> to vector<16xf32>
        %swap3A_391 = vector.shape_cast %max3A_384 : vector<16xf32> to vector<1x1x16xf32>
        tpu.vector_store %arg8[%swap3A_386, %swap3A_387, %swap3A_388], %swap3A_391 {strides = array<i32>} : memref<2x128x128xf32, #tpu.memory_space<vmem>>, vector<1x1x16xf32>,
      }
      %scan3A_168 = arith.constant 128 : i32
      %run_scoped3A = arith.constant 0 : i32
      %run_scoped3A_169 = arith.constant 0 : i32
      %run_scoped3A_170 = arith.constant 2 : i32
      "tpu.region"() ({
        %run_scoped3A_226 = tpu.sem_alloc : memref<!tpu.dma_semaphore, #tpu.memory_space<semaphore_mem>>
        %dma_start3A_227 = arith.constant 0 : i32
        %dma_start3A_228 = arith.constant 0 : i32
        %dma_start3A_229 = tpu.memref_slice %arg8[%run_scoped3A, %dma_start3A_227, %dma_start3A_228] : memref<2x128x128xf32, #tpu.memory_space<vmem>> -> memref<1x128x128xf32, #tpu.memory_space<vmem>>
        %dma_start3A_230 = tpu.memref_squeeze %dma_start3A_229 : memref<1x128x128xf32, #tpu.memory_space<vmem>> -> memref<128x128xf32, #tpu.memory_space<vmem>>
        %dma_start3A_231 = arith.constant 0 : i32
        %dma_start3A_232 = tpu.memref_slice %arg7[%run_scoped3A_169, %run_scoped3A_170, %dma_start3A_231] : memref<2x3x128xi32, #tpu.memory_space<vmem>> -> memref<1x1x128xi32, #tpu.memory_space<vmem>>
        %dma_start3A_233 = tpu.memref_squeeze %dma_start3A_232 : memref<1x1x128xi32, #tpu.memory_space<vmem>> -> memref<128xi32, #tpu.memory_space<vmem>>
        %dma_start3A_234 = arith.constant 0 : i32
        %dma_start3A_235 = arith.constant 0 : i32
        %dma_start3A_236 = tpu.memref_slice %arg10[%dma_start3A_234, %dma_start3A_235] : memref<10000x128xf32, #tpu.memory_space<vmem_shared>> -> memref<10000x128xf32, #tpu.memory_space<vmem_shared>>
        tpu.enqueue_indirect_dma source(%dma_start3A_230 : memref<128x128xf32, #tpu.memory_space<vmem>>) target(%dma_start3A_236 : memref<10000x128xf32, #tpu.memory_space<vmem_shared>>) offsets(%dma_start3A_233 : memref<128xi32, #tpu.memory_space<vmem>>) semaphore(%run_scoped3A_226 : memref<!tpu.dma_semaphore, #tpu.memory_space<semaphore_mem>>) {add = true}
        %dma_wait3A_237 = arith.constant 0 : i32
        %dma_wait3A_238 = arith.constant 0 : i32
        %dma_wait3A_239 = tpu.memref_slice %arg8[%run_scoped3A, %dma_wait3A_237, %dma_wait3A_238] : memref<2x128x128xf32, #tpu.memory_space<vmem>> -> memref<1x128x128xf32, #tpu.memory_space<vmem>>
        %dma_wait3A_240 = tpu.memref_squeeze %dma_wait3A_239 : memref<1x128x128xf32, #tpu.memory_space<vmem>> -> memref<128x128xf32, #tpu.memory_space<vmem>>
        %dma_wait3A_241 = arith.constant 0 : i32
        %dma_wait3A_242 = tpu.memref_slice %arg7[%run_scoped3A_169, %run_scoped3A_170, %dma_wait3A_241] : memref<2x3x128xi32, #tpu.memory_space<vmem>> -> memref<1x1x128xi32, #tpu.memory_space<vmem>>
        %dma_wait3A_243 = tpu.memref_squeeze %dma_wait3A_242 : memref<1x1x128xi32, #tpu.memory_space<vmem>> -> memref<128xi32, #tpu.memory_space<vmem>>
        %dma_wait3A_244 = arith.constant 0 : i32
        %dma_wait3A_245 = arith.constant 0 : i32
        %dma_wait3A_246 = tpu.memref_slice %arg10[%dma_wait3A_244, %dma_wait3A_245] : memref<10000x128xf32, #tpu.memory_space<vmem_shared>> -> memref<10000x128xf32, #tpu.memory_space<vmem_shared>>
        tpu.wait_indirect_dma semaphore(%run_scoped3A_226 : memref<!tpu.dma_semaphore, #tpu.memory_space<semaphore_mem>>) src(%dma_wait3A_240 : memref<128x128xf32, #tpu.memory_space<vmem>>) dst(%dma_wait3A_246 : memref<10000x128xf32, #tpu.memory_space<vmem_shared>>)
        tpu.yield
      }) : () -> ()
      %mul3A_171 = arith.constant 2 : i32
      %mul3A_172 = arith.muli %mul3A_171, %scan3A_68 : i32
      %add3A_173 = arith.constant 1 : i32
      %add3A_174 = arith.addi %mul3A_172, %add3A_173 : i32
      %lt3A_175 = arith.constant 39 : i32
      %lt3A_176 = arith.cmpi slt, %scan3A_68, %lt3A_175 : i32
      %convert_element_type3A_177 = arith.extui %lt3A_176 : i1 to i32
      %cond3A_178 = arith.constant 0 : i32
      %cond3A_179 = arith.cmpi ne, %convert_element_type3A_177, %cond3A_178 : i32
      scf.if %cond3A_179 {
        %add3A_226 = arith.constant 1 : i32
        %add3A_227 = arith.addi %add3A_174, %add3A_226 : i32
        %mul3A_228 = arith.constant 128 : i32
        %mul3A_229 = arith.muli %add3A_227, %mul3A_228 : i32
        %dma_start3A_230 = arith.constant 0 : i32
        %dma_start3A_231 = arith.constant 0 : i32
        %dma_start3A_232 = arith.constant 0 : i32
        %dma_start3A_233 = arith.constant 0 : i32
        %dma_start3A_234 = tpu.memref_slice %arg7[%dma_start3A_230, %dma_start3A_232, %dma_start3A_233] : memref<2x3x128xi32, #tpu.memory_space<vmem>> -> memref<1x3x128xi32, #tpu.memory_space<vmem>>
        %dma_start3A_235 = tpu.memref_squeeze %dma_start3A_234 : memref<1x3x128xi32, #tpu.memory_space<vmem>> -> memref<3x128xi32, #tpu.memory_space<vmem>>
        %dma_start3A_236 = arith.constant 0 : i32
        %dma_start3A_237 = tpu.memref_slice %arg2[%add3A, %dma_start3A_236, %mul3A_229] : memref<32x3x10240xi32, #tpu.memory_space<hbm>> -> memref<1x3x128xi32, #tpu.memory_space<hbm>>
        %dma_start3A_238 = tpu.memref_squeeze %dma_start3A_237 : memref<1x3x128xi32, #tpu.memory_space<hbm>> -> memref<3x128xi32, #tpu.memory_space<hbm>>
        %dma_start3A_239 = tpu.memref_slice %arg11[%dma_start3A_231] : memref<2x!tpu.dma_semaphore, #tpu.memory_space<semaphore_mem>> -> memref<1x!tpu.dma_semaphore, #tpu.memory_space<semaphore_mem>>
        %dma_start3A_240 = tpu.memref_squeeze %dma_start3A_239 : memref<1x!tpu.dma_semaphore, #tpu.memory_space<semaphore_mem>> -> memref<!tpu.dma_semaphore, #tpu.memory_space<semaphore_mem>>
        %dma_start3A_241 = arith.constant 0 : i32
        %dma_start3A_242 = arith.constant 0 : i32
        %dma_start3A_243 = tpu.memref_slice %arg7[%dma_start3A_230, %dma_start3A_241, %dma_start3A_242] : memref<2x3x128xi32, #tpu.memory_space<vmem>> -> memref<1x3x128xi32, #tpu.memory_space<vmem>>
        %dma_start3A_244 = tpu.memref_squeeze %dma_start3A_243 : memref<1x3x128xi32, #tpu.memory_space<vmem>> -> memref<3x128xi32, #tpu.memory_space<vmem>>
        %dma_start3A_245 = arith.constant 0 : i32
        %dma_start3A_246 = tpu.memref_slice %arg2[%add3A, %dma_start3A_245, %mul3A_229] : memref<32x3x10240xi32, #tpu.memory_space<hbm>> -> memref<1x3x128xi32, #tpu.memory_space<hbm>>
        %dma_start3A_247 = tpu.memref_squeeze %dma_start3A_246 : memref<1x3x128xi32, #tpu.memory_space<hbm>> -> memref<3x128xi32, #tpu.memory_space<hbm>>
        tpu.enqueue_dma source(%dma_start3A_247 : memref<3x128xi32, #tpu.memory_space<hbm>>) target(%dma_start3A_244 : memref<3x128xi32, #tpu.memory_space<vmem>>) target_semaphore(%dma_start3A_240 : memref<!tpu.dma_semaphore, #tpu.memory_space<semaphore_mem>>)
      } else {
      }
      %dma_start3A_180 = arith.constant 1 : i32
      %dma_start3A_181 = arith.constant 1 : i32
      %dma_start3A_182 = arith.constant 0 : i32
      %dma_start3A_183 = tpu.memref_slice %arg7[%dma_start3A_180, %dma_start3A_181, %dma_start3A_182] : memref<2x3x128xi32, #tpu.memory_space<vmem>> -> memref<1x1x128xi32, #tpu.memory_space<vmem>>
      %dma_start3A_184 = tpu.memref_squeeze %dma_start3A_183 : memref<1x1x128xi32, #tpu.memory_space<vmem>> -> memref<128xi32, #tpu.memory_space<vmem>>
      %dma_start3A_185 = arith.constant 0 : i32
      %dma_start3A_186 = arith.constant 0 : i32
      %dma_start3A_187 = tpu.memref_slice %arg4[%dma_start3A_185, %dma_start3A_186] : memref<513x128xf32, #tpu.memory_space<hbm>> -> memref<513x128xf32, #tpu.memory_space<hbm>>
      tpu.enqueue_indirect_dma source(%dma_start3A_187 : memref<513x128xf32, #tpu.memory_space<hbm>>) target(%arg9 : memref<128x128xf32, #tpu.memory_space<vmem>>) offsets(%dma_start3A_184 : memref<128xi32, #tpu.memory_space<vmem>>) semaphore(%arg13 : memref<!tpu.dma_semaphore, #tpu.memory_space<semaphore_mem>>)
      %dma_wait3A_188 = arith.constant 0 : i32
      %dma_wait3A_189 = arith.constant 0 : i32
      %dma_wait3A_190 = arith.constant 1 : i32
      %dma_wait3A_191 = arith.constant 1 : i32
      %dma_wait3A_192 = arith.constant 0 : i32
      %dma_wait3A_193 = arith.constant 0 : i32
      %dma_wait3A_194 = tpu.memref_slice %arg8[%dma_wait3A_190, %dma_wait3A_192, %dma_wait3A_193] : memref<2x128x128xf32, #tpu.memory_space<vmem>> -> memref<1x128x128xf32, #tpu.memory_space<vmem>>
      %dma_wait3A_195 = tpu.memref_squeeze %dma_wait3A_194 : memref<1x128x128xf32, #tpu.memory_space<vmem>> -> memref<128x128xf32, #tpu.memory_space<vmem>>
      %dma_wait3A_196 = arith.constant 0 : i32
      %dma_wait3A_197 = tpu.memref_slice %arg7[%dma_wait3A_188, %dma_wait3A_189, %dma_wait3A_196] : memref<2x3x128xi32, #tpu.memory_space<vmem>> -> memref<1x1x128xi32, #tpu.memory_space<vmem>>
      %dma_wait3A_198 = tpu.memref_squeeze %dma_wait3A_197 : memref<1x1x128xi32, #tpu.memory_space<vmem>> -> memref<128xi32, #tpu.memory_space<vmem>>
      %dma_wait3A_199 = arith.constant 0 : i32
      %dma_wait3A_200 = arith.constant 0 : i32
      %dma_wait3A_201 = tpu.memref_slice %arg3[%dma_wait3A_199, %dma_wait3A_200] : memref<10000x128xf32, #tpu.memory_space<hbm>> -> memref<10000x128xf32, #tpu.memory_space<hbm>>
      %dma_wait3A_202 = tpu.memref_slice %arg12[%dma_wait3A_191] : memref<2x!tpu.dma_semaphore, #tpu.memory_space<semaphore_mem>> -> memref<1x!tpu.dma_semaphore, #tpu.memory_space<semaphore_mem>>
      %dma_wait3A_203 = tpu.memref_squeeze %dma_wait3A_202 : memref<1x!tpu.dma_semaphore, #tpu.memory_space<semaphore_mem>> -> memref<!tpu.dma_semaphore, #tpu.memory_space<semaphore_mem>>
      tpu.wait_indirect_dma semaphore(%dma_wait3A_203 : memref<!tpu.dma_semaphore, #tpu.memory_space<semaphore_mem>>) src(%dma_wait3A_201 : memref<10000x128xf32, #tpu.memory_space<hbm>>) dst(%dma_wait3A_195 : memref<128x128xf32, #tpu.memory_space<vmem>>)
      %lt3A_204 = arith.constant 39 : i32
      %lt3A_205 = arith.cmpi slt, %scan3A_68, %lt3A_204 : i32
      %convert_element_type3A_206 = arith.extui %lt3A_205 : i1 to i32
      %cond3A_207 = arith.constant 0 : i32
      %cond3A_208 = arith.cmpi ne, %convert_element_type3A_206, %cond3A_207 : i32
      scf.if %cond3A_208 {
        %dma_wait3A_226 = arith.constant 0 : i32
        %dma_wait3A_227 = arith.constant 0 : i32
        %dma_wait3A_228 = arith.constant 0 : i32
        %dma_wait3A_229 = arith.constant 0 : i32
        %dma_wait3A_230 = tpu.memref_slice %arg7[%dma_wait3A_226, %dma_wait3A_228, %dma_wait3A_229] : memref<2x3x128xi32, #tpu.memory_space<vmem>> -> memref<1x3x128xi32, #tpu.memory_space<vmem>>
        %dma_wait3A_231 = tpu.memref_squeeze %dma_wait3A_230 : memref<1x3x128xi32, #tpu.memory_space<vmem>> -> memref<3x128xi32, #tpu.memory_space<vmem>>
        %dma_wait3A_232 = arith.constant 0 : i32
        %dma_wait3A_233 = arith.constant 0 : i32
        %dma_wait3A_234 = tpu.memref_slice %arg2[%add3A, %dma_wait3A_232, %dma_wait3A_233] : memref<32x3x10240xi32, #tpu.memory_space<hbm>> -> memref<1x3x128xi32, #tpu.memory_space<hbm>>
        %dma_wait3A_235 = tpu.memref_squeeze %dma_wait3A_234 : memref<1x3x128xi32, #tpu.memory_space<hbm>> -> memref<3x128xi32, #tpu.memory_space<hbm>>
        %dma_wait3A_236 = tpu.memref_slice %arg11[%dma_wait3A_227] : memref<2x!tpu.dma_semaphore, #tpu.memory_space<semaphore_mem>> -> memref<1x!tpu.dma_semaphore, #tpu.memory_space<semaphore_mem>>
        %dma_wait3A_237 = tpu.memref_squeeze %dma_wait3A_236 : memref<1x!tpu.dma_semaphore, #tpu.memory_space<semaphore_mem>> -> memref<!tpu.dma_semaphore, #tpu.memory_space<semaphore_mem>>
        %dma_wait3A_238 = arith.constant 0 : i32
        %dma_wait3A_239 = arith.constant 0 : i32
        %dma_wait3A_240 = tpu.memref_slice %arg7[%dma_wait3A_226, %dma_wait3A_238, %dma_wait3A_239] : memref<2x3x128xi32, #tpu.memory_space<vmem>> -> memref<1x3x128xi32, #tpu.memory_space<vmem>>
        %dma_wait3A_241 = tpu.memref_squeeze %dma_wait3A_240 : memref<1x3x128xi32, #tpu.memory_space<vmem>> -> memref<3x128xi32, #tpu.memory_space<vmem>>
        %dma_wait3A_242 = arith.constant 0 : i32
        %dma_wait3A_243 = arith.constant 0 : i32
        %dma_wait3A_244 = tpu.memref_slice %arg2[%add3A, %dma_wait3A_242, %dma_wait3A_243] : memref<32x3x10240xi32, #tpu.memory_space<hbm>> -> memref<1x3x128xi32, #tpu.memory_space<hbm>>
        %dma_wait3A_245 = tpu.memref_squeeze %dma_wait3A_244 : memref<1x3x128xi32, #tpu.memory_space<hbm>> -> memref<3x128xi32, #tpu.memory_space<hbm>>
        tpu.wait_dma2 semaphore(%dma_wait3A_237 : memref<!tpu.dma_semaphore, #tpu.memory_space<semaphore_mem>>) src(%dma_wait3A_245 : memref<3x128xi32, #tpu.memory_space<hbm>>) dst(%dma_wait3A_241 : memref<3x128xi32, #tpu.memory_space<vmem>>)
        %dma_start3A_246 = arith.constant 0 : i32
        %dma_start3A_247 = arith.constant 0 : i32
        %dma_start3A_248 = arith.constant 0 : i32
        %dma_start3A_249 = arith.constant 0 : i32
        %dma_start3A_250 = arith.constant 0 : i32
        %dma_start3A_251 = arith.constant 0 : i32
        %dma_start3A_252 = tpu.memref_slice %arg8[%dma_start3A_248, %dma_start3A_250, %dma_start3A_251] : memref<2x128x128xf32, #tpu.memory_space<vmem>> -> memref<1x128x128xf32, #tpu.memory_space<vmem>>
        %dma_start3A_253 = tpu.memref_squeeze %dma_start3A_252 : memref<1x128x128xf32, #tpu.memory_space<vmem>> -> memref<128x128xf32, #tpu.memory_space<vmem>>
        %dma_start3A_254 = arith.constant 0 : i32
        %dma_start3A_255 = tpu.memref_slice %arg7[%dma_start3A_246, %dma_start3A_247, %dma_start3A_254] : memref<2x3x128xi32, #tpu.memory_space<vmem>> -> memref<1x1x128xi32, #tpu.memory_space<vmem>>
        %dma_start3A_256 = tpu.memref_squeeze %dma_start3A_255 : memref<1x1x128xi32, #tpu.memory_space<vmem>> -> memref<128xi32, #tpu.memory_space<vmem>>
        %dma_start3A_257 = arith.constant 0 : i32
        %dma_start3A_258 = arith.constant 0 : i32
        %dma_start3A_259 = tpu.memref_slice %arg3[%dma_start3A_257, %dma_start3A_258] : memref<10000x128xf32, #tpu.memory_space<hbm>> -> memref<10000x128xf32, #tpu.memory_space<hbm>>
        %dma_start3A_260 = tpu.memref_slice %arg12[%dma_start3A_249] : memref<2x!tpu.dma_semaphore, #tpu.memory_space<semaphore_mem>> -> memref<1x!tpu.dma_semaphore, #tpu.memory_space<semaphore_mem>>
        %dma_start3A_261 = tpu.memref_squeeze %dma_start3A_260 : memref<1x!tpu.dma_semaphore, #tpu.memory_space<semaphore_mem>> -> memref<!tpu.dma_semaphore, #tpu.memory_space<semaphore_mem>>
        tpu.enqueue_indirect_dma source(%dma_start3A_259 : memref<10000x128xf32, #tpu.memory_space<hbm>>) target(%dma_start3A_253 : memref<128x128xf32, #tpu.memory_space<vmem>>) offsets(%dma_start3A_256 : memref<128xi32, #tpu.memory_space<vmem>>) semaphore(%dma_start3A_261 : memref<!tpu.dma_semaphore, #tpu.memory_space<semaphore_mem>>)
      } else {
      }
      %dma_wait3A_209 = arith.constant 1 : i32
      %dma_wait3A_210 = arith.constant 1 : i32
      %dma_wait3A_211 = arith.constant 0 : i32
      %dma_wait3A_212 = tpu.memref_slice %arg7[%dma_wait3A_209, %dma_wait3A_210, %dma_wait3A_211] : memref<2x3x128xi32, #tpu.memory_space<vmem>> -> memref<1x1x128xi32, #tpu.memory_space<vmem>>
      %dma_wait3A_213 = tpu.memref_squeeze %dma_wait3A_212 : memref<1x1x128xi32, #tpu.memory_space<vmem>> -> memref<128xi32, #tpu.memory_space<vmem>>
      %dma_wait3A_214 = arith.constant 0 : i32
      %dma_wait3A_215 = arith.constant 0 : i32
      %dma_wait3A_216 = tpu.memref_slice %arg4[%dma_wait3A_214, %dma_wait3A_215] : memref<513x128xf32, #tpu.memory_space<hbm>> -> memref<513x128xf32, #tpu.memory_space<hbm>>
      tpu.wait_indirect_dma semaphore(%arg13 : memref<!tpu.dma_semaphore, #tpu.memory_space<semaphore_mem>>) src(%dma_wait3A_216 : memref<513x128xf32, #tpu.memory_space<hbm>>) dst(%arg9 : memref<128x128xf32, #tpu.memory_space<vmem>>)
      %scan3A_217 = arith.constant 0 : i32
      %scan3A_218 = arith.constant 0 : i32
      %scan3A_219 = arith.constant 128 : i32
      %scan3A_220 = arith.addi %scan3A_218, %scan3A_219 : i32
      %scan3A_221 = arith.constant 1 : i32
      scf.for %scan3A_226 = %scan3A_218 to %scan3A_220 step %scan3A_221  : i32 {
        %get3A = arith.constant 1 : i32
        %get3A_227 = arith.index_cast %get3A : i32 to index
        %get3A_228 = arith.index_cast %scan3A_226 : i32 to index
        %get3A_229 = arith.constant 0 : index
        %get3A_230 = tpu.vector_load %arg8[%get3A_227, %get3A_228, %get3A_229] {strides = array<i32>} : memref<2x128x128xf32, #tpu.memory_space<vmem>>, vector<1x1x16xf32>,
        %get3A_231 = vector.shape_cast %get3A_230 : vector<1x1x16xf32> to vector<16xf32>
        %get3A_232 = arith.index_cast %scan3A_226 : i32 to index
        %get3A_233 = arith.constant 0 : index
        %get3A_234 = tpu.vector_load %arg9[%get3A_232, %get3A_233] {strides = array<i32>} : memref<128x128xf32, #tpu.memory_space<vmem>>, vector<1x16xf32>,
        %get3A_235 = vector.shape_cast %get3A_234 : vector<1x16xf32> to vector<16xf32>
        %add3A_236 = arith.addf %get3A_231, %get3A_235 : vector<16xf32>
        %max3A = arith.constant 0.000000e+00 : f32
        %max3A_237 = vector.broadcast %max3A : f32 to vector<16xf32>
        %max3A_238 = arith.maximumf %add3A_236, %max3A_237 : vector<16xf32>
        %swap3A = arith.constant 1 : i32
        %swap3A_239 = arith.index_cast %swap3A : i32 to index
        %swap3A_240 = arith.index_cast %scan3A_226 : i32 to index
        %swap3A_241 = arith.constant 0 : index
        %swap3A_242 = tpu.vector_load %arg8[%swap3A_239, %swap3A_240, %swap3A_241] {strides = array<i32>} : memref<2x128x128xf32, #tpu.memory_space<vmem>>, vector<1x1x16xf32>,
        %swap3A_243 = vector.shape_cast %swap3A_242 : vector<1x1x16xf32> to vector<16xf32>
        %swap3A_244 = vector.shape_cast %max3A_238 : vector<16xf32> to vector<1x1x16xf32>
        tpu.vector_store %arg8[%swap3A_239, %swap3A_240, %swap3A_241], %swap3A_244 {strides = array<i32>} : memref<2x128x128xf32, #tpu.memory_space<vmem>>, vector<1x1x16xf32>,
        %get3A_245 = arith.constant 1 : i32
        %get3A_246 = arith.index_cast %get3A_245 : i32 to index
        %get3A_247 = arith.index_cast %scan3A_226 : i32 to index
        %get3A_248 = arith.constant 16 : index
        %get3A_249 = tpu.vector_load %arg8[%get3A_246, %get3A_247, %get3A_248] {strides = array<i32>} : memref<2x128x128xf32, #tpu.memory_space<vmem>>, vector<1x1x16xf32>,
        %get3A_250 = vector.shape_cast %get3A_249 : vector<1x1x16xf32> to vector<16xf32>
        %get3A_251 = arith.index_cast %scan3A_226 : i32 to index
        %get3A_252 = arith.constant 16 : index
        %get3A_253 = tpu.vector_load %arg9[%get3A_251, %get3A_252] {strides = array<i32>} : memref<128x128xf32, #tpu.memory_space<vmem>>, vector<1x16xf32>,
        %get3A_254 = vector.shape_cast %get3A_253 : vector<1x16xf32> to vector<16xf32>
        %add3A_255 = arith.addf %get3A_250, %get3A_254 : vector<16xf32>
        %max3A_256 = arith.constant 0.000000e+00 : f32
        %max3A_257 = vector.broadcast %max3A_256 : f32 to vector<16xf32>
        %max3A_258 = arith.maximumf %add3A_255, %max3A_257 : vector<16xf32>
        %swap3A_259 = arith.constant 1 : i32
        %swap3A_260 = arith.index_cast %swap3A_259 : i32 to index
        %swap3A_261 = arith.index_cast %scan3A_226 : i32 to index
        %swap3A_262 = arith.constant 16 : index
        %swap3A_263 = tpu.vector_load %arg8[%swap3A_260, %swap3A_261, %swap3A_262] {strides = array<i32>} : memref<2x128x128xf32, #tpu.memory_space<vmem>>, vector<1x1x16xf32>,
        %swap3A_264 = vector.shape_cast %swap3A_263 : vector<1x1x16xf32> to vector<16xf32>
        %swap3A_265 = vector.shape_cast %max3A_258 : vector<16xf32> to vector<1x1x16xf32>
        tpu.vector_store %arg8[%swap3A_260, %swap3A_261, %swap3A_262], %swap3A_265 {strides = array<i32>} : memref<2x128x128xf32, #tpu.memory_space<vmem>>, vector<1x1x16xf32>,
        %get3A_266 = arith.constant 1 : i32
        %get3A_267 = arith.index_cast %get3A_266 : i32 to index
        %get3A_268 = arith.index_cast %scan3A_226 : i32 to index
        %get3A_269 = arith.constant 32 : index
        %get3A_270 = tpu.vector_load %arg8[%get3A_267, %get3A_268, %get3A_269] {strides = array<i32>} : memref<2x128x128xf32, #tpu.memory_space<vmem>>, vector<1x1x16xf32>,
        %get3A_271 = vector.shape_cast %get3A_270 : vector<1x1x16xf32> to vector<16xf32>
        %get3A_272 = arith.index_cast %scan3A_226 : i32 to index
        %get3A_273 = arith.constant 32 : index
        %get3A_274 = tpu.vector_load %arg9[%get3A_272, %get3A_273] {strides = array<i32>} : memref<128x128xf32, #tpu.memory_space<vmem>>, vector<1x16xf32>,
        %get3A_275 = vector.shape_cast %get3A_274 : vector<1x16xf32> to vector<16xf32>
        %add3A_276 = arith.addf %get3A_271, %get3A_275 : vector<16xf32>
        %max3A_277 = arith.constant 0.000000e+00 : f32
        %max3A_278 = vector.broadcast %max3A_277 : f32 to vector<16xf32>
        %max3A_279 = arith.maximumf %add3A_276, %max3A_278 : vector<16xf32>
        %swap3A_280 = arith.constant 1 : i32
        %swap3A_281 = arith.index_cast %swap3A_280 : i32 to index
        %swap3A_282 = arith.index_cast %scan3A_226 : i32 to index
        %swap3A_283 = arith.constant 32 : index
        %swap3A_284 = tpu.vector_load %arg8[%swap3A_281, %swap3A_282, %swap3A_283] {strides = array<i32>} : memref<2x128x128xf32, #tpu.memory_space<vmem>>, vector<1x1x16xf32>,
        %swap3A_285 = vector.shape_cast %swap3A_284 : vector<1x1x16xf32> to vector<16xf32>
        %swap3A_286 = vector.shape_cast %max3A_279 : vector<16xf32> to vector<1x1x16xf32>
        tpu.vector_store %arg8[%swap3A_281, %swap3A_282, %swap3A_283], %swap3A_286 {strides = array<i32>} : memref<2x128x128xf32, #tpu.memory_space<vmem>>, vector<1x1x16xf32>,
        %get3A_287 = arith.constant 1 : i32
        %get3A_288 = arith.index_cast %get3A_287 : i32 to index
        %get3A_289 = arith.index_cast %scan3A_226 : i32 to index
        %get3A_290 = arith.constant 48 : index
        %get3A_291 = tpu.vector_load %arg8[%get3A_288, %get3A_289, %get3A_290] {strides = array<i32>} : memref<2x128x128xf32, #tpu.memory_space<vmem>>, vector<1x1x16xf32>,
        %get3A_292 = vector.shape_cast %get3A_291 : vector<1x1x16xf32> to vector<16xf32>
        %get3A_293 = arith.index_cast %scan3A_226 : i32 to index
        %get3A_294 = arith.constant 48 : index
        %get3A_295 = tpu.vector_load %arg9[%get3A_293, %get3A_294] {strides = array<i32>} : memref<128x128xf32, #tpu.memory_space<vmem>>, vector<1x16xf32>,
        %get3A_296 = vector.shape_cast %get3A_295 : vector<1x16xf32> to vector<16xf32>
        %add3A_297 = arith.addf %get3A_292, %get3A_296 : vector<16xf32>
        %max3A_298 = arith.constant 0.000000e+00 : f32
        %max3A_299 = vector.broadcast %max3A_298 : f32 to vector<16xf32>
        %max3A_300 = arith.maximumf %add3A_297, %max3A_299 : vector<16xf32>
        %swap3A_301 = arith.constant 1 : i32
        %swap3A_302 = arith.index_cast %swap3A_301 : i32 to index
        %swap3A_303 = arith.index_cast %scan3A_226 : i32 to index
        %swap3A_304 = arith.constant 48 : index
        %swap3A_305 = tpu.vector_load %arg8[%swap3A_302, %swap3A_303, %swap3A_304] {strides = array<i32>} : memref<2x128x128xf32, #tpu.memory_space<vmem>>, vector<1x1x16xf32>,
        %swap3A_306 = vector.shape_cast %swap3A_305 : vector<1x1x16xf32> to vector<16xf32>
        %swap3A_307 = vector.shape_cast %max3A_300 : vector<16xf32> to vector<1x1x16xf32>
        tpu.vector_store %arg8[%swap3A_302, %swap3A_303, %swap3A_304], %swap3A_307 {strides = array<i32>} : memref<2x128x128xf32, #tpu.memory_space<vmem>>, vector<1x1x16xf32>,
        %get3A_308 = arith.constant 1 : i32
        %get3A_309 = arith.index_cast %get3A_308 : i32 to index
        %get3A_310 = arith.index_cast %scan3A_226 : i32 to index
        %get3A_311 = arith.constant 64 : index
        %get3A_312 = tpu.vector_load %arg8[%get3A_309, %get3A_310, %get3A_311] {strides = array<i32>} : memref<2x128x128xf32, #tpu.memory_space<vmem>>, vector<1x1x16xf32>,
        %get3A_313 = vector.shape_cast %get3A_312 : vector<1x1x16xf32> to vector<16xf32>
        %get3A_314 = arith.index_cast %scan3A_226 : i32 to index
        %get3A_315 = arith.constant 64 : index
        %get3A_316 = tpu.vector_load %arg9[%get3A_314, %get3A_315] {strides = array<i32>} : memref<128x128xf32, #tpu.memory_space<vmem>>, vector<1x16xf32>,
        %get3A_317 = vector.shape_cast %get3A_316 : vector<1x16xf32> to vector<16xf32>
        %add3A_318 = arith.addf %get3A_313, %get3A_317 : vector<16xf32>
        %max3A_319 = arith.constant 0.000000e+00 : f32
        %max3A_320 = vector.broadcast %max3A_319 : f32 to vector<16xf32>
        %max3A_321 = arith.maximumf %add3A_318, %max3A_320 : vector<16xf32>
        %swap3A_322 = arith.constant 1 : i32
        %swap3A_323 = arith.index_cast %swap3A_322 : i32 to index
        %swap3A_324 = arith.index_cast %scan3A_226 : i32 to index
        %swap3A_325 = arith.constant 64 : index
        %swap3A_326 = tpu.vector_load %arg8[%swap3A_323, %swap3A_324, %swap3A_325] {strides = array<i32>} : memref<2x128x128xf32, #tpu.memory_space<vmem>>, vector<1x1x16xf32>,
        %swap3A_327 = vector.shape_cast %swap3A_326 : vector<1x1x16xf32> to vector<16xf32>
        %swap3A_328 = vector.shape_cast %max3A_321 : vector<16xf32> to vector<1x1x16xf32>
        tpu.vector_store %arg8[%swap3A_323, %swap3A_324, %swap3A_325], %swap3A_328 {strides = array<i32>} : memref<2x128x128xf32, #tpu.memory_space<vmem>>, vector<1x1x16xf32>,
        %get3A_329 = arith.constant 1 : i32
        %get3A_330 = arith.index_cast %get3A_329 : i32 to index
        %get3A_331 = arith.index_cast %scan3A_226 : i32 to index
        %get3A_332 = arith.constant 80 : index
        %get3A_333 = tpu.vector_load %arg8[%get3A_330, %get3A_331, %get3A_332] {strides = array<i32>} : memref<2x128x128xf32, #tpu.memory_space<vmem>>, vector<1x1x16xf32>,
        %get3A_334 = vector.shape_cast %get3A_333 : vector<1x1x16xf32> to vector<16xf32>
        %get3A_335 = arith.index_cast %scan3A_226 : i32 to index
        %get3A_336 = arith.constant 80 : index
        %get3A_337 = tpu.vector_load %arg9[%get3A_335, %get3A_336] {strides = array<i32>} : memref<128x128xf32, #tpu.memory_space<vmem>>, vector<1x16xf32>,
        %get3A_338 = vector.shape_cast %get3A_337 : vector<1x16xf32> to vector<16xf32>
        %add3A_339 = arith.addf %get3A_334, %get3A_338 : vector<16xf32>
        %max3A_340 = arith.constant 0.000000e+00 : f32
        %max3A_341 = vector.broadcast %max3A_340 : f32 to vector<16xf32>
        %max3A_342 = arith.maximumf %add3A_339, %max3A_341 : vector<16xf32>
        %swap3A_343 = arith.constant 1 : i32
        %swap3A_344 = arith.index_cast %swap3A_343 : i32 to index
        %swap3A_345 = arith.index_cast %scan3A_226 : i32 to index
        %swap3A_346 = arith.constant 80 : index
        %swap3A_347 = tpu.vector_load %arg8[%swap3A_344, %swap3A_345, %swap3A_346] {strides = array<i32>} : memref<2x128x128xf32, #tpu.memory_space<vmem>>, vector<1x1x16xf32>,
        %swap3A_348 = vector.shape_cast %swap3A_347 : vector<1x1x16xf32> to vector<16xf32>
        %swap3A_349 = vector.shape_cast %max3A_342 : vector<16xf32> to vector<1x1x16xf32>
        tpu.vector_store %arg8[%swap3A_344, %swap3A_345, %swap3A_346], %swap3A_349 {strides = array<i32>} : memref<2x128x128xf32, #tpu.memory_space<vmem>>, vector<1x1x16xf32>,
        %get3A_350 = arith.constant 1 : i32
        %get3A_351 = arith.index_cast %get3A_350 : i32 to index
        %get3A_352 = arith.index_cast %scan3A_226 : i32 to index
        %get3A_353 = arith.constant 96 : index
        %get3A_354 = tpu.vector_load %arg8[%get3A_351, %get3A_352, %get3A_353] {strides = array<i32>} : memref<2x128x128xf32, #tpu.memory_space<vmem>>, vector<1x1x16xf32>,
        %get3A_355 = vector.shape_cast %get3A_354 : vector<1x1x16xf32> to vector<16xf32>
        %get3A_356 = arith.index_cast %scan3A_226 : i32 to index
        %get3A_357 = arith.constant 96 : index
        %get3A_358 = tpu.vector_load %arg9[%get3A_356, %get3A_357] {strides = array<i32>} : memref<128x128xf32, #tpu.memory_space<vmem>>, vector<1x16xf32>,
        %get3A_359 = vector.shape_cast %get3A_358 : vector<1x16xf32> to vector<16xf32>
        %add3A_360 = arith.addf %get3A_355, %get3A_359 : vector<16xf32>
        %max3A_361 = arith.constant 0.000000e+00 : f32
        %max3A_362 = vector.broadcast %max3A_361 : f32 to vector<16xf32>
        %max3A_363 = arith.maximumf %add3A_360, %max3A_362 : vector<16xf32>
        %swap3A_364 = arith.constant 1 : i32
        %swap3A_365 = arith.index_cast %swap3A_364 : i32 to index
        %swap3A_366 = arith.index_cast %scan3A_226 : i32 to index
        %swap3A_367 = arith.constant 96 : index
        %swap3A_368 = tpu.vector_load %arg8[%swap3A_365, %swap3A_366, %swap3A_367] {strides = array<i32>} : memref<2x128x128xf32, #tpu.memory_space<vmem>>, vector<1x1x16xf32>,
        %swap3A_369 = vector.shape_cast %swap3A_368 : vector<1x1x16xf32> to vector<16xf32>
        %swap3A_370 = vector.shape_cast %max3A_363 : vector<16xf32> to vector<1x1x16xf32>
        tpu.vector_store %arg8[%swap3A_365, %swap3A_366, %swap3A_367], %swap3A_370 {strides = array<i32>} : memref<2x128x128xf32, #tpu.memory_space<vmem>>, vector<1x1x16xf32>,
        %get3A_371 = arith.constant 1 : i32
        %get3A_372 = arith.index_cast %get3A_371 : i32 to index
        %get3A_373 = arith.index_cast %scan3A_226 : i32 to index
        %get3A_374 = arith.constant 112 : index
        %get3A_375 = tpu.vector_load %arg8[%get3A_372, %get3A_373, %get3A_374] {strides = array<i32>} : memref<2x128x128xf32, #tpu.memory_space<vmem>>, vector<1x1x16xf32>,
        %get3A_376 = vector.shape_cast %get3A_375 : vector<1x1x16xf32> to vector<16xf32>
        %get3A_377 = arith.index_cast %scan3A_226 : i32 to index
        %get3A_378 = arith.constant 112 : index
        %get3A_379 = tpu.vector_load %arg9[%get3A_377, %get3A_378] {strides = array<i32>} : memref<128x128xf32, #tpu.memory_space<vmem>>, vector<1x16xf32>,
        %get3A_380 = vector.shape_cast %get3A_379 : vector<1x16xf32> to vector<16xf32>
        %add3A_381 = arith.addf %get3A_376, %get3A_380 : vector<16xf32>
        %max3A_382 = arith.constant 0.000000e+00 : f32
        %max3A_383 = vector.broadcast %max3A_382 : f32 to vector<16xf32>
        %max3A_384 = arith.maximumf %add3A_381, %max3A_383 : vector<16xf32>
        %swap3A_385 = arith.constant 1 : i32
        %swap3A_386 = arith.index_cast %swap3A_385 : i32 to index
        %swap3A_387 = arith.index_cast %scan3A_226 : i32 to index
        %swap3A_388 = arith.constant 112 : index
        %swap3A_389 = tpu.vector_load %arg8[%swap3A_386, %swap3A_387, %swap3A_388] {strides = array<i32>} : memref<2x128x128xf32, #tpu.memory_space<vmem>>, vector<1x1x16xf32>,
        %swap3A_390 = vector.shape_cast %swap3A_389 : vector<1x1x16xf32> to vector<16xf32>
        %swap3A_391 = vector.shape_cast %max3A_384 : vector<16xf32> to vector<1x1x16xf32>
        tpu.vector_store %arg8[%swap3A_386, %swap3A_387, %swap3A_388], %swap3A_391 {strides = array<i32>} : memref<2x128x128xf32, #tpu.memory_space<vmem>>, vector<1x1x16xf32>,
      }
      %scan3A_222 = arith.constant 128 : i32
      %run_scoped3A_223 = arith.constant 1 : i32
      %run_scoped3A_224 = arith.constant 1 : i32
      %run_scoped3A_225 = arith.constant 2 : i32
      "tpu.region"() ({
        %run_scoped3A_226 = tpu.sem_alloc : memref<!tpu.dma_semaphore, #tpu.memory_space<semaphore_mem>>
        %dma_start3A_227 = arith.constant 0 : i32
        %dma_start3A_228 = arith.constant 0 : i32
        %dma_start3A_229 = tpu.memref_slice %arg8[%run_scoped3A_223, %dma_start3A_227, %dma_start3A_228] : memref<2x128x128xf32, #tpu.memory_space<vmem>> -> memref<1x128x128xf32, #tpu.memory_space<vmem>>
        %dma_start3A_230 = tpu.memref_squeeze %dma_start3A_229 : memref<1x128x128xf32, #tpu.memory_space<vmem>> -> memref<128x128xf32, #tpu.memory_space<vmem>>
        %dma_start3A_231 = arith.constant 0 : i32
        %dma_start3A_232 = tpu.memref_slice %arg7[%run_scoped3A_224, %run_scoped3A_225, %dma_start3A_231] : memref<2x3x128xi32, #tpu.memory_space<vmem>> -> memref<1x1x128xi32, #tpu.memory_space<vmem>>
        %dma_start3A_233 = tpu.memref_squeeze %dma_start3A_232 : memref<1x1x128xi32, #tpu.memory_space<vmem>> -> memref<128xi32, #tpu.memory_space<vmem>>
        %dma_start3A_234 = arith.constant 0 : i32
        %dma_start3A_235 = arith.constant 0 : i32
        %dma_start3A_236 = tpu.memref_slice %arg10[%dma_start3A_234, %dma_start3A_235] : memref<10000x128xf32, #tpu.memory_space<vmem_shared>> -> memref<10000x128xf32, #tpu.memory_space<vmem_shared>>
        tpu.enqueue_indirect_dma source(%dma_start3A_230 : memref<128x128xf32, #tpu.memory_space<vmem>>) target(%dma_start3A_236 : memref<10000x128xf32, #tpu.memory_space<vmem_shared>>) offsets(%dma_start3A_233 : memref<128xi32, #tpu.memory_space<vmem>>) semaphore(%run_scoped3A_226 : memref<!tpu.dma_semaphore, #tpu.memory_space<semaphore_mem>>) {add = true}
        %dma_wait3A_237 = arith.constant 0 : i32
        %dma_wait3A_238 = arith.constant 0 : i32
        %dma_wait3A_239 = tpu.memref_slice %arg8[%run_scoped3A_223, %dma_wait3A_237, %dma_wait3A_238] : memref<2x128x128xf32, #tpu.memory_space<vmem>> -> memref<1x128x128xf32, #tpu.memory_space<vmem>>
        %dma_wait3A_240 = tpu.memref_squeeze %dma_wait3A_239 : memref<1x128x128xf32, #tpu.memory_space<vmem>> -> memref<128x128xf32, #tpu.memory_space<vmem>>
        %dma_wait3A_241 = arith.constant 0 : i32
        %dma_wait3A_242 = tpu.memref_slice %arg7[%run_scoped3A_224, %run_scoped3A_225, %dma_wait3A_241] : memref<2x3x128xi32, #tpu.memory_space<vmem>> -> memref<1x1x128xi32, #tpu.memory_space<vmem>>
        %dma_wait3A_243 = tpu.memref_squeeze %dma_wait3A_242 : memref<1x1x128xi32, #tpu.memory_space<vmem>> -> memref<128xi32, #tpu.memory_space<vmem>>
        %dma_wait3A_244 = arith.constant 0 : i32
        %dma_wait3A_245 = arith.constant 0 : i32
        %dma_wait3A_246 = tpu.memref_slice %arg10[%dma_wait3A_244, %dma_wait3A_245] : memref<10000x128xf32, #tpu.memory_space<vmem_shared>> -> memref<10000x128xf32, #tpu.memory_space<vmem_shared>>
        tpu.wait_indirect_dma semaphore(%run_scoped3A_226 : memref<!tpu.dma_semaphore, #tpu.memory_space<semaphore_mem>>) src(%dma_wait3A_240 : memref<128x128xf32, #tpu.memory_space<vmem>>) dst(%dma_wait3A_246 : memref<10000x128xf32, #tpu.memory_space<vmem_shared>>)
        tpu.yield
      }) : () -> ()
    }
    %scan3A_61 = arith.constant 40 : i32
    %barrier3A_62 = arith.constant 0 : index
    tpu.barrier barrier_id(%barrier3A_62)
    %lt3A_63 = arith.constant 10 : i32
    %lt3A_64 = arith.cmpi slt, %arg1, %lt3A_63 : i32
    %convert_element_type3A_65 = arith.extui %lt3A_64 : i1 to i32
    %cond3A_66 = arith.constant 0 : i32
    %cond3A_67 = arith.cmpi ne, %convert_element_type3A_65, %cond3A_66 : i32
    scf.if %cond3A_67 {
      %mul3A_68 = arith.constant 1000 : i32
      %mul3A_69 = arith.muli %arg1, %mul3A_68 : i32
      "tpu.region"() ({
        %run_scoped3A = tpu.sem_alloc : memref<!tpu.dma_semaphore, #tpu.memory_space<semaphore_mem>>
        %dma_start3A_70 = arith.constant 0 : i32
        %dma_start3A_71 = tpu.memref_slice %arg6[%arg0, %mul3A_69, %dma_start3A_70] : memref<2x10000x128xf32, #tpu.memory_space<hbm>> -> memref<1x1000x128xf32, #tpu.memory_space<hbm>>
        %dma_start3A_72 = tpu.memref_squeeze %dma_start3A_71 : memref<1x1000x128xf32, #tpu.memory_space<hbm>> -> memref<1000x128xf32, #tpu.memory_space<hbm>>
        %dma_start3A_73 = arith.constant 0 : i32
        %dma_start3A_74 = tpu.memref_slice %arg10[%mul3A_69, %dma_start3A_73] : memref<10000x128xf32, #tpu.memory_space<vmem_shared>> -> memref<1000x128xf32, #tpu.memory_space<vmem_shared>>
        tpu.enqueue_dma source(%dma_start3A_74 : memref<1000x128xf32, #tpu.memory_space<vmem_shared>>) target(%dma_start3A_72 : memref<1000x128xf32, #tpu.memory_space<hbm>>) target_semaphore(%run_scoped3A : memref<!tpu.dma_semaphore, #tpu.memory_space<semaphore_mem>>)
        %dma_wait3A_75 = arith.constant 0 : i32
        %dma_wait3A_76 = tpu.memref_slice %arg6[%arg0, %mul3A_69, %dma_wait3A_75] : memref<2x10000x128xf32, #tpu.memory_space<hbm>> -> memref<1x1000x128xf32, #tpu.memory_space<hbm>>
        %dma_wait3A_77 = tpu.memref_squeeze %dma_wait3A_76 : memref<1x1000x128xf32, #tpu.memory_space<hbm>> -> memref<1000x128xf32, #tpu.memory_space<hbm>>
        %dma_wait3A_78 = arith.constant 0 : i32
        %dma_wait3A_79 = tpu.memref_slice %arg10[%mul3A_69, %dma_wait3A_78] : memref<10000x128xf32, #tpu.memory_space<vmem_shared>> -> memref<1000x128xf32, #tpu.memory_space<vmem_shared>>
        tpu.wait_dma2 semaphore(%run_scoped3A : memref<!tpu.dma_semaphore, #tpu.memory_space<semaphore_mem>>) src(%dma_wait3A_79 : memref<1000x128xf32, #tpu.memory_space<vmem_shared>>) dst(%dma_wait3A_77 : memref<1000x128xf32, #tpu.memory_space<hbm>>)
        tpu.yield
      }) : () -> ()
    } else {
    }
    return
  }
}

#map = affine_map<(d0, d1) -> (0, 0, 0)>
#map1 = affine_map<(d0, d1) -> (0, 0)>
module attributes {stable_mosaic.version = 14 : i64} {
  func.func @_sc_message_pass(%arg0: i32, %arg1: i32, %arg2: memref<32x3x10240xi32, #tpu.memory_space<hbm>>, %arg3: memref<10000x128xf32, #tpu.memory_space<hbm>>, %arg4: memref<513x128xf32, #tpu.memory_space<hbm>>, %arg5: memref<10000x128xf32, #tpu.memory_space<hbm>>, %arg6: memref<2x10000x128xf32, #tpu.memory_space<hbm>>, %arg7: memref<2x3x128xi32, #tpu.memory_space<vmem>>, %arg8: memref<2x128x128xf32, #tpu.memory_space<vmem>>, %arg9: memref<128x128xf32, #tpu.memory_space<vmem>>, %arg10: memref<10000x128xf32, #tpu.memory_space<vmem_shared>>, %arg11: memref<2x!tpu.dma_semaphore, #tpu.memory_space<semaphore_mem>>, %arg12: memref<2x!tpu.dma_semaphore, #tpu.memory_space<semaphore_mem>>, %arg13: memref<!tpu.dma_semaphore, #tpu.memory_space<semaphore_mem>>) attributes {dimension_semantics = [#tpu.dimension_semantics<core_parallel>, #tpu.dimension_semantics<subcore_parallel>], iteration_bounds = array<i64: 2, 16>, scalar_prefetch = 0 : i64, scratch_operands = 7 : i64, tpu.core_type = #tpu.core_type<sc_vector_subcore>, window_params = [{transform_indices = #map}, {transform_indices = #map1}, {transform_indices = #map1}, {transform_indices = #map1}, {transform_indices = #map}]} {
    %mul3A = arith.constant 16 : i32
    %mul3A_0 = arith.muli %arg0, %mul3A : i32
    %add3A = arith.addi %mul3A_0, %arg1 : i32
    %lt3A = arith.constant 10 : i32
    %lt3A_1 = arith.cmpi slt, %arg1, %lt3A : i32
    %convert_element_type3A = arith.extui %lt3A_1 : i1 to i32
    %cond3A = arith.constant 0 : i32
    %cond3A_2 = arith.cmpi ne, %convert_element_type3A, %cond3A : i32
    scf.if %cond3A_2 {
      %mul3A_68 = arith.constant 1000 : i32
      %mul3A_69 = arith.muli %arg1, %mul3A_68 : i32
      "tpu.region"() ({
        %run_scoped3A = tpu.sem_alloc : memref<!tpu.dma_semaphore, #tpu.memory_space<semaphore_mem>>
        %dma_start3A_70 = arith.constant 0 : i32
        %dma_start3A_71 = tpu.memref_slice %arg10[%mul3A_69, %dma_start3A_70] : memref<10000x128xf32, #tpu.memory_space<vmem_shared>> -> memref<1000x128xf32, #tpu.memory_space<vmem_shared>>
        %dma_start3A_72 = arith.constant 0 : i32
        %dma_start3A_73 = tpu.memref_slice %arg5[%mul3A_69, %dma_start3A_72] : memref<10000x128xf32, #tpu.memory_space<hbm>> -> memref<1000x128xf32, #tpu.memory_space<hbm>>
        tpu.enqueue_dma source(%dma_start3A_73 : memref<1000x128xf32, #tpu.memory_space<hbm>>) target(%dma_start3A_71 : memref<1000x128xf32, #tpu.memory_space<vmem_shared>>) target_semaphore(%run_scoped3A : memref<!tpu.dma_semaphore, #tpu.memory_space<semaphore_mem>>)
        %dma_wait3A_74 = arith.constant 0 : i32
        %dma_wait3A_75 = tpu.memref_slice %arg10[%mul3A_69, %dma_wait3A_74] : memref<10000x128xf32, #tpu.memory_space<vmem_shared>> -> memref<1000x128xf32, #tpu.memory_space<vmem_shared>>
        %dma_wait3A_76 = arith.constant 0 : i32
        %dma_wait3A_77 = tpu.memref_slice %arg5[%mul3A_69, %dma_wait3A_76] : memref<10000x128xf32, #tpu.memory_space<hbm>> -> memref<1000x128xf32, #tpu.memory_space<hbm>>
        tpu.wait_dma2 semaphore(%run_scoped3A : memref<!tpu.dma_semaphore, #tpu.memory_space<semaphore_mem>>) src(%dma_wait3A_77 : memref<1000x128xf32, #tpu.memory_space<hbm>>) dst(%dma_wait3A_75 : memref<1000x128xf32, #tpu.memory_space<vmem_shared>>)
        tpu.yield
      }) : () -> ()
    } else {
    }
    %barrier3A = arith.constant 0 : index
    tpu.barrier barrier_id(%barrier3A)
    %dma_start3A = arith.constant 0 : i32
    %dma_start3A_3 = arith.constant 0 : i32
    %dma_start3A_4 = arith.constant 0 : i32
    %dma_start3A_5 = arith.constant 0 : i32
    %dma_start3A_6 = tpu.memref_slice %arg7[%dma_start3A, %dma_start3A_4, %dma_start3A_5] : memref<2x3x128xi32, #tpu.memory_space<vmem>> -> memref<1x3x128xi32, #tpu.memory_space<vmem>>
    %dma_start3A_7 = tpu.memref_squeeze %dma_start3A_6 : memref<1x3x128xi32, #tpu.memory_space<vmem>> -> memref<3x128xi32, #tpu.memory_space<vmem>>
    %dma_start3A_8 = arith.constant 0 : i32
    %dma_start3A_9 = arith.constant 0 : i32
    %dma_start3A_10 = tpu.memref_slice %arg2[%add3A, %dma_start3A_8, %dma_start3A_9] : memref<32x3x10240xi32, #tpu.memory_space<hbm>> -> memref<1x3x128xi32, #tpu.memory_space<hbm>>
    %dma_start3A_11 = tpu.memref_squeeze %dma_start3A_10 : memref<1x3x128xi32, #tpu.memory_space<hbm>> -> memref<3x128xi32, #tpu.memory_space<hbm>>
    %dma_start3A_12 = tpu.memref_slice %arg11[%dma_start3A_3] : memref<2x!tpu.dma_semaphore, #tpu.memory_space<semaphore_mem>> -> memref<1x!tpu.dma_semaphore, #tpu.memory_space<semaphore_mem>>
    %dma_start3A_13 = tpu.memref_squeeze %dma_start3A_12 : memref<1x!tpu.dma_semaphore, #tpu.memory_space<semaphore_mem>> -> memref<!tpu.dma_semaphore, #tpu.memory_space<semaphore_mem>>
    %dma_start3A_14 = arith.constant 0 : i32
    %dma_start3A_15 = arith.constant 0 : i32
    %dma_start3A_16 = tpu.memref_slice %arg7[%dma_start3A, %dma_start3A_14, %dma_start3A_15] : memref<2x3x128xi32, #tpu.memory_space<vmem>> -> memref<1x3x128xi32, #tpu.memory_space<vmem>>
    %dma_start3A_17 = tpu.memref_squeeze %dma_start3A_16 : memref<1x3x128xi32, #tpu.memory_space<vmem>> -> memref<3x128xi32, #tpu.memory_space<vmem>>
    %dma_start3A_18 = arith.constant 0 : i32
    %dma_start3A_19 = arith.constant 0 : i32
    %dma_start3A_20 = tpu.memref_slice %arg2[%add3A, %dma_start3A_18, %dma_start3A_19] : memref<32x3x10240xi32, #tpu.memory_space<hbm>> -> memref<1x3x128xi32, #tpu.memory_space<hbm>>
    %dma_start3A_21 = tpu.memref_squeeze %dma_start3A_20 : memref<1x3x128xi32, #tpu.memory_space<hbm>> -> memref<3x128xi32, #tpu.memory_space<hbm>>
    tpu.enqueue_dma source(%dma_start3A_21 : memref<3x128xi32, #tpu.memory_space<hbm>>) target(%dma_start3A_17 : memref<3x128xi32, #tpu.memory_space<vmem>>) target_semaphore(%dma_start3A_13 : memref<!tpu.dma_semaphore, #tpu.memory_space<semaphore_mem>>)
    %dma_wait3A = arith.constant 0 : i32
    %dma_wait3A_22 = arith.constant 0 : i32
    %dma_wait3A_23 = arith.constant 0 : i32
    %dma_wait3A_24 = arith.constant 0 : i32
    %dma_wait3A_25 = tpu.memref_slice %arg7[%dma_wait3A, %dma_wait3A_23, %dma_wait3A_24] : memref<2x3x128xi32, #tpu.memory_space<vmem>> -> memref<1x3x128xi32, #tpu.memory_space<vmem>>
    %dma_wait3A_26 = tpu.memref_squeeze %dma_wait3A_25 : memref<1x3x128xi32, #tpu.memory_space<vmem>> -> memref<3x128xi32, #tpu.memory_space<vmem>>
    %dma_wait3A_27 = arith.constant 0 : i32
    %dma_wait3A_28 = arith.constant 0 : i32
    %dma_wait3A_29 = tpu.memref_slice %arg2[%add3A, %dma_wait3A_27, %dma_wait3A_28] : memref<32x3x10240xi32, #tpu.memory_space<hbm>> -> memref<1x3x128xi32, #tpu.memory_space<hbm>>
    %dma_wait3A_30 = tpu.memref_squeeze %dma_wait3A_29 : memref<1x3x128xi32, #tpu.memory_space<hbm>> -> memref<3x128xi32, #tpu.memory_space<hbm>>
    %dma_wait3A_31 = tpu.memref_slice %arg11[%dma_wait3A_22] : memref<2x!tpu.dma_semaphore, #tpu.memory_space<semaphore_mem>> -> memref<1x!tpu.dma_semaphore, #tpu.memory_space<semaphore_mem>>
    %dma_wait3A_32 = tpu.memref_squeeze %dma_wait3A_31 : memref<1x!tpu.dma_semaphore, #tpu.memory_space<semaphore_mem>> -> memref<!tpu.dma_semaphore, #tpu.memory_space<semaphore_mem>>
    %dma_wait3A_33 = arith.constant 0 : i32
    %dma_wait3A_34 = arith.constant 0 : i32
    %dma_wait3A_35 = tpu.memref_slice %arg7[%dma_wait3A, %dma_wait3A_33, %dma_wait3A_34] : memref<2x3x128xi32, #tpu.memory_space<vmem>> -> memref<1x3x128xi32, #tpu.memory_space<vmem>>
    %dma_wait3A_36 = tpu.memref_squeeze %dma_wait3A_35 : memref<1x3x128xi32, #tpu.memory_space<vmem>> -> memref<3x128xi32, #tpu.memory_space<vmem>>
    %dma_wait3A_37 = arith.constant 0 : i32
    %dma_wait3A_38 = arith.constant 0 : i32
    %dma_wait3A_39 = tpu.memref_slice %arg2[%add3A, %dma_wait3A_37, %dma_wait3A_38] : memref<32x3x10240xi32, #tpu.memory_space<hbm>> -> memref<1x3x128xi32, #tpu.memory_space<hbm>>
    %dma_wait3A_40 = tpu.memref_squeeze %dma_wait3A_39 : memref<1x3x128xi32, #tpu.memory_space<hbm>> -> memref<3x128xi32, #tpu.memory_space<hbm>>
    tpu.wait_dma2 semaphore(%dma_wait3A_32 : memref<!tpu.dma_semaphore, #tpu.memory_space<semaphore_mem>>) src(%dma_wait3A_40 : memref<3x128xi32, #tpu.memory_space<hbm>>) dst(%dma_wait3A_36 : memref<3x128xi32, #tpu.memory_space<vmem>>)
    %dma_start3A_41 = arith.constant 0 : i32
    %dma_start3A_42 = arith.constant 0 : i32
    %dma_start3A_43 = arith.constant 0 : i32
    %dma_start3A_44 = arith.constant 0 : i32
    %dma_start3A_45 = arith.constant 0 : i32
    %dma_start3A_46 = arith.constant 0 : i32
    %dma_start3A_47 = tpu.memref_slice %arg8[%dma_start3A_43, %dma_start3A_45, %dma_start3A_46] : memref<2x128x128xf32, #tpu.memory_space<vmem>> -> memref<1x128x128xf32, #tpu.memory_space<vmem>>
    %dma_start3A_48 = tpu.memref_squeeze %dma_start3A_47 : memref<1x128x128xf32, #tpu.memory_space<vmem>> -> memref<128x128xf32, #tpu.memory_space<vmem>>
    %dma_start3A_49 = arith.constant 0 : i32
    %dma_start3A_50 = tpu.memref_slice %arg7[%dma_start3A_41, %dma_start3A_42, %dma_start3A_49] : memref<2x3x128xi32, #tpu.memory_space<vmem>> -> memref<1x1x128xi32, #tpu.memory_space<vmem>>
    %dma_start3A_51 = tpu.memref_squeeze %dma_start3A_50 : memref<1x1x128xi32, #tpu.memory_space<vmem>> -> memref<128xi32, #tpu.memory_space<vmem>>
    %dma_start3A_52 = arith.constant 0 : i32
    %dma_start3A_53 = arith.constant 0 : i32
    %dma_start3A_54 = tpu.memref_slice %arg3[%dma_start3A_52, %dma_start3A_53] : memref<10000x128xf32, #tpu.memory_space<hbm>> -> memref<10000x128xf32, #tpu.memory_space<hbm>>
    %dma_start3A_55 = tpu.memref_slice %arg12[%dma_start3A_44] : memref<2x!tpu.dma_semaphore, #tpu.memory_space<semaphore_mem>> -> memref<1x!tpu.dma_semaphore, #tpu.memory_space<semaphore_mem>>
    %dma_start3A_56 = tpu.memref_squeeze %dma_start3A_55 : memref<1x!tpu.dma_semaphore, #tpu.memory_space<semaphore_mem>> -> memref<!tpu.dma_semaphore, #tpu.memory_space<semaphore_mem>>
    tpu.enqueue_indirect_dma source(%dma_start3A_54 : memref<10000x128xf32, #tpu.memory_space<hbm>>) target(%dma_start3A_48 : memref<128x128xf32, #tpu.memory_space<vmem>>) offsets(%dma_start3A_51 : memref<128xi32, #tpu.memory_space<vmem>>) semaphore(%dma_start3A_56 : memref<!tpu.dma_semaphore, #tpu.memory_space<semaphore_mem>>)
    %scan3A = arith.constant 0 : i32
    %scan3A_57 = arith.constant 0 : i32
    %scan3A_58 = arith.constant 40 : i32
    %scan3A_59 = arith.addi %scan3A_57, %scan3A_58 : i32
    %scan3A_60 = arith.constant 1 : i32
    scf.for %scan3A_68 = %scan3A_57 to %scan3A_59 step %scan3A_60  : i32 {
      %mul3A_69 = arith.constant 2 : i32
      %mul3A_70 = arith.muli %mul3A_69, %scan3A_68 : i32
      %add3A_71 = arith.constant 0 : i32
      %add3A_72 = arith.addi %mul3A_70, %add3A_71 : i32
      %add3A_73 = arith.constant 1 : i32
      %add3A_74 = arith.addi %add3A_72, %add3A_73 : i32
      %mul3A_75 = arith.constant 128 : i32
      %mul3A_76 = arith.muli %add3A_74, %mul3A_75 : i32
      %dma_start3A_77 = arith.constant 1 : i32
      %dma_start3A_78 = arith.constant 1 : i32
      %dma_start3A_79 = arith.constant 0 : i32
      %dma_start3A_80 = arith.constant 0 : i32
      %dma_start3A_81 = tpu.memref_slice %arg7[%dma_start3A_77, %dma_start3A_79, %dma_start3A_80] : memref<2x3x128xi32, #tpu.memory_space<vmem>> -> memref<1x3x128xi32, #tpu.memory_space<vmem>>
      %dma_start3A_82 = tpu.memref_squeeze %dma_start3A_81 : memref<1x3x128xi32, #tpu.memory_space<vmem>> -> memref<3x128xi32, #tpu.memory_space<vmem>>
      %dma_start3A_83 = arith.constant 0 : i32
      %dma_start3A_84 = tpu.memref_slice %arg2[%add3A, %dma_start3A_83, %mul3A_76] : memref<32x3x10240xi32, #tpu.memory_space<hbm>> -> memref<1x3x128xi32, #tpu.memory_space<hbm>>
      %dma_start3A_85 = tpu.memref_squeeze %dma_start3A_84 : memref<1x3x128xi32, #tpu.memory_space<hbm>> -> memref<3x128xi32, #tpu.memory_space<hbm>>
      %dma_start3A_86 = tpu.memref_slice %arg11[%dma_start3A_78] : memref<2x!tpu.dma_semaphore, #tpu.memory_space<semaphore_mem>> -> memref<1x!tpu.dma_semaphore, #tpu.memory_space<semaphore_mem>>
      %dma_start3A_87 = tpu.memref_squeeze %dma_start3A_86 : memref<1x!tpu.dma_semaphore, #tpu.memory_space<semaphore_mem>> -> memref<!tpu.dma_semaphore, #tpu.memory_space<semaphore_mem>>
      %dma_start3A_88 = arith.constant 0 : i32
      %dma_start3A_89 = arith.constant 0 : i32
      %dma_start3A_90 = tpu.memref_slice %arg7[%dma_start3A_77, %dma_start3A_88, %dma_start3A_89] : memref<2x3x128xi32, #tpu.memory_space<vmem>> -> memref<1x3x128xi32, #tpu.memory_space<vmem>>
      %dma_start3A_91 = tpu.memref_squeeze %dma_start3A_90 : memref<1x3x128xi32, #tpu.memory_space<vmem>> -> memref<3x128xi32, #tpu.memory_space<vmem>>
      %dma_start3A_92 = arith.constant 0 : i32
      %dma_start3A_93 = tpu.memref_slice %arg2[%add3A, %dma_start3A_92, %mul3A_76] : memref<32x3x10240xi32, #tpu.memory_space<hbm>> -> memref<1x3x128xi32, #tpu.memory_space<hbm>>
      %dma_start3A_94 = tpu.memref_squeeze %dma_start3A_93 : memref<1x3x128xi32, #tpu.memory_space<hbm>> -> memref<3x128xi32, #tpu.memory_space<hbm>>
      tpu.enqueue_dma source(%dma_start3A_94 : memref<3x128xi32, #tpu.memory_space<hbm>>) target(%dma_start3A_91 : memref<3x128xi32, #tpu.memory_space<vmem>>) target_semaphore(%dma_start3A_87 : memref<!tpu.dma_semaphore, #tpu.memory_space<semaphore_mem>>)
      %dma_start3A_95 = arith.constant 0 : i32
      %dma_start3A_96 = arith.constant 1 : i32
      %dma_start3A_97 = arith.constant 0 : i32
      %dma_start3A_98 = tpu.memref_slice %arg7[%dma_start3A_95, %dma_start3A_96, %dma_start3A_97] : memref<2x3x128xi32, #tpu.memory_space<vmem>> -> memref<1x1x128xi32, #tpu.memory_space<vmem>>
      %dma_start3A_99 = tpu.memref_squeeze %dma_start3A_98 : memref<1x1x128xi32, #tpu.memory_space<vmem>> -> memref<128xi32, #tpu.memory_space<vmem>>
      %dma_start3A_100 = arith.constant 0 : i32
      %dma_start3A_101 = arith.constant 0 : i32
      %dma_start3A_102 = tpu.memref_slice %arg4[%dma_start3A_100, %dma_start3A_101] : memref<513x128xf32, #tpu.memory_space<hbm>> -> memref<513x128xf32, #tpu.memory_space<hbm>>
      tpu.enqueue_indirect_dma source(%dma_start3A_102 : memref<513x128xf32, #tpu.memory_space<hbm>>) target(%arg9 : memref<128x128xf32, #tpu.memory_space<vmem>>) offsets(%dma_start3A_99 : memref<128xi32, #tpu.memory_space<vmem>>) semaphore(%arg13 : memref<!tpu.dma_semaphore, #tpu.memory_space<semaphore_mem>>)
      %dma_wait3A_103 = arith.constant 0 : i32
      %dma_wait3A_104 = arith.constant 0 : i32
      %dma_wait3A_105 = arith.constant 0 : i32
      %dma_wait3A_106 = arith.constant 0 : i32
      %dma_wait3A_107 = arith.constant 0 : i32
      %dma_wait3A_108 = arith.constant 0 : i32
      %dma_wait3A_109 = tpu.memref_slice %arg8[%dma_wait3A_105, %dma_wait3A_107, %dma_wait3A_108] : memref<2x128x128xf32, #tpu.memory_space<vmem>> -> memref<1x128x128xf32, #tpu.memory_space<vmem>>
      %dma_wait3A_110 = tpu.memref_squeeze %dma_wait3A_109 : memref<1x128x128xf32, #tpu.memory_space<vmem>> -> memref<128x128xf32, #tpu.memory_space<vmem>>
      %dma_wait3A_111 = arith.constant 0 : i32
      %dma_wait3A_112 = tpu.memref_slice %arg7[%dma_wait3A_103, %dma_wait3A_104, %dma_wait3A_111] : memref<2x3x128xi32, #tpu.memory_space<vmem>> -> memref<1x1x128xi32, #tpu.memory_space<vmem>>
      %dma_wait3A_113 = tpu.memref_squeeze %dma_wait3A_112 : memref<1x1x128xi32, #tpu.memory_space<vmem>> -> memref<128xi32, #tpu.memory_space<vmem>>
      %dma_wait3A_114 = arith.constant 0 : i32
      %dma_wait3A_115 = arith.constant 0 : i32
      %dma_wait3A_116 = tpu.memref_slice %arg3[%dma_wait3A_114, %dma_wait3A_115] : memref<10000x128xf32, #tpu.memory_space<hbm>> -> memref<10000x128xf32, #tpu.memory_space<hbm>>
      %dma_wait3A_117 = tpu.memref_slice %arg12[%dma_wait3A_106] : memref<2x!tpu.dma_semaphore, #tpu.memory_space<semaphore_mem>> -> memref<1x!tpu.dma_semaphore, #tpu.memory_space<semaphore_mem>>
      %dma_wait3A_118 = tpu.memref_squeeze %dma_wait3A_117 : memref<1x!tpu.dma_semaphore, #tpu.memory_space<semaphore_mem>> -> memref<!tpu.dma_semaphore, #tpu.memory_space<semaphore_mem>>
      tpu.wait_indirect_dma semaphore(%dma_wait3A_118 : memref<!tpu.dma_semaphore, #tpu.memory_space<semaphore_mem>>) src(%dma_wait3A_116 : memref<10000x128xf32, #tpu.memory_space<hbm>>) dst(%dma_wait3A_110 : memref<128x128xf32, #tpu.memory_space<vmem>>)
      %dma_wait3A_119 = arith.constant 1 : i32
      %dma_wait3A_120 = arith.constant 1 : i32
      %dma_wait3A_121 = arith.constant 0 : i32
      %dma_wait3A_122 = arith.constant 0 : i32
      %dma_wait3A_123 = tpu.memref_slice %arg7[%dma_wait3A_119, %dma_wait3A_121, %dma_wait3A_122] : memref<2x3x128xi32, #tpu.memory_space<vmem>> -> memref<1x3x128xi32, #tpu.memory_space<vmem>>
      %dma_wait3A_124 = tpu.memref_squeeze %dma_wait3A_123 : memref<1x3x128xi32, #tpu.memory_space<vmem>> -> memref<3x128xi32, #tpu.memory_space<vmem>>
      %dma_wait3A_125 = arith.constant 0 : i32
      %dma_wait3A_126 = arith.constant 0 : i32
      %dma_wait3A_127 = tpu.memref_slice %arg2[%add3A, %dma_wait3A_125, %dma_wait3A_126] : memref<32x3x10240xi32, #tpu.memory_space<hbm>> -> memref<1x3x128xi32, #tpu.memory_space<hbm>>
      %dma_wait3A_128 = tpu.memref_squeeze %dma_wait3A_127 : memref<1x3x128xi32, #tpu.memory_space<hbm>> -> memref<3x128xi32, #tpu.memory_space<hbm>>
      %dma_wait3A_129 = tpu.memref_slice %arg11[%dma_wait3A_120] : memref<2x!tpu.dma_semaphore, #tpu.memory_space<semaphore_mem>> -> memref<1x!tpu.dma_semaphore, #tpu.memory_space<semaphore_mem>>
      %dma_wait3A_130 = tpu.memref_squeeze %dma_wait3A_129 : memref<1x!tpu.dma_semaphore, #tpu.memory_space<semaphore_mem>> -> memref<!tpu.dma_semaphore, #tpu.memory_space<semaphore_mem>>
      %dma_wait3A_131 = arith.constant 0 : i32
      %dma_wait3A_132 = arith.constant 0 : i32
      %dma_wait3A_133 = tpu.memref_slice %arg7[%dma_wait3A_119, %dma_wait3A_131, %dma_wait3A_132] : memref<2x3x128xi32, #tpu.memory_space<vmem>> -> memref<1x3x128xi32, #tpu.memory_space<vmem>>
      %dma_wait3A_134 = tpu.memref_squeeze %dma_wait3A_133 : memref<1x3x128xi32, #tpu.memory_space<vmem>> -> memref<3x128xi32, #tpu.memory_space<vmem>>
      %dma_wait3A_135 = arith.constant 0 : i32
      %dma_wait3A_136 = arith.constant 0 : i32
      %dma_wait3A_137 = tpu.memref_slice %arg2[%add3A, %dma_wait3A_135, %dma_wait3A_136] : memref<32x3x10240xi32, #tpu.memory_space<hbm>> -> memref<1x3x128xi32, #tpu.memory_space<hbm>>
      %dma_wait3A_138 = tpu.memref_squeeze %dma_wait3A_137 : memref<1x3x128xi32, #tpu.memory_space<hbm>> -> memref<3x128xi32, #tpu.memory_space<hbm>>
      tpu.wait_dma2 semaphore(%dma_wait3A_130 : memref<!tpu.dma_semaphore, #tpu.memory_space<semaphore_mem>>) src(%dma_wait3A_138 : memref<3x128xi32, #tpu.memory_space<hbm>>) dst(%dma_wait3A_134 : memref<3x128xi32, #tpu.memory_space<vmem>>)
      %dma_start3A_139 = arith.constant 1 : i32
      %dma_start3A_140 = arith.constant 0 : i32
      %dma_start3A_141 = arith.constant 1 : i32
      %dma_start3A_142 = arith.constant 1 : i32
      %dma_start3A_143 = arith.constant 0 : i32
      %dma_start3A_144 = arith.constant 0 : i32
      %dma_start3A_145 = tpu.memref_slice %arg8[%dma_start3A_141, %dma_start3A_143, %dma_start3A_144] : memref<2x128x128xf32, #tpu.memory_space<vmem>> -> memref<1x128x128xf32, #tpu.memory_space<vmem>>
      %dma_start3A_146 = tpu.memref_squeeze %dma_start3A_145 : memref<1x128x128xf32, #tpu.memory_space<vmem>> -> memref<128x128xf32, #tpu.memory_space<vmem>>
      %dma_start3A_147 = arith.constant 0 : i32
      %dma_start3A_148 = tpu.memref_slice %arg7[%dma_start3A_139, %dma_start3A_140, %dma_start3A_147] : memref<2x3x128xi32, #tpu.memory_space<vmem>> -> memref<1x1x128xi32, #tpu.memory_space<vmem>>
      %dma_start3A_149 = tpu.memref_squeeze %dma_start3A_148 : memref<1x1x128xi32, #tpu.memory_space<vmem>> -> memref<128xi32, #tpu.memory_space<vmem>>
      %dma_start3A_150 = arith.constant 0 : i32
      %dma_start3A_151 = arith.constant 0 : i32
      %dma_start3A_152 = tpu.memref_slice %arg3[%dma_start3A_150, %dma_start3A_151] : memref<10000x128xf32, #tpu.memory_space<hbm>> -> memref<10000x128xf32, #tpu.memory_space<hbm>>
      %dma_start3A_153 = tpu.memref_slice %arg12[%dma_start3A_142] : memref<2x!tpu.dma_semaphore, #tpu.memory_space<semaphore_mem>> -> memref<1x!tpu.dma_semaphore, #tpu.memory_space<semaphore_mem>>
      %dma_start3A_154 = tpu.memref_squeeze %dma_start3A_153 : memref<1x!tpu.dma_semaphore, #tpu.memory_space<semaphore_mem>> -> memref<!tpu.dma_semaphore, #tpu.memory_space<semaphore_mem>>
      tpu.enqueue_indirect_dma source(%dma_start3A_152 : memref<10000x128xf32, #tpu.memory_space<hbm>>) target(%dma_start3A_146 : memref<128x128xf32, #tpu.memory_space<vmem>>) offsets(%dma_start3A_149 : memref<128xi32, #tpu.memory_space<vmem>>) semaphore(%dma_start3A_154 : memref<!tpu.dma_semaphore, #tpu.memory_space<semaphore_mem>>)
      %dma_wait3A_155 = arith.constant 0 : i32
      %dma_wait3A_156 = arith.constant 1 : i32
      %dma_wait3A_157 = arith.constant 0 : i32
      %dma_wait3A_158 = tpu.memref_slice %arg7[%dma_wait3A_155, %dma_wait3A_156, %dma_wait3A_157] : memref<2x3x128xi32, #tpu.memory_space<vmem>> -> memref<1x1x128xi32, #tpu.memory_space<vmem>>
      %dma_wait3A_159 = tpu.memref_squeeze %dma_wait3A_158 : memref<1x1x128xi32, #tpu.memory_space<vmem>> -> memref<128xi32, #tpu.memory_space<vmem>>
      %dma_wait3A_160 = arith.constant 0 : i32
      %dma_wait3A_161 = arith.constant 0 : i32
      %dma_wait3A_162 = tpu.memref_slice %arg4[%dma_wait3A_160, %dma_wait3A_161] : memref<513x128xf32, #tpu.memory_space<hbm>> -> memref<513x128xf32, #tpu.memory_space<hbm>>
      tpu.wait_indirect_dma semaphore(%arg13 : memref<!tpu.dma_semaphore, #tpu.memory_space<semaphore_mem>>) src(%dma_wait3A_162 : memref<513x128xf32, #tpu.memory_space<hbm>>) dst(%arg9 : memref<128x128xf32, #tpu.memory_space<vmem>>)
      %scan3A_163 = arith.constant 0 : i32
      %scan3A_164 = arith.constant 0 : i32
      %scan3A_165 = arith.constant 128 : i32
      %scan3A_166 = arith.addi %scan3A_164, %scan3A_165 : i32
      %scan3A_167 = arith.constant 1 : i32
      scf.for %scan3A_226 = %scan3A_164 to %scan3A_166 step %scan3A_167  : i32 {
        %get3A = arith.constant 0 : i32
        %get3A_227 = arith.index_cast %get3A : i32 to index
        %get3A_228 = arith.index_cast %scan3A_226 : i32 to index
        %get3A_229 = arith.constant 0 : index
        %get3A_230 = tpu.vector_load %arg8[%get3A_227, %get3A_228, %get3A_229] {strides = array<i32>} : memref<2x128x128xf32, #tpu.memory_space<vmem>>, vector<1x1x16xf32>,
        %get3A_231 = vector.shape_cast %get3A_230 : vector<1x1x16xf32> to vector<16xf32>
        %get3A_232 = arith.index_cast %scan3A_226 : i32 to index
        %get3A_233 = arith.constant 0 : index
        %get3A_234 = tpu.vector_load %arg9[%get3A_232, %get3A_233] {strides = array<i32>} : memref<128x128xf32, #tpu.memory_space<vmem>>, vector<1x16xf32>,
        %get3A_235 = vector.shape_cast %get3A_234 : vector<1x16xf32> to vector<16xf32>
        %add3A_236 = arith.addf %get3A_231, %get3A_235 : vector<16xf32>
        %max3A = arith.constant 0.000000e+00 : f32
        %max3A_237 = vector.broadcast %max3A : f32 to vector<16xf32>
        %max3A_238 = arith.maximumf %add3A_236, %max3A_237 : vector<16xf32>
        %swap3A = arith.constant 0 : i32
        %swap3A_239 = arith.index_cast %swap3A : i32 to index
        %swap3A_240 = arith.index_cast %scan3A_226 : i32 to index
        %swap3A_241 = arith.constant 0 : index
        %swap3A_242 = tpu.vector_load %arg8[%swap3A_239, %swap3A_240, %swap3A_241] {strides = array<i32>} : memref<2x128x128xf32, #tpu.memory_space<vmem>>, vector<1x1x16xf32>,
        %swap3A_243 = vector.shape_cast %swap3A_242 : vector<1x1x16xf32> to vector<16xf32>
        %swap3A_244 = vector.shape_cast %max3A_238 : vector<16xf32> to vector<1x1x16xf32>
        tpu.vector_store %arg8[%swap3A_239, %swap3A_240, %swap3A_241], %swap3A_244 {strides = array<i32>} : memref<2x128x128xf32, #tpu.memory_space<vmem>>, vector<1x1x16xf32>,
        %get3A_245 = arith.constant 0 : i32
        %get3A_246 = arith.index_cast %get3A_245 : i32 to index
        %get3A_247 = arith.index_cast %scan3A_226 : i32 to index
        %get3A_248 = arith.constant 16 : index
        %get3A_249 = tpu.vector_load %arg8[%get3A_246, %get3A_247, %get3A_248] {strides = array<i32>} : memref<2x128x128xf32, #tpu.memory_space<vmem>>, vector<1x1x16xf32>,
        %get3A_250 = vector.shape_cast %get3A_249 : vector<1x1x16xf32> to vector<16xf32>
        %get3A_251 = arith.index_cast %scan3A_226 : i32 to index
        %get3A_252 = arith.constant 16 : index
        %get3A_253 = tpu.vector_load %arg9[%get3A_251, %get3A_252] {strides = array<i32>} : memref<128x128xf32, #tpu.memory_space<vmem>>, vector<1x16xf32>,
        %get3A_254 = vector.shape_cast %get3A_253 : vector<1x16xf32> to vector<16xf32>
        %add3A_255 = arith.addf %get3A_250, %get3A_254 : vector<16xf32>
        %max3A_256 = arith.constant 0.000000e+00 : f32
        %max3A_257 = vector.broadcast %max3A_256 : f32 to vector<16xf32>
        %max3A_258 = arith.maximumf %add3A_255, %max3A_257 : vector<16xf32>
        %swap3A_259 = arith.constant 0 : i32
        %swap3A_260 = arith.index_cast %swap3A_259 : i32 to index
        %swap3A_261 = arith.index_cast %scan3A_226 : i32 to index
        %swap3A_262 = arith.constant 16 : index
        %swap3A_263 = tpu.vector_load %arg8[%swap3A_260, %swap3A_261, %swap3A_262] {strides = array<i32>} : memref<2x128x128xf32, #tpu.memory_space<vmem>>, vector<1x1x16xf32>,
        %swap3A_264 = vector.shape_cast %swap3A_263 : vector<1x1x16xf32> to vector<16xf32>
        %swap3A_265 = vector.shape_cast %max3A_258 : vector<16xf32> to vector<1x1x16xf32>
        tpu.vector_store %arg8[%swap3A_260, %swap3A_261, %swap3A_262], %swap3A_265 {strides = array<i32>} : memref<2x128x128xf32, #tpu.memory_space<vmem>>, vector<1x1x16xf32>,
        %get3A_266 = arith.constant 0 : i32
        %get3A_267 = arith.index_cast %get3A_266 : i32 to index
        %get3A_268 = arith.index_cast %scan3A_226 : i32 to index
        %get3A_269 = arith.constant 32 : index
        %get3A_270 = tpu.vector_load %arg8[%get3A_267, %get3A_268, %get3A_269] {strides = array<i32>} : memref<2x128x128xf32, #tpu.memory_space<vmem>>, vector<1x1x16xf32>,
        %get3A_271 = vector.shape_cast %get3A_270 : vector<1x1x16xf32> to vector<16xf32>
        %get3A_272 = arith.index_cast %scan3A_226 : i32 to index
        %get3A_273 = arith.constant 32 : index
        %get3A_274 = tpu.vector_load %arg9[%get3A_272, %get3A_273] {strides = array<i32>} : memref<128x128xf32, #tpu.memory_space<vmem>>, vector<1x16xf32>,
        %get3A_275 = vector.shape_cast %get3A_274 : vector<1x16xf32> to vector<16xf32>
        %add3A_276 = arith.addf %get3A_271, %get3A_275 : vector<16xf32>
        %max3A_277 = arith.constant 0.000000e+00 : f32
        %max3A_278 = vector.broadcast %max3A_277 : f32 to vector<16xf32>
        %max3A_279 = arith.maximumf %add3A_276, %max3A_278 : vector<16xf32>
        %swap3A_280 = arith.constant 0 : i32
        %swap3A_281 = arith.index_cast %swap3A_280 : i32 to index
        %swap3A_282 = arith.index_cast %scan3A_226 : i32 to index
        %swap3A_283 = arith.constant 32 : index
        %swap3A_284 = tpu.vector_load %arg8[%swap3A_281, %swap3A_282, %swap3A_283] {strides = array<i32>} : memref<2x128x128xf32, #tpu.memory_space<vmem>>, vector<1x1x16xf32>,
        %swap3A_285 = vector.shape_cast %swap3A_284 : vector<1x1x16xf32> to vector<16xf32>
        %swap3A_286 = vector.shape_cast %max3A_279 : vector<16xf32> to vector<1x1x16xf32>
        tpu.vector_store %arg8[%swap3A_281, %swap3A_282, %swap3A_283], %swap3A_286 {strides = array<i32>} : memref<2x128x128xf32, #tpu.memory_space<vmem>>, vector<1x1x16xf32>,
        %get3A_287 = arith.constant 0 : i32
        %get3A_288 = arith.index_cast %get3A_287 : i32 to index
        %get3A_289 = arith.index_cast %scan3A_226 : i32 to index
        %get3A_290 = arith.constant 48 : index
        %get3A_291 = tpu.vector_load %arg8[%get3A_288, %get3A_289, %get3A_290] {strides = array<i32>} : memref<2x128x128xf32, #tpu.memory_space<vmem>>, vector<1x1x16xf32>,
        %get3A_292 = vector.shape_cast %get3A_291 : vector<1x1x16xf32> to vector<16xf32>
        %get3A_293 = arith.index_cast %scan3A_226 : i32 to index
        %get3A_294 = arith.constant 48 : index
        %get3A_295 = tpu.vector_load %arg9[%get3A_293, %get3A_294] {strides = array<i32>} : memref<128x128xf32, #tpu.memory_space<vmem>>, vector<1x16xf32>,
        %get3A_296 = vector.shape_cast %get3A_295 : vector<1x16xf32> to vector<16xf32>
        %add3A_297 = arith.addf %get3A_292, %get3A_296 : vector<16xf32>
        %max3A_298 = arith.constant 0.000000e+00 : f32
        %max3A_299 = vector.broadcast %max3A_298 : f32 to vector<16xf32>
        %max3A_300 = arith.maximumf %add3A_297, %max3A_299 : vector<16xf32>
        %swap3A_301 = arith.constant 0 : i32
        %swap3A_302 = arith.index_cast %swap3A_301 : i32 to index
        %swap3A_303 = arith.index_cast %scan3A_226 : i32 to index
        %swap3A_304 = arith.constant 48 : index
        %swap3A_305 = tpu.vector_load %arg8[%swap3A_302, %swap3A_303, %swap3A_304] {strides = array<i32>} : memref<2x128x128xf32, #tpu.memory_space<vmem>>, vector<1x1x16xf32>,
        %swap3A_306 = vector.shape_cast %swap3A_305 : vector<1x1x16xf32> to vector<16xf32>
        %swap3A_307 = vector.shape_cast %max3A_300 : vector<16xf32> to vector<1x1x16xf32>
        tpu.vector_store %arg8[%swap3A_302, %swap3A_303, %swap3A_304], %swap3A_307 {strides = array<i32>} : memref<2x128x128xf32, #tpu.memory_space<vmem>>, vector<1x1x16xf32>,
        %get3A_308 = arith.constant 0 : i32
        %get3A_309 = arith.index_cast %get3A_308 : i32 to index
        %get3A_310 = arith.index_cast %scan3A_226 : i32 to index
        %get3A_311 = arith.constant 64 : index
        %get3A_312 = tpu.vector_load %arg8[%get3A_309, %get3A_310, %get3A_311] {strides = array<i32>} : memref<2x128x128xf32, #tpu.memory_space<vmem>>, vector<1x1x16xf32>,
        %get3A_313 = vector.shape_cast %get3A_312 : vector<1x1x16xf32> to vector<16xf32>
        %get3A_314 = arith.index_cast %scan3A_226 : i32 to index
        %get3A_315 = arith.constant 64 : index
        %get3A_316 = tpu.vector_load %arg9[%get3A_314, %get3A_315] {strides = array<i32>} : memref<128x128xf32, #tpu.memory_space<vmem>>, vector<1x16xf32>,
        %get3A_317 = vector.shape_cast %get3A_316 : vector<1x16xf32> to vector<16xf32>
        %add3A_318 = arith.addf %get3A_313, %get3A_317 : vector<16xf32>
        %max3A_319 = arith.constant 0.000000e+00 : f32
        %max3A_320 = vector.broadcast %max3A_319 : f32 to vector<16xf32>
        %max3A_321 = arith.maximumf %add3A_318, %max3A_320 : vector<16xf32>
        %swap3A_322 = arith.constant 0 : i32
        %swap3A_323 = arith.index_cast %swap3A_322 : i32 to index
        %swap3A_324 = arith.index_cast %scan3A_226 : i32 to index
        %swap3A_325 = arith.constant 64 : index
        %swap3A_326 = tpu.vector_load %arg8[%swap3A_323, %swap3A_324, %swap3A_325] {strides = array<i32>} : memref<2x128x128xf32, #tpu.memory_space<vmem>>, vector<1x1x16xf32>,
        %swap3A_327 = vector.shape_cast %swap3A_326 : vector<1x1x16xf32> to vector<16xf32>
        %swap3A_328 = vector.shape_cast %max3A_321 : vector<16xf32> to vector<1x1x16xf32>
        tpu.vector_store %arg8[%swap3A_323, %swap3A_324, %swap3A_325], %swap3A_328 {strides = array<i32>} : memref<2x128x128xf32, #tpu.memory_space<vmem>>, vector<1x1x16xf32>,
        %get3A_329 = arith.constant 0 : i32
        %get3A_330 = arith.index_cast %get3A_329 : i32 to index
        %get3A_331 = arith.index_cast %scan3A_226 : i32 to index
        %get3A_332 = arith.constant 80 : index
        %get3A_333 = tpu.vector_load %arg8[%get3A_330, %get3A_331, %get3A_332] {strides = array<i32>} : memref<2x128x128xf32, #tpu.memory_space<vmem>>, vector<1x1x16xf32>,
        %get3A_334 = vector.shape_cast %get3A_333 : vector<1x1x16xf32> to vector<16xf32>
        %get3A_335 = arith.index_cast %scan3A_226 : i32 to index
        %get3A_336 = arith.constant 80 : index
        %get3A_337 = tpu.vector_load %arg9[%get3A_335, %get3A_336] {strides = array<i32>} : memref<128x128xf32, #tpu.memory_space<vmem>>, vector<1x16xf32>,
        %get3A_338 = vector.shape_cast %get3A_337 : vector<1x16xf32> to vector<16xf32>
        %add3A_339 = arith.addf %get3A_334, %get3A_338 : vector<16xf32>
        %max3A_340 = arith.constant 0.000000e+00 : f32
        %max3A_341 = vector.broadcast %max3A_340 : f32 to vector<16xf32>
        %max3A_342 = arith.maximumf %add3A_339, %max3A_341 : vector<16xf32>
        %swap3A_343 = arith.constant 0 : i32
        %swap3A_344 = arith.index_cast %swap3A_343 : i32 to index
        %swap3A_345 = arith.index_cast %scan3A_226 : i32 to index
        %swap3A_346 = arith.constant 80 : index
        %swap3A_347 = tpu.vector_load %arg8[%swap3A_344, %swap3A_345, %swap3A_346] {strides = array<i32>} : memref<2x128x128xf32, #tpu.memory_space<vmem>>, vector<1x1x16xf32>,
        %swap3A_348 = vector.shape_cast %swap3A_347 : vector<1x1x16xf32> to vector<16xf32>
        %swap3A_349 = vector.shape_cast %max3A_342 : vector<16xf32> to vector<1x1x16xf32>
        tpu.vector_store %arg8[%swap3A_344, %swap3A_345, %swap3A_346], %swap3A_349 {strides = array<i32>} : memref<2x128x128xf32, #tpu.memory_space<vmem>>, vector<1x1x16xf32>,
        %get3A_350 = arith.constant 0 : i32
        %get3A_351 = arith.index_cast %get3A_350 : i32 to index
        %get3A_352 = arith.index_cast %scan3A_226 : i32 to index
        %get3A_353 = arith.constant 96 : index
        %get3A_354 = tpu.vector_load %arg8[%get3A_351, %get3A_352, %get3A_353] {strides = array<i32>} : memref<2x128x128xf32, #tpu.memory_space<vmem>>, vector<1x1x16xf32>,
        %get3A_355 = vector.shape_cast %get3A_354 : vector<1x1x16xf32> to vector<16xf32>
        %get3A_356 = arith.index_cast %scan3A_226 : i32 to index
        %get3A_357 = arith.constant 96 : index
        %get3A_358 = tpu.vector_load %arg9[%get3A_356, %get3A_357] {strides = array<i32>} : memref<128x128xf32, #tpu.memory_space<vmem>>, vector<1x16xf32>,
        %get3A_359 = vector.shape_cast %get3A_358 : vector<1x16xf32> to vector<16xf32>
        %add3A_360 = arith.addf %get3A_355, %get3A_359 : vector<16xf32>
        %max3A_361 = arith.constant 0.000000e+00 : f32
        %max3A_362 = vector.broadcast %max3A_361 : f32 to vector<16xf32>
        %max3A_363 = arith.maximumf %add3A_360, %max3A_362 : vector<16xf32>
        %swap3A_364 = arith.constant 0 : i32
        %swap3A_365 = arith.index_cast %swap3A_364 : i32 to index
        %swap3A_366 = arith.index_cast %scan3A_226 : i32 to index
        %swap3A_367 = arith.constant 96 : index
        %swap3A_368 = tpu.vector_load %arg8[%swap3A_365, %swap3A_366, %swap3A_367] {strides = array<i32>} : memref<2x128x128xf32, #tpu.memory_space<vmem>>, vector<1x1x16xf32>,
        %swap3A_369 = vector.shape_cast %swap3A_368 : vector<1x1x16xf32> to vector<16xf32>
        %swap3A_370 = vector.shape_cast %max3A_363 : vector<16xf32> to vector<1x1x16xf32>
        tpu.vector_store %arg8[%swap3A_365, %swap3A_366, %swap3A_367], %swap3A_370 {strides = array<i32>} : memref<2x128x128xf32, #tpu.memory_space<vmem>>, vector<1x1x16xf32>,
        %get3A_371 = arith.constant 0 : i32
        %get3A_372 = arith.index_cast %get3A_371 : i32 to index
        %get3A_373 = arith.index_cast %scan3A_226 : i32 to index
        %get3A_374 = arith.constant 112 : index
        %get3A_375 = tpu.vector_load %arg8[%get3A_372, %get3A_373, %get3A_374] {strides = array<i32>} : memref<2x128x128xf32, #tpu.memory_space<vmem>>, vector<1x1x16xf32>,
        %get3A_376 = vector.shape_cast %get3A_375 : vector<1x1x16xf32> to vector<16xf32>
        %get3A_377 = arith.index_cast %scan3A_226 : i32 to index
        %get3A_378 = arith.constant 112 : index
        %get3A_379 = tpu.vector_load %arg9[%get3A_377, %get3A_378] {strides = array<i32>} : memref<128x128xf32, #tpu.memory_space<vmem>>, vector<1x16xf32>,
        %get3A_380 = vector.shape_cast %get3A_379 : vector<1x16xf32> to vector<16xf32>
        %add3A_381 = arith.addf %get3A_376, %get3A_380 : vector<16xf32>
        %max3A_382 = arith.constant 0.000000e+00 : f32
        %max3A_383 = vector.broadcast %max3A_382 : f32 to vector<16xf32>
        %max3A_384 = arith.maximumf %add3A_381, %max3A_383 : vector<16xf32>
        %swap3A_385 = arith.constant 0 : i32
        %swap3A_386 = arith.index_cast %swap3A_385 : i32 to index
        %swap3A_387 = arith.index_cast %scan3A_226 : i32 to index
        %swap3A_388 = arith.constant 112 : index
        %swap3A_389 = tpu.vector_load %arg8[%swap3A_386, %swap3A_387, %swap3A_388] {strides = array<i32>} : memref<2x128x128xf32, #tpu.memory_space<vmem>>, vector<1x1x16xf32>,
        %swap3A_390 = vector.shape_cast %swap3A_389 : vector<1x1x16xf32> to vector<16xf32>
        %swap3A_391 = vector.shape_cast %max3A_384 : vector<16xf32> to vector<1x1x16xf32>
        tpu.vector_store %arg8[%swap3A_386, %swap3A_387, %swap3A_388], %swap3A_391 {strides = array<i32>} : memref<2x128x128xf32, #tpu.memory_space<vmem>>, vector<1x1x16xf32>,
      }
      %scan3A_168 = arith.constant 128 : i32
      %run_scoped3A = arith.constant 0 : i32
      %run_scoped3A_169 = arith.constant 0 : i32
      %run_scoped3A_170 = arith.constant 2 : i32
      "tpu.region"() ({
        %run_scoped3A_226 = tpu.sem_alloc : memref<!tpu.dma_semaphore, #tpu.memory_space<semaphore_mem>>
        %dma_start3A_227 = arith.constant 0 : i32
        %dma_start3A_228 = arith.constant 0 : i32
        %dma_start3A_229 = tpu.memref_slice %arg8[%run_scoped3A, %dma_start3A_227, %dma_start3A_228] : memref<2x128x128xf32, #tpu.memory_space<vmem>> -> memref<1x128x128xf32, #tpu.memory_space<vmem>>
        %dma_start3A_230 = tpu.memref_squeeze %dma_start3A_229 : memref<1x128x128xf32, #tpu.memory_space<vmem>> -> memref<128x128xf32, #tpu.memory_space<vmem>>
        %dma_start3A_231 = arith.constant 0 : i32
        %dma_start3A_232 = tpu.memref_slice %arg7[%run_scoped3A_169, %run_scoped3A_170, %dma_start3A_231] : memref<2x3x128xi32, #tpu.memory_space<vmem>> -> memref<1x1x128xi32, #tpu.memory_space<vmem>>
        %dma_start3A_233 = tpu.memref_squeeze %dma_start3A_232 : memref<1x1x128xi32, #tpu.memory_space<vmem>> -> memref<128xi32, #tpu.memory_space<vmem>>
        %dma_start3A_234 = arith.constant 0 : i32
        %dma_start3A_235 = arith.constant 0 : i32
        %dma_start3A_236 = tpu.memref_slice %arg10[%dma_start3A_234, %dma_start3A_235] : memref<10000x128xf32, #tpu.memory_space<vmem_shared>> -> memref<10000x128xf32, #tpu.memory_space<vmem_shared>>
        tpu.enqueue_indirect_dma source(%dma_start3A_230 : memref<128x128xf32, #tpu.memory_space<vmem>>) target(%dma_start3A_236 : memref<10000x128xf32, #tpu.memory_space<vmem_shared>>) offsets(%dma_start3A_233 : memref<128xi32, #tpu.memory_space<vmem>>) semaphore(%run_scoped3A_226 : memref<!tpu.dma_semaphore, #tpu.memory_space<semaphore_mem>>) {add = true}
        %dma_wait3A_237 = arith.constant 0 : i32
        %dma_wait3A_238 = arith.constant 0 : i32
        %dma_wait3A_239 = tpu.memref_slice %arg8[%run_scoped3A, %dma_wait3A_237, %dma_wait3A_238] : memref<2x128x128xf32, #tpu.memory_space<vmem>> -> memref<1x128x128xf32, #tpu.memory_space<vmem>>
        %dma_wait3A_240 = tpu.memref_squeeze %dma_wait3A_239 : memref<1x128x128xf32, #tpu.memory_space<vmem>> -> memref<128x128xf32, #tpu.memory_space<vmem>>
        %dma_wait3A_241 = arith.constant 0 : i32
        %dma_wait3A_242 = tpu.memref_slice %arg7[%run_scoped3A_169, %run_scoped3A_170, %dma_wait3A_241] : memref<2x3x128xi32, #tpu.memory_space<vmem>> -> memref<1x1x128xi32, #tpu.memory_space<vmem>>
        %dma_wait3A_243 = tpu.memref_squeeze %dma_wait3A_242 : memref<1x1x128xi32, #tpu.memory_space<vmem>> -> memref<128xi32, #tpu.memory_space<vmem>>
        %dma_wait3A_244 = arith.constant 0 : i32
        %dma_wait3A_245 = arith.constant 0 : i32
        %dma_wait3A_246 = tpu.memref_slice %arg10[%dma_wait3A_244, %dma_wait3A_245] : memref<10000x128xf32, #tpu.memory_space<vmem_shared>> -> memref<10000x128xf32, #tpu.memory_space<vmem_shared>>
        tpu.wait_indirect_dma semaphore(%run_scoped3A_226 : memref<!tpu.dma_semaphore, #tpu.memory_space<semaphore_mem>>) src(%dma_wait3A_240 : memref<128x128xf32, #tpu.memory_space<vmem>>) dst(%dma_wait3A_246 : memref<10000x128xf32, #tpu.memory_space<vmem_shared>>)
        tpu.yield
      }) : () -> ()
      %mul3A_171 = arith.constant 2 : i32
      %mul3A_172 = arith.muli %mul3A_171, %scan3A_68 : i32
      %add3A_173 = arith.constant 1 : i32
      %add3A_174 = arith.addi %mul3A_172, %add3A_173 : i32
      %lt3A_175 = arith.constant 39 : i32
      %lt3A_176 = arith.cmpi slt, %scan3A_68, %lt3A_175 : i32
      %convert_element_type3A_177 = arith.extui %lt3A_176 : i1 to i32
      %cond3A_178 = arith.constant 0 : i32
      %cond3A_179 = arith.cmpi ne, %convert_element_type3A_177, %cond3A_178 : i32
      scf.if %cond3A_179 {
        %add3A_226 = arith.constant 1 : i32
        %add3A_227 = arith.addi %add3A_174, %add3A_226 : i32
        %mul3A_228 = arith.constant 128 : i32
        %mul3A_229 = arith.muli %add3A_227, %mul3A_228 : i32
        %dma_start3A_230 = arith.constant 0 : i32
        %dma_start3A_231 = arith.constant 0 : i32
        %dma_start3A_232 = arith.constant 0 : i32
        %dma_start3A_233 = arith.constant 0 : i32
        %dma_start3A_234 = tpu.memref_slice %arg7[%dma_start3A_230, %dma_start3A_232, %dma_start3A_233] : memref<2x3x128xi32, #tpu.memory_space<vmem>> -> memref<1x3x128xi32, #tpu.memory_space<vmem>>
        %dma_start3A_235 = tpu.memref_squeeze %dma_start3A_234 : memref<1x3x128xi32, #tpu.memory_space<vmem>> -> memref<3x128xi32, #tpu.memory_space<vmem>>
        %dma_start3A_236 = arith.constant 0 : i32
        %dma_start3A_237 = tpu.memref_slice %arg2[%add3A, %dma_start3A_236, %mul3A_229] : memref<32x3x10240xi32, #tpu.memory_space<hbm>> -> memref<1x3x128xi32, #tpu.memory_space<hbm>>
        %dma_start3A_238 = tpu.memref_squeeze %dma_start3A_237 : memref<1x3x128xi32, #tpu.memory_space<hbm>> -> memref<3x128xi32, #tpu.memory_space<hbm>>
        %dma_start3A_239 = tpu.memref_slice %arg11[%dma_start3A_231] : memref<2x!tpu.dma_semaphore, #tpu.memory_space<semaphore_mem>> -> memref<1x!tpu.dma_semaphore, #tpu.memory_space<semaphore_mem>>
        %dma_start3A_240 = tpu.memref_squeeze %dma_start3A_239 : memref<1x!tpu.dma_semaphore, #tpu.memory_space<semaphore_mem>> -> memref<!tpu.dma_semaphore, #tpu.memory_space<semaphore_mem>>
        %dma_start3A_241 = arith.constant 0 : i32
        %dma_start3A_242 = arith.constant 0 : i32
        %dma_start3A_243 = tpu.memref_slice %arg7[%dma_start3A_230, %dma_start3A_241, %dma_start3A_242] : memref<2x3x128xi32, #tpu.memory_space<vmem>> -> memref<1x3x128xi32, #tpu.memory_space<vmem>>
        %dma_start3A_244 = tpu.memref_squeeze %dma_start3A_243 : memref<1x3x128xi32, #tpu.memory_space<vmem>> -> memref<3x128xi32, #tpu.memory_space<vmem>>
        %dma_start3A_245 = arith.constant 0 : i32
        %dma_start3A_246 = tpu.memref_slice %arg2[%add3A, %dma_start3A_245, %mul3A_229] : memref<32x3x10240xi32, #tpu.memory_space<hbm>> -> memref<1x3x128xi32, #tpu.memory_space<hbm>>
        %dma_start3A_247 = tpu.memref_squeeze %dma_start3A_246 : memref<1x3x128xi32, #tpu.memory_space<hbm>> -> memref<3x128xi32, #tpu.memory_space<hbm>>
        tpu.enqueue_dma source(%dma_start3A_247 : memref<3x128xi32, #tpu.memory_space<hbm>>) target(%dma_start3A_244 : memref<3x128xi32, #tpu.memory_space<vmem>>) target_semaphore(%dma_start3A_240 : memref<!tpu.dma_semaphore, #tpu.memory_space<semaphore_mem>>)
      } else {
      }
      %dma_start3A_180 = arith.constant 1 : i32
      %dma_start3A_181 = arith.constant 1 : i32
      %dma_start3A_182 = arith.constant 0 : i32
      %dma_start3A_183 = tpu.memref_slice %arg7[%dma_start3A_180, %dma_start3A_181, %dma_start3A_182] : memref<2x3x128xi32, #tpu.memory_space<vmem>> -> memref<1x1x128xi32, #tpu.memory_space<vmem>>
      %dma_start3A_184 = tpu.memref_squeeze %dma_start3A_183 : memref<1x1x128xi32, #tpu.memory_space<vmem>> -> memref<128xi32, #tpu.memory_space<vmem>>
      %dma_start3A_185 = arith.constant 0 : i32
      %dma_start3A_186 = arith.constant 0 : i32
      %dma_start3A_187 = tpu.memref_slice %arg4[%dma_start3A_185, %dma_start3A_186] : memref<513x128xf32, #tpu.memory_space<hbm>> -> memref<513x128xf32, #tpu.memory_space<hbm>>
      tpu.enqueue_indirect_dma source(%dma_start3A_187 : memref<513x128xf32, #tpu.memory_space<hbm>>) target(%arg9 : memref<128x128xf32, #tpu.memory_space<vmem>>) offsets(%dma_start3A_184 : memref<128xi32, #tpu.memory_space<vmem>>) semaphore(%arg13 : memref<!tpu.dma_semaphore, #tpu.memory_space<semaphore_mem>>)
      %dma_wait3A_188 = arith.constant 0 : i32
      %dma_wait3A_189 = arith.constant 0 : i32
      %dma_wait3A_190 = arith.constant 1 : i32
      %dma_wait3A_191 = arith.constant 1 : i32
      %dma_wait3A_192 = arith.constant 0 : i32
      %dma_wait3A_193 = arith.constant 0 : i32
      %dma_wait3A_194 = tpu.memref_slice %arg8[%dma_wait3A_190, %dma_wait3A_192, %dma_wait3A_193] : memref<2x128x128xf32, #tpu.memory_space<vmem>> -> memref<1x128x128xf32, #tpu.memory_space<vmem>>
      %dma_wait3A_195 = tpu.memref_squeeze %dma_wait3A_194 : memref<1x128x128xf32, #tpu.memory_space<vmem>> -> memref<128x128xf32, #tpu.memory_space<vmem>>
      %dma_wait3A_196 = arith.constant 0 : i32
      %dma_wait3A_197 = tpu.memref_slice %arg7[%dma_wait3A_188, %dma_wait3A_189, %dma_wait3A_196] : memref<2x3x128xi32, #tpu.memory_space<vmem>> -> memref<1x1x128xi32, #tpu.memory_space<vmem>>
      %dma_wait3A_198 = tpu.memref_squeeze %dma_wait3A_197 : memref<1x1x128xi32, #tpu.memory_space<vmem>> -> memref<128xi32, #tpu.memory_space<vmem>>
      %dma_wait3A_199 = arith.constant 0 : i32
      %dma_wait3A_200 = arith.constant 0 : i32
      %dma_wait3A_201 = tpu.memref_slice %arg3[%dma_wait3A_199, %dma_wait3A_200] : memref<10000x128xf32, #tpu.memory_space<hbm>> -> memref<10000x128xf32, #tpu.memory_space<hbm>>
      %dma_wait3A_202 = tpu.memref_slice %arg12[%dma_wait3A_191] : memref<2x!tpu.dma_semaphore, #tpu.memory_space<semaphore_mem>> -> memref<1x!tpu.dma_semaphore, #tpu.memory_space<semaphore_mem>>
      %dma_wait3A_203 = tpu.memref_squeeze %dma_wait3A_202 : memref<1x!tpu.dma_semaphore, #tpu.memory_space<semaphore_mem>> -> memref<!tpu.dma_semaphore, #tpu.memory_space<semaphore_mem>>
      tpu.wait_indirect_dma semaphore(%dma_wait3A_203 : memref<!tpu.dma_semaphore, #tpu.memory_space<semaphore_mem>>) src(%dma_wait3A_201 : memref<10000x128xf32, #tpu.memory_space<hbm>>) dst(%dma_wait3A_195 : memref<128x128xf32, #tpu.memory_space<vmem>>)
      %lt3A_204 = arith.constant 39 : i32
      %lt3A_205 = arith.cmpi slt, %scan3A_68, %lt3A_204 : i32
      %convert_element_type3A_206 = arith.extui %lt3A_205 : i1 to i32
      %cond3A_207 = arith.constant 0 : i32
      %cond3A_208 = arith.cmpi ne, %convert_element_type3A_206, %cond3A_207 : i32
      scf.if %cond3A_208 {
        %dma_wait3A_226 = arith.constant 0 : i32
        %dma_wait3A_227 = arith.constant 0 : i32
        %dma_wait3A_228 = arith.constant 0 : i32
        %dma_wait3A_229 = arith.constant 0 : i32
        %dma_wait3A_230 = tpu.memref_slice %arg7[%dma_wait3A_226, %dma_wait3A_228, %dma_wait3A_229] : memref<2x3x128xi32, #tpu.memory_space<vmem>> -> memref<1x3x128xi32, #tpu.memory_space<vmem>>
        %dma_wait3A_231 = tpu.memref_squeeze %dma_wait3A_230 : memref<1x3x128xi32, #tpu.memory_space<vmem>> -> memref<3x128xi32, #tpu.memory_space<vmem>>
        %dma_wait3A_232 = arith.constant 0 : i32
        %dma_wait3A_233 = arith.constant 0 : i32
        %dma_wait3A_234 = tpu.memref_slice %arg2[%add3A, %dma_wait3A_232, %dma_wait3A_233] : memref<32x3x10240xi32, #tpu.memory_space<hbm>> -> memref<1x3x128xi32, #tpu.memory_space<hbm>>
        %dma_wait3A_235 = tpu.memref_squeeze %dma_wait3A_234 : memref<1x3x128xi32, #tpu.memory_space<hbm>> -> memref<3x128xi32, #tpu.memory_space<hbm>>
        %dma_wait3A_236 = tpu.memref_slice %arg11[%dma_wait3A_227] : memref<2x!tpu.dma_semaphore, #tpu.memory_space<semaphore_mem>> -> memref<1x!tpu.dma_semaphore, #tpu.memory_space<semaphore_mem>>
        %dma_wait3A_237 = tpu.memref_squeeze %dma_wait3A_236 : memref<1x!tpu.dma_semaphore, #tpu.memory_space<semaphore_mem>> -> memref<!tpu.dma_semaphore, #tpu.memory_space<semaphore_mem>>
        %dma_wait3A_238 = arith.constant 0 : i32
        %dma_wait3A_239 = arith.constant 0 : i32
        %dma_wait3A_240 = tpu.memref_slice %arg7[%dma_wait3A_226, %dma_wait3A_238, %dma_wait3A_239] : memref<2x3x128xi32, #tpu.memory_space<vmem>> -> memref<1x3x128xi32, #tpu.memory_space<vmem>>
        %dma_wait3A_241 = tpu.memref_squeeze %dma_wait3A_240 : memref<1x3x128xi32, #tpu.memory_space<vmem>> -> memref<3x128xi32, #tpu.memory_space<vmem>>
        %dma_wait3A_242 = arith.constant 0 : i32
        %dma_wait3A_243 = arith.constant 0 : i32
        %dma_wait3A_244 = tpu.memref_slice %arg2[%add3A, %dma_wait3A_242, %dma_wait3A_243] : memref<32x3x10240xi32, #tpu.memory_space<hbm>> -> memref<1x3x128xi32, #tpu.memory_space<hbm>>
        %dma_wait3A_245 = tpu.memref_squeeze %dma_wait3A_244 : memref<1x3x128xi32, #tpu.memory_space<hbm>> -> memref<3x128xi32, #tpu.memory_space<hbm>>
        tpu.wait_dma2 semaphore(%dma_wait3A_237 : memref<!tpu.dma_semaphore, #tpu.memory_space<semaphore_mem>>) src(%dma_wait3A_245 : memref<3x128xi32, #tpu.memory_space<hbm>>) dst(%dma_wait3A_241 : memref<3x128xi32, #tpu.memory_space<vmem>>)
        %dma_start3A_246 = arith.constant 0 : i32
        %dma_start3A_247 = arith.constant 0 : i32
        %dma_start3A_248 = arith.constant 0 : i32
        %dma_start3A_249 = arith.constant 0 : i32
        %dma_start3A_250 = arith.constant 0 : i32
        %dma_start3A_251 = arith.constant 0 : i32
        %dma_start3A_252 = tpu.memref_slice %arg8[%dma_start3A_248, %dma_start3A_250, %dma_start3A_251] : memref<2x128x128xf32, #tpu.memory_space<vmem>> -> memref<1x128x128xf32, #tpu.memory_space<vmem>>
        %dma_start3A_253 = tpu.memref_squeeze %dma_start3A_252 : memref<1x128x128xf32, #tpu.memory_space<vmem>> -> memref<128x128xf32, #tpu.memory_space<vmem>>
        %dma_start3A_254 = arith.constant 0 : i32
        %dma_start3A_255 = tpu.memref_slice %arg7[%dma_start3A_246, %dma_start3A_247, %dma_start3A_254] : memref<2x3x128xi32, #tpu.memory_space<vmem>> -> memref<1x1x128xi32, #tpu.memory_space<vmem>>
        %dma_start3A_256 = tpu.memref_squeeze %dma_start3A_255 : memref<1x1x128xi32, #tpu.memory_space<vmem>> -> memref<128xi32, #tpu.memory_space<vmem>>
        %dma_start3A_257 = arith.constant 0 : i32
        %dma_start3A_258 = arith.constant 0 : i32
        %dma_start3A_259 = tpu.memref_slice %arg3[%dma_start3A_257, %dma_start3A_258] : memref<10000x128xf32, #tpu.memory_space<hbm>> -> memref<10000x128xf32, #tpu.memory_space<hbm>>
        %dma_start3A_260 = tpu.memref_slice %arg12[%dma_start3A_249] : memref<2x!tpu.dma_semaphore, #tpu.memory_space<semaphore_mem>> -> memref<1x!tpu.dma_semaphore, #tpu.memory_space<semaphore_mem>>
        %dma_start3A_261 = tpu.memref_squeeze %dma_start3A_260 : memref<1x!tpu.dma_semaphore, #tpu.memory_space<semaphore_mem>> -> memref<!tpu.dma_semaphore, #tpu.memory_space<semaphore_mem>>
        tpu.enqueue_indirect_dma source(%dma_start3A_259 : memref<10000x128xf32, #tpu.memory_space<hbm>>) target(%dma_start3A_253 : memref<128x128xf32, #tpu.memory_space<vmem>>) offsets(%dma_start3A_256 : memref<128xi32, #tpu.memory_space<vmem>>) semaphore(%dma_start3A_261 : memref<!tpu.dma_semaphore, #tpu.memory_space<semaphore_mem>>)
      } else {
      }
      %dma_wait3A_209 = arith.constant 1 : i32
      %dma_wait3A_210 = arith.constant 1 : i32
      %dma_wait3A_211 = arith.constant 0 : i32
      %dma_wait3A_212 = tpu.memref_slice %arg7[%dma_wait3A_209, %dma_wait3A_210, %dma_wait3A_211] : memref<2x3x128xi32, #tpu.memory_space<vmem>> -> memref<1x1x128xi32, #tpu.memory_space<vmem>>
      %dma_wait3A_213 = tpu.memref_squeeze %dma_wait3A_212 : memref<1x1x128xi32, #tpu.memory_space<vmem>> -> memref<128xi32, #tpu.memory_space<vmem>>
      %dma_wait3A_214 = arith.constant 0 : i32
      %dma_wait3A_215 = arith.constant 0 : i32
      %dma_wait3A_216 = tpu.memref_slice %arg4[%dma_wait3A_214, %dma_wait3A_215] : memref<513x128xf32, #tpu.memory_space<hbm>> -> memref<513x128xf32, #tpu.memory_space<hbm>>
      tpu.wait_indirect_dma semaphore(%arg13 : memref<!tpu.dma_semaphore, #tpu.memory_space<semaphore_mem>>) src(%dma_wait3A_216 : memref<513x128xf32, #tpu.memory_space<hbm>>) dst(%arg9 : memref<128x128xf32, #tpu.memory_space<vmem>>)
      %scan3A_217 = arith.constant 0 : i32
      %scan3A_218 = arith.constant 0 : i32
      %scan3A_219 = arith.constant 128 : i32
      %scan3A_220 = arith.addi %scan3A_218, %scan3A_219 : i32
      %scan3A_221 = arith.constant 1 : i32
      scf.for %scan3A_226 = %scan3A_218 to %scan3A_220 step %scan3A_221  : i32 {
        %get3A = arith.constant 1 : i32
        %get3A_227 = arith.index_cast %get3A : i32 to index
        %get3A_228 = arith.index_cast %scan3A_226 : i32 to index
        %get3A_229 = arith.constant 0 : index
        %get3A_230 = tpu.vector_load %arg8[%get3A_227, %get3A_228, %get3A_229] {strides = array<i32>} : memref<2x128x128xf32, #tpu.memory_space<vmem>>, vector<1x1x16xf32>,
        %get3A_231 = vector.shape_cast %get3A_230 : vector<1x1x16xf32> to vector<16xf32>
        %get3A_232 = arith.index_cast %scan3A_226 : i32 to index
        %get3A_233 = arith.constant 0 : index
        %get3A_234 = tpu.vector_load %arg9[%get3A_232, %get3A_233] {strides = array<i32>} : memref<128x128xf32, #tpu.memory_space<vmem>>, vector<1x16xf32>,
        %get3A_235 = vector.shape_cast %get3A_234 : vector<1x16xf32> to vector<16xf32>
        %add3A_236 = arith.addf %get3A_231, %get3A_235 : vector<16xf32>
        %max3A = arith.constant 0.000000e+00 : f32
        %max3A_237 = vector.broadcast %max3A : f32 to vector<16xf32>
        %max3A_238 = arith.maximumf %add3A_236, %max3A_237 : vector<16xf32>
        %swap3A = arith.constant 1 : i32
        %swap3A_239 = arith.index_cast %swap3A : i32 to index
        %swap3A_240 = arith.index_cast %scan3A_226 : i32 to index
        %swap3A_241 = arith.constant 0 : index
        %swap3A_242 = tpu.vector_load %arg8[%swap3A_239, %swap3A_240, %swap3A_241] {strides = array<i32>} : memref<2x128x128xf32, #tpu.memory_space<vmem>>, vector<1x1x16xf32>,
        %swap3A_243 = vector.shape_cast %swap3A_242 : vector<1x1x16xf32> to vector<16xf32>
        %swap3A_244 = vector.shape_cast %max3A_238 : vector<16xf32> to vector<1x1x16xf32>
        tpu.vector_store %arg8[%swap3A_239, %swap3A_240, %swap3A_241], %swap3A_244 {strides = array<i32>} : memref<2x128x128xf32, #tpu.memory_space<vmem>>, vector<1x1x16xf32>,
        %get3A_245 = arith.constant 1 : i32
        %get3A_246 = arith.index_cast %get3A_245 : i32 to index
        %get3A_247 = arith.index_cast %scan3A_226 : i32 to index
        %get3A_248 = arith.constant 16 : index
        %get3A_249 = tpu.vector_load %arg8[%get3A_246, %get3A_247, %get3A_248] {strides = array<i32>} : memref<2x128x128xf32, #tpu.memory_space<vmem>>, vector<1x1x16xf32>,
        %get3A_250 = vector.shape_cast %get3A_249 : vector<1x1x16xf32> to vector<16xf32>
        %get3A_251 = arith.index_cast %scan3A_226 : i32 to index
        %get3A_252 = arith.constant 16 : index
        %get3A_253 = tpu.vector_load %arg9[%get3A_251, %get3A_252] {strides = array<i32>} : memref<128x128xf32, #tpu.memory_space<vmem>>, vector<1x16xf32>,
        %get3A_254 = vector.shape_cast %get3A_253 : vector<1x16xf32> to vector<16xf32>
        %add3A_255 = arith.addf %get3A_250, %get3A_254 : vector<16xf32>
        %max3A_256 = arith.constant 0.000000e+00 : f32
        %max3A_257 = vector.broadcast %max3A_256 : f32 to vector<16xf32>
        %max3A_258 = arith.maximumf %add3A_255, %max3A_257 : vector<16xf32>
        %swap3A_259 = arith.constant 1 : i32
        %swap3A_260 = arith.index_cast %swap3A_259 : i32 to index
        %swap3A_261 = arith.index_cast %scan3A_226 : i32 to index
        %swap3A_262 = arith.constant 16 : index
        %swap3A_263 = tpu.vector_load %arg8[%swap3A_260, %swap3A_261, %swap3A_262] {strides = array<i32>} : memref<2x128x128xf32, #tpu.memory_space<vmem>>, vector<1x1x16xf32>,
        %swap3A_264 = vector.shape_cast %swap3A_263 : vector<1x1x16xf32> to vector<16xf32>
        %swap3A_265 = vector.shape_cast %max3A_258 : vector<16xf32> to vector<1x1x16xf32>
        tpu.vector_store %arg8[%swap3A_260, %swap3A_261, %swap3A_262], %swap3A_265 {strides = array<i32>} : memref<2x128x128xf32, #tpu.memory_space<vmem>>, vector<1x1x16xf32>,
        %get3A_266 = arith.constant 1 : i32
        %get3A_267 = arith.index_cast %get3A_266 : i32 to index
        %get3A_268 = arith.index_cast %scan3A_226 : i32 to index
        %get3A_269 = arith.constant 32 : index
        %get3A_270 = tpu.vector_load %arg8[%get3A_267, %get3A_268, %get3A_269] {strides = array<i32>} : memref<2x128x128xf32, #tpu.memory_space<vmem>>, vector<1x1x16xf32>,
        %get3A_271 = vector.shape_cast %get3A_270 : vector<1x1x16xf32> to vector<16xf32>
        %get3A_272 = arith.index_cast %scan3A_226 : i32 to index
        %get3A_273 = arith.constant 32 : index
        %get3A_274 = tpu.vector_load %arg9[%get3A_272, %get3A_273] {strides = array<i32>} : memref<128x128xf32, #tpu.memory_space<vmem>>, vector<1x16xf32>,
        %get3A_275 = vector.shape_cast %get3A_274 : vector<1x16xf32> to vector<16xf32>
        %add3A_276 = arith.addf %get3A_271, %get3A_275 : vector<16xf32>
        %max3A_277 = arith.constant 0.000000e+00 : f32
        %max3A_278 = vector.broadcast %max3A_277 : f32 to vector<16xf32>
        %max3A_279 = arith.maximumf %add3A_276, %max3A_278 : vector<16xf32>
        %swap3A_280 = arith.constant 1 : i32
        %swap3A_281 = arith.index_cast %swap3A_280 : i32 to index
        %swap3A_282 = arith.index_cast %scan3A_226 : i32 to index
        %swap3A_283 = arith.constant 32 : index
        %swap3A_284 = tpu.vector_load %arg8[%swap3A_281, %swap3A_282, %swap3A_283] {strides = array<i32>} : memref<2x128x128xf32, #tpu.memory_space<vmem>>, vector<1x1x16xf32>,
        %swap3A_285 = vector.shape_cast %swap3A_284 : vector<1x1x16xf32> to vector<16xf32>
        %swap3A_286 = vector.shape_cast %max3A_279 : vector<16xf32> to vector<1x1x16xf32>
        tpu.vector_store %arg8[%swap3A_281, %swap3A_282, %swap3A_283], %swap3A_286 {strides = array<i32>} : memref<2x128x128xf32, #tpu.memory_space<vmem>>, vector<1x1x16xf32>,
        %get3A_287 = arith.constant 1 : i32
        %get3A_288 = arith.index_cast %get3A_287 : i32 to index
        %get3A_289 = arith.index_cast %scan3A_226 : i32 to index
        %get3A_290 = arith.constant 48 : index
        %get3A_291 = tpu.vector_load %arg8[%get3A_288, %get3A_289, %get3A_290] {strides = array<i32>} : memref<2x128x128xf32, #tpu.memory_space<vmem>>, vector<1x1x16xf32>,
        %get3A_292 = vector.shape_cast %get3A_291 : vector<1x1x16xf32> to vector<16xf32>
        %get3A_293 = arith.index_cast %scan3A_226 : i32 to index
        %get3A_294 = arith.constant 48 : index
        %get3A_295 = tpu.vector_load %arg9[%get3A_293, %get3A_294] {strides = array<i32>} : memref<128x128xf32, #tpu.memory_space<vmem>>, vector<1x16xf32>,
        %get3A_296 = vector.shape_cast %get3A_295 : vector<1x16xf32> to vector<16xf32>
        %add3A_297 = arith.addf %get3A_292, %get3A_296 : vector<16xf32>
        %max3A_298 = arith.constant 0.000000e+00 : f32
        %max3A_299 = vector.broadcast %max3A_298 : f32 to vector<16xf32>
        %max3A_300 = arith.maximumf %add3A_297, %max3A_299 : vector<16xf32>
        %swap3A_301 = arith.constant 1 : i32
        %swap3A_302 = arith.index_cast %swap3A_301 : i32 to index
        %swap3A_303 = arith.index_cast %scan3A_226 : i32 to index
        %swap3A_304 = arith.constant 48 : index
        %swap3A_305 = tpu.vector_load %arg8[%swap3A_302, %swap3A_303, %swap3A_304] {strides = array<i32>} : memref<2x128x128xf32, #tpu.memory_space<vmem>>, vector<1x1x16xf32>,
        %swap3A_306 = vector.shape_cast %swap3A_305 : vector<1x1x16xf32> to vector<16xf32>
        %swap3A_307 = vector.shape_cast %max3A_300 : vector<16xf32> to vector<1x1x16xf32>
        tpu.vector_store %arg8[%swap3A_302, %swap3A_303, %swap3A_304], %swap3A_307 {strides = array<i32>} : memref<2x128x128xf32, #tpu.memory_space<vmem>>, vector<1x1x16xf32>,
        %get3A_308 = arith.constant 1 : i32
        %get3A_309 = arith.index_cast %get3A_308 : i32 to index
        %get3A_310 = arith.index_cast %scan3A_226 : i32 to index
        %get3A_311 = arith.constant 64 : index
        %get3A_312 = tpu.vector_load %arg8[%get3A_309, %get3A_310, %get3A_311] {strides = array<i32>} : memref<2x128x128xf32, #tpu.memory_space<vmem>>, vector<1x1x16xf32>,
        %get3A_313 = vector.shape_cast %get3A_312 : vector<1x1x16xf32> to vector<16xf32>
        %get3A_314 = arith.index_cast %scan3A_226 : i32 to index
        %get3A_315 = arith.constant 64 : index
        %get3A_316 = tpu.vector_load %arg9[%get3A_314, %get3A_315] {strides = array<i32>} : memref<128x128xf32, #tpu.memory_space<vmem>>, vector<1x16xf32>,
        %get3A_317 = vector.shape_cast %get3A_316 : vector<1x16xf32> to vector<16xf32>
        %add3A_318 = arith.addf %get3A_313, %get3A_317 : vector<16xf32>
        %max3A_319 = arith.constant 0.000000e+00 : f32
        %max3A_320 = vector.broadcast %max3A_319 : f32 to vector<16xf32>
        %max3A_321 = arith.maximumf %add3A_318, %max3A_320 : vector<16xf32>
        %swap3A_322 = arith.constant 1 : i32
        %swap3A_323 = arith.index_cast %swap3A_322 : i32 to index
        %swap3A_324 = arith.index_cast %scan3A_226 : i32 to index
        %swap3A_325 = arith.constant 64 : index
        %swap3A_326 = tpu.vector_load %arg8[%swap3A_323, %swap3A_324, %swap3A_325] {strides = array<i32>} : memref<2x128x128xf32, #tpu.memory_space<vmem>>, vector<1x1x16xf32>,
        %swap3A_327 = vector.shape_cast %swap3A_326 : vector<1x1x16xf32> to vector<16xf32>
        %swap3A_328 = vector.shape_cast %max3A_321 : vector<16xf32> to vector<1x1x16xf32>
        tpu.vector_store %arg8[%swap3A_323, %swap3A_324, %swap3A_325], %swap3A_328 {strides = array<i32>} : memref<2x128x128xf32, #tpu.memory_space<vmem>>, vector<1x1x16xf32>,
        %get3A_329 = arith.constant 1 : i32
        %get3A_330 = arith.index_cast %get3A_329 : i32 to index
        %get3A_331 = arith.index_cast %scan3A_226 : i32 to index
        %get3A_332 = arith.constant 80 : index
        %get3A_333 = tpu.vector_load %arg8[%get3A_330, %get3A_331, %get3A_332] {strides = array<i32>} : memref<2x128x128xf32, #tpu.memory_space<vmem>>, vector<1x1x16xf32>,
        %get3A_334 = vector.shape_cast %get3A_333 : vector<1x1x16xf32> to vector<16xf32>
        %get3A_335 = arith.index_cast %scan3A_226 : i32 to index
        %get3A_336 = arith.constant 80 : index
        %get3A_337 = tpu.vector_load %arg9[%get3A_335, %get3A_336] {strides = array<i32>} : memref<128x128xf32, #tpu.memory_space<vmem>>, vector<1x16xf32>,
        %get3A_338 = vector.shape_cast %get3A_337 : vector<1x16xf32> to vector<16xf32>
        %add3A_339 = arith.addf %get3A_334, %get3A_338 : vector<16xf32>
        %max3A_340 = arith.constant 0.000000e+00 : f32
        %max3A_341 = vector.broadcast %max3A_340 : f32 to vector<16xf32>
        %max3A_342 = arith.maximumf %add3A_339, %max3A_341 : vector<16xf32>
        %swap3A_343 = arith.constant 1 : i32
        %swap3A_344 = arith.index_cast %swap3A_343 : i32 to index
        %swap3A_345 = arith.index_cast %scan3A_226 : i32 to index
        %swap3A_346 = arith.constant 80 : index
        %swap3A_347 = tpu.vector_load %arg8[%swap3A_344, %swap3A_345, %swap3A_346] {strides = array<i32>} : memref<2x128x128xf32, #tpu.memory_space<vmem>>, vector<1x1x16xf32>,
        %swap3A_348 = vector.shape_cast %swap3A_347 : vector<1x1x16xf32> to vector<16xf32>
        %swap3A_349 = vector.shape_cast %max3A_342 : vector<16xf32> to vector<1x1x16xf32>
        tpu.vector_store %arg8[%swap3A_344, %swap3A_345, %swap3A_346], %swap3A_349 {strides = array<i32>} : memref<2x128x128xf32, #tpu.memory_space<vmem>>, vector<1x1x16xf32>,
        %get3A_350 = arith.constant 1 : i32
        %get3A_351 = arith.index_cast %get3A_350 : i32 to index
        %get3A_352 = arith.index_cast %scan3A_226 : i32 to index
        %get3A_353 = arith.constant 96 : index
        %get3A_354 = tpu.vector_load %arg8[%get3A_351, %get3A_352, %get3A_353] {strides = array<i32>} : memref<2x128x128xf32, #tpu.memory_space<vmem>>, vector<1x1x16xf32>,
        %get3A_355 = vector.shape_cast %get3A_354 : vector<1x1x16xf32> to vector<16xf32>
        %get3A_356 = arith.index_cast %scan3A_226 : i32 to index
        %get3A_357 = arith.constant 96 : index
        %get3A_358 = tpu.vector_load %arg9[%get3A_356, %get3A_357] {strides = array<i32>} : memref<128x128xf32, #tpu.memory_space<vmem>>, vector<1x16xf32>,
        %get3A_359 = vector.shape_cast %get3A_358 : vector<1x16xf32> to vector<16xf32>
        %add3A_360 = arith.addf %get3A_355, %get3A_359 : vector<16xf32>
        %max3A_361 = arith.constant 0.000000e+00 : f32
        %max3A_362 = vector.broadcast %max3A_361 : f32 to vector<16xf32>
        %max3A_363 = arith.maximumf %add3A_360, %max3A_362 : vector<16xf32>
        %swap3A_364 = arith.constant 1 : i32
        %swap3A_365 = arith.index_cast %swap3A_364 : i32 to index
        %swap3A_366 = arith.index_cast %scan3A_226 : i32 to index
        %swap3A_367 = arith.constant 96 : index
        %swap3A_368 = tpu.vector_load %arg8[%swap3A_365, %swap3A_366, %swap3A_367] {strides = array<i32>} : memref<2x128x128xf32, #tpu.memory_space<vmem>>, vector<1x1x16xf32>,
        %swap3A_369 = vector.shape_cast %swap3A_368 : vector<1x1x16xf32> to vector<16xf32>
        %swap3A_370 = vector.shape_cast %max3A_363 : vector<16xf32> to vector<1x1x16xf32>
        tpu.vector_store %arg8[%swap3A_365, %swap3A_366, %swap3A_367], %swap3A_370 {strides = array<i32>} : memref<2x128x128xf32, #tpu.memory_space<vmem>>, vector<1x1x16xf32>,
        %get3A_371 = arith.constant 1 : i32
        %get3A_372 = arith.index_cast %get3A_371 : i32 to index
        %get3A_373 = arith.index_cast %scan3A_226 : i32 to index
        %get3A_374 = arith.constant 112 : index
        %get3A_375 = tpu.vector_load %arg8[%get3A_372, %get3A_373, %get3A_374] {strides = array<i32>} : memref<2x128x128xf32, #tpu.memory_space<vmem>>, vector<1x1x16xf32>,
        %get3A_376 = vector.shape_cast %get3A_375 : vector<1x1x16xf32> to vector<16xf32>
        %get3A_377 = arith.index_cast %scan3A_226 : i32 to index
        %get3A_378 = arith.constant 112 : index
        %get3A_379 = tpu.vector_load %arg9[%get3A_377, %get3A_378] {strides = array<i32>} : memref<128x128xf32, #tpu.memory_space<vmem>>, vector<1x16xf32>,
        %get3A_380 = vector.shape_cast %get3A_379 : vector<1x16xf32> to vector<16xf32>
        %add3A_381 = arith.addf %get3A_376, %get3A_380 : vector<16xf32>
        %max3A_382 = arith.constant 0.000000e+00 : f32
        %max3A_383 = vector.broadcast %max3A_382 : f32 to vector<16xf32>
        %max3A_384 = arith.maximumf %add3A_381, %max3A_383 : vector<16xf32>
        %swap3A_385 = arith.constant 1 : i32
        %swap3A_386 = arith.index_cast %swap3A_385 : i32 to index
        %swap3A_387 = arith.index_cast %scan3A_226 : i32 to index
        %swap3A_388 = arith.constant 112 : index
        %swap3A_389 = tpu.vector_load %arg8[%swap3A_386, %swap3A_387, %swap3A_388] {strides = array<i32>} : memref<2x128x128xf32, #tpu.memory_space<vmem>>, vector<1x1x16xf32>,
        %swap3A_390 = vector.shape_cast %swap3A_389 : vector<1x1x16xf32> to vector<16xf32>
        %swap3A_391 = vector.shape_cast %max3A_384 : vector<16xf32> to vector<1x1x16xf32>
        tpu.vector_store %arg8[%swap3A_386, %swap3A_387, %swap3A_388], %swap3A_391 {strides = array<i32>} : memref<2x128x128xf32, #tpu.memory_space<vmem>>, vector<1x1x16xf32>,
      }
      %scan3A_222 = arith.constant 128 : i32
      %run_scoped3A_223 = arith.constant 1 : i32
      %run_scoped3A_224 = arith.constant 1 : i32
      %run_scoped3A_225 = arith.constant 2 : i32
      "tpu.region"() ({
        %run_scoped3A_226 = tpu.sem_alloc : memref<!tpu.dma_semaphore, #tpu.memory_space<semaphore_mem>>
        %dma_start3A_227 = arith.constant 0 : i32
        %dma_start3A_228 = arith.constant 0 : i32
        %dma_start3A_229 = tpu.memref_slice %arg8[%run_scoped3A_223, %dma_start3A_227, %dma_start3A_228] : memref<2x128x128xf32, #tpu.memory_space<vmem>> -> memref<1x128x128xf32, #tpu.memory_space<vmem>>
        %dma_start3A_230 = tpu.memref_squeeze %dma_start3A_229 : memref<1x128x128xf32, #tpu.memory_space<vmem>> -> memref<128x128xf32, #tpu.memory_space<vmem>>
        %dma_start3A_231 = arith.constant 0 : i32
        %dma_start3A_232 = tpu.memref_slice %arg7[%run_scoped3A_224, %run_scoped3A_225, %dma_start3A_231] : memref<2x3x128xi32, #tpu.memory_space<vmem>> -> memref<1x1x128xi32, #tpu.memory_space<vmem>>
        %dma_start3A_233 = tpu.memref_squeeze %dma_start3A_232 : memref<1x1x128xi32, #tpu.memory_space<vmem>> -> memref<128xi32, #tpu.memory_space<vmem>>
        %dma_start3A_234 = arith.constant 0 : i32
        %dma_start3A_235 = arith.constant 0 : i32
        %dma_start3A_236 = tpu.memref_slice %arg10[%dma_start3A_234, %dma_start3A_235] : memref<10000x128xf32, #tpu.memory_space<vmem_shared>> -> memref<10000x128xf32, #tpu.memory_space<vmem_shared>>
        tpu.enqueue_indirect_dma source(%dma_start3A_230 : memref<128x128xf32, #tpu.memory_space<vmem>>) target(%dma_start3A_236 : memref<10000x128xf32, #tpu.memory_space<vmem_shared>>) offsets(%dma_start3A_233 : memref<128xi32, #tpu.memory_space<vmem>>) semaphore(%run_scoped3A_226 : memref<!tpu.dma_semaphore, #tpu.memory_space<semaphore_mem>>) {add = true}
        %dma_wait3A_237 = arith.constant 0 : i32
        %dma_wait3A_238 = arith.constant 0 : i32
        %dma_wait3A_239 = tpu.memref_slice %arg8[%run_scoped3A_223, %dma_wait3A_237, %dma_wait3A_238] : memref<2x128x128xf32, #tpu.memory_space<vmem>> -> memref<1x128x128xf32, #tpu.memory_space<vmem>>
        %dma_wait3A_240 = tpu.memref_squeeze %dma_wait3A_239 : memref<1x128x128xf32, #tpu.memory_space<vmem>> -> memref<128x128xf32, #tpu.memory_space<vmem>>
        %dma_wait3A_241 = arith.constant 0 : i32
        %dma_wait3A_242 = tpu.memref_slice %arg7[%run_scoped3A_224, %run_scoped3A_225, %dma_wait3A_241] : memref<2x3x128xi32, #tpu.memory_space<vmem>> -> memref<1x1x128xi32, #tpu.memory_space<vmem>>
        %dma_wait3A_243 = tpu.memref_squeeze %dma_wait3A_242 : memref<1x1x128xi32, #tpu.memory_space<vmem>> -> memref<128xi32, #tpu.memory_space<vmem>>
        %dma_wait3A_244 = arith.constant 0 : i32
        %dma_wait3A_245 = arith.constant 0 : i32
        %dma_wait3A_246 = tpu.memref_slice %arg10[%dma_wait3A_244, %dma_wait3A_245] : memref<10000x128xf32, #tpu.memory_space<vmem_shared>> -> memref<10000x128xf32, #tpu.memory_space<vmem_shared>>
        tpu.wait_indirect_dma semaphore(%run_scoped3A_226 : memref<!tpu.dma_semaphore, #tpu.memory_space<semaphore_mem>>) src(%dma_wait3A_240 : memref<128x128xf32, #tpu.memory_space<vmem>>) dst(%dma_wait3A_246 : memref<10000x128xf32, #tpu.memory_space<vmem_shared>>)
        tpu.yield
      }) : () -> ()
    }
    %scan3A_61 = arith.constant 40 : i32
    %barrier3A_62 = arith.constant 0 : index
    tpu.barrier barrier_id(%barrier3A_62)
    %lt3A_63 = arith.constant 10 : i32
    %lt3A_64 = arith.cmpi slt, %arg1, %lt3A_63 : i32
    %convert_element_type3A_65 = arith.extui %lt3A_64 : i1 to i32
    %cond3A_66 = arith.constant 0 : i32
    %cond3A_67 = arith.cmpi ne, %convert_element_type3A_65, %cond3A_66 : i32
    scf.if %cond3A_67 {
      %mul3A_68 = arith.constant 1000 : i32
      %mul3A_69 = arith.muli %arg1, %mul3A_68 : i32
      "tpu.region"() ({
        %run_scoped3A = tpu.sem_alloc : memref<!tpu.dma_semaphore, #tpu.memory_space<semaphore_mem>>
        %dma_start3A_70 = arith.constant 0 : i32
        %dma_start3A_71 = tpu.memref_slice %arg6[%arg0, %mul3A_69, %dma_start3A_70] : memref<2x10000x128xf32, #tpu.memory_space<hbm>> -> memref<1x1000x128xf32, #tpu.memory_space<hbm>>
        %dma_start3A_72 = tpu.memref_squeeze %dma_start3A_71 : memref<1x1000x128xf32, #tpu.memory_space<hbm>> -> memref<1000x128xf32, #tpu.memory_space<hbm>>
        %dma_start3A_73 = arith.constant 0 : i32
        %dma_start3A_74 = tpu.memref_slice %arg10[%mul3A_69, %dma_start3A_73] : memref<10000x128xf32, #tpu.memory_space<vmem_shared>> -> memref<1000x128xf32, #tpu.memory_space<vmem_shared>>
        tpu.enqueue_dma source(%dma_start3A_74 : memref<1000x128xf32, #tpu.memory_space<vmem_shared>>) target(%dma_start3A_72 : memref<1000x128xf32, #tpu.memory_space<hbm>>) target_semaphore(%run_scoped3A : memref<!tpu.dma_semaphore, #tpu.memory_space<semaphore_mem>>)
        %dma_wait3A_75 = arith.constant 0 : i32
        %dma_wait3A_76 = tpu.memref_slice %arg6[%arg0, %mul3A_69, %dma_wait3A_75] : memref<2x10000x128xf32, #tpu.memory_space<hbm>> -> memref<1x1000x128xf32, #tpu.memory_space<hbm>>
        %dma_wait3A_77 = tpu.memref_squeeze %dma_wait3A_76 : memref<1x1000x128xf32, #tpu.memory_space<hbm>> -> memref<1000x128xf32, #tpu.memory_space<hbm>>
        %dma_wait3A_78 = arith.constant 0 : i32
        %dma_wait3A_79 = tpu.memref_slice %arg10[%mul3A_69, %dma_wait3A_78] : memref<10000x128xf32, #tpu.memory_space<vmem_shared>> -> memref<1000x128xf32, #tpu.memory_space<vmem_shared>>
        tpu.wait_dma2 semaphore(%run_scoped3A : memref<!tpu.dma_semaphore, #tpu.memory_space<semaphore_mem>>) src(%dma_wait3A_79 : memref<1000x128xf32, #tpu.memory_space<vmem_shared>>) dst(%dma_wait3A_77 : memref<1000x128xf32, #tpu.memory_space<hbm>>)
        tpu.yield
      }) : () -> ()
    } else {
    }
    return
  }
}

module attributes {stable_mosaic.version = 14 : i64} {
  func.func @_mlp_body(%arg0: memref<10000x128xf32, #tpu.memory_space<vmem>>, %arg1: memref<2x10000x128xf32, #tpu.memory_space<vmem>>, %arg2: memref<1x1xf32, #tpu.memory_space<vmem>>, %arg3: memref<128x256xf32, #tpu.memory_space<vmem>>, %arg4: memref<1x256xf32, #tpu.memory_space<vmem>>, %arg5: memref<1x256xf32, #tpu.memory_space<vmem>>, %arg6: memref<1x256xf32, #tpu.memory_space<vmem>>, %arg7: memref<256x128xf32, #tpu.memory_space<vmem>>, %arg8: memref<1x128xf32, #tpu.memory_space<vmem>>, %arg9: memref<1x128xf32, #tpu.memory_space<vmem>>, %arg10: memref<1x128xf32, #tpu.memory_space<vmem>>, %arg11: memref<10000x128xf32, #tpu.memory_space<vmem>>) attributes {dimension_semantics = [], scalar_prefetch = 0 : i64, scratch_operands = 0 : i64, tpu.core_type = #tpu.core_type<tc>} {
    %get3A = arith.constant 0 : index
    %get3A_0 = arith.constant 0 : index
    %get3A_1 = vector.load %arg0[%get3A, %get3A_0] : memref<10000x128xf32, #tpu.memory_space<vmem>>, vector<10000x128xf32>
    %get3A_2 = arith.constant 0 : index
    %get3A_3 = arith.constant 0 : index
    %get3A_4 = vector.load %arg2[%get3A_2, %get3A_3] : memref<1x1xf32, #tpu.memory_space<vmem>>, vector<1x1xf32>
    %get3A_5 = vector.extract %get3A_4[0, 0] : f32 from vector<1x1xf32>
    %add3A = arith.constant 1.000000e+00 : f32
    %add3A_6 = arith.addf %add3A, %get3A_5 : f32
    %mul3A = vector.broadcast %add3A_6 : f32 to vector<10000x128xf32>
    %mul3A_7 = arith.mulf %mul3A, %get3A_1 : vector<10000x128xf32>
    %get3A_8 = arith.constant 0 : index
    %get3A_9 = arith.constant 0 : index
    %get3A_10 = arith.constant 0 : index
    %get3A_11 = vector.load %arg1[%get3A_8, %get3A_9, %get3A_10] : memref<2x10000x128xf32, #tpu.memory_space<vmem>>, vector<1x10000x128xf32>
    %get3A_12 = vector.shape_cast %get3A_11 : vector<1x10000x128xf32> to vector<10000x128xf32>
    %add3A_13 = arith.addf %mul3A_7, %get3A_12 : vector<10000x128xf32>
    %get3A_14 = arith.constant 1 : index
    %get3A_15 = arith.constant 0 : index
    %get3A_16 = arith.constant 0 : index
    %get3A_17 = vector.load %arg1[%get3A_14, %get3A_15, %get3A_16] : memref<2x10000x128xf32, #tpu.memory_space<vmem>>, vector<1x10000x128xf32>
    %get3A_18 = vector.shape_cast %get3A_17 : vector<1x10000x128xf32> to vector<10000x128xf32>
    %add3A_19 = arith.addf %add3A_13, %get3A_18 : vector<10000x128xf32>
    %get3A_20 = arith.constant 0 : index
    %get3A_21 = arith.constant 0 : index
    %get3A_22 = vector.load %arg3[%get3A_20, %get3A_21] : memref<128x256xf32, #tpu.memory_space<vmem>>, vector<128x256xf32>
    %dot_general3A = arith.constant dense<0.000000e+00> : vector<10000x256xf32>
    %dot_general3A_23 = tpu.matmul %add3A_19, %get3A_22, %dot_general3A {dimension_numbers = #tpu.dot_dimension_numbers<[1], [0], [0], [1], [0, 0, 1, 1], [], []>, transpose_lhs_hint = false} : vector<10000x128xf32>, vector<128x256xf32>, vector<10000x256xf32> -> vector<10000x256xf32>
    %get3A_24 = arith.constant 0 : index
    %get3A_25 = arith.constant 0 : index
    %get3A_26 = vector.load %arg4[%get3A_24, %get3A_25] : memref<1x256xf32, #tpu.memory_space<vmem>>, vector<1x256xf32>
    %add3A_27 = vector.broadcast %get3A_26 : vector<1x256xf32> to vector<10000x256xf32>
    %add3A_28 = arith.addf %dot_general3A_23, %add3A_27 : vector<10000x256xf32>
    %reduce_sum3A = arith.constant dense<0.000000e+00> : vector<256xf32>
    %reduce_sum3A_29 = vector.multi_reduction <add>, %add3A_28, %reduce_sum3A [0] : vector<10000x256xf32> to vector<256xf32>
    %broadcast_in_dim3A = vector.shape_cast %reduce_sum3A_29 : vector<256xf32> to vector<1x256xf32>
    %div3A = arith.constant 1.000000e+04 : f32
    %div3A_30 = vector.broadcast %div3A : f32 to vector<1x256xf32>
    %div3A_31 = arith.divf %broadcast_in_dim3A, %div3A_30 : vector<1x256xf32>
    %sub3A = vector.broadcast %div3A_31 : vector<1x256xf32> to vector<10000x256xf32>
    %sub3A_32 = arith.subf %add3A_28, %sub3A : vector<10000x256xf32>
    %integer_pow3A = arith.mulf %sub3A_32, %sub3A_32 : vector<10000x256xf32>
    %reduce_sum3A_33 = arith.constant dense<0.000000e+00> : vector<256xf32>
    %reduce_sum3A_34 = vector.multi_reduction <add>, %integer_pow3A, %reduce_sum3A_33 [0] : vector<10000x256xf32> to vector<256xf32>
    %broadcast_in_dim3A_35 = vector.shape_cast %reduce_sum3A_34 : vector<256xf32> to vector<1x256xf32>
    %div3A_36 = arith.constant 1.000000e+04 : f32
    %div3A_37 = vector.broadcast %div3A_36 : f32 to vector<1x256xf32>
    %div3A_38 = arith.divf %broadcast_in_dim3A_35, %div3A_37 : vector<1x256xf32>
    %sub3A_39 = vector.broadcast %div3A_31 : vector<1x256xf32> to vector<10000x256xf32>
    %sub3A_40 = arith.subf %add3A_28, %sub3A_39 : vector<10000x256xf32>
    %add3A_41 = arith.constant 9.99999974E-6 : f32
    %add3A_42 = vector.broadcast %add3A_41 : f32 to vector<1x256xf32>
    %add3A_43 = arith.addf %div3A_38, %add3A_42 : vector<1x256xf32>
    %rsqrt3A = math.rsqrt %add3A_43 : vector<1x256xf32>
    %mul3A_44 = vector.broadcast %rsqrt3A : vector<1x256xf32> to vector<10000x256xf32>
    %mul3A_45 = arith.mulf %sub3A_40, %mul3A_44 : vector<10000x256xf32>
    %get3A_46 = arith.constant 0 : index
    %get3A_47 = arith.constant 0 : index
    %get3A_48 = vector.load %arg5[%get3A_46, %get3A_47] : memref<1x256xf32, #tpu.memory_space<vmem>>, vector<1x256xf32>
    %mul3A_49 = vector.broadcast %get3A_48 : vector<1x256xf32> to vector<10000x256xf32>
    %mul3A_50 = arith.mulf %mul3A_45, %mul3A_49 : vector<10000x256xf32>
    %get3A_51 = arith.constant 0 : index
    %get3A_52 = arith.constant 0 : index
    %get3A_53 = vector.load %arg6[%get3A_51, %get3A_52] : memref<1x256xf32, #tpu.memory_space<vmem>>, vector<1x256xf32>
    %add3A_54 = vector.broadcast %get3A_53 : vector<1x256xf32> to vector<10000x256xf32>
    %add3A_55 = arith.addf %mul3A_50, %add3A_54 : vector<10000x256xf32>
    %max3A = arith.constant 0.000000e+00 : f32
    %max3A_56 = vector.broadcast %max3A : f32 to vector<10000x256xf32>
    %max3A_57 = arith.maximumf %add3A_55, %max3A_56 : vector<10000x256xf32>
    %get3A_58 = arith.constant 0 : index
    %get3A_59 = arith.constant 0 : index
    %get3A_60 = vector.load %arg7[%get3A_58, %get3A_59] : memref<256x128xf32, #tpu.memory_space<vmem>>, vector<256x128xf32>
    %dot_general3A_61 = arith.constant dense<0.000000e+00> : vector<10000x128xf32>
    %dot_general3A_62 = tpu.matmul %max3A_57, %get3A_60, %dot_general3A_61 {dimension_numbers = #tpu.dot_dimension_numbers<[1], [0], [0], [1], [0, 0, 1, 1], [], []>, transpose_lhs_hint = false} : vector<10000x256xf32>, vector<256x128xf32>, vector<10000x128xf32> -> vector<10000x128xf32>
    %get3A_63 = arith.constant 0 : index
    %get3A_64 = arith.constant 0 : index
    %get3A_65 = vector.load %arg8[%get3A_63, %get3A_64] : memref<1x128xf32, #tpu.memory_space<vmem>>, vector<1x128xf32>
    %add3A_66 = vector.broadcast %get3A_65 : vector<1x128xf32> to vector<10000x128xf32>
    %add3A_67 = arith.addf %dot_general3A_62, %add3A_66 : vector<10000x128xf32>
    %reduce_sum3A_68 = arith.constant dense<0.000000e+00> : vector<128xf32>
    %reduce_sum3A_69 = vector.multi_reduction <add>, %add3A_67, %reduce_sum3A_68 [0] : vector<10000x128xf32> to vector<128xf32>
    %broadcast_in_dim3A_70 = vector.shape_cast %reduce_sum3A_69 : vector<128xf32> to vector<1x128xf32>
    %div3A_71 = arith.constant 1.000000e+04 : f32
    %div3A_72 = vector.broadcast %div3A_71 : f32 to vector<1x128xf32>
    %div3A_73 = arith.divf %broadcast_in_dim3A_70, %div3A_72 : vector<1x128xf32>
    %sub3A_74 = vector.broadcast %div3A_73 : vector<1x128xf32> to vector<10000x128xf32>
    %sub3A_75 = arith.subf %add3A_67, %sub3A_74 : vector<10000x128xf32>
    %integer_pow3A_76 = arith.mulf %sub3A_75, %sub3A_75 : vector<10000x128xf32>
    %reduce_sum3A_77 = arith.constant dense<0.000000e+00> : vector<128xf32>
    %reduce_sum3A_78 = vector.multi_reduction <add>, %integer_pow3A_76, %reduce_sum3A_77 [0] : vector<10000x128xf32> to vector<128xf32>
    %broadcast_in_dim3A_79 = vector.shape_cast %reduce_sum3A_78 : vector<128xf32> to vector<1x128xf32>
    %div3A_80 = arith.constant 1.000000e+04 : f32
    %div3A_81 = vector.broadcast %div3A_80 : f32 to vector<1x128xf32>
    %div3A_82 = arith.divf %broadcast_in_dim3A_79, %div3A_81 : vector<1x128xf32>
    %sub3A_83 = vector.broadcast %div3A_73 : vector<1x128xf32> to vector<10000x128xf32>
    %sub3A_84 = arith.subf %add3A_67, %sub3A_83 : vector<10000x128xf32>
    %add3A_85 = arith.constant 9.99999974E-6 : f32
    %add3A_86 = vector.broadcast %add3A_85 : f32 to vector<1x128xf32>
    %add3A_87 = arith.addf %div3A_82, %add3A_86 : vector<1x128xf32>
    %rsqrt3A_88 = math.rsqrt %add3A_87 : vector<1x128xf32>
    %mul3A_89 = vector.broadcast %rsqrt3A_88 : vector<1x128xf32> to vector<10000x128xf32>
    %mul3A_90 = arith.mulf %sub3A_84, %mul3A_89 : vector<10000x128xf32>
    %get3A_91 = arith.constant 0 : index
    %get3A_92 = arith.constant 0 : index
    %get3A_93 = vector.load %arg9[%get3A_91, %get3A_92] : memref<1x128xf32, #tpu.memory_space<vmem>>, vector<1x128xf32>
    %mul3A_94 = vector.broadcast %get3A_93 : vector<1x128xf32> to vector<10000x128xf32>
    %mul3A_95 = arith.mulf %mul3A_90, %mul3A_94 : vector<10000x128xf32>
    %get3A_96 = arith.constant 0 : index
    %get3A_97 = arith.constant 0 : index
    %get3A_98 = vector.load %arg10[%get3A_96, %get3A_97] : memref<1x128xf32, #tpu.memory_space<vmem>>, vector<1x128xf32>
    %add3A_99 = vector.broadcast %get3A_98 : vector<1x128xf32> to vector<10000x128xf32>
    %add3A_100 = arith.addf %mul3A_95, %add3A_99 : vector<10000x128xf32>
    %max3A_101 = arith.constant 0.000000e+00 : f32
    %max3A_102 = vector.broadcast %max3A_101 : f32 to vector<10000x128xf32>
    %max3A_103 = arith.maximumf %add3A_100, %max3A_102 : vector<10000x128xf32>
    %swap3A = arith.constant 0 : index
    %swap3A_104 = arith.constant 0 : index
    %swap3A_105 = vector.load %arg11[%swap3A, %swap3A_104] : memref<10000x128xf32, #tpu.memory_space<vmem>>, vector<10000x128xf32>
    tpu.vector_store %arg11[%swap3A, %swap3A_104], %max3A_103 {strides = array<i32>} : memref<10000x128xf32, #tpu.memory_space<vmem>>, vector<10000x128xf32>,
    return
  }
}

module attributes {stable_mosaic.version = 14 : i64} {
  func.func @_mlp_body(%arg0: memref<10000x128xf32, #tpu.memory_space<vmem>>, %arg1: memref<2x10000x128xf32, #tpu.memory_space<vmem>>, %arg2: memref<1x1xf32, #tpu.memory_space<vmem>>, %arg3: memref<128x256xf32, #tpu.memory_space<vmem>>, %arg4: memref<1x256xf32, #tpu.memory_space<vmem>>, %arg5: memref<1x256xf32, #tpu.memory_space<vmem>>, %arg6: memref<1x256xf32, #tpu.memory_space<vmem>>, %arg7: memref<256x128xf32, #tpu.memory_space<vmem>>, %arg8: memref<1x128xf32, #tpu.memory_space<vmem>>, %arg9: memref<1x128xf32, #tpu.memory_space<vmem>>, %arg10: memref<1x128xf32, #tpu.memory_space<vmem>>, %arg11: memref<10000x128xf32, #tpu.memory_space<vmem>>) attributes {dimension_semantics = [], scalar_prefetch = 0 : i64, scratch_operands = 0 : i64, tpu.core_type = #tpu.core_type<tc>} {
    %get3A = arith.constant 0 : index
    %get3A_0 = arith.constant 0 : index
    %get3A_1 = vector.load %arg0[%get3A, %get3A_0] : memref<10000x128xf32, #tpu.memory_space<vmem>>, vector<10000x128xf32>
    %get3A_2 = arith.constant 0 : index
    %get3A_3 = arith.constant 0 : index
    %get3A_4 = vector.load %arg2[%get3A_2, %get3A_3] : memref<1x1xf32, #tpu.memory_space<vmem>>, vector<1x1xf32>
    %get3A_5 = vector.extract %get3A_4[0, 0] : f32 from vector<1x1xf32>
    %add3A = arith.constant 1.000000e+00 : f32
    %add3A_6 = arith.addf %add3A, %get3A_5 : f32
    %mul3A = vector.broadcast %add3A_6 : f32 to vector<10000x128xf32>
    %mul3A_7 = arith.mulf %mul3A, %get3A_1 : vector<10000x128xf32>
    %get3A_8 = arith.constant 0 : index
    %get3A_9 = arith.constant 0 : index
    %get3A_10 = arith.constant 0 : index
    %get3A_11 = vector.load %arg1[%get3A_8, %get3A_9, %get3A_10] : memref<2x10000x128xf32, #tpu.memory_space<vmem>>, vector<1x10000x128xf32>
    %get3A_12 = vector.shape_cast %get3A_11 : vector<1x10000x128xf32> to vector<10000x128xf32>
    %add3A_13 = arith.addf %mul3A_7, %get3A_12 : vector<10000x128xf32>
    %get3A_14 = arith.constant 1 : index
    %get3A_15 = arith.constant 0 : index
    %get3A_16 = arith.constant 0 : index
    %get3A_17 = vector.load %arg1[%get3A_14, %get3A_15, %get3A_16] : memref<2x10000x128xf32, #tpu.memory_space<vmem>>, vector<1x10000x128xf32>
    %get3A_18 = vector.shape_cast %get3A_17 : vector<1x10000x128xf32> to vector<10000x128xf32>
    %add3A_19 = arith.addf %add3A_13, %get3A_18 : vector<10000x128xf32>
    %get3A_20 = arith.constant 0 : index
    %get3A_21 = arith.constant 0 : index
    %get3A_22 = vector.load %arg3[%get3A_20, %get3A_21] : memref<128x256xf32, #tpu.memory_space<vmem>>, vector<128x256xf32>
    %dot_general3A = arith.constant dense<0.000000e+00> : vector<10000x256xf32>
    %dot_general3A_23 = tpu.matmul %add3A_19, %get3A_22, %dot_general3A {dimension_numbers = #tpu.dot_dimension_numbers<[1], [0], [0], [1], [0, 0, 1, 1], [], []>, transpose_lhs_hint = false} : vector<10000x128xf32>, vector<128x256xf32>, vector<10000x256xf32> -> vector<10000x256xf32>
    %get3A_24 = arith.constant 0 : index
    %get3A_25 = arith.constant 0 : index
    %get3A_26 = vector.load %arg4[%get3A_24, %get3A_25] : memref<1x256xf32, #tpu.memory_space<vmem>>, vector<1x256xf32>
    %add3A_27 = vector.broadcast %get3A_26 : vector<1x256xf32> to vector<10000x256xf32>
    %add3A_28 = arith.addf %dot_general3A_23, %add3A_27 : vector<10000x256xf32>
    %reduce_sum3A = arith.constant dense<0.000000e+00> : vector<256xf32>
    %reduce_sum3A_29 = vector.multi_reduction <add>, %add3A_28, %reduce_sum3A [0] : vector<10000x256xf32> to vector<256xf32>
    %broadcast_in_dim3A = vector.shape_cast %reduce_sum3A_29 : vector<256xf32> to vector<1x256xf32>
    %div3A = arith.constant 1.000000e+04 : f32
    %div3A_30 = vector.broadcast %div3A : f32 to vector<1x256xf32>
    %div3A_31 = arith.divf %broadcast_in_dim3A, %div3A_30 : vector<1x256xf32>
    %sub3A = vector.broadcast %div3A_31 : vector<1x256xf32> to vector<10000x256xf32>
    %sub3A_32 = arith.subf %add3A_28, %sub3A : vector<10000x256xf32>
    %integer_pow3A = arith.mulf %sub3A_32, %sub3A_32 : vector<10000x256xf32>
    %reduce_sum3A_33 = arith.constant dense<0.000000e+00> : vector<256xf32>
    %reduce_sum3A_34 = vector.multi_reduction <add>, %integer_pow3A, %reduce_sum3A_33 [0] : vector<10000x256xf32> to vector<256xf32>
    %broadcast_in_dim3A_35 = vector.shape_cast %reduce_sum3A_34 : vector<256xf32> to vector<1x256xf32>
    %div3A_36 = arith.constant 1.000000e+04 : f32
    %div3A_37 = vector.broadcast %div3A_36 : f32 to vector<1x256xf32>
    %div3A_38 = arith.divf %broadcast_in_dim3A_35, %div3A_37 : vector<1x256xf32>
    %sub3A_39 = vector.broadcast %div3A_31 : vector<1x256xf32> to vector<10000x256xf32>
    %sub3A_40 = arith.subf %add3A_28, %sub3A_39 : vector<10000x256xf32>
    %add3A_41 = arith.constant 9.99999974E-6 : f32
    %add3A_42 = vector.broadcast %add3A_41 : f32 to vector<1x256xf32>
    %add3A_43 = arith.addf %div3A_38, %add3A_42 : vector<1x256xf32>
    %rsqrt3A = math.rsqrt %add3A_43 : vector<1x256xf32>
    %mul3A_44 = vector.broadcast %rsqrt3A : vector<1x256xf32> to vector<10000x256xf32>
    %mul3A_45 = arith.mulf %sub3A_40, %mul3A_44 : vector<10000x256xf32>
    %get3A_46 = arith.constant 0 : index
    %get3A_47 = arith.constant 0 : index
    %get3A_48 = vector.load %arg5[%get3A_46, %get3A_47] : memref<1x256xf32, #tpu.memory_space<vmem>>, vector<1x256xf32>
    %mul3A_49 = vector.broadcast %get3A_48 : vector<1x256xf32> to vector<10000x256xf32>
    %mul3A_50 = arith.mulf %mul3A_45, %mul3A_49 : vector<10000x256xf32>
    %get3A_51 = arith.constant 0 : index
    %get3A_52 = arith.constant 0 : index
    %get3A_53 = vector.load %arg6[%get3A_51, %get3A_52] : memref<1x256xf32, #tpu.memory_space<vmem>>, vector<1x256xf32>
    %add3A_54 = vector.broadcast %get3A_53 : vector<1x256xf32> to vector<10000x256xf32>
    %add3A_55 = arith.addf %mul3A_50, %add3A_54 : vector<10000x256xf32>
    %max3A = arith.constant 0.000000e+00 : f32
    %max3A_56 = vector.broadcast %max3A : f32 to vector<10000x256xf32>
    %max3A_57 = arith.maximumf %add3A_55, %max3A_56 : vector<10000x256xf32>
    %get3A_58 = arith.constant 0 : index
    %get3A_59 = arith.constant 0 : index
    %get3A_60 = vector.load %arg7[%get3A_58, %get3A_59] : memref<256x128xf32, #tpu.memory_space<vmem>>, vector<256x128xf32>
    %dot_general3A_61 = arith.constant dense<0.000000e+00> : vector<10000x128xf32>
    %dot_general3A_62 = tpu.matmul %max3A_57, %get3A_60, %dot_general3A_61 {dimension_numbers = #tpu.dot_dimension_numbers<[1], [0], [0], [1], [0, 0, 1, 1], [], []>, transpose_lhs_hint = false} : vector<10000x256xf32>, vector<256x128xf32>, vector<10000x128xf32> -> vector<10000x128xf32>
    %get3A_63 = arith.constant 0 : index
    %get3A_64 = arith.constant 0 : index
    %get3A_65 = vector.load %arg8[%get3A_63, %get3A_64] : memref<1x128xf32, #tpu.memory_space<vmem>>, vector<1x128xf32>
    %add3A_66 = vector.broadcast %get3A_65 : vector<1x128xf32> to vector<10000x128xf32>
    %add3A_67 = arith.addf %dot_general3A_62, %add3A_66 : vector<10000x128xf32>
    %reduce_sum3A_68 = arith.constant dense<0.000000e+00> : vector<128xf32>
    %reduce_sum3A_69 = vector.multi_reduction <add>, %add3A_67, %reduce_sum3A_68 [0] : vector<10000x128xf32> to vector<128xf32>
    %broadcast_in_dim3A_70 = vector.shape_cast %reduce_sum3A_69 : vector<128xf32> to vector<1x128xf32>
    %div3A_71 = arith.constant 1.000000e+04 : f32
    %div3A_72 = vector.broadcast %div3A_71 : f32 to vector<1x128xf32>
    %div3A_73 = arith.divf %broadcast_in_dim3A_70, %div3A_72 : vector<1x128xf32>
    %sub3A_74 = vector.broadcast %div3A_73 : vector<1x128xf32> to vector<10000x128xf32>
    %sub3A_75 = arith.subf %add3A_67, %sub3A_74 : vector<10000x128xf32>
    %integer_pow3A_76 = arith.mulf %sub3A_75, %sub3A_75 : vector<10000x128xf32>
    %reduce_sum3A_77 = arith.constant dense<0.000000e+00> : vector<128xf32>
    %reduce_sum3A_78 = vector.multi_reduction <add>, %integer_pow3A_76, %reduce_sum3A_77 [0] : vector<10000x128xf32> to vector<128xf32>
    %broadcast_in_dim3A_79 = vector.shape_cast %reduce_sum3A_78 : vector<128xf32> to vector<1x128xf32>
    %div3A_80 = arith.constant 1.000000e+04 : f32
    %div3A_81 = vector.broadcast %div3A_80 : f32 to vector<1x128xf32>
    %div3A_82 = arith.divf %broadcast_in_dim3A_79, %div3A_81 : vector<1x128xf32>
    %sub3A_83 = vector.broadcast %div3A_73 : vector<1x128xf32> to vector<10000x128xf32>
    %sub3A_84 = arith.subf %add3A_67, %sub3A_83 : vector<10000x128xf32>
    %add3A_85 = arith.constant 9.99999974E-6 : f32
    %add3A_86 = vector.broadcast %add3A_85 : f32 to vector<1x128xf32>
    %add3A_87 = arith.addf %div3A_82, %add3A_86 : vector<1x128xf32>
    %rsqrt3A_88 = math.rsqrt %add3A_87 : vector<1x128xf32>
    %mul3A_89 = vector.broadcast %rsqrt3A_88 : vector<1x128xf32> to vector<10000x128xf32>
    %mul3A_90 = arith.mulf %sub3A_84, %mul3A_89 : vector<10000x128xf32>
    %get3A_91 = arith.constant 0 : index
    %get3A_92 = arith.constant 0 : index
    %get3A_93 = vector.load %arg9[%get3A_91, %get3A_92] : memref<1x128xf32, #tpu.memory_space<vmem>>, vector<1x128xf32>
    %mul3A_94 = vector.broadcast %get3A_93 : vector<1x128xf32> to vector<10000x128xf32>
    %mul3A_95 = arith.mulf %mul3A_90, %mul3A_94 : vector<10000x128xf32>
    %get3A_96 = arith.constant 0 : index
    %get3A_97 = arith.constant 0 : index
    %get3A_98 = vector.load %arg10[%get3A_96, %get3A_97] : memref<1x128xf32, #tpu.memory_space<vmem>>, vector<1x128xf32>
    %add3A_99 = vector.broadcast %get3A_98 : vector<1x128xf32> to vector<10000x128xf32>
    %add3A_100 = arith.addf %mul3A_95, %add3A_99 : vector<10000x128xf32>
    %swap3A = arith.constant 0 : index
    %swap3A_101 = arith.constant 0 : index
    %swap3A_102 = vector.load %arg11[%swap3A, %swap3A_101] : memref<10000x128xf32, #tpu.memory_space<vmem>>, vector<10000x128xf32>
    tpu.vector_store %arg11[%swap3A, %swap3A_101], %add3A_100 {strides = array<i32>} : memref<10000x128xf32, #tpu.memory_space<vmem>>, vector<10000x128xf32>,
    return
  }
}

</mosaic_0001>

<sc_bundles>
// kernel: kernel.11.cloned.1.call-start
scs
__scs_entry_jumppad:
0x0: {  	(pc) =	sbr.rel $0x88, $3  }
0x1: {  	(tag) =	ssettag $0x0;
	lr =	simm.s32 $0x1  }
0x2: {  	[smem:$0x3F94] =	sst lr;
	_ =	strace $0xD0000000  }
0x3: {  	_ = 	snop  }
0x4: {  	_ = 	snop  }
0x5: {  	_ = 	snop  }
0x6: {  	_ = 	snop  }
0x7: {  	_ = 	snop  }
__scs_overlays_trampoline_lowered:
0x8: {  	[smem:$0x3FA3] =	sst s0  }
0x9: {  	[smem:$0x3FA4] =	sst s1  }
0xa: {  	[smem:$0x3FA5] =	sst s2  }
0xb: {  	[smem:$0x3FA6] =	sst s3  }
0xc: {  	[smem:$0x3FA7] =	sst s4  }
0xd: {  	[smem:$0x3FA8] =	sst s5  }
0xe: {  	[smem:$0x3FA9] =	sst s6  }
0xf: {  	[smem:$0x3FAA] =	sst s7  }
0x10: {  	[smem:$0x3FAB] =	sst s8  }
0x11: {  	[smem:$0x3FAC] =	sst s9;
	s0 =	simm.s32 @!p0 $0x0  }
0x12: {  	s1 =	sld [smem:$0x3F92];
	s0 =	simm.s32 @p0 $0x1  }
0x13: {  	[smem:$0x3FAD] =	sst s0;
	s0 =	simm.s32 @!p1 $0x0  }
0x14: {  	s2 =	sld [smem:$0x3F91];
	s0 =	simm.s32 @p1 $0x1  }
0x15: {  	[smem:$0x3FAE] =	sst s0;
	s0 =	simm.s32 @!p2 $0x0  }
0x16: {  	s3 =	sld [smem:$0x3FDB];
	s0 =	simm.s32 @p2 $0x1  }
0x17: {  	s4 =	simm.s32 $0x1BF5;
	[smem:$0x3FB0] =	sst s0  }
0x18: {  	s0 =	sld [smem:$0x3F93];
	_ =	swait.ge [sflag:s4], $0x0  }
0x19: {  	s7 =	sld [smem:$0x3F94]  }
0x1a: {  	s8 =	sadd.s32 $0xFFFFE003, lr  }
0x1b: {  	s9 =	sadd.s32 $0xFFFFFEF7, lr;
	s5 =	simm.s32 $0xFFFFFFFF;
	p2 =	slt.u32 s8, $0xFFFFF086  }
0x1c: {  	p1 =	slt.u32 s9, $0xF7A;
	s5 =	simm.s32 @!p2 $0x0  }
0x1d: {  	s5 =	simm.s32 @p1 $0x1;
	p0 =	seq.s32 s7, s2  }
0x1e: {  	s7 =	smul.u32 @!p0 $0xF7A, s2;
	p2 =	seq.s32 @!p0 s5, $0x0  }
0x1f: {  	s9 =	smul.u32 $0xF7A, s1;
	s8 =	simm.s32 @!p0 $0x1BF5;
	p2 =	por !p2, p0  }
0x20: {  	[sflag:s8] =	ssyncset.s32 @!p0 $0xFFFFF086;
	s6 =	sadd.s32 @!p0 s3, s7;
	s7 =	simm.s32 @!p0 $0x108  }
0x21: {  	s3 =	sadd.s32 s3, s9;
	s6 =	sadd.s32 @!p0 $0x88, s6;
	s7 =	simm.s32 @p2 $0x1082  }
0x22: {  	[simem:s7], [sflag:s8] =	dma.local @!p0 [hbm:s6], $0xF7A  }
0x23: {  	s9 =	sor.u32 $0xD0000000, s2;
	s6 =	simm.s32 $0x108;
	_ =	swait.ge @!p0 [sflag:s8], $0x0  }
0x24: {  	s3 =	sadd.s32 $0x88, s3;
	s6 =	simm.s32 @!p1 $0x1082;
	[sflag:s4] =	ssyncset.s32 $0xFFFFF086  }
0x25: {  	[simem:s6], [sflag:s4] =	dma.local [hbm:s3], $0xF7A  }
0x26: {  	[smem:$0x3F94] =	sst s1;
	(tag) =	ssettag s2;
	_ =	strace s9  }
0x27: {  	s1 =	sld [smem:$0x3FA4]  }
0x28: {  	s2 =	sld [smem:$0x3FA5]  }
0x29: {  	s4 =	sld [smem:$0x3FA7]  }
0x2a: {  	p0 =	seq.s32 s5, $0x0;
	s5 =	sld [smem:$0x3FA8]  }
0x2b: {  	s6 =	sld [smem:$0x3FA9]  }
0x2c: {  	s7 =	sld [smem:$0x3FAA]  }
0x2d: {  	s3 =	simm.s32 $0x108;
	s8 =	sld [smem:$0x3FAB]  }
0x2e: {  	s3 =	simm.s32 @!p0 $0x1082;
	s9 =	sld [smem:$0x3FAC]  }
0x2f: {  	lr =	sadd.s32 s0, s3;
	s0 =	sld [smem:$0x3FA3]  }
0x30: {  	s3 =	sld [smem:$0x3FA6]  }
0x31: {  	[smem:$0x3FAF] =	sst s10  }
0x32: {  	s10 =	sld [smem:$0x3FAD];
	_ =	sdelay $0x3  }
0x33: {  	p0 =	seq.s32 s10, $0x1;
	s10 =	sld [smem:$0x3FAF];
	_ =	sdelay $0x3  }
0x34: {  	[smem:$0x3FAF] =	sst s10  }
0x35: {  	s10 =	sld [smem:$0x3FAE];
	_ =	sdelay $0x3  }
0x36: {  	p1 =	seq.s32 s10, $0x1;
	s10 =	sld [smem:$0x3FAF];
	_ =	sdelay $0x3  }
0x37: {  	[smem:$0x3FAF] =	sst s10  }
0x38: {  	s10 =	sld [smem:$0x3FB0]  }
0x39: {  	_ = 	snop;
	(pc) =	sbr.ind lr, $3  }
0x3a: {  	_ = 	snop  }
0x3b: {  	_ = 	snop  }
0x3c: {  	p2 =	seq.s32 s10, $0x1;
	s10 =	sld [smem:$0x3FAF]  }
0x3d: {  	_ =	shalt  }
0x3e: {  	_ =	shalt  }
0x3f: {  	_ =	shalt  }
0x40: {  	_ =	shalt  }
0x41: {  	_ =	shalt  }
0x42: {  	_ =	shalt  }
0x43: {  	_ =	shalt  }
0x44: {  	_ =	shalt  }
0x45: {  	_ =	shalt  }
0x46: {  	_ =	shalt  }
0x47: {  	_ =	shalt  }
0x48: {  	_ =	shalt  }
0x49: {  	_ =	shalt  }
0x4a: {  	_ =	shalt  }
0x4b: {  	_ =	shalt  }
0x4c: {  	_ =	shalt  }
0x4d: {  	_ =	shalt  }
0x4e: {  	_ =	shalt  }
0x4f: {  	_ =	shalt  }
0x50: {  	_ =	shalt  }
0x51: {  	_ =	shalt  }
0x52: {  	_ =	shalt  }
0x53: {  	_ =	shalt  }
0x54: {  	_ =	shalt  }
0x55: {  	_ =	shalt  }
0x56: {  	_ =	shalt  }
0x57: {  	_ =	shalt  }
0x58: {  	_ =	shalt  }
0x59: {  	_ =	shalt  }
0x5a: {  	_ =	shalt  }
0x5b: {  	_ =	shalt  }
0x5c: {  	_ =	shalt  }
0x5d: {  	_ =	shalt  }
0x5e: {  	_ =	shalt  }
0x5f: {  	_ =	shalt  }
0x60: {  	_ =	shalt  }
0x61: {  	_ =	shalt  }
0x62: {  	_ =	shalt  }
0x63: {  	_ =	shalt  }
0x64: {  	_ =	shalt  }
0x65: {  	_ =	shalt  }
0x66: {  	_ =	shalt  }
0x67: {  	_ =	shalt  }
0x68: {  	_ =	shalt  }
0x69: {  	_ =	shalt  }
0x6a: {  	_ =	shalt  }
0x6b: {  	_ =	shalt  }
0x6c: {  	_ =	shalt  }
0x6d: {  	_ =	shalt  }
0x6e: {  	_ =	shalt  }
0x6f: {  	_ =	shalt  }
0x70: {  	_ =	shalt  }
0x71: {  	_ =	shalt  }
0x72: {  	_ =	shalt  }
0x73: {  	_ =	shalt  }
0x74: {  	_ =	shalt  }
0x75: {  	_ =	shalt  }
0x76: {  	_ =	shalt  }
0x77: {  	_ =	shalt  }
0x78: {  	_ =	shalt  }
0x79: {  	_ =	shalt  }
0x7a: {  	_ =	shalt  }
0x7b: {  	_ =	shalt  }
0x7c: {  	_ =	shalt  }
0x7d: {  	_ =	shalt  }
0x7e: {  	_ =	shalt  }
0x7f: {  	_ =	shalt  }
0x80: {  	_ =	shalt  }
0x81: {  	_ =	shalt  }
0x82: {  	_ =	shalt  }
0x83: {  	_ =	shalt  }
0x84: {  	_ =	shalt  }
0x85: {  	_ =	shalt  }
0x86: {  	_ =	shalt  }
0x87: {  	_ =	shalt  }
.Lfunc_end0:
.L_simem_size_0:
called_computation.1_lowered:
.L_overlay_start_0:
0x88: {  	s2 =	sld [smem:$0x3FD9]  }
0x89: {  	s3 =	sld [smem:$0x3FFE];
	_ =	sdelay $0x1  }
0x8a: {  	s1 =	srdreg.scid  }
0x8b: {  	s0 =	sand.u32 $0x1, s1  }
0x8c: {  	s17 =	sshll.u32 s0, $0xA;
	s2 =	sadd.s32 s3, s2  }
0x8d: {  	s2 =	sadd.s32 s2, s17  }
0x8e: {  	[smem:$0x3FBB] =	sst s2  }
0x8f: {  	_ = 	snop  }
0x90: {  	s2 =	sld [smem:$0x3FD0];
	(tm) =	ssettm $0x1  }
0x91: {  	s18 =	sld [smem:$0x3FFB];
	_ =	sdelay $0x3  }
0x92: {  	_ =	strace s18  }
0x93: {  	s3 =	sld [smem:$0x3FFC];
	_ =	sdelay $0x3  }
0x94: {  	_ =	strace s3  }
0x95: {  	s3 =	sld [smem:$0x3FFD];
	_ =	sdelay $0x3  }
0x96: {  	_ =	strace s3  }
0x97: {  	_ =	strace $0x8FFFFFFF  }
0x98: {  	s19 =	sld [smem:$0x3FDB];
	_ =	sdelay $0x1  }
0x99: {  	s4 =	simm.s32 $_scs_section_size  }
0x9a: {  	s5 =	simm.s32 $_size__tile_overlayer_lowered;
	s6 =	simm.s32 $_tile_overlayer_lowered  }
0x9b: {  	s22 =	simm.s32 $0x1BFF;
	s21 =	sshll.u32 s6, $0x1;
	s3 =	sadd.s32 s4, s19  }
0x9c: {  	s7 =	simm.s32 $0x0;
	s20 =	sshll.u32 s5, $0x1;
	s5 =	sadd.s32 s21, s3  }
0x9d: {  	[timem:s7], [sflag:s22] =	dma.local [hbm:s5], s20  }
0x9e: {  	_ =	swait.ge [sflag:s22], s20  }
0x9f: {  	s4 =	ssub.s32 $0x0, s20;
	[sflag:s22] =	ssyncset.done $0x0  }
0xa0: {  	[sflag:s22] =	ssyncadd.s32 s4;
	_ =	sdelay $0x1  }
0xa1: {  	s23 =	simm.s32 $0x1B8B  }
0xa2: {  	_ =	swait.ge [sflag:s23], $0x1  }
0xa3: {  	[sflag:s23] =	ssyncset.done $0x0  }
0xa4: {  	s25 =	simm.s32 $0x1B8E;
	s24 =	sld [smem:$0x3FFE];
	[sflag:s23] =	ssyncadd.s32 $0xFFFFFFFF  }
0xa5: {  	s26 =	simm.s32 $execute0_lowered;
	[smem:$0x3FD2] =	sst s25  }
0xa6: {  	s5 =	sshll.u32 s26, $0x1;
	_ =	strace $0x80000049;
	[dreg:$0x1] =	wrdreg $0xFFFFFFFF  }
0xa7: {  	s28 =	simm.s32 $_size_execute0_lowered;
	s3 =	sadd.s32 s3, s5;
	[dreg:$0x0] =	wrdreg $0x0  }
0xa8: {  	s5 =	sshll.u32 s28, $0x1;
	[dreg:$0x2] =	wrdreg s3  }
0xa9: {  	[dreg:$0x3] =	wrdreg s5  }
0xaa: {  	[dreg:$0x4] =	wrdreg $0xC0  }
0xab: {  	_ =	task [dreg:s7], $0x5FFFF  }
0xac: {  	[dreg:$0x1] =	wrdreg $0xFFFFFFFF  }
0xad: {  	[dreg:$0x0] =	wrdreg $0x60  }
0xae: {  	[dreg:$0x2] =	wrdreg s24  }
0xaf: {  	[dreg:$0x3] =	wrdreg s2  }
0xb0: {  	[dreg:$0x4] =	wrdreg $0xC4000  }
0xb1: {  	[dreg:$0x5] =	wrdreg $0x9  }
0xb2: {  	_ =	task.clear_ibuf [dreg:s7], $0x6FFFF;
	_ =	strace $0x90000049  }
0xb3: {  	s29 =	simm.s32 $0x9;
	_ =	strace $0x8000004B  }
0xb4: {  	_ =	swait.ge [sflag:s29], $0x1  }
0xb5: {  	[sflag:s29] =	ssyncadd.s32 $0xFFFFFFFF  }
0xb6: {  	_ =	strace $0x9000004B  }
0xb7: {  	_ =	sfence  }
0xb8: {  	s30 =	sld [smem:$0x0];
	_ =	sdelay $0x2  }
0xb9: {  	s31 =	sshll.u32 s1, $0xD;
	s1 =	sshrl.u32 s1, $0x2  }
0xba: {  	s3 =	sand.u32 $0x4000, s31;
	s1 =	sadd.s32 s1, s30  }
0xbb: {  	s0 =	sor.u32 s3, s0;
	s1 =	sshll.u32 s1, $0x11  }
0xbc: {  	s0 =	sor.u32 s1, s0  }
0xbd: {  	s0 =	sadd.s32 $0x8F2B, s0  }
0xbe: {  	[sflag:s0] =	ssyncadd.remote.s32 $0x1  }
0xbf: {  	_ =	sfence.sel $0xFFFF  }
0xc0: {  	[dreg:$0x0] =	wrdreg $0xFFFFFFFF;
	(pc) =	sbr.abs _section_cstart, $3  }
0xc1: {  	[dreg:$0x1] =	wrdreg $0xFFFFFFFF  }
0xc2: {  	_ =	task.clear_ibuf [dreg:s7], $0x2FFFF;
	_ =	strace $0x9FFFFFFF  }
0xc3: {  	(tm) =	ssettm $0x7FFFFFFF  }
tec
execute0_lowered:
.L_overlay_start_1:
0x0: {  	(tag) =	ssettag $0x1  }
0x1: {  	s0 =	rddreg [dreg:$0x0]  }
0x2: {  	s2 =	rddreg [dreg:$0x1]  }
0x3: {  	s1 =	rddreg [dreg:$0x2]  }
0x4: {  	s3 =	srdreg.scid;
	s13 =	stileid.u32  }
0x5: {  	s15 =	simm.s32 $0x200;
	s16 =	simm.s32 $0xA000;
	s17 =	simm.s32 $0x1  }
0x6: {  	s18 =	simm.s32 $0x80;
	s19 =	simm.s32 $0x400;
	s20 =	simm.s32 $0x8400  }
0x7: {  	s21 =	simm.s32 $0x3;
	s22 =	simm.s32 $0x2;
	s23 =	simm.s32 $0x4400  }
0x8: {  	s28 =	simm.s32 $0x300;
	s29 =	simm.s32 $0x0;
	s9 =	smul.u32 $0x1F400, s13  }
0x9: {  	s7 =	sand.u32 $0x1, s3;
	s3 =	simm.s32 $0x0;
	s10 =	smul.u32 $0x7D000, s13  }
0xa: {  	s4 =	sadd.s32 $0xAC00, s0;
	s5 =	sadd.s32 $0x32C00, s0;
	s30 =	smul.u32 $0x3E80, s13  }
0xb: {  	s6 =	sadd.s32 $0x6800, s0;
	p0 =	sgt.u32 s13, $0x9;
	s8 =	smul.u32 $0x138800, s7  }
0xc: {  	[smem:$0x7FF] =	sst s3;
	s24 =	sshll.u32 s7, $0x4;
	s7 =	ssub.s32 $0x2, s7  }
0xd: {  	_ =	strace $0x8000004A;
	s25 =	sshrl.u32 s7, $0x1;
	s26 =	sshrl.u32 s10, $0x2  }
0xe: {  	s2 =	sadd.s32 s2, s30;
	s8 =	sadd.s32 s9, s8;
	s9 =	sor.u32 s13, s24  }
0xf: {  	s12 =	ssub.s32 s7, s25;
	s14 =	sadd.s32 s26, s1;
	[dreg:$0x4] =	wrdreg s2  }
0x10: {  	s2 =	sshll.u32 @!p0 s13, $0x6;
	s24 =	simm.s32 $0x5;
	s25 =	simm.s32 $0x100  }
0x11: {  	s26 =	simm.s32 $0x6;
	s8 =	sshrl.u32 s8, $0x3;
	s11 =	smul.u32 $0xA000, s9  }
0x12: {  	s12 =	smax.u32 s12, $0x1;
	s13 =	sor.u32 @!p0 $0x1C06, s2;
	s14 =	sshrl.u32 @!p0 s14, $0x3  }
0x13: {  	s0 =	sadd.s32 s8, s0;
	s31 =	sshrl.u32 s11, $0x3;
	s9 =	sor.u32 $0x200, s11  }
0x14: {  	s10 =	sor.u32 $0x400, s11;
	s11 =	sadd.s32 $0x81400, s0;
	s8 =	sadd.s32 s4, s31  }
.LBB2_1:
0x15: {  	s0 =	rddreg [dreg:$0x4]  }
0x16: {  	[spmem:s14], [sflag:s13] =	dma.local @!p0 [hbm:s0], $0x3E80  }
0x17: {  	s0 =	simm.s32 @!p0 $0x6  }
0x18: {  	_ =	swait.ge @!p0 [sflag:s0], $0x3E80  }
0x19: {  	[sflag:s0] =	ssyncset.done @!p0 $0x0  }
0x1a: {  	[sflag:s0] =	ssyncadd.s32 @!p0 $0xFFFFC180  }
0x1b: {  	[bflag:$0x0] =	sbarrier.arrive $0xFFFF  }
0x1c: {  	[tilespmem:s3], [sflag:$0x1] =	stream.strided.gather [hbm4b:s8+s15], $0x0, s16, s15, $0x38;
	[tilespmem:$0x1FC80] =	vst v63  }
0x1d: {  	_ = 	snop  }
0x1e: {  	[tilespmem:s3], [sflag:$0x1] =	stream.linear.gather [hbm4b:s8+s3], $0x180, $0x38;
	[tilespmem:$0x1FC80] =	vst v63  }
0x1f: {  	_ =	swait.ge [sflag:s17], $0x180  }
0x20: {  	[sflag:s17] =	ssyncset.done $0x0  }
0x21: {  	s30 =	simm.s32 $0x0;
	[sflag:s17] =	ssyncadd.s32 $0xFFFFFE80  }
0x22: {  	[tilespmem:s19], [sflag:$0x3] =	stream.indirect.gather [hbm4b:s5+s18], $0x80, s3, s18, $0xb8;
	[tilespmem:$0x1FC80] =	vst v63  }
.LBB2_2:
0x23: {  	s31 =	sshll.u32 s30, $0xA  }
0x24: {  	s0 =	sadd.s32 s31, s9  }
0x25: {  	s0 =	sshrl.u32 s0, $0x3  }
0x26: {  	s0 =	sadd.s32 s4, s0  }
0x27: {  	[tilespmem:s15], [sflag:$0x2] =	stream.strided.gather [hbm4b:s0+s15], $0x0, s16, s15, $0x38;
	[tilespmem:$0x1FC80] =	vst v63  }
0x28: {  	s2 =	simm.s32 $0x0  }
0x29: {  	[tilespmem:s15], [sflag:$0x2] =	stream.linear.gather [hbm4b:s0+s2], $0x180, $0x38;
	[tilespmem:$0x1FC80] =	vst v63  }
0x2a: {  	_ = 	snop  }
0x2b: {  	[tilespmem:s20], [sflag:$0x5] =	stream.indirect.gather [hbm4b:s6+s18], $0x80, s18, s18, $0xb8;
	[tilespmem:$0x1FC80] =	vst v63  }
0x2c: {  	_ =	swait.ge [sflag:s21], $0x4000  }
0x2d: {  	[sflag:s21] =	ssyncset.done $0x0  }
0x2e: {  	[sflag:s21] =	ssyncadd.s32 $0xFFFFC000  }
0x2f: {  	_ =	swait.ge [sflag:s22], $0x180  }
0x30: {  	[sflag:s22] =	ssyncset.done $0x0  }
0x31: {  	[sflag:s22] =	ssyncadd.s32 $0xFFFFFE80  }
0x32: {  	[tilespmem:s23], [sflag:$0x4] =	stream.indirect.gather [hbm4b:s5+s18], $0x80, s15, s18, $0xb8;
	[tilespmem:$0x1FC80] =	vst v63  }
0x33: {  	_ =	swait.ge [sflag:s24], $0x4000  }
0x34: {  	[sflag:s24] =	ssyncset.done $0x0  }
0x35: {  	s0 =	simm.s32 $0x0;
	[sflag:s24] =	ssyncadd.s32 $0xFFFFC000  }
0x36: {  	v6 =	vld [tilespmem:s0+$0x8400]  }
0x37: {  	v11 =	vld [tilespmem:s0+$0x8410]  }
0x38: {  	v5 =	vld [tilespmem:s0+$0x8420]  }
0x39: {  	v4 =	vld [tilespmem:s0+$0x8430]  }
0x3a: {  	v3 =	vld [tilespmem:s0+$0x8440]  }
0x3b: {  	v2 =	vld [tilespmem:s0+$0x8450]  }
0x3c: {  	v1 =	vld [tilespmem:s0+$0x8460]  }
0x3d: {  	v0 =	vld [tilespmem:s0+$0x8470]  }
0x3e: {  	v12 =	vld [tilespmem:s0+$0x400]  }
0x3f: {  	v13 =	vld [tilespmem:s0+$0x410]  }
0x40: {  	v10 =	vld [tilespmem:s0+$0x420]  }
0x41: {  	v9 =	vld [tilespmem:s0+$0x430]  }
0x42: {  	v8 =	vld [tilespmem:s0+$0x440]  }
0x43: {  	v7 =	vld [tilespmem:s0+$0x450];
	v12 =	vadd.f32 v6, v12  }
0x44: {  	s2 =	simm.s32 $0x200;
	v11 =	vadd.f32 v11, v13;
	v6 =	vld [tilespmem:s0+$0x460]  }
.LBB2_3:
0x45: {  	s7 =	sshra.s32 s2, $0x2;
	p1 =	sne.s32 s2, $0xFE00;
	v12 =	vmax.f32 v12, $0.0e+00;
	v5 =	vadd.f32 v5, v10;
	v10 =	vld [tilespmem:s0+$0x470]  }
0x46: {  	v13 =	vld [tilespmem:s7+$0x8400];
	[tilespmem:s0+$0x400] =	vst v12;
	v11 =	vmax.f32 v11, $0.0e+00;
	v4 =	vadd.f32 v4, v9  }
0x47: {  	v14 =	vld [tilespmem:s7+$0x8410];
	[tilespmem:s0+$0x410] =	vst v11;
	v9 =	vmax.f32 v5, $0.0e+00;
	v3 =	vadd.f32 v3, v8  }
0x48: {  	v5 =	vld [tilespmem:s7+$0x8420];
	[tilespmem:s0+$0x420] =	vst v9;
	v8 =	vmax.f32 v4, $0.0e+00;
	v2 =	vadd.f32 v2, v7  }
0x49: {  	v4 =	vld [tilespmem:s7+$0x8430];
	[tilespmem:s0+$0x430] =	vst v8;
	v7 =	vmax.f32 v3, $0.0e+00;
	v1 =	vadd.f32 v1, v6  }
0x4a: {  	v3 =	vld [tilespmem:s7+$0x8440];
	[tilespmem:s0+$0x440] =	vst v7;
	v6 =	vmax.f32 v2, $0.0e+00;
	v0 =	vadd.f32 v0, v10  }
0x4b: {  	v2 =	vld [tilespmem:s7+$0x8450];
	[tilespmem:s0+$0x450] =	vst v6;
	v6 =	vmax.f32 v1, $0.0e+00  }
0x4c: {  	v1 =	vld [tilespmem:s7+$0x8460];
	[tilespmem:s0+$0x460] =	vst v6;
	v6 =	vmax.f32 v0, $0.0e+00  }
0x4d: {  	v0 =	vld [tilespmem:s7+$0x8470];
	[tilespmem:s0+$0x470] =	vst v6;
	s0 =	smov.u32 s7  }
0x4e: {  	v6 =	vld [tilespmem:s0+$0x400]  }
0x4f: {  	v11 =	vld [tilespmem:s0+$0x410]  }
.Ltmp0:
0x50: {  	v10 =	vld [tilespmem:s0+$0x420];
	(pc) =	sbr.rel @p1 .LBB2_3-.Ltmp0, $4  }
0x51: {  	v9 =	vld [tilespmem:s0+$0x430]  }
0x52: {  	v8 =	vld [tilespmem:s0+$0x440]  }
0x53: {  	v12 =	vadd.f32 v13, v6;
	v7 =	vld [tilespmem:s0+$0x450]  }
0x54: {  	s2 =	sadd.s32 $0x200, s2;
	v11 =	vadd.f32 v14, v11;
	v6 =	vld [tilespmem:s0+$0x460]  }
0x55: {  	v12 =	vmax.f32 v12, $0.0e+00;
	v5 =	vadd.f32 v5, v10;
	v10 =	vld [tilespmem:s0+$0x470]  }
0x56: {  	[tilespmem:s0+$0x400] =	vst v12;
	v11 =	vmax.f32 v11, $0.0e+00;
	v4 =	vadd.f32 v4, v9  }
0x57: {  	[tilespmem:s0+$0x410] =	vst v11;
	v5 =	vmax.f32 v5, $0.0e+00;
	v3 =	vadd.f32 v3, v8  }
0x58: {  	[tilespmem:s0+$0x420] =	vst v5;
	v4 =	vmax.f32 v4, $0.0e+00;
	v2 =	vadd.f32 v2, v7  }
0x59: {  	[tilespmem:s0+$0x430] =	vst v4;
	v3 =	vmax.f32 v3, $0.0e+00;
	v1 =	vadd.f32 v1, v6  }
0x5a: {  	[tilespmem:s0+$0x440] =	vst v3;
	v2 =	vmax.f32 v2, $0.0e+00;
	v0 =	vadd.f32 v0, v10  }
0x5b: {  	[tilespmem:s0+$0x450] =	vst v2;
	v1 =	vmax.f32 v1, $0.0e+00  }
0x5c: {  	[tilespmem:s0+$0x460] =	vst v1;
	v0 =	vmax.f32 v0, $0.0e+00  }
0x5d: {  	[tilespmem:s0+$0x470] =	vst v0  }
0x5e: {  	[spmem:s1] =	stream.indirect.scatter.add.f32 [tilespmem:s19], [sflag:$0x6], $0x80, s25, s18, $0xb8;
	[tilespmem:$0x1FC80] =	vst v63  }
0x5f: {  	p1 =	seq.s32 s30, $0x27;
	_ =	swait.ge [sflag:s26], $0x4000  }
0x60: {  	s2 =	simm.s32 @p1 $0x280;
	[sflag:s26] =	ssyncset.done $0x0  }
0x61: {  	s7 =	simm.s32 @p1 $0x8400;
	s0 =	simm.s32 @p1 $0x80;
	[sflag:s26] =	ssyncadd.s32 $0xFFFFC000  }
0x62: {  	[tilespmem:s7], [sflag:$0x5] =	stream.indirect.gather @p1 [hbm4b:s6+s0], $0x80, s2, s0, $0xb8;
	[tilespmem:$0x1FC80] =	vst v63  }
0x63: {  	s0 =	simm.s32 @p1 $0x4  }
0x64: {  	s2 =	sadd.s32 @!p1 s31, s10;
	s7 =	simm.s32 @!p1 $0xA000;
	_ =	swait.ge @p1 [sflag:s0], $0x4000  }
0x65: {  	s31 =	simm.s32 @!p1 $0x0;
	s2 =	sshrl.u32 @!p1 s2, $0x3;
	[sflag:s0] =	ssyncset.done @p1 $0x0  }
0x66: {  	[sflag:s0] =	ssyncadd.s32 @p1 $0xFFFFC000;
	s0 =	sadd.s32 @!p1 s4, s2;
	s2 =	simm.s32 @!p1 $0x200  }
0x67: {  	[tilespmem:s31], [sflag:$0x1] =	stream.strided.gather @!p1 [hbm4b:s0+s2], $0x0, s7, s2, $0x38;
	[tilespmem:$0x1FC80] =	vst v63  }
0x68: {  	_ = 	snop  }
0x69: {  	[tilespmem:s31], [sflag:$0x1] =	stream.linear.gather @!p1 [hbm4b:s0+s31], $0x180, $0x38;
	[tilespmem:$0x1FC80] =	vst v63  }
0x6a: {  	s2 =	simm.s32 @!p1 $0x280;
	s7 =	simm.s32 @!p1 $0x8400;
	s0 =	simm.s32 @!p1 $0x80  }
0x6b: {  	[tilespmem:s7], [sflag:$0x5] =	stream.indirect.gather @!p1 [hbm4b:s6+s0], $0x80, s2, s0, $0xb8;
	[tilespmem:$0x1FC80] =	vst v63  }
0x6c: {  	s2 =	simm.s32 @!p1 $0x4  }
0x6d: {  	_ =	swait.ge @!p1 [sflag:s2], $0x4000  }
0x6e: {  	[sflag:s2] =	ssyncset.done @!p1 $0x0  }
0x6f: {  	[sflag:s2] =	ssyncadd.s32 @!p1 $0xFFFFC000;
	s2 =	simm.s32 @!p1 $0x1  }
0x70: {  	_ =	swait.ge @!p1 [sflag:s2], $0x180  }
0x71: {  	[sflag:s2] =	ssyncset.done @!p1 $0x0  }
0x72: {  	[sflag:s2] =	ssyncadd.s32 @!p1 $0xFFFFFE80;
	s2 =	simm.s32 @!p1 $0x400  }
0x73: {  	[tilespmem:s2], [sflag:$0x3] =	stream.indirect.gather @!p1 [hbm4b:s5+s0], $0x80, s31, s0, $0xb8;
	[tilespmem:$0x1FC80] =	vst v63  }
0x74: {  	_ =	swait.ge [sflag:s24], $0x4000  }
0x75: {  	[sflag:s24] =	ssyncset.done $0x0  }
0x76: {  	s0 =	simm.s32 $0x0;
	[sflag:s24] =	ssyncadd.s32 $0xFFFFC000  }
0x77: {  	v6 =	vld [tilespmem:s0+$0x8400]  }
0x78: {  	v11 =	vld [tilespmem:s0+$0x8410]  }
0x79: {  	v5 =	vld [tilespmem:s0+$0x8420]  }
0x7a: {  	v4 =	vld [tilespmem:s0+$0x8430]  }
0x7b: {  	v3 =	vld [tilespmem:s0+$0x8440]  }
0x7c: {  	v2 =	vld [tilespmem:s0+$0x8450]  }
0x7d: {  	v1 =	vld [tilespmem:s0+$0x8460]  }
0x7e: {  	v0 =	vld [tilespmem:s0+$0x8470]  }
0x7f: {  	v12 =	vld [tilespmem:s0+$0x4400]  }
0x80: {  	v13 =	vld [tilespmem:s0+$0x4410]  }
0x81: {  	v10 =	vld [tilespmem:s0+$0x4420]  }
0x82: {  	v9 =	vld [tilespmem:s0+$0x4430]  }
0x83: {  	v8 =	vld [tilespmem:s0+$0x4440]  }
0x84: {  	v7 =	vld [tilespmem:s0+$0x4450];
	v12 =	vadd.f32 v6, v12  }
0x85: {  	s2 =	simm.s32 $0x200;
	v11 =	vadd.f32 v11, v13;
	v6 =	vld [tilespmem:s0+$0x4460]  }
.LBB2_5:
0x86: {  	s7 =	sshra.s32 s2, $0x2;
	p1 =	sne.s32 s2, $0xFE00;
	v12 =	vmax.f32 v12, $0.0e+00;
	v5 =	vadd.f32 v5, v10;
	v10 =	vld [tilespmem:s0+$0x4470]  }
0x87: {  	v13 =	vld [tilespmem:s7+$0x8400];
	[tilespmem:s0+$0x4400] =	vst v12;
	v11 =	vmax.f32 v11, $0.0e+00;
	v4 =	vadd.f32 v4, v9  }
0x88: {  	v14 =	vld [tilespmem:s7+$0x8410];
	[tilespmem:s0+$0x4410] =	vst v11;
	v9 =	vmax.f32 v5, $0.0e+00;
	v3 =	vadd.f32 v3, v8  }
0x89: {  	v5 =	vld [tilespmem:s7+$0x8420];
	[tilespmem:s0+$0x4420] =	vst v9;
	v8 =	vmax.f32 v4, $0.0e+00;
	v2 =	vadd.f32 v2, v7  }
0x8a: {  	v4 =	vld [tilespmem:s7+$0x8430];
	[tilespmem:s0+$0x4430] =	vst v8;
	v7 =	vmax.f32 v3, $0.0e+00;
	v1 =	vadd.f32 v1, v6  }
0x8b: {  	v3 =	vld [tilespmem:s7+$0x8440];
	[tilespmem:s0+$0x4440] =	vst v7;
	v6 =	vmax.f32 v2, $0.0e+00;
	v0 =	vadd.f32 v0, v10  }
0x8c: {  	v2 =	vld [tilespmem:s7+$0x8450];
	[tilespmem:s0+$0x4450] =	vst v6;
	v6 =	vmax.f32 v1, $0.0e+00  }
0x8d: {  	v1 =	vld [tilespmem:s7+$0x8460];
	[tilespmem:s0+$0x4460] =	vst v6;
	v6 =	vmax.f32 v0, $0.0e+00  }
0x8e: {  	v0 =	vld [tilespmem:s7+$0x8470];
	[tilespmem:s0+$0x4470] =	vst v6;
	s0 =	smov.u32 s7  }
0x8f: {  	v6 =	vld [tilespmem:s0+$0x4400]  }
0x90: {  	v11 =	vld [tilespmem:s0+$0x4410]  }
.Ltmp1:
0x91: {  	v10 =	vld [tilespmem:s0+$0x4420];
	(pc) =	sbr.rel @p1 .LBB2_5-.Ltmp1, $4  }
0x92: {  	v9 =	vld [tilespmem:s0+$0x4430]  }
0x93: {  	v8 =	vld [tilespmem:s0+$0x4440]  }
0x94: {  	v12 =	vadd.f32 v13, v6;
	v7 =	vld [tilespmem:s0+$0x4450]  }
0x95: {  	s2 =	sadd.s32 $0x200, s2;
	v11 =	vadd.f32 v14, v11;
	v6 =	vld [tilespmem:s0+$0x4460]  }
0x96: {  	v12 =	vmax.f32 v12, $0.0e+00;
	v5 =	vadd.f32 v5, v10;
	v63 =	vld [tilespmem:s0+$0x4470]  }
0x97: {  	[tilespmem:s0+$0x4400] =	vst v12;
	v11 =	vmax.f32 v11, $0.0e+00;
	v4 =	vadd.f32 v4, v9  }
0x98: {  	[tilespmem:s0+$0x4410] =	vst v11;
	v5 =	vmax.f32 v5, $0.0e+00;
	v3 =	vadd.f32 v3, v8  }
0x99: {  	[tilespmem:s0+$0x4420] =	vst v5;
	v4 =	vmax.f32 v4, $0.0e+00;
	v2 =	vadd.f32 v2, v7  }
0x9a: {  	[tilespmem:s0+$0x4430] =	vst v4;
	v3 =	vmax.f32 v3, $0.0e+00;
	v1 =	vadd.f32 v1, v6  }
0x9b: {  	[tilespmem:s0+$0x4440] =	vst v3;
	v2 =	vmax.f32 v2, $0.0e+00;
	v0 =	vadd.f32 v0, v63  }
0x9c: {  	s30 =	sadd.s32 $0x1, s30;
	[tilespmem:s0+$0x4450] =	vst v2;
	v1 =	vmax.f32 v1, $0.0e+00  }
0x9d: {  	p1 =	sne.s32 s30, $0x28;
	[tilespmem:s0+$0x4460] =	vst v1;
	v0 =	vmax.f32 v0, $0.0e+00  }
.Ltmp2:
0x9e: {  	[tilespmem:s0+$0x4470] =	vst v0;
	(pc) =	sbr.rel @p1 .LBB2_2-.Ltmp2, $4  }
0x9f: {  	[spmem:s1] =	stream.indirect.scatter.add.f32 [tilespmem:s23], [sflag:$0x6], $0x80, s28, s18, $0xb8;
	[tilespmem:$0x1FC80] =	vst v63  }
0xa0: {  	_ =	swait.ge [sflag:s26], $0x4000  }
0xa1: {  	[sflag:s26] =	ssyncset.done $0x0  }
0xa2: {  	[sflag:s26] =	ssyncadd.s32 $0xFFFFC000  }
0xa3: {  	s29 =	sadd.s32 $0x1, s29  }
0xa4: {  	p1 =	sne.s32 s29, s12  }
.Ltmp3:
0xa5: {  	[bflag:$0x0] =	sbarrier.arrive $0xFFFF;
	s0 =	simm.s32 @!p0 $0x6;
	(pc) =	sbr.rel @p1 .LBB2_1-.Ltmp3, $4  }
0xa6: {  	[hbm:s11], [sflag:s13] =	dma.local @!p0 [spmem:s14], $0x3E80  }
0xa7: {  	_ =	swait.ge @!p0 [sflag:s0], $0x3E80  }
0xa8: {  	[sflag:s0] =	ssyncset.done @!p0 $0x0  }
0xa9: {  	[sflag:s0] =	ssyncadd.s32 @!p0 $0xFFFFC180  }
0xaa: {  	_ =	sfence.sel $0x180000  }
0xab: {  	[bflag:$0x0] =	sbarrier.arrive $0xFFFF  }
0xac: {  	_ =	strace $0x9000004A  }
0xad: {  	s0 =	stileid.u32;
	[bflag:$0x2] =	sbarrier.arrive $0xFFFF  }
0xae: {  	p0 =	sne.s32 s0, $0x0;
	s0 =	rddreg [dreg:$0x3]  }
0xaf: {  	s0 =	sadd.s32 @!p0 $0x100000, s0  }
0xb0: {  	[sflag:s0] =	ssyncadd.tile.s32 @!p0 $0x1;
	_ =	shalt  }
.Lfunc_end2:
_tile_overlayer_lowered:
.L_overlay_start_2:
0xb1: {  	(tag) =	ssettag $0x2  }
0xb2: {  	s0 =	rddreg [dreg:$0x0];
	s2 =	stileid.u32  }
0xb3: {  	s1 =	rddreg [dreg:$0x1];
	p0 =	sne.s32 s2, $0x0  }
0xb4: {  	s3 =	rddreg [dreg:$0x2];
	[bflag:$0x3] =	sbarrier.arrive $0xFFFF;
	s2 =	simm.s32 @!p0 $0x1C06  }
0xb5: {  	[timem:s3], [sflag:s2] =	dma.local @!p0 [hbm:s0], s1  }
0xb6: {  	s0 =	simm.s32 @!p0 $0x6  }
0xb7: {  	_ =	swait.ge @!p0 [sflag:s0], s1  }
0xb8: {  	s1 =	ssub.s32 @!p0 $0x0, s1;
	[sflag:s0] =	ssyncset.done @!p0 $0x0  }
0xb9: {  	[sflag:s0] =	ssyncadd.s32 @!p0 s1  }
0xba: {  	[bflag:$0x3] =	sbarrier.arrive $0xFFFF  }
0xbb: {  	_ =	shalt  }

// kernel: kernel.14.cloned.1.call-start
scs
__scs_entry_jumppad:
0x0: {  	(pc) =	sbr.rel $0x88, $3  }
0x1: {  	(tag) =	ssettag $0x0;
	lr =	simm.s32 $0x1  }
0x2: {  	[smem:$0x3F94] =	sst lr;
	_ =	strace $0xD0000000  }
0x3: {  	_ = 	snop  }
0x4: {  	_ = 	snop  }
0x5: {  	_ = 	snop  }
0x6: {  	_ = 	snop  }
0x7: {  	_ = 	snop  }
__scs_overlays_trampoline_lowered:
0x8: {  	[smem:$0x3FA3] =	sst s0  }
0x9: {  	[smem:$0x3FA4] =	sst s1  }
0xa: {  	[smem:$0x3FA5] =	sst s2  }
0xb: {  	[smem:$0x3FA6] =	sst s3  }
0xc: {  	[smem:$0x3FA7] =	sst s4  }
0xd: {  	[smem:$0x3FA8] =	sst s5  }
0xe: {  	[smem:$0x3FA9] =	sst s6  }
0xf: {  	[smem:$0x3FAA] =	sst s7  }
0x10: {  	[smem:$0x3FAB] =	sst s8  }
0x11: {  	[smem:$0x3FAC] =	sst s9;
	s0 =	simm.s32 @!p0 $0x0  }
0x12: {  	s1 =	sld [smem:$0x3F92];
	s0 =	simm.s32 @p0 $0x1  }
0x13: {  	[smem:$0x3FAD] =	sst s0;
	s0 =	simm.s32 @!p1 $0x0  }
0x14: {  	s2 =	sld [smem:$0x3F91];
	s0 =	simm.s32 @p1 $0x1  }
0x15: {  	[smem:$0x3FAE] =	sst s0;
	s0 =	simm.s32 @!p2 $0x0  }
0x16: {  	s3 =	sld [smem:$0x3FDB];
	s0 =	simm.s32 @p2 $0x1  }
0x17: {  	s4 =	simm.s32 $0x1BF5;
	[smem:$0x3FB0] =	sst s0  }
0x18: {  	s0 =	sld [smem:$0x3F93];
	_ =	swait.ge [sflag:s4], $0x0  }
0x19: {  	s7 =	sld [smem:$0x3F94]  }
0x1a: {  	s8 =	sadd.s32 $0xFFFFE003, lr  }
0x1b: {  	s9 =	sadd.s32 $0xFFFFFEF7, lr;
	s5 =	simm.s32 $0xFFFFFFFF;
	p2 =	slt.u32 s8, $0xFFFFF086  }
0x1c: {  	p1 =	slt.u32 s9, $0xF7A;
	s5 =	simm.s32 @!p2 $0x0  }
0x1d: {  	s5 =	simm.s32 @p1 $0x1;
	p0 =	seq.s32 s7, s2  }
0x1e: {  	s7 =	smul.u32 @!p0 $0xF7A, s2;
	p2 =	seq.s32 @!p0 s5, $0x0  }
0x1f: {  	s9 =	smul.u32 $0xF7A, s1;
	s8 =	simm.s32 @!p0 $0x1BF5;
	p2 =	por !p2, p0  }
0x20: {  	[sflag:s8] =	ssyncset.s32 @!p0 $0xFFFFF086;
	s6 =	sadd.s32 @!p0 s3, s7;
	s7 =	simm.s32 @!p0 $0x108  }
0x21: {  	s3 =	sadd.s32 s3, s9;
	s6 =	sadd.s32 @!p0 $0x88, s6;
	s7 =	simm.s32 @p2 $0x1082  }
0x22: {  	[simem:s7], [sflag:s8] =	dma.local @!p0 [hbm:s6], $0xF7A  }
0x23: {  	s9 =	sor.u32 $0xD0000000, s2;
	s6 =	simm.s32 $0x108;
	_ =	swait.ge @!p0 [sflag:s8], $0x0  }
0x24: {  	s3 =	sadd.s32 $0x88, s3;
	s6 =	simm.s32 @!p1 $0x1082;
	[sflag:s4] =	ssyncset.s32 $0xFFFFF086  }
0x25: {  	[simem:s6], [sflag:s4] =	dma.local [hbm:s3], $0xF7A  }
0x26: {  	[smem:$0x3F94] =	sst s1;
	(tag) =	ssettag s2;
	_ =	strace s9  }
0x27: {  	s1 =	sld [smem:$0x3FA4]  }
0x28: {  	s2 =	sld [smem:$0x3FA5]  }
0x29: {  	s4 =	sld [smem:$0x3FA7]  }
0x2a: {  	p0 =	seq.s32 s5, $0x0;
	s5 =	sld [smem:$0x3FA8]  }
0x2b: {  	s6 =	sld [smem:$0x3FA9]  }
0x2c: {  	s7 =	sld [smem:$0x3FAA]  }
0x2d: {  	s3 =	simm.s32 $0x108;
	s8 =	sld [smem:$0x3FAB]  }
0x2e: {  	s3 =	simm.s32 @!p0 $0x1082;
	s9 =	sld [smem:$0x3FAC]  }
0x2f: {  	lr =	sadd.s32 s0, s3;
	s0 =	sld [smem:$0x3FA3]  }
0x30: {  	s3 =	sld [smem:$0x3FA6]  }
0x31: {  	[smem:$0x3FAF] =	sst s10  }
0x32: {  	s10 =	sld [smem:$0x3FAD];
	_ =	sdelay $0x3  }
0x33: {  	p0 =	seq.s32 s10, $0x1;
	s10 =	sld [smem:$0x3FAF];
	_ =	sdelay $0x3  }
0x34: {  	[smem:$0x3FAF] =	sst s10  }
0x35: {  	s10 =	sld [smem:$0x3FAE];
	_ =	sdelay $0x3  }
0x36: {  	p1 =	seq.s32 s10, $0x1;
	s10 =	sld [smem:$0x3FAF];
	_ =	sdelay $0x3  }
0x37: {  	[smem:$0x3FAF] =	sst s10  }
0x38: {  	s10 =	sld [smem:$0x3FB0]  }
0x39: {  	_ = 	snop;
	(pc) =	sbr.ind lr, $3  }
0x3a: {  	_ = 	snop  }
0x3b: {  	_ = 	snop  }
0x3c: {  	p2 =	seq.s32 s10, $0x1;
	s10 =	sld [smem:$0x3FAF]  }
0x3d: {  	_ =	shalt  }
0x3e: {  	_ =	shalt  }
0x3f: {  	_ =	shalt  }
0x40: {  	_ =	shalt  }
0x41: {  	_ =	shalt  }
0x42: {  	_ =	shalt  }
0x43: {  	_ =	shalt  }
0x44: {  	_ =	shalt  }
0x45: {  	_ =	shalt  }
0x46: {  	_ =	shalt  }
0x47: {  	_ =	shalt  }
0x48: {  	_ =	shalt  }
0x49: {  	_ =	shalt  }
0x4a: {  	_ =	shalt  }
0x4b: {  	_ =	shalt  }
0x4c: {  	_ =	shalt  }
0x4d: {  	_ =	shalt  }
0x4e: {  	_ =	shalt  }
0x4f: {  	_ =	shalt  }
0x50: {  	_ =	shalt  }
0x51: {  	_ =	shalt  }
0x52: {  	_ =	shalt  }
0x53: {  	_ =	shalt  }
0x54: {  	_ =	shalt  }
0x55: {  	_ =	shalt  }
0x56: {  	_ =	shalt  }
0x57: {  	_ =	shalt  }
0x58: {  	_ =	shalt  }
0x59: {  	_ =	shalt  }
0x5a: {  	_ =	shalt  }
0x5b: {  	_ =	shalt  }
0x5c: {  	_ =	shalt  }
0x5d: {  	_ =	shalt  }
0x5e: {  	_ =	shalt  }
0x5f: {  	_ =	shalt  }
0x60: {  	_ =	shalt  }
0x61: {  	_ =	shalt  }
0x62: {  	_ =	shalt  }
0x63: {  	_ =	shalt  }
0x64: {  	_ =	shalt  }
0x65: {  	_ =	shalt  }
0x66: {  	_ =	shalt  }
0x67: {  	_ =	shalt  }
0x68: {  	_ =	shalt  }
0x69: {  	_ =	shalt  }
0x6a: {  	_ =	shalt  }
0x6b: {  	_ =	shalt  }
0x6c: {  	_ =	shalt  }
0x6d: {  	_ =	shalt  }
0x6e: {  	_ =	shalt  }
0x6f: {  	_ =	shalt  }
0x70: {  	_ =	shalt  }
0x71: {  	_ =	shalt  }
0x72: {  	_ =	shalt  }
0x73: {  	_ =	shalt  }
0x74: {  	_ =	shalt  }
0x75: {  	_ =	shalt  }
0x76: {  	_ =	shalt  }
0x77: {  	_ =	shalt  }
0x78: {  	_ =	shalt  }
0x79: {  	_ =	shalt  }
0x7a: {  	_ =	shalt  }
0x7b: {  	_ =	shalt  }
0x7c: {  	_ =	shalt  }
0x7d: {  	_ =	shalt  }
0x7e: {  	_ =	shalt  }
0x7f: {  	_ =	shalt  }
0x80: {  	_ =	shalt  }
0x81: {  	_ =	shalt  }
0x82: {  	_ =	shalt  }
0x83: {  	_ =	shalt  }
0x84: {  	_ =	shalt  }
0x85: {  	_ =	shalt  }
0x86: {  	_ =	shalt  }
0x87: {  	_ =	shalt  }
.Lfunc_end0:
.L_simem_size_0:
called_computation.2_lowered:
.L_overlay_start_0:
0x88: {  	s2 =	sld [smem:$0x3FD9]  }
0x89: {  	s3 =	sld [smem:$0x3FFE];
	_ =	sdelay $0x1  }
0x8a: {  	s1 =	srdreg.scid  }
0x8b: {  	s0 =	sand.u32 $0x1, s1  }
0x8c: {  	s17 =	sshll.u32 s0, $0xA;
	s2 =	sadd.s32 s3, s2  }
0x8d: {  	s2 =	sadd.s32 s2, s17  }
0x8e: {  	[smem:$0x3FBB] =	sst s2  }
0x8f: {  	_ = 	snop  }
0x90: {  	s2 =	sld [smem:$0x3FD0];
	(tm) =	ssettm $0x1  }
0x91: {  	s18 =	sld [smem:$0x3FFB];
	_ =	sdelay $0x3  }
0x92: {  	_ =	strace s18  }
0x93: {  	s3 =	sld [smem:$0x3FFC];
	_ =	sdelay $0x3  }
0x94: {  	_ =	strace s3  }
0x95: {  	s3 =	sld [smem:$0x3FFD];
	_ =	sdelay $0x3  }
0x96: {  	_ =	strace s3  }
0x97: {  	_ =	strace $0x8FFFFFFF  }
0x98: {  	s19 =	sld [smem:$0x3FDB];
	_ =	sdelay $0x1  }
0x99: {  	s4 =	simm.s32 $_scs_section_size  }
0x9a: {  	s5 =	simm.s32 $_size__tile_overlayer_lowered;
	s6 =	simm.s32 $_tile_overlayer_lowered  }
0x9b: {  	s22 =	simm.s32 $0x1BFF;
	s21 =	sshll.u32 s6, $0x1;
	s3 =	sadd.s32 s4, s19  }
0x9c: {  	s7 =	simm.s32 $0x0;
	s20 =	sshll.u32 s5, $0x1;
	s5 =	sadd.s32 s21, s3  }
0x9d: {  	[timem:s7], [sflag:s22] =	dma.local [hbm:s5], s20  }
0x9e: {  	_ =	swait.ge [sflag:s22], s20  }
0x9f: {  	s4 =	ssub.s32 $0x0, s20;
	[sflag:s22] =	ssyncset.done $0x0  }
0xa0: {  	[sflag:s22] =	ssyncadd.s32 s4;
	_ =	sdelay $0x1  }
0xa1: {  	s23 =	simm.s32 $0x1B8B  }
0xa2: {  	_ =	swait.ge [sflag:s23], $0x1  }
0xa3: {  	[sflag:s23] =	ssyncset.done $0x0  }
0xa4: {  	s25 =	simm.s32 $0x1B8E;
	s24 =	sld [smem:$0x3FFE];
	[sflag:s23] =	ssyncadd.s32 $0xFFFFFFFF  }
0xa5: {  	s26 =	simm.s32 $execute0_lowered;
	[smem:$0x3FD2] =	sst s25  }
0xa6: {  	s5 =	sshll.u32 s26, $0x1;
	_ =	strace $0x8000004C;
	[dreg:$0x1] =	wrdreg $0xFFFFFFFF  }
0xa7: {  	s28 =	simm.s32 $_size_execute0_lowered;
	s3 =	sadd.s32 s3, s5;
	[dreg:$0x0] =	wrdreg $0x0  }
0xa8: {  	s5 =	sshll.u32 s28, $0x1;
	[dreg:$0x2] =	wrdreg s3  }
0xa9: {  	[dreg:$0x3] =	wrdreg s5  }
0xaa: {  	[dreg:$0x4] =	wrdreg $0xC0  }
0xab: {  	_ =	task [dreg:s7], $0x5FFFF  }
0xac: {  	[dreg:$0x1] =	wrdreg $0xFFFFFFFF  }
0xad: {  	[dreg:$0x0] =	wrdreg $0x60  }
0xae: {  	[dreg:$0x2] =	wrdreg s24  }
0xaf: {  	[dreg:$0x3] =	wrdreg s2  }
0xb0: {  	[dreg:$0x4] =	wrdreg $0xC4000  }
0xb1: {  	[dreg:$0x5] =	wrdreg $0x9  }
0xb2: {  	_ =	task.clear_ibuf [dreg:s7], $0x6FFFF;
	_ =	strace $0x9000004C  }
0xb3: {  	s29 =	simm.s32 $0x9;
	_ =	strace $0x8000004E  }
0xb4: {  	_ =	swait.ge [sflag:s29], $0x1  }
0xb5: {  	[sflag:s29] =	ssyncadd.s32 $0xFFFFFFFF  }
0xb6: {  	_ =	strace $0x9000004E  }
0xb7: {  	_ =	sfence  }
0xb8: {  	s30 =	sld [smem:$0x0];
	_ =	sdelay $0x2  }
0xb9: {  	s31 =	sshll.u32 s1, $0xD;
	s1 =	sshrl.u32 s1, $0x2  }
0xba: {  	s3 =	sand.u32 $0x4000, s31;
	s1 =	sadd.s32 s1, s30  }
0xbb: {  	s0 =	sor.u32 s3, s0;
	s1 =	sshll.u32 s1, $0x11  }
0xbc: {  	s0 =	sor.u32 s1, s0  }
0xbd: {  	s0 =	sadd.s32 $0x8F2B, s0  }
0xbe: {  	[sflag:s0] =	ssyncadd.remote.s32 $0x1  }
0xbf: {  	_ =	sfence.sel $0xFFFF  }
0xc0: {  	[dreg:$0x0] =	wrdreg $0xFFFFFFFF;
	(pc) =	sbr.abs _section_cstart, $3  }
0xc1: {  	[dreg:$0x1] =	wrdreg $0xFFFFFFFF  }
0xc2: {  	_ =	task.clear_ibuf [dreg:s7], $0x2FFFF;
	_ =	strace $0x9FFFFFFF  }
0xc3: {  	(tm) =	ssettm $0x7FFFFFFF  }
tec
execute0_lowered:
.L_overlay_start_1:
0x0: {  	(tag) =	ssettag $0x1  }
0x1: {  	s0 =	rddreg [dreg:$0x0]  }
0x2: {  	s2 =	rddreg [dreg:$0x1]  }
0x3: {  	s1 =	rddreg [dreg:$0x2]  }
0x4: {  	s3 =	srdreg.scid;
	s13 =	stileid.u32  }
0x5: {  	s15 =	simm.s32 $0x200;
	s16 =	simm.s32 $0xA000;
	s17 =	simm.s32 $0x1  }
0x6: {  	s18 =	simm.s32 $0x80;
	s19 =	simm.s32 $0x400;
	s20 =	simm.s32 $0x8400  }
0x7: {  	s21 =	simm.s32 $0x3;
	s22 =	simm.s32 $0x2;
	s23 =	simm.s32 $0x4400  }
0x8: {  	s28 =	simm.s32 $0x300;
	s29 =	simm.s32 $0x0;
	s9 =	smul.u32 $0x1F400, s13  }
0x9: {  	s7 =	sand.u32 $0x1, s3;
	s3 =	simm.s32 $0x0;
	s10 =	smul.u32 $0x7D000, s13  }
0xa: {  	s4 =	sadd.s32 $0xAC00, s0;
	s5 =	sadd.s32 $0x32C00, s0;
	s30 =	smul.u32 $0x3E80, s13  }
0xb: {  	s6 =	sadd.s32 $0x8A00, s0;
	p0 =	sgt.u32 s13, $0x9;
	s8 =	smul.u32 $0x138800, s7  }
0xc: {  	[smem:$0x7FF] =	sst s3;
	s24 =	sshll.u32 s7, $0x4;
	s7 =	ssub.s32 $0x2, s7  }
0xd: {  	_ =	strace $0x8000004D;
	s25 =	sshrl.u32 s7, $0x1;
	s26 =	sshrl.u32 s10, $0x2  }
0xe: {  	s2 =	sadd.s32 s2, s30;
	s8 =	sadd.s32 s9, s8;
	s9 =	sor.u32 s13, s24  }
0xf: {  	s12 =	ssub.s32 s7, s25;
	s14 =	sadd.s32 s26, s1;
	[dreg:$0x4] =	wrdreg s2  }
0x10: {  	s2 =	sshll.u32 @!p0 s13, $0x6;
	s24 =	simm.s32 $0x5;
	s25 =	simm.s32 $0x100  }
0x11: {  	s26 =	simm.s32 $0x6;
	s8 =	sshrl.u32 s8, $0x3;
	s11 =	smul.u32 $0xA000, s9  }
0x12: {  	s12 =	smax.u32 s12, $0x1;
	s13 =	sor.u32 @!p0 $0x1C06, s2;
	s14 =	sshrl.u32 @!p0 s14, $0x3  }
0x13: {  	s0 =	sadd.s32 s8, s0;
	s31 =	sshrl.u32 s11, $0x3;
	s9 =	sor.u32 $0x200, s11  }
0x14: {  	s10 =	sor.u32 $0x400, s11;
	s11 =	sadd.s32 $0x81400, s0;
	s8 =	sadd.s32 s4, s31  }
.LBB2_1:
0x15: {  	s0 =	rddreg [dreg:$0x4]  }
0x16: {  	[spmem:s14], [sflag:s13] =	dma.local @!p0 [hbm:s0], $0x3E80  }
0x17: {  	s0 =	simm.s32 @!p0 $0x6  }
0x18: {  	_ =	swait.ge @!p0 [sflag:s0], $0x3E80  }
0x19: {  	[sflag:s0] =	ssyncset.done @!p0 $0x0  }
0x1a: {  	[sflag:s0] =	ssyncadd.s32 @!p0 $0xFFFFC180  }
0x1b: {  	[bflag:$0x0] =	sbarrier.arrive $0xFFFF  }
0x1c: {  	[tilespmem:s3], [sflag:$0x1] =	stream.strided.gather [hbm4b:s8+s15], $0x0, s16, s15, $0x38;
	[tilespmem:$0x1FC80] =	vst v63  }
0x1d: {  	_ = 	snop  }
0x1e: {  	[tilespmem:s3], [sflag:$0x1] =	stream.linear.gather [hbm4b:s8+s3], $0x180, $0x38;
	[tilespmem:$0x1FC80] =	vst v63  }
0x1f: {  	_ =	swait.ge [sflag:s17], $0x180  }
0x20: {  	[sflag:s17] =	ssyncset.done $0x0  }
0x21: {  	s30 =	simm.s32 $0x0;
	[sflag:s17] =	ssyncadd.s32 $0xFFFFFE80  }
0x22: {  	[tilespmem:s19], [sflag:$0x3] =	stream.indirect.gather [hbm4b:s5+s18], $0x80, s3, s18, $0xb8;
	[tilespmem:$0x1FC80] =	vst v63  }
.LBB2_2:
0x23: {  	s31 =	sshll.u32 s30, $0xA  }
0x24: {  	s0 =	sadd.s32 s31, s9  }
0x25: {  	s0 =	sshrl.u32 s0, $0x3  }
0x26: {  	s0 =	sadd.s32 s4, s0  }
0x27: {  	[tilespmem:s15], [sflag:$0x2] =	stream.strided.gather [hbm4b:s0+s15], $0x0, s16, s15, $0x38;
	[tilespmem:$0x1FC80] =	vst v63  }
0x28: {  	s2 =	simm.s32 $0x0  }
0x29: {  	[tilespmem:s15], [sflag:$0x2] =	stream.linear.gather [hbm4b:s0+s2], $0x180, $0x38;
	[tilespmem:$0x1FC80] =	vst v63  }
0x2a: {  	_ = 	snop  }
0x2b: {  	[tilespmem:s20], [sflag:$0x5] =	stream.indirect.gather [hbm4b:s6+s18], $0x80, s18, s18, $0xb8;
	[tilespmem:$0x1FC80] =	vst v63  }
0x2c: {  	_ =	swait.ge [sflag:s21], $0x4000  }
0x2d: {  	[sflag:s21] =	ssyncset.done $0x0  }
0x2e: {  	[sflag:s21] =	ssyncadd.s32 $0xFFFFC000  }
0x2f: {  	_ =	swait.ge [sflag:s22], $0x180  }
0x30: {  	[sflag:s22] =	ssyncset.done $0x0  }
0x31: {  	[sflag:s22] =	ssyncadd.s32 $0xFFFFFE80  }
0x32: {  	[tilespmem:s23], [sflag:$0x4] =	stream.indirect.gather [hbm4b:s5+s18], $0x80, s15, s18, $0xb8;
	[tilespmem:$0x1FC80] =	vst v63  }
0x33: {  	_ =	swait.ge [sflag:s24], $0x4000  }
0x34: {  	[sflag:s24] =	ssyncset.done $0x0  }
0x35: {  	s0 =	simm.s32 $0x0;
	[sflag:s24] =	ssyncadd.s32 $0xFFFFC000  }
0x36: {  	v6 =	vld [tilespmem:s0+$0x8400]  }
0x37: {  	v11 =	vld [tilespmem:s0+$0x8410]  }
0x38: {  	v5 =	vld [tilespmem:s0+$0x8420]  }
0x39: {  	v4 =	vld [tilespmem:s0+$0x8430]  }
0x3a: {  	v3 =	vld [tilespmem:s0+$0x8440]  }
0x3b: {  	v2 =	vld [tilespmem:s0+$0x8450]  }
0x3c: {  	v1 =	vld [tilespmem:s0+$0x8460]  }
0x3d: {  	v0 =	vld [tilespmem:s0+$0x8470]  }
0x3e: {  	v12 =	vld [tilespmem:s0+$0x400]  }
0x3f: {  	v13 =	vld [tilespmem:s0+$0x410]  }
0x40: {  	v10 =	vld [tilespmem:s0+$0x420]  }
0x41: {  	v9 =	vld [tilespmem:s0+$0x430]  }
0x42: {  	v8 =	vld [tilespmem:s0+$0x440]  }
0x43: {  	v7 =	vld [tilespmem:s0+$0x450];
	v12 =	vadd.f32 v6, v12  }
0x44: {  	s2 =	simm.s32 $0x200;
	v11 =	vadd.f32 v11, v13;
	v6 =	vld [tilespmem:s0+$0x460]  }
.LBB2_3:
0x45: {  	s7 =	sshra.s32 s2, $0x2;
	p1 =	sne.s32 s2, $0xFE00;
	v12 =	vmax.f32 v12, $0.0e+00;
	v5 =	vadd.f32 v5, v10;
	v10 =	vld [tilespmem:s0+$0x470]  }
0x46: {  	v13 =	vld [tilespmem:s7+$0x8400];
	[tilespmem:s0+$0x400] =	vst v12;
	v11 =	vmax.f32 v11, $0.0e+00;
	v4 =	vadd.f32 v4, v9  }
0x47: {  	v14 =	vld [tilespmem:s7+$0x8410];
	[tilespmem:s0+$0x410] =	vst v11;
	v9 =	vmax.f32 v5, $0.0e+00;
	v3 =	vadd.f32 v3, v8  }
0x48: {  	v5 =	vld [tilespmem:s7+$0x8420];
	[tilespmem:s0+$0x420] =	vst v9;
	v8 =	vmax.f32 v4, $0.0e+00;
	v2 =	vadd.f32 v2, v7  }
0x49: {  	v4 =	vld [tilespmem:s7+$0x8430];
	[tilespmem:s0+$0x430] =	vst v8;
	v7 =	vmax.f32 v3, $0.0e+00;
	v1 =	vadd.f32 v1, v6  }
0x4a: {  	v3 =	vld [tilespmem:s7+$0x8440];
	[tilespmem:s0+$0x440] =	vst v7;
	v6 =	vmax.f32 v2, $0.0e+00;
	v0 =	vadd.f32 v0, v10  }
0x4b: {  	v2 =	vld [tilespmem:s7+$0x8450];
	[tilespmem:s0+$0x450] =	vst v6;
	v6 =	vmax.f32 v1, $0.0e+00  }
0x4c: {  	v1 =	vld [tilespmem:s7+$0x8460];
	[tilespmem:s0+$0x460] =	vst v6;
	v6 =	vmax.f32 v0, $0.0e+00  }
0x4d: {  	v0 =	vld [tilespmem:s7+$0x8470];
	[tilespmem:s0+$0x470] =	vst v6;
	s0 =	smov.u32 s7  }
0x4e: {  	v6 =	vld [tilespmem:s0+$0x400]  }
0x4f: {  	v11 =	vld [tilespmem:s0+$0x410]  }
.Ltmp0:
0x50: {  	v10 =	vld [tilespmem:s0+$0x420];
	(pc) =	sbr.rel @p1 .LBB2_3-.Ltmp0, $4  }
0x51: {  	v9 =	vld [tilespmem:s0+$0x430]  }
0x52: {  	v8 =	vld [tilespmem:s0+$0x440]  }
0x53: {  	v12 =	vadd.f32 v13, v6;
	v7 =	vld [tilespmem:s0+$0x450]  }
0x54: {  	s2 =	sadd.s32 $0x200, s2;
	v11 =	vadd.f32 v14, v11;
	v6 =	vld [tilespmem:s0+$0x460]  }
0x55: {  	v12 =	vmax.f32 v12, $0.0e+00;
	v5 =	vadd.f32 v5, v10;
	v10 =	vld [tilespmem:s0+$0x470]  }
0x56: {  	[tilespmem:s0+$0x400] =	vst v12;
	v11 =	vmax.f32 v11, $0.0e+00;
	v4 =	vadd.f32 v4, v9  }
0x57: {  	[tilespmem:s0+$0x410] =	vst v11;
	v5 =	vmax.f32 v5, $0.0e+00;
	v3 =	vadd.f32 v3, v8  }
0x58: {  	[tilespmem:s0+$0x420] =	vst v5;
	v4 =	vmax.f32 v4, $0.0e+00;
	v2 =	vadd.f32 v2, v7  }
0x59: {  	[tilespmem:s0+$0x430] =	vst v4;
	v3 =	vmax.f32 v3, $0.0e+00;
	v1 =	vadd.f32 v1, v6  }
0x5a: {  	[tilespmem:s0+$0x440] =	vst v3;
	v2 =	vmax.f32 v2, $0.0e+00;
	v0 =	vadd.f32 v0, v10  }
0x5b: {  	[tilespmem:s0+$0x450] =	vst v2;
	v1 =	vmax.f32 v1, $0.0e+00  }
0x5c: {  	[tilespmem:s0+$0x460] =	vst v1;
	v0 =	vmax.f32 v0, $0.0e+00  }
0x5d: {  	[tilespmem:s0+$0x470] =	vst v0  }
0x5e: {  	[spmem:s1] =	stream.indirect.scatter.add.f32 [tilespmem:s19], [sflag:$0x6], $0x80, s25, s18, $0xb8;
	[tilespmem:$0x1FC80] =	vst v63  }
0x5f: {  	p1 =	seq.s32 s30, $0x27;
	_ =	swait.ge [sflag:s26], $0x4000  }
0x60: {  	s2 =	simm.s32 @p1 $0x280;
	[sflag:s26] =	ssyncset.done $0x0  }
0x61: {  	s7 =	simm.s32 @p1 $0x8400;
	s0 =	simm.s32 @p1 $0x80;
	[sflag:s26] =	ssyncadd.s32 $0xFFFFC000  }
0x62: {  	[tilespmem:s7], [sflag:$0x5] =	stream.indirect.gather @p1 [hbm4b:s6+s0], $0x80, s2, s0, $0xb8;
	[tilespmem:$0x1FC80] =	vst v63  }
0x63: {  	s0 =	simm.s32 @p1 $0x4  }
0x64: {  	s2 =	sadd.s32 @!p1 s31, s10;
	s7 =	simm.s32 @!p1 $0xA000;
	_ =	swait.ge @p1 [sflag:s0], $0x4000  }
0x65: {  	s31 =	simm.s32 @!p1 $0x0;
	s2 =	sshrl.u32 @!p1 s2, $0x3;
	[sflag:s0] =	ssyncset.done @p1 $0x0  }
0x66: {  	[sflag:s0] =	ssyncadd.s32 @p1 $0xFFFFC000;
	s0 =	sadd.s32 @!p1 s4, s2;
	s2 =	simm.s32 @!p1 $0x200  }
0x67: {  	[tilespmem:s31], [sflag:$0x1] =	stream.strided.gather @!p1 [hbm4b:s0+s2], $0x0, s7, s2, $0x38;
	[tilespmem:$0x1FC80] =	vst v63  }
0x68: {  	_ = 	snop  }
0x69: {  	[tilespmem:s31], [sflag:$0x1] =	stream.linear.gather @!p1 [hbm4b:s0+s31], $0x180, $0x38;
	[tilespmem:$0x1FC80] =	vst v63  }
0x6a: {  	s2 =	simm.s32 @!p1 $0x280;
	s7 =	simm.s32 @!p1 $0x8400;
	s0 =	simm.s32 @!p1 $0x80  }
0x6b: {  	[tilespmem:s7], [sflag:$0x5] =	stream.indirect.gather @!p1 [hbm4b:s6+s0], $0x80, s2, s0, $0xb8;
	[tilespmem:$0x1FC80] =	vst v63  }
0x6c: {  	s2 =	simm.s32 @!p1 $0x4  }
0x6d: {  	_ =	swait.ge @!p1 [sflag:s2], $0x4000  }
0x6e: {  	[sflag:s2] =	ssyncset.done @!p1 $0x0  }
0x6f: {  	[sflag:s2] =	ssyncadd.s32 @!p1 $0xFFFFC000;
	s2 =	simm.s32 @!p1 $0x1  }
0x70: {  	_ =	swait.ge @!p1 [sflag:s2], $0x180  }
0x71: {  	[sflag:s2] =	ssyncset.done @!p1 $0x0  }
0x72: {  	[sflag:s2] =	ssyncadd.s32 @!p1 $0xFFFFFE80;
	s2 =	simm.s32 @!p1 $0x400  }
0x73: {  	[tilespmem:s2], [sflag:$0x3] =	stream.indirect.gather @!p1 [hbm4b:s5+s0], $0x80, s31, s0, $0xb8;
	[tilespmem:$0x1FC80] =	vst v63  }
0x74: {  	_ =	swait.ge [sflag:s24], $0x4000  }
0x75: {  	[sflag:s24] =	ssyncset.done $0x0  }
0x76: {  	s0 =	simm.s32 $0x0;
	[sflag:s24] =	ssyncadd.s32 $0xFFFFC000  }
0x77: {  	v6 =	vld [tilespmem:s0+$0x8400]  }
0x78: {  	v11 =	vld [tilespmem:s0+$0x8410]  }
0x79: {  	v5 =	vld [tilespmem:s0+$0x8420]  }
0x7a: {  	v4 =	vld [tilespmem:s0+$0x8430]  }
0x7b: {  	v3 =	vld [tilespmem:s0+$0x8440]  }
0x7c: {  	v2 =	vld [tilespmem:s0+$0x8450]  }
0x7d: {  	v1 =	vld [tilespmem:s0+$0x8460]  }
0x7e: {  	v0 =	vld [tilespmem:s0+$0x8470]  }
0x7f: {  	v12 =	vld [tilespmem:s0+$0x4400]  }
0x80: {  	v13 =	vld [tilespmem:s0+$0x4410]  }
0x81: {  	v10 =	vld [tilespmem:s0+$0x4420]  }
0x82: {  	v9 =	vld [tilespmem:s0+$0x4430]  }
0x83: {  	v8 =	vld [tilespmem:s0+$0x4440]  }
0x84: {  	v7 =	vld [tilespmem:s0+$0x4450];
	v12 =	vadd.f32 v6, v12  }
0x85: {  	s2 =	simm.s32 $0x200;
	v11 =	vadd.f32 v11, v13;
	v6 =	vld [tilespmem:s0+$0x4460]  }
.LBB2_5:
0x86: {  	s7 =	sshra.s32 s2, $0x2;
	p1 =	sne.s32 s2, $0xFE00;
	v12 =	vmax.f32 v12, $0.0e+00;
	v5 =	vadd.f32 v5, v10;
	v10 =	vld [tilespmem:s0+$0x4470]  }
0x87: {  	v13 =	vld [tilespmem:s7+$0x8400];
	[tilespmem:s0+$0x4400] =	vst v12;
	v11 =	vmax.f32 v11, $0.0e+00;
	v4 =	vadd.f32 v4, v9  }
0x88: {  	v14 =	vld [tilespmem:s7+$0x8410];
	[tilespmem:s0+$0x4410] =	vst v11;
	v9 =	vmax.f32 v5, $0.0e+00;
	v3 =	vadd.f32 v3, v8  }
0x89: {  	v5 =	vld [tilespmem:s7+$0x8420];
	[tilespmem:s0+$0x4420] =	vst v9;
	v8 =	vmax.f32 v4, $0.0e+00;
	v2 =	vadd.f32 v2, v7  }
0x8a: {  	v4 =	vld [tilespmem:s7+$0x8430];
	[tilespmem:s0+$0x4430] =	vst v8;
	v7 =	vmax.f32 v3, $0.0e+00;
	v1 =	vadd.f32 v1, v6  }
0x8b: {  	v3 =	vld [tilespmem:s7+$0x8440];
	[tilespmem:s0+$0x4440] =	vst v7;
	v6 =	vmax.f32 v2, $0.0e+00;
	v0 =	vadd.f32 v0, v10  }
0x8c: {  	v2 =	vld [tilespmem:s7+$0x8450];
	[tilespmem:s0+$0x4450] =	vst v6;
	v6 =	vmax.f32 v1, $0.0e+00  }
0x8d: {  	v1 =	vld [tilespmem:s7+$0x8460];
	[tilespmem:s0+$0x4460] =	vst v6;
	v6 =	vmax.f32 v0, $0.0e+00  }
0x8e: {  	v0 =	vld [tilespmem:s7+$0x8470];
	[tilespmem:s0+$0x4470] =	vst v6;
	s0 =	smov.u32 s7  }
0x8f: {  	v6 =	vld [tilespmem:s0+$0x4400]  }
0x90: {  	v11 =	vld [tilespmem:s0+$0x4410]  }
.Ltmp1:
0x91: {  	v10 =	vld [tilespmem:s0+$0x4420];
	(pc) =	sbr.rel @p1 .LBB2_5-.Ltmp1, $4  }
0x92: {  	v9 =	vld [tilespmem:s0+$0x4430]  }
0x93: {  	v8 =	vld [tilespmem:s0+$0x4440]  }
0x94: {  	v12 =	vadd.f32 v13, v6;
	v7 =	vld [tilespmem:s0+$0x4450]  }
0x95: {  	s2 =	sadd.s32 $0x200, s2;
	v11 =	vadd.f32 v14, v11;
	v6 =	vld [tilespmem:s0+$0x4460]  }
0x96: {  	v12 =	vmax.f32 v12, $0.0e+00;
	v5 =	vadd.f32 v5, v10;
	v63 =	vld [tilespmem:s0+$0x4470]  }
0x97: {  	[tilespmem:s0+$0x4400] =	vst v12;
	v11 =	vmax.f32 v11, $0.0e+00;
	v4 =	vadd.f32 v4, v9  }
0x98: {  	[tilespmem:s0+$0x4410] =	vst v11;
	v5 =	vmax.f32 v5, $0.0e+00;
	v3 =	vadd.f32 v3, v8  }
0x99: {  	[tilespmem:s0+$0x4420] =	vst v5;
	v4 =	vmax.f32 v4, $0.0e+00;
	v2 =	vadd.f32 v2, v7  }
0x9a: {  	[tilespmem:s0+$0x4430] =	vst v4;
	v3 =	vmax.f32 v3, $0.0e+00;
	v1 =	vadd.f32 v1, v6  }
0x9b: {  	[tilespmem:s0+$0x4440] =	vst v3;
	v2 =	vmax.f32 v2, $0.0e+00;
	v0 =	vadd.f32 v0, v63  }
0x9c: {  	s30 =	sadd.s32 $0x1, s30;
	[tilespmem:s0+$0x4450] =	vst v2;
	v1 =	vmax.f32 v1, $0.0e+00  }
0x9d: {  	p1 =	sne.s32 s30, $0x28;
	[tilespmem:s0+$0x4460] =	vst v1;
	v0 =	vmax.f32 v0, $0.0e+00  }
.Ltmp2:
0x9e: {  	[tilespmem:s0+$0x4470] =	vst v0;
	(pc) =	sbr.rel @p1 .LBB2_2-.Ltmp2, $4  }
0x9f: {  	[spmem:s1] =	stream.indirect.scatter.add.f32 [tilespmem:s23], [sflag:$0x6], $0x80, s28, s18, $0xb8;
	[tilespmem:$0x1FC80] =	vst v63  }
0xa0: {  	_ =	swait.ge [sflag:s26], $0x4000  }
0xa1: {  	[sflag:s26] =	ssyncset.done $0x0  }
0xa2: {  	[sflag:s26] =	ssyncadd.s32 $0xFFFFC000  }
0xa3: {  	s29 =	sadd.s32 $0x1, s29  }
0xa4: {  	p1 =	sne.s32 s29, s12  }
.Ltmp3:
0xa5: {  	[bflag:$0x0] =	sbarrier.arrive $0xFFFF;
	s0 =	simm.s32 @!p0 $0x6;
	(pc) =	sbr.rel @p1 .LBB2_1-.Ltmp3, $4  }
0xa6: {  	[hbm:s11], [sflag:s13] =	dma.local @!p0 [spmem:s14], $0x3E80  }
0xa7: {  	_ =	swait.ge @!p0 [sflag:s0], $0x3E80  }
0xa8: {  	[sflag:s0] =	ssyncset.done @!p0 $0x0  }
0xa9: {  	[sflag:s0] =	ssyncadd.s32 @!p0 $0xFFFFC180  }
0xaa: {  	_ =	sfence.sel $0x180000  }
0xab: {  	[bflag:$0x0] =	sbarrier.arrive $0xFFFF  }
0xac: {  	_ =	strace $0x9000004D  }
0xad: {  	s0 =	stileid.u32;
	[bflag:$0x2] =	sbarrier.arrive $0xFFFF  }
0xae: {  	p0 =	sne.s32 s0, $0x0;
	s0 =	rddreg [dreg:$0x3]  }
0xaf: {  	s0 =	sadd.s32 @!p0 $0x100000, s0  }
0xb0: {  	[sflag:s0] =	ssyncadd.tile.s32 @!p0 $0x1;
	_ =	shalt  }
.Lfunc_end2:
_tile_overlayer_lowered:
.L_overlay_start_2:
0xb1: {  	(tag) =	ssettag $0x2  }
0xb2: {  	s0 =	rddreg [dreg:$0x0];
	s2 =	stileid.u32  }
0xb3: {  	s1 =	rddreg [dreg:$0x1];
	p0 =	sne.s32 s2, $0x0  }
0xb4: {  	s3 =	rddreg [dreg:$0x2];
	[bflag:$0x3] =	sbarrier.arrive $0xFFFF;
	s2 =	simm.s32 @!p0 $0x1C06  }
0xb5: {  	[timem:s3], [sflag:s2] =	dma.local @!p0 [hbm:s0], s1  }
0xb6: {  	s0 =	simm.s32 @!p0 $0x6  }
0xb7: {  	_ =	swait.ge @!p0 [sflag:s0], s1  }
0xb8: {  	s1 =	ssub.s32 @!p0 $0x0, s1;
	[sflag:s0] =	ssyncset.done @!p0 $0x0  }
0xb9: {  	[sflag:s0] =	ssyncadd.s32 @!p0 s1  }
0xba: {  	[bflag:$0x3] =	sbarrier.arrive $0xFFFF  }
0xbb: {  	_ =	shalt  }

// kernel: kernel.8.cloned.1.call-start
scs
__scs_entry_jumppad:
0x0: {  	(pc) =	sbr.rel $0x88, $3  }
0x1: {  	(tag) =	ssettag $0x0;
	lr =	simm.s32 $0x1  }
0x2: {  	[smem:$0x3F94] =	sst lr;
	_ =	strace $0xD0000000  }
0x3: {  	_ = 	snop  }
0x4: {  	_ = 	snop  }
0x5: {  	_ = 	snop  }
0x6: {  	_ = 	snop  }
0x7: {  	_ = 	snop  }
__scs_overlays_trampoline_lowered:
0x8: {  	[smem:$0x3FA3] =	sst s0  }
0x9: {  	[smem:$0x3FA4] =	sst s1  }
0xa: {  	[smem:$0x3FA5] =	sst s2  }
0xb: {  	[smem:$0x3FA6] =	sst s3  }
0xc: {  	[smem:$0x3FA7] =	sst s4  }
0xd: {  	[smem:$0x3FA8] =	sst s5  }
0xe: {  	[smem:$0x3FA9] =	sst s6  }
0xf: {  	[smem:$0x3FAA] =	sst s7  }
0x10: {  	[smem:$0x3FAB] =	sst s8  }
0x11: {  	[smem:$0x3FAC] =	sst s9;
	s0 =	simm.s32 @!p0 $0x0  }
0x12: {  	s1 =	sld [smem:$0x3F92];
	s0 =	simm.s32 @p0 $0x1  }
0x13: {  	[smem:$0x3FAD] =	sst s0;
	s0 =	simm.s32 @!p1 $0x0  }
0x14: {  	s2 =	sld [smem:$0x3F91];
	s0 =	simm.s32 @p1 $0x1  }
0x15: {  	[smem:$0x3FAE] =	sst s0;
	s0 =	simm.s32 @!p2 $0x0  }
0x16: {  	s3 =	sld [smem:$0x3FDB];
	s0 =	simm.s32 @p2 $0x1  }
0x17: {  	s4 =	simm.s32 $0x1BF5;
	[smem:$0x3FB0] =	sst s0  }
0x18: {  	s0 =	sld [smem:$0x3F93];
	_ =	swait.ge [sflag:s4], $0x0  }
0x19: {  	s7 =	sld [smem:$0x3F94]  }
0x1a: {  	s8 =	sadd.s32 $0xFFFFE003, lr  }
0x1b: {  	s9 =	sadd.s32 $0xFFFFFEF7, lr;
	s5 =	simm.s32 $0xFFFFFFFF;
	p2 =	slt.u32 s8, $0xFFFFF086  }
0x1c: {  	p1 =	slt.u32 s9, $0xF7A;
	s5 =	simm.s32 @!p2 $0x0  }
0x1d: {  	s5 =	simm.s32 @p1 $0x1;
	p0 =	seq.s32 s7, s2  }
0x1e: {  	s7 =	smul.u32 @!p0 $0xF7A, s2;
	p2 =	seq.s32 @!p0 s5, $0x0  }
0x1f: {  	s9 =	smul.u32 $0xF7A, s1;
	s8 =	simm.s32 @!p0 $0x1BF5;
	p2 =	por !p2, p0  }
0x20: {  	[sflag:s8] =	ssyncset.s32 @!p0 $0xFFFFF086;
	s6 =	sadd.s32 @!p0 s3, s7;
	s7 =	simm.s32 @!p0 $0x108  }
0x21: {  	s3 =	sadd.s32 s3, s9;
	s6 =	sadd.s32 @!p0 $0x88, s6;
	s7 =	simm.s32 @p2 $0x1082  }
0x22: {  	[simem:s7], [sflag:s8] =	dma.local @!p0 [hbm:s6], $0xF7A  }
0x23: {  	s9 =	sor.u32 $0xD0000000, s2;
	s6 =	simm.s32 $0x108;
	_ =	swait.ge @!p0 [sflag:s8], $0x0  }
0x24: {  	s3 =	sadd.s32 $0x88, s3;
	s6 =	simm.s32 @!p1 $0x1082;
	[sflag:s4] =	ssyncset.s32 $0xFFFFF086  }
0x25: {  	[simem:s6], [sflag:s4] =	dma.local [hbm:s3], $0xF7A  }
0x26: {  	[smem:$0x3F94] =	sst s1;
	(tag) =	ssettag s2;
	_ =	strace s9  }
0x27: {  	s1 =	sld [smem:$0x3FA4]  }
0x28: {  	s2 =	sld [smem:$0x3FA5]  }
0x29: {  	s4 =	sld [smem:$0x3FA7]  }
0x2a: {  	p0 =	seq.s32 s5, $0x0;
	s5 =	sld [smem:$0x3FA8]  }
0x2b: {  	s6 =	sld [smem:$0x3FA9]  }
0x2c: {  	s7 =	sld [smem:$0x3FAA]  }
0x2d: {  	s3 =	simm.s32 $0x108;
	s8 =	sld [smem:$0x3FAB]  }
0x2e: {  	s3 =	simm.s32 @!p0 $0x1082;
	s9 =	sld [smem:$0x3FAC]  }
0x2f: {  	lr =	sadd.s32 s0, s3;
	s0 =	sld [smem:$0x3FA3]  }
0x30: {  	s3 =	sld [smem:$0x3FA6]  }
0x31: {  	[smem:$0x3FAF] =	sst s10  }
0x32: {  	s10 =	sld [smem:$0x3FAD];
	_ =	sdelay $0x3  }
0x33: {  	p0 =	seq.s32 s10, $0x1;
	s10 =	sld [smem:$0x3FAF];
	_ =	sdelay $0x3  }
0x34: {  	[smem:$0x3FAF] =	sst s10  }
0x35: {  	s10 =	sld [smem:$0x3FAE];
	_ =	sdelay $0x3  }
0x36: {  	p1 =	seq.s32 s10, $0x1;
	s10 =	sld [smem:$0x3FAF];
	_ =	sdelay $0x3  }
0x37: {  	[smem:$0x3FAF] =	sst s10  }
0x38: {  	s10 =	sld [smem:$0x3FB0]  }
0x39: {  	_ = 	snop;
	(pc) =	sbr.ind lr, $3  }
0x3a: {  	_ = 	snop  }
0x3b: {  	_ = 	snop  }
0x3c: {  	p2 =	seq.s32 s10, $0x1;
	s10 =	sld [smem:$0x3FAF]  }
0x3d: {  	_ =	shalt  }
0x3e: {  	_ =	shalt  }
0x3f: {  	_ =	shalt  }
0x40: {  	_ =	shalt  }
0x41: {  	_ =	shalt  }
0x42: {  	_ =	shalt  }
0x43: {  	_ =	shalt  }
0x44: {  	_ =	shalt  }
0x45: {  	_ =	shalt  }
0x46: {  	_ =	shalt  }
0x47: {  	_ =	shalt  }
0x48: {  	_ =	shalt  }
0x49: {  	_ =	shalt  }
0x4a: {  	_ =	shalt  }
0x4b: {  	_ =	shalt  }
0x4c: {  	_ =	shalt  }
0x4d: {  	_ =	shalt  }
0x4e: {  	_ =	shalt  }
0x4f: {  	_ =	shalt  }
0x50: {  	_ =	shalt  }
0x51: {  	_ =	shalt  }
0x52: {  	_ =	shalt  }
0x53: {  	_ =	shalt  }
0x54: {  	_ =	shalt  }
0x55: {  	_ =	shalt  }
0x56: {  	_ =	shalt  }
0x57: {  	_ =	shalt  }
0x58: {  	_ =	shalt  }
0x59: {  	_ =	shalt  }
0x5a: {  	_ =	shalt  }
0x5b: {  	_ =	shalt  }
0x5c: {  	_ =	shalt  }
0x5d: {  	_ =	shalt  }
0x5e: {  	_ =	shalt  }
0x5f: {  	_ =	shalt  }
0x60: {  	_ =	shalt  }
0x61: {  	_ =	shalt  }
0x62: {  	_ =	shalt  }
0x63: {  	_ =	shalt  }
0x64: {  	_ =	shalt  }
0x65: {  	_ =	shalt  }
0x66: {  	_ =	shalt  }
0x67: {  	_ =	shalt  }
0x68: {  	_ =	shalt  }
0x69: {  	_ =	shalt  }
0x6a: {  	_ =	shalt  }
0x6b: {  	_ =	shalt  }
0x6c: {  	_ =	shalt  }
0x6d: {  	_ =	shalt  }
0x6e: {  	_ =	shalt  }
0x6f: {  	_ =	shalt  }
0x70: {  	_ =	shalt  }
0x71: {  	_ =	shalt  }
0x72: {  	_ =	shalt  }
0x73: {  	_ =	shalt  }
0x74: {  	_ =	shalt  }
0x75: {  	_ =	shalt  }
0x76: {  	_ =	shalt  }
0x77: {  	_ =	shalt  }
0x78: {  	_ =	shalt  }
0x79: {  	_ =	shalt  }
0x7a: {  	_ =	shalt  }
0x7b: {  	_ =	shalt  }
0x7c: {  	_ =	shalt  }
0x7d: {  	_ =	shalt  }
0x7e: {  	_ =	shalt  }
0x7f: {  	_ =	shalt  }
0x80: {  	_ =	shalt  }
0x81: {  	_ =	shalt  }
0x82: {  	_ =	shalt  }
0x83: {  	_ =	shalt  }
0x84: {  	_ =	shalt  }
0x85: {  	_ =	shalt  }
0x86: {  	_ =	shalt  }
0x87: {  	_ =	shalt  }
.Lfunc_end0:
.L_simem_size_0:
called_computation_lowered:
.L_overlay_start_0:
0x88: {  	s2 =	sld [smem:$0x3FD9]  }
0x89: {  	s3 =	sld [smem:$0x3FFE];
	_ =	sdelay $0x1  }
0x8a: {  	s1 =	srdreg.scid  }
0x8b: {  	s0 =	sand.u32 $0x1, s1  }
0x8c: {  	s17 =	sshll.u32 s0, $0xA;
	s2 =	sadd.s32 s3, s2  }
0x8d: {  	s2 =	sadd.s32 s2, s17  }
0x8e: {  	[smem:$0x3FBB] =	sst s2  }
0x8f: {  	_ = 	snop  }
0x90: {  	s2 =	sld [smem:$0x3FC9]  }
0x91: {  	s18 =	sld [smem:$0x3FD0];
	(tm) =	ssettm $0x1  }
0x92: {  	s4 =	sld [smem:$0x3FFB];
	_ =	sdelay $0x3  }
0x93: {  	_ =	strace s4  }
0x94: {  	s4 =	sld [smem:$0x3FFC];
	_ =	sdelay $0x3  }
0x95: {  	_ =	strace s4  }
0x96: {  	s4 =	sld [smem:$0x3FFD];
	_ =	sdelay $0x3  }
0x97: {  	_ =	strace s4  }
0x98: {  	_ =	strace $0x8FFFFFFF  }
0x99: {  	s19 =	sld [smem:$0x3FDB];
	_ =	sdelay $0x1  }
0x9a: {  	s5 =	simm.s32 $_scs_section_size  }
0x9b: {  	s6 =	simm.s32 $_size__tile_overlayer_lowered;
	s7 =	simm.s32 $_tile_overlayer_lowered  }
0x9c: {  	s22 =	simm.s32 $0x1BFF;
	s21 =	sshll.u32 s7, $0x1;
	s4 =	sadd.s32 s5, s19  }
0x9d: {  	s8 =	simm.s32 $0x0;
	s20 =	sshll.u32 s6, $0x1;
	s6 =	sadd.s32 s21, s4  }
0x9e: {  	[timem:s8], [sflag:s22] =	dma.local [hbm:s6], s20  }
0x9f: {  	_ =	swait.ge [sflag:s22], s20  }
0xa0: {  	s5 =	ssub.s32 $0x0, s20;
	[sflag:s22] =	ssyncset.done $0x0  }
0xa1: {  	[sflag:s22] =	ssyncadd.s32 s5;
	_ =	sdelay $0x1  }
0xa2: {  	s23 =	simm.s32 $0x1B8B  }
0xa3: {  	_ =	swait.ge [sflag:s23], $0x1  }
0xa4: {  	[sflag:s23] =	ssyncset.done $0x0  }
0xa5: {  	s25 =	simm.s32 $0x1B8E;
	s24 =	sld [smem:$0x3FFE];
	[sflag:s23] =	ssyncadd.s32 $0xFFFFFFFF  }
0xa6: {  	s26 =	simm.s32 $execute0_lowered;
	[smem:$0x3FD2] =	sst s25  }
0xa7: {  	s6 =	sshll.u32 s26, $0x1;
	_ =	strace $0x80000046;
	[dreg:$0x1] =	wrdreg $0xFFFFFFFF  }
0xa8: {  	s28 =	simm.s32 $_size_execute0_lowered;
	s4 =	sadd.s32 s4, s6;
	[dreg:$0x0] =	wrdreg $0x0  }
0xa9: {  	s6 =	sshll.u32 s28, $0x1;
	[dreg:$0x2] =	wrdreg s4  }
0xaa: {  	[dreg:$0x3] =	wrdreg s6  }
0xab: {  	[dreg:$0x4] =	wrdreg $0xC0  }
0xac: {  	_ =	task [dreg:s8], $0x5FFFF  }
0xad: {  	[dreg:$0x1] =	wrdreg $0xFFFFFFFF  }
0xae: {  	[dreg:$0x0] =	wrdreg $0x60  }
0xaf: {  	[dreg:$0x2] =	wrdreg s24  }
0xb0: {  	[dreg:$0x3] =	wrdreg s2  }
0xb1: {  	[dreg:$0x4] =	wrdreg s18  }
0xb2: {  	[dreg:$0x5] =	wrdreg $0xC4000  }
0xb3: {  	[dreg:$0x6] =	wrdreg $0x9  }
0xb4: {  	_ =	task.clear_ibuf [dreg:s8], $0x7FFFF;
	_ =	strace $0x90000046  }
0xb5: {  	s29 =	simm.s32 $0x9;
	_ =	strace $0x80000048  }
0xb6: {  	_ =	swait.ge [sflag:s29], $0x1  }
0xb7: {  	[sflag:s29] =	ssyncadd.s32 $0xFFFFFFFF  }
0xb8: {  	_ =	strace $0x90000048  }
0xb9: {  	_ =	sfence  }
0xba: {  	s30 =	sld [smem:$0x0];
	_ =	sdelay $0x2  }
0xbb: {  	s31 =	sshll.u32 s1, $0xD;
	s1 =	sshrl.u32 s1, $0x2  }
0xbc: {  	s3 =	sand.u32 $0x4000, s31;
	s1 =	sadd.s32 s1, s30  }
0xbd: {  	s0 =	sor.u32 s3, s0;
	s1 =	sshll.u32 s1, $0x11  }
0xbe: {  	s0 =	sor.u32 s1, s0  }
0xbf: {  	s0 =	sadd.s32 $0x8F2B, s0  }
0xc0: {  	[sflag:s0] =	ssyncadd.remote.s32 $0x1  }
0xc1: {  	_ =	sfence.sel $0xFFFF  }
0xc2: {  	[dreg:$0x0] =	wrdreg $0xFFFFFFFF;
	(pc) =	sbr.abs _section_cstart, $3  }
0xc3: {  	[dreg:$0x1] =	wrdreg $0xFFFFFFFF  }
0xc4: {  	_ =	task.clear_ibuf [dreg:s8], $0x2FFFF;
	_ =	strace $0x9FFFFFFF  }
0xc5: {  	(tm) =	ssettm $0x7FFFFFFF  }
tec
execute0_lowered:
.L_overlay_start_1:
0x0: {  	(tag) =	ssettag $0x1  }
0x1: {  	s0 =	rddreg [dreg:$0x0]  }
0x2: {  	s1 =	rddreg [dreg:$0x1]  }
0x3: {  	s3 =	rddreg [dreg:$0x2]  }
0x4: {  	s2 =	rddreg [dreg:$0x3];
	s4 =	srdreg.scid  }
0x5: {  	s13 =	stileid.u32;
	s15 =	simm.s32 $0x200;
	s16 =	simm.s32 $0xA000  }
0x6: {  	s17 =	simm.s32 $0x1;
	s18 =	simm.s32 $0x80;
	s19 =	simm.s32 $0x400  }
0x7: {  	s20 =	simm.s32 $0x8400;
	s21 =	simm.s32 $0x3;
	s22 =	simm.s32 $0x2  }
0x8: {  	s23 =	simm.s32 $0x4400;
	s28 =	simm.s32 $0x300;
	s9 =	smul.u32 $0x1F400, s13  }
0x9: {  	s29 =	simm.s32 $0x0;
	s7 =	sand.u32 $0x1, s4;
	s10 =	smul.u32 $0x7D000, s13  }
0xa: {  	s4 =	simm.s32 $0x0;
	s5 =	sadd.s32 $0xAC00, s0;
	s30 =	smul.u32 $0x3E80, s13  }
0xb: {  	s6 =	sadd.s32 $0x4600, s0;
	p0 =	sgt.u32 s13, $0x9;
	s8 =	smul.u32 $0x138800, s7  }
0xc: {  	[smem:$0x7FF] =	sst s4;
	s24 =	sshll.u32 s7, $0x4;
	s7 =	ssub.s32 $0x2, s7  }
0xd: {  	_ =	strace $0x80000047;
	s25 =	sshrl.u32 s7, $0x1;
	s26 =	sshrl.u32 s10, $0x2  }
0xe: {  	s3 =	sadd.s32 s3, s30;
	s8 =	sadd.s32 s9, s8;
	s9 =	sor.u32 s13, s24  }
0xf: {  	s12 =	ssub.s32 s7, s25;
	s14 =	sadd.s32 s26, s2;
	[dreg:$0x5] =	wrdreg s3  }
0x10: {  	s3 =	sshll.u32 @!p0 s13, $0x6;
	s24 =	simm.s32 $0x5;
	s25 =	simm.s32 $0x100  }
0x11: {  	s26 =	simm.s32 $0x6;
	s8 =	sshrl.u32 s8, $0x3;
	s11 =	smul.u32 $0xA000, s9  }
0x12: {  	s12 =	smax.u32 s12, $0x1;
	s13 =	sor.u32 @!p0 $0x1C06, s3;
	s14 =	sshrl.u32 @!p0 s14, $0x3  }
0x13: {  	s0 =	sadd.s32 s8, s0;
	s31 =	sshrl.u32 s11, $0x3;
	s9 =	sor.u32 $0x200, s11  }
0x14: {  	s10 =	sor.u32 $0x400, s11;
	s11 =	sadd.s32 $0x32C00, s0;
	s8 =	sadd.s32 s5, s31  }
.LBB2_1:
0x15: {  	s0 =	rddreg [dreg:$0x5]  }
0x16: {  	[spmem:s14], [sflag:s13] =	dma.local @!p0 [hbm:s0], $0x3E80  }
0x17: {  	s0 =	simm.s32 @!p0 $0x6  }
0x18: {  	_ =	swait.ge @!p0 [sflag:s0], $0x3E80  }
0x19: {  	[sflag:s0] =	ssyncset.done @!p0 $0x0  }
0x1a: {  	[sflag:s0] =	ssyncadd.s32 @!p0 $0xFFFFC180  }
0x1b: {  	[bflag:$0x0] =	sbarrier.arrive $0xFFFF  }
0x1c: {  	[tilespmem:s4], [sflag:$0x1] =	stream.strided.gather [hbm4b:s8+s15], $0x0, s16, s15, $0x38;
	[tilespmem:$0x1FC80] =	vst v63  }
0x1d: {  	_ = 	snop  }
0x1e: {  	[tilespmem:s4], [sflag:$0x1] =	stream.linear.gather [hbm4b:s8+s4], $0x180, $0x38;
	[tilespmem:$0x1FC80] =	vst v63  }
0x1f: {  	_ =	swait.ge [sflag:s17], $0x180  }
0x20: {  	[sflag:s17] =	ssyncset.done $0x0  }
0x21: {  	s30 =	simm.s32 $0x0;
	[sflag:s17] =	ssyncadd.s32 $0xFFFFFE80  }
0x22: {  	[tilespmem:s19], [sflag:$0x3] =	stream.indirect.gather [hbm4b:s1+s18], $0x80, s4, s18, $0xb8;
	[tilespmem:$0x1FC80] =	vst v63  }
.LBB2_2:
0x23: {  	s31 =	sshll.u32 s30, $0xA  }
0x24: {  	s0 =	sadd.s32 s31, s9  }
0x25: {  	s0 =	sshrl.u32 s0, $0x3  }
0x26: {  	s0 =	sadd.s32 s5, s0  }
0x27: {  	[tilespmem:s15], [sflag:$0x2] =	stream.strided.gather [hbm4b:s0+s15], $0x0, s16, s15, $0x38;
	[tilespmem:$0x1FC80] =	vst v63  }
0x28: {  	s3 =	simm.s32 $0x0  }
0x29: {  	[tilespmem:s15], [sflag:$0x2] =	stream.linear.gather [hbm4b:s0+s3], $0x180, $0x38;
	[tilespmem:$0x1FC80] =	vst v63  }
0x2a: {  	_ = 	snop  }
0x2b: {  	[tilespmem:s20], [sflag:$0x5] =	stream.indirect.gather [hbm4b:s6+s18], $0x80, s18, s18, $0xb8;
	[tilespmem:$0x1FC80] =	vst v63  }
0x2c: {  	_ =	swait.ge [sflag:s21], $0x4000  }
0x2d: {  	[sflag:s21] =	ssyncset.done $0x0  }
0x2e: {  	[sflag:s21] =	ssyncadd.s32 $0xFFFFC000  }
0x2f: {  	_ =	swait.ge [sflag:s22], $0x180  }
0x30: {  	[sflag:s22] =	ssyncset.done $0x0  }
0x31: {  	[sflag:s22] =	ssyncadd.s32 $0xFFFFFE80  }
0x32: {  	[tilespmem:s23], [sflag:$0x4] =	stream.indirect.gather [hbm4b:s1+s18], $0x80, s15, s18, $0xb8;
	[tilespmem:$0x1FC80] =	vst v63  }
0x33: {  	_ =	swait.ge [sflag:s24], $0x4000  }
0x34: {  	[sflag:s24] =	ssyncset.done $0x0  }
0x35: {  	s0 =	simm.s32 $0x0;
	[sflag:s24] =	ssyncadd.s32 $0xFFFFC000  }
0x36: {  	v6 =	vld [tilespmem:s0+$0x8400]  }
0x37: {  	v11 =	vld [tilespmem:s0+$0x8410]  }
0x38: {  	v5 =	vld [tilespmem:s0+$0x8420]  }
0x39: {  	v4 =	vld [tilespmem:s0+$0x8430]  }
0x3a: {  	v3 =	vld [tilespmem:s0+$0x8440]  }
0x3b: {  	v2 =	vld [tilespmem:s0+$0x8450]  }
0x3c: {  	v1 =	vld [tilespmem:s0+$0x8460]  }
0x3d: {  	v0 =	vld [tilespmem:s0+$0x8470]  }
0x3e: {  	v12 =	vld [tilespmem:s0+$0x400]  }
0x3f: {  	v13 =	vld [tilespmem:s0+$0x410]  }
0x40: {  	v10 =	vld [tilespmem:s0+$0x420]  }
0x41: {  	v9 =	vld [tilespmem:s0+$0x430]  }
0x42: {  	v8 =	vld [tilespmem:s0+$0x440]  }
0x43: {  	v7 =	vld [tilespmem:s0+$0x450];
	v12 =	vadd.f32 v6, v12  }
0x44: {  	s3 =	simm.s32 $0x200;
	v11 =	vadd.f32 v11, v13;
	v6 =	vld [tilespmem:s0+$0x460]  }
.LBB2_3:
0x45: {  	s7 =	sshra.s32 s3, $0x2;
	p1 =	sne.s32 s3, $0xFE00;
	v12 =	vmax.f32 v12, $0.0e+00;
	v5 =	vadd.f32 v5, v10;
	v10 =	vld [tilespmem:s0+$0x470]  }
0x46: {  	v13 =	vld [tilespmem:s7+$0x8400];
	[tilespmem:s0+$0x400] =	vst v12;
	v11 =	vmax.f32 v11, $0.0e+00;
	v4 =	vadd.f32 v4, v9  }
0x47: {  	v14 =	vld [tilespmem:s7+$0x8410];
	[tilespmem:s0+$0x410] =	vst v11;
	v9 =	vmax.f32 v5, $0.0e+00;
	v3 =	vadd.f32 v3, v8  }
0x48: {  	v5 =	vld [tilespmem:s7+$0x8420];
	[tilespmem:s0+$0x420] =	vst v9;
	v8 =	vmax.f32 v4, $0.0e+00;
	v2 =	vadd.f32 v2, v7  }
0x49: {  	v4 =	vld [tilespmem:s7+$0x8430];
	[tilespmem:s0+$0x430] =	vst v8;
	v7 =	vmax.f32 v3, $0.0e+00;
	v1 =	vadd.f32 v1, v6  }
0x4a: {  	v3 =	vld [tilespmem:s7+$0x8440];
	[tilespmem:s0+$0x440] =	vst v7;
	v6 =	vmax.f32 v2, $0.0e+00;
	v0 =	vadd.f32 v0, v10  }
0x4b: {  	v2 =	vld [tilespmem:s7+$0x8450];
	[tilespmem:s0+$0x450] =	vst v6;
	v6 =	vmax.f32 v1, $0.0e+00  }
0x4c: {  	v1 =	vld [tilespmem:s7+$0x8460];
	[tilespmem:s0+$0x460] =	vst v6;
	v6 =	vmax.f32 v0, $0.0e+00  }
0x4d: {  	v0 =	vld [tilespmem:s7+$0x8470];
	[tilespmem:s0+$0x470] =	vst v6;
	s0 =	smov.u32 s7  }
0x4e: {  	v6 =	vld [tilespmem:s0+$0x400]  }
0x4f: {  	v11 =	vld [tilespmem:s0+$0x410]  }
.Ltmp0:
0x50: {  	v10 =	vld [tilespmem:s0+$0x420];
	(pc) =	sbr.rel @p1 .LBB2_3-.Ltmp0, $4  }
0x51: {  	v9 =	vld [tilespmem:s0+$0x430]  }
0x52: {  	v8 =	vld [tilespmem:s0+$0x440]  }
0x53: {  	v12 =	vadd.f32 v13, v6;
	v7 =	vld [tilespmem:s0+$0x450]  }
0x54: {  	s3 =	sadd.s32 $0x200, s3;
	v11 =	vadd.f32 v14, v11;
	v6 =	vld [tilespmem:s0+$0x460]  }
0x55: {  	v12 =	vmax.f32 v12, $0.0e+00;
	v5 =	vadd.f32 v5, v10;
	v10 =	vld [tilespmem:s0+$0x470]  }
0x56: {  	[tilespmem:s0+$0x400] =	vst v12;
	v11 =	vmax.f32 v11, $0.0e+00;
	v4 =	vadd.f32 v4, v9  }
0x57: {  	[tilespmem:s0+$0x410] =	vst v11;
	v5 =	vmax.f32 v5, $0.0e+00;
	v3 =	vadd.f32 v3, v8  }
0x58: {  	[tilespmem:s0+$0x420] =	vst v5;
	v4 =	vmax.f32 v4, $0.0e+00;
	v2 =	vadd.f32 v2, v7  }
0x59: {  	[tilespmem:s0+$0x430] =	vst v4;
	v3 =	vmax.f32 v3, $0.0e+00;
	v1 =	vadd.f32 v1, v6  }
0x5a: {  	[tilespmem:s0+$0x440] =	vst v3;
	v2 =	vmax.f32 v2, $0.0e+00;
	v0 =	vadd.f32 v0, v10  }
0x5b: {  	[tilespmem:s0+$0x450] =	vst v2;
	v1 =	vmax.f32 v1, $0.0e+00  }
0x5c: {  	[tilespmem:s0+$0x460] =	vst v1;
	v0 =	vmax.f32 v0, $0.0e+00  }
0x5d: {  	[tilespmem:s0+$0x470] =	vst v0  }
0x5e: {  	[spmem:s2] =	stream.indirect.scatter.add.f32 [tilespmem:s19], [sflag:$0x6], $0x80, s25, s18, $0xb8;
	[tilespmem:$0x1FC80] =	vst v63  }
0x5f: {  	p1 =	seq.s32 s30, $0x27;
	_ =	swait.ge [sflag:s26], $0x4000  }
0x60: {  	s3 =	simm.s32 @p1 $0x280;
	[sflag:s26] =	ssyncset.done $0x0  }
0x61: {  	s7 =	simm.s32 @p1 $0x8400;
	s0 =	simm.s32 @p1 $0x80;
	[sflag:s26] =	ssyncadd.s32 $0xFFFFC000  }
0x62: {  	[tilespmem:s7], [sflag:$0x5] =	stream.indirect.gather @p1 [hbm4b:s6+s0], $0x80, s3, s0, $0xb8;
	[tilespmem:$0x1FC80] =	vst v63  }
0x63: {  	s0 =	simm.s32 @p1 $0x4  }
0x64: {  	s3 =	sadd.s32 @!p1 s31, s10;
	s7 =	simm.s32 @!p1 $0xA000;
	_ =	swait.ge @p1 [sflag:s0], $0x4000  }
0x65: {  	s31 =	simm.s32 @!p1 $0x0;
	s3 =	sshrl.u32 @!p1 s3, $0x3;
	[sflag:s0] =	ssyncset.done @p1 $0x0  }
0x66: {  	[sflag:s0] =	ssyncadd.s32 @p1 $0xFFFFC000;
	s0 =	sadd.s32 @!p1 s5, s3;
	s3 =	simm.s32 @!p1 $0x200  }
0x67: {  	[tilespmem:s31], [sflag:$0x1] =	stream.strided.gather @!p1 [hbm4b:s0+s3], $0x0, s7, s3, $0x38;
	[tilespmem:$0x1FC80] =	vst v63  }
0x68: {  	_ = 	snop  }
0x69: {  	[tilespmem:s31], [sflag:$0x1] =	stream.linear.gather @!p1 [hbm4b:s0+s31], $0x180, $0x38;
	[tilespmem:$0x1FC80] =	vst v63  }
0x6a: {  	s3 =	simm.s32 @!p1 $0x280;
	s7 =	simm.s32 @!p1 $0x8400;
	s0 =	simm.s32 @!p1 $0x80  }
0x6b: {  	[tilespmem:s7], [sflag:$0x5] =	stream.indirect.gather @!p1 [hbm4b:s6+s0], $0x80, s3, s0, $0xb8;
	[tilespmem:$0x1FC80] =	vst v63  }
0x6c: {  	s3 =	simm.s32 @!p1 $0x4  }
0x6d: {  	_ =	swait.ge @!p1 [sflag:s3], $0x4000  }
0x6e: {  	[sflag:s3] =	ssyncset.done @!p1 $0x0  }
0x6f: {  	[sflag:s3] =	ssyncadd.s32 @!p1 $0xFFFFC000;
	s3 =	simm.s32 @!p1 $0x1  }
0x70: {  	_ =	swait.ge @!p1 [sflag:s3], $0x180  }
0x71: {  	[sflag:s3] =	ssyncset.done @!p1 $0x0  }
0x72: {  	[sflag:s3] =	ssyncadd.s32 @!p1 $0xFFFFFE80;
	s3 =	simm.s32 @!p1 $0x400  }
0x73: {  	[tilespmem:s3], [sflag:$0x3] =	stream.indirect.gather @!p1 [hbm4b:s1+s0], $0x80, s31, s0, $0xb8;
	[tilespmem:$0x1FC80] =	vst v63  }
0x74: {  	_ =	swait.ge [sflag:s24], $0x4000  }
0x75: {  	[sflag:s24] =	ssyncset.done $0x0  }
0x76: {  	s0 =	simm.s32 $0x0;
	[sflag:s24] =	ssyncadd.s32 $0xFFFFC000  }
0x77: {  	v6 =	vld [tilespmem:s0+$0x8400]  }
0x78: {  	v11 =	vld [tilespmem:s0+$0x8410]  }
0x79: {  	v5 =	vld [tilespmem:s0+$0x8420]  }
0x7a: {  	v4 =	vld [tilespmem:s0+$0x8430]  }
0x7b: {  	v3 =	vld [tilespmem:s0+$0x8440]  }
0x7c: {  	v2 =	vld [tilespmem:s0+$0x8450]  }
0x7d: {  	v1 =	vld [tilespmem:s0+$0x8460]  }
0x7e: {  	v0 =	vld [tilespmem:s0+$0x8470]  }
0x7f: {  	v12 =	vld [tilespmem:s0+$0x4400]  }
0x80: {  	v13 =	vld [tilespmem:s0+$0x4410]  }
0x81: {  	v10 =	vld [tilespmem:s0+$0x4420]  }
0x82: {  	v9 =	vld [tilespmem:s0+$0x4430]  }
0x83: {  	v8 =	vld [tilespmem:s0+$0x4440]  }
0x84: {  	v7 =	vld [tilespmem:s0+$0x4450];
	v12 =	vadd.f32 v6, v12  }
0x85: {  	s3 =	simm.s32 $0x200;
	v11 =	vadd.f32 v11, v13;
	v6 =	vld [tilespmem:s0+$0x4460]  }
.LBB2_5:
0x86: {  	s7 =	sshra.s32 s3, $0x2;
	p1 =	sne.s32 s3, $0xFE00;
	v12 =	vmax.f32 v12, $0.0e+00;
	v5 =	vadd.f32 v5, v10;
	v10 =	vld [tilespmem:s0+$0x4470]  }
0x87: {  	v13 =	vld [tilespmem:s7+$0x8400];
	[tilespmem:s0+$0x4400] =	vst v12;
	v11 =	vmax.f32 v11, $0.0e+00;
	v4 =	vadd.f32 v4, v9  }
0x88: {  	v14 =	vld [tilespmem:s7+$0x8410];
	[tilespmem:s0+$0x4410] =	vst v11;
	v9 =	vmax.f32 v5, $0.0e+00;
	v3 =	vadd.f32 v3, v8  }
0x89: {  	v5 =	vld [tilespmem:s7+$0x8420];
	[tilespmem:s0+$0x4420] =	vst v9;
	v8 =	vmax.f32 v4, $0.0e+00;
	v2 =	vadd.f32 v2, v7  }
0x8a: {  	v4 =	vld [tilespmem:s7+$0x8430];
	[tilespmem:s0+$0x4430] =	vst v8;
	v7 =	vmax.f32 v3, $0.0e+00;
	v1 =	vadd.f32 v1, v6  }
0x8b: {  	v3 =	vld [tilespmem:s7+$0x8440];
	[tilespmem:s0+$0x4440] =	vst v7;
	v6 =	vmax.f32 v2, $0.0e+00;
	v0 =	vadd.f32 v0, v10  }
0x8c: {  	v2 =	vld [tilespmem:s7+$0x8450];
	[tilespmem:s0+$0x4450] =	vst v6;
	v6 =	vmax.f32 v1, $0.0e+00  }
0x8d: {  	v1 =	vld [tilespmem:s7+$0x8460];
	[tilespmem:s0+$0x4460] =	vst v6;
	v6 =	vmax.f32 v0, $0.0e+00  }
0x8e: {  	v0 =	vld [tilespmem:s7+$0x8470];
	[tilespmem:s0+$0x4470] =	vst v6;
	s0 =	smov.u32 s7  }
0x8f: {  	v6 =	vld [tilespmem:s0+$0x4400]  }
0x90: {  	v11 =	vld [tilespmem:s0+$0x4410]  }
.Ltmp1:
0x91: {  	v10 =	vld [tilespmem:s0+$0x4420];
	(pc) =	sbr.rel @p1 .LBB2_5-.Ltmp1, $4  }
0x92: {  	v9 =	vld [tilespmem:s0+$0x4430]  }
0x93: {  	v8 =	vld [tilespmem:s0+$0x4440]  }
0x94: {  	v12 =	vadd.f32 v13, v6;
	v7 =	vld [tilespmem:s0+$0x4450]  }
0x95: {  	s3 =	sadd.s32 $0x200, s3;
	v11 =	vadd.f32 v14, v11;
	v6 =	vld [tilespmem:s0+$0x4460]  }
0x96: {  	v12 =	vmax.f32 v12, $0.0e+00;
	v5 =	vadd.f32 v5, v10;
	v63 =	vld [tilespmem:s0+$0x4470]  }
0x97: {  	[tilespmem:s0+$0x4400] =	vst v12;
	v11 =	vmax.f32 v11, $0.0e+00;
	v4 =	vadd.f32 v4, v9  }
0x98: {  	[tilespmem:s0+$0x4410] =	vst v11;
	v5 =	vmax.f32 v5, $0.0e+00;
	v3 =	vadd.f32 v3, v8  }
0x99: {  	[tilespmem:s0+$0x4420] =	vst v5;
	v4 =	vmax.f32 v4, $0.0e+00;
	v2 =	vadd.f32 v2, v7  }
0x9a: {  	[tilespmem:s0+$0x4430] =	vst v4;
	v3 =	vmax.f32 v3, $0.0e+00;
	v1 =	vadd.f32 v1, v6  }
0x9b: {  	[tilespmem:s0+$0x4440] =	vst v3;
	v2 =	vmax.f32 v2, $0.0e+00;
	v0 =	vadd.f32 v0, v63  }
0x9c: {  	s30 =	sadd.s32 $0x1, s30;
	[tilespmem:s0+$0x4450] =	vst v2;
	v1 =	vmax.f32 v1, $0.0e+00  }
0x9d: {  	p1 =	sne.s32 s30, $0x28;
	[tilespmem:s0+$0x4460] =	vst v1;
	v0 =	vmax.f32 v0, $0.0e+00  }
.Ltmp2:
0x9e: {  	[tilespmem:s0+$0x4470] =	vst v0;
	(pc) =	sbr.rel @p1 .LBB2_2-.Ltmp2, $4  }
0x9f: {  	[spmem:s2] =	stream.indirect.scatter.add.f32 [tilespmem:s23], [sflag:$0x6], $0x80, s28, s18, $0xb8;
	[tilespmem:$0x1FC80] =	vst v63  }
0xa0: {  	_ =	swait.ge [sflag:s26], $0x4000  }
0xa1: {  	[sflag:s26] =	ssyncset.done $0x0  }
0xa2: {  	[sflag:s26] =	ssyncadd.s32 $0xFFFFC000  }
0xa3: {  	s29 =	sadd.s32 $0x1, s29  }
0xa4: {  	p1 =	sne.s32 s29, s12  }
.Ltmp3:
0xa5: {  	[bflag:$0x0] =	sbarrier.arrive $0xFFFF;
	s0 =	simm.s32 @!p0 $0x6;
	(pc) =	sbr.rel @p1 .LBB2_1-.Ltmp3, $4  }
0xa6: {  	[hbm:s11], [sflag:s13] =	dma.local @!p0 [spmem:s14], $0x3E80  }
0xa7: {  	_ =	swait.ge @!p0 [sflag:s0], $0x3E80  }
0xa8: {  	[sflag:s0] =	ssyncset.done @!p0 $0x0  }
0xa9: {  	[sflag:s0] =	ssyncadd.s32 @!p0 $0xFFFFC180  }
0xaa: {  	_ =	sfence.sel $0x180000  }
0xab: {  	[bflag:$0x0] =	sbarrier.arrive $0xFFFF  }
0xac: {  	_ =	strace $0x90000047  }
0xad: {  	s0 =	stileid.u32;
	[bflag:$0x2] =	sbarrier.arrive $0xFFFF  }
0xae: {  	p0 =	sne.s32 s0, $0x0;
	s0 =	rddreg [dreg:$0x4]  }
0xaf: {  	s0 =	sadd.s32 @!p0 $0x100000, s0  }
0xb0: {  	[sflag:s0] =	ssyncadd.tile.s32 @!p0 $0x1;
	_ =	shalt  }
.Lfunc_end2:
_tile_overlayer_lowered:
.L_overlay_start_2:
0xb1: {  	(tag) =	ssettag $0x2  }
0xb2: {  	s0 =	rddreg [dreg:$0x0];
	s2 =	stileid.u32  }
0xb3: {  	s1 =	rddreg [dreg:$0x1];
	p0 =	sne.s32 s2, $0x0  }
0xb4: {  	s3 =	rddreg [dreg:$0x2];
	[bflag:$0x3] =	sbarrier.arrive $0xFFFF;
	s2 =	simm.s32 @!p0 $0x1C06  }
0xb5: {  	[timem:s3], [sflag:s2] =	dma.local @!p0 [hbm:s0], s1  }
0xb6: {  	s0 =	simm.s32 @!p0 $0x6  }
0xb7: {  	_ =	swait.ge @!p0 [sflag:s0], s1  }
0xb8: {  	s1 =	ssub.s32 @!p0 $0x0, s1;
	[sflag:s0] =	ssyncset.done @!p0 $0x0  }
0xb9: {  	[sflag:s0] =	ssyncadd.s32 @!p0 s1  }
0xba: {  	[bflag:$0x3] =	sbarrier.arrive $0xFFFF  }
0xbb: {  	_ =	shalt  }

</sc_bundles>
